<compile_context>
chip_gen: v7x
topology: tpu7x:2x2x1
jax: 0.10.2.dev20260603
libtpu: 0.0.44.dev20260713+nightly
codegen_flags: <defaults>
</compile_context>

<pallas_src>
import jax
import jax.numpy as jnp
from jax import lax
from jax.experimental import pallas as pl
from jax.experimental.pallas import tpu as pltpu
from jax.experimental.pallas import tpu_sc as plsc

_N = 10000
_E = 320000
_H = 128
_NT = 16
_CK = 125
_NCH = _E // _NT // _CK
_ZST = 625
_OST = 624
_ACC = _NT * _ZST


def _fill_f32(ref, nrows, ncols, val):
    v = jnp.full((16,), val, jnp.float32)

    def row(r, c):
        for cb in range(ncols // 16):
            ref[r, pl.ds(cb * 16, 16)] = v
        return c

    lax.fori_loop(0, nrows, row, 0)


_HH = _H // 2


def _make_agg(with_counts):
    mesh = plsc.VectorSubcoreMesh(
        core_axis_name="c", subcore_axis_name="s", num_cores=2,
        num_subcores=_NT)

    out_type = [jax.ShapeDtypeStruct((2, _N, _HH), jnp.float32),
                jax.ShapeDtypeStruct((2, _N, _HH), jnp.float32)]
    if with_counts:
        out_type.append(jax.ShapeDtypeStruct((2, _NT, _N), jnp.float32))

    scratch = [
        pltpu.VMEM((_NCH, _CK), jnp.int32),
        pltpu.VMEM((_NCH, _CK), jnp.int32),
        [pltpu.VMEM((_CK, _HH), jnp.float32) for _ in range(4)],
        pltpu.VMEM((_CK, _HH), jnp.float32),
        pltpu.VMEM_SHARED((_ACC, _HH), jnp.float32),
        [pltpu.SemaphoreType.DMA for _ in range(4)],
        [pltpu.SemaphoreType.DMA for _ in range(4)],
    ]
    if with_counts:
        scratch += [
            pltpu.VMEM((_N,), jnp.float32),
        ]

    def body(tab_u0, tab_u1, tab_r0, tab_r1, src_all, dst_all, *rest):
        if with_counts:
            (out0, out1, out_cnt, src_v, dst_v, rows, zbuf,
             acc, gsem, ssem, hist) = rest
        else:
            (out0, out1, src_v, dst_v, rows, zbuf, acc, gsem, ssem) = rest
        c = lax.axis_index("c")
        s = lax.axis_index("s")
        _fill_f32(zbuf, _CK, _HH, 0.0)

        pltpu.sync_copy(src_all.at[c, s], src_v)
        pltpu.sync_copy(dst_all.at[c, s], dst_v)

        if with_counts:
            zeros16 = jnp.zeros((16,), jnp.float32)
            ones16 = jnp.full((16,), 1.0, jnp.float32)
            tail_mask = lax.iota(jnp.int32, 16) >= ((_CK // 16) * 16
                                                    - (_CK - 16))

            def zrow(i, carry):
                hist[pl.ds(i * 16, 16)] = zeros16
                return carry

            lax.fori_loop(0, _N // 16, zrow, 0)

            def hrow(r):
                for k in range(_CK // 16):
                    plsc.addupdate_scatter(
                        hist, [dst_v[r, pl.ds(k * 16, 16)]], ones16)
                plsc.addupdate_scatter(
                    hist, [dst_v[r, pl.ds(_CK - 16, 16)]], ones16,
                    mask=tail_mask)
        else:
            hrow = None

        def stripe_out(src_ref, dst_ref):
            obase = s * _OST
            pltpu.sync_copy(src_ref.at[pl.ds(obase, _OST)],
                            dst_ref.at[c, pl.ds(obase, _OST)])

            @pl.when(s == _NT - 1)
            def _():
                tbase = _NT * _OST
                pltpu.sync_copy(src_ref.at[pl.ds(tbase, _N - _NT * _OST)],
                                dst_ref.at[c, pl.ds(tbase, _N - _NT * _OST)])

        def half_pass(tab, out, do_hist=False):
            zbase = s * _ZST
            for b in range(_ZST // _CK):
                pltpu.async_copy(zbuf, acc.at[pl.ds(zbase + b * _CK, _CK)],
                                 gsem[0])
            for b in range(_ZST // _CK):
                pltpu.make_async_copy(zbuf, acc.at[pl.ds(zbase, _CK)],
                                      gsem[0]).wait()
            plsc.subcore_barrier()

            def wait_gather(j, b):
                pltpu.make_async_copy(tab.at[src_v.at[j]], rows[b],
                                      gsem[b]).wait()

            def wait_scatter(j, b):
                pltpu.make_async_copy(rows[b], acc.at[dst_v.at[j]],
                                      ssem[b]).wait()

            def step(j, b):
                wait_gather(j, b)
                pltpu.async_copy(rows[b], acc.at[dst_v.at[j]], ssem[b],
                                 add=True)
                if do_hist:
                    hrow(j)
                b2 = (b + 2) % 4
                wait_scatter(jnp.maximum(j - 2, 0), b2)
                jn = jnp.minimum(j + 2, _NCH - 1)
                pltpu.async_copy(tab.at[src_v.at[jn]], rows[b2], gsem[b2])

            pltpu.async_copy(tab.at[src_v.at[0]], rows[0], gsem[0])
            pltpu.async_copy(tab.at[src_v.at[1]], rows[1], gsem[1])
            pltpu.async_copy(zbuf, acc.at[dst_v.at[0]], ssem[2], add=True)
            pltpu.async_copy(zbuf, acc.at[dst_v.at[0]], ssem[3], add=True)

            def quad(q, carry):
                j0 = 4 * q
                for b in range(4):
                    step(j0 + b, b)
                return carry

            lax.fori_loop(0, _NCH // 4, quad, 0)
            wait_gather(_NCH - 1, 0)
            wait_gather(_NCH - 1, 1)
            wait_scatter(_NCH - 2, 2)
            wait_scatter(_NCH - 1, 3)
            if do_hist:
                pltpu.sync_copy(hist, out_cnt.at[c, s])
            plsc.subcore_barrier()

            stripe_out(acc, out)
            plsc.subcore_barrier()

        def both_halves(tab0, tab1):
            half_pass(tab0, out0, do_hist=with_counts)
            half_pass(tab1, out1)

        @pl.when(c == 0)
        def _():
            both_halves(tab_u0, tab_u1)

        @pl.when(c == 1)
        def _():
            both_halves(tab_r0, tab_r1)

    return pl.kernel(body, out_type=out_type, mesh=mesh,
                     scratch_types=scratch,
                     compiler_params=pltpu.CompilerParams(
                         use_tc_tiling_on_sc=False,
                         needs_layout_passes=False))


_agg_with_counts = _make_agg(True)
_agg_no_counts = _make_agg(False)


_BR = 2000


def _encode_body(xu, xr, Wu, Wr, bu, br, eu, er, ou0, ou1, or0, or1):
    hu = (jnp.dot(xu[...], Wu[...], preferred_element_type=jnp.float32)
          + bu[...] + eu[...])
    hr = (jnp.dot(xr[...], Wr[...], preferred_element_type=jnp.float32)
          + br[...] + er[...])
    ou0[...] = hu[:, :_HH]
    ou1[...] = hu[:, _HH:]
    or0[...] = hr[:, :_HH]
    or1[...] = hr[:, _HH:]


def _encode(xu, xr, Wu, Wr, bu, br, eu, er):
    grid = (_N // _BR,)
    fu = xu.shape[1]
    fr = xr.shape[1]
    half = pl.BlockSpec((_BR, _HH), lambda i: (i, 0))
    return pl.pallas_call(
        _encode_body,
        grid=grid,
        in_specs=[
            pl.BlockSpec((_BR, fu), lambda i: (i, 0)),
            pl.BlockSpec((_BR, fr), lambda i: (i, 0)),
            pl.BlockSpec((fu, _H), lambda i: (0, 0)),
            pl.BlockSpec((fr, _H), lambda i: (0, 0)),
            pl.BlockSpec((1, _H), lambda i: (0, 0)),
            pl.BlockSpec((1, _H), lambda i: (0, 0)),
            pl.BlockSpec((_BR, _H), lambda i: (i, 0)),
            pl.BlockSpec((_BR, _H), lambda i: (i, 0)),
        ],
        out_specs=[half, half, half, half],
        out_shape=[jax.ShapeDtypeStruct((_N, _HH), jnp.float32)] * 4,
    )(xu, xr, Wu, Wr, bu, br, eu, er)


def _make_combine(apply_relu, half_out):
    def body(sums0, sums1, cnts, pu0, pu1, pr0, pr1,
             Wl_u, Wr_u, Wl_r, Wr_r, bl_u, bl_r, *outs):
        sum_u = jnp.concatenate([sums0[0], sums1[0]], axis=-1)
        sum_r = jnp.concatenate([sums0[1], sums1[1]], axis=-1)
        cnt_u = jnp.sum(cnts[0, 0], axis=0)[:, None]
        cnt_r = jnp.sum(cnts[1, 0], axis=0)[:, None]
        mean_u = sum_u / jnp.maximum(cnt_u, 1.0)
        mean_r = sum_r / jnp.maximum(cnt_r, 1.0)
        pu = jnp.concatenate([pu0[...], pu1[...]], axis=-1)
        pr = jnp.concatenate([pr0[...], pr1[...]], axis=-1)
        hu = (jnp.dot(mean_u, Wl_u[...], preferred_element_type=jnp.float32)
              + bl_u[...]
              + jnp.dot(pu, Wr_u[...], preferred_element_type=jnp.float32))
        hr = (jnp.dot(mean_r, Wl_r[...], preferred_element_type=jnp.float32)
              + bl_r[...]
              + jnp.dot(pr, Wr_r[...], preferred_element_type=jnp.float32))
        if apply_relu:
            hu = jnp.maximum(hu, 0.0)
            hr = jnp.maximum(hr, 0.0)
        if half_out:
            outs[0][...] = hu[:, :_HH]
            outs[1][...] = hu[:, _HH:]
            outs[2][...] = hr[:, :_HH]
            outs[3][...] = hr[:, _HH:]
        else:
            outs[0][...] = hu
            outs[1][...] = hr

    def run(sums0, sums1, cnts, pu0, pu1, pr0, pr1,
            Wl_u, Wr_u, Wl_r, Wr_r, bl_u, bl_r):
        grid = (_N // _BR,)
        half = pl.BlockSpec((_BR, _HH), lambda i: (i, 0))
        full = pl.BlockSpec((_BR, _H), lambda i: (i, 0))
        if half_out:
            out_specs = [half] * 4
            out_shape = [jax.ShapeDtypeStruct((_N, _HH), jnp.float32)] * 4
        else:
            out_specs = [full] * 2
            out_shape = [jax.ShapeDtypeStruct((_N, _H), jnp.float32)] * 2
        return pl.pallas_call(
            body,
            grid=grid,
            in_specs=[
                pl.BlockSpec((2, _BR, _HH), lambda i: (0, i, 0)),
                pl.BlockSpec((2, _BR, _HH), lambda i: (0, i, 0)),
                pl.BlockSpec((2, 1, _NT, _BR), lambda i: (0, i, 0, 0)),
                half, half, half, half,
                pl.BlockSpec((_H, _H), lambda i: (0, 0)),
                pl.BlockSpec((_H, _H), lambda i: (0, 0)),
                pl.BlockSpec((_H, _H), lambda i: (0, 0)),
                pl.BlockSpec((_H, _H), lambda i: (0, 0)),
                pl.BlockSpec((1, _H), lambda i: (0, 0)),
                pl.BlockSpec((1, _H), lambda i: (0, 0)),
            ],
            out_specs=out_specs,
            out_shape=out_shape,
        )(sums0, sums1, cnts, pu0, pu1, pr0, pr1,
          Wl_u, Wr_u, Wl_r, Wr_r, bl_u, bl_r)

    return run


_combine_relu = _make_combine(True, True)
_combine_lin = _make_combine(False, False)


def kernel(x_user, x_recipe, user_node_id, recipe_node_id,
           edge_index_u2r, edge_index_r2u,
           W_user, b_user, W_recipe, b_recipe, emb_user, emb_recipe,
           Wl1_u2r, Wr1_u2r, Wl1_r2u, Wr1_r2u,
           Wl2_u2r, Wr2_u2r, Wl2_r2u, Wr2_r2u,
           bl1_u2r, bl1_r2u, bl2_u2r, bl2_r2u):
    xu = x_user
    Wu = W_user
    eu = emb_user
    er = emb_recipe

    hu0, hu1, hr0, hr1 = _encode(xu, x_recipe, Wu, W_recipe,
                                 b_user.reshape(1, _H),
                                 b_recipe.reshape(1, _H), eu, er)

    src_all = jnp.stack([edge_index_r2u[0], edge_index_u2r[0]]
                        ).astype(jnp.int32).reshape(2, _NT, _NCH, _CK)
    dst_all = jnp.stack([edge_index_r2u[1], edge_index_u2r[1]]
                        ).astype(jnp.int32).reshape(2, _NT, _NCH, _CK)

    s1a, s1b, cnts = _agg_with_counts(hr0, hr1, hu0, hu1, src_all, dst_all)
    cnts = cnts.reshape(2, _NT, _N // _BR, _BR).transpose(0, 2, 1, 3)
    u1a, u1b, r1a, r1b = _combine_relu(s1a, s1b, cnts, hu0, hu1, hr0, hr1,
                                       Wl1_r2u, Wr1_r2u, Wl1_u2r, Wr1_u2r,
                                       bl1_r2u.reshape(1, _H),
                                       bl1_u2r.reshape(1, _H))

    s2a, s2b = _agg_no_counts(r1a, r1b, u1a, u1b, src_all, dst_all)
    h_u2, h_r2 = _combine_lin(s2a, s2b, cnts, u1a, u1b, r1a, r1b,
                              Wl2_r2u, Wr2_r2u, Wl2_u2r, Wr2_u2r,
                              bl2_r2u.reshape(1, _H),
                              bl2_u2r.reshape(1, _H))
    return (h_u2, h_r2)

# --- scband reference (transcript-rebuilt; emitter-appended) ---
"""Pipeline reference for scband-model-14465449853448 (READ-ONLY COPY).

The authoritative reference and input builder live on the scoring server;
editing this copy changes nothing except your own understanding.
"""

import jax, jax.numpy as jnp
import numpy as np

N_USER = 10000
N_RECIPE = 10000
E = 320000
H = 128
F_USER = 58
F_RECIPE = 256


def setup_inputs(seed: int = 0) -> dict:
    key = jax.random.key(seed)
    ks = jax.random.split(key, 32)
    s = 0.05
    inp = {}
    inp["x_user"] = jax.random.normal(ks[0], (N_USER, F_USER), dtype=jnp.float32)
    inp["x_recipe"] = jax.random.normal(ks[1], (N_RECIPE, F_RECIPE), dtype=jnp.float32)
    inp["user_node_id"] = jnp.arange(N_USER)
    inp["recipe_node_id"] = jnp.arange(N_RECIPE)
    ei_u2r = jax.random.randint(ks[2], (2, E), 0, N_RECIPE)
    ei_r2u = jax.random.randint(ks[3], (2, E), 0, N_USER)
    inp["edge_index_u2r"] = ei_u2r
    inp["edge_index_r2u"] = ei_r2u
    # input projections
    inp["W_user"] = jax.random.normal(ks[4], (F_USER, H), dtype=jnp.float32) * s
    inp["b_user"] = jnp.zeros((H,), dtype=jnp.float32)
    inp["W_recipe"] = jax.random.normal(ks[5], (F_RECIPE, H), dtype=jnp.float32) * s
    inp["b_recipe"] = jnp.zeros((H,), dtype=jnp.float32)
    # embeddings
    inp["emb_user"] = jax.random.normal(ks[6], (N_USER, H), dtype=jnp.float32) * s
    inp["emb_recipe"] = jax.random.normal(ks[7], (N_RECIPE, H), dtype=jnp.float32) * s
    # hetero SAGEConv params: layer {1,2} x edge type {u2r, r2u}
    names = [("Wl1_u2r", 8), ("Wr1_u2r", 9), ("Wl1_r2u", 10), ("Wr1_r2u", 11),
             ("Wl2_u2r", 12), ("Wr2_u2r", 13), ("Wl2_r2u", 14), ("Wr2_r2u", 15)]
    for nm, i in names:
        inp[nm] = jax.random.normal(ks[i], (H, H), dtype=jnp.float32) * s
    for nm in ["bl1_u2r", "bl1_r2u", "bl2_u2r", "bl2_r2u"]:
        inp[nm] = jnp.zeros((H,), dtype=jnp.float32)
    return inp


def _sage(x_src, x_dst, edge_index, Wl, bl, Wr, num_dst):
    # PyG SAGEConv with mean aggregation:
    # out = lin_l(mean_{j in N(i)} x_j) + lin_r(x_i)
    src = edge_index[0]
    dst = edge_index[1]
    msgs = jnp.take(x_src, src, axis=0)
    summed = jax.ops.segment_sum(msgs, dst, num_segments=num_dst)
    cnt = jax.ops.segment_sum(jnp.ones((src.shape[0], 1), dtype=x_src.dtype), dst, num_segments=num_dst)
    mean = summed / jnp.clip(cnt, 1.0, None)
    return mean @ Wl + bl + x_dst @ Wr


def reference(x_user, x_recipe, user_node_id, recipe_node_id,
              edge_index_u2r, edge_index_r2u,
              W_user, b_user, W_recipe, b_recipe, emb_user, emb_recipe,
              Wl1_u2r, Wr1_u2r, Wl1_r2u, Wr1_r2u,
              Wl2_u2r, Wr2_u2r, Wl2_r2u, Wr2_r2u,
              bl1_u2r, bl1_r2u, bl2_u2r, bl2_r2u):
    # input encodings
    h_u = x_user @ W_user + b_user + jnp.take(emb_user, user_node_id, axis=0)
    h_r = x_recipe @ W_recipe + b_recipe + jnp.take(emb_recipe, recipe_node_id, axis=0)
    # GNN layer 1 (to_hetero: one conv per edge type, relu after layer 1)
    h_u1 = jax.nn.relu(_sage(h_r, h_u, edge_index_r2u, Wl1_r2u, bl1_r2u, Wr1_r2u, N_USER))
    h_r1 = jax.nn.relu(_sage(h_u, h_r, edge_index_u2r, Wl1_u2r, bl1_u2r, Wr1_u2r, N_RECIPE))
    # GNN layer 2 (no activation)
    h_u2 = _sage(h_r1, h_u1, edge_index_r2u, Wl2_r2u, bl2_r2u, Wr2_r2u, N_USER)
    h_r2 = _sage(h_u1, h_r1, edge_index_u2r, Wl2_u2r, bl2_u2r, Wr2_u2r, N_RECIPE)
    return (h_u2, h_r2)

if __name__ == "__main__":
    import jax
    _d = setup_inputs()
    print(jax.jit(kernel)(*tuple(_d.values())))

</pallas_src>

<mosaic_0001>
#map = affine_map<(d0, d1) -> (0, 0)>
#map1 = affine_map<(d0, d1) -> (0, 0, 0, 0)>
#map2 = affine_map<(d0, d1) -> (0, 0, 0)>
module attributes {stable_mosaic.version = 14 : i64} {
  func.func @body(%arg0: i32, %arg1: i32, %arg2: memref<10000x64xf32, #tpu.memory_space<hbm>>, %arg3: memref<10000x64xf32, #tpu.memory_space<hbm>>, %arg4: memref<10000x64xf32, #tpu.memory_space<hbm>>, %arg5: memref<10000x64xf32, #tpu.memory_space<hbm>>, %arg6: memref<2x16x160x125xi32, #tpu.memory_space<hbm>>, %arg7: memref<2x16x160x125xi32, #tpu.memory_space<hbm>>, %arg8: memref<2x10000x64xf32, #tpu.memory_space<hbm>>, %arg9: memref<2x10000x64xf32, #tpu.memory_space<hbm>>, %arg10: memref<2x16x10000xf32, #tpu.memory_space<hbm>>, %arg11: memref<160x125xi32, #tpu.memory_space<vmem>>, %arg12: memref<160x125xi32, #tpu.memory_space<vmem>>, %arg13: memref<125x64xf32, #tpu.memory_space<vmem>>, %arg14: memref<125x64xf32, #tpu.memory_space<vmem>>, %arg15: memref<125x64xf32, #tpu.memory_space<vmem>>, %arg16: memref<125x64xf32, #tpu.memory_space<vmem>>, %arg17: memref<125x64xf32, #tpu.memory_space<vmem>>, %arg18: memref<10000x64xf32, #tpu.memory_space<vmem_shared>>, %arg19: memref<!tpu.dma_semaphore, #tpu.memory_space<semaphore_mem>>, %arg20: memref<!tpu.dma_semaphore, #tpu.memory_space<semaphore_mem>>, %arg21: memref<!tpu.dma_semaphore, #tpu.memory_space<semaphore_mem>>, %arg22: memref<!tpu.dma_semaphore, #tpu.memory_space<semaphore_mem>>, %arg23: memref<!tpu.dma_semaphore, #tpu.memory_space<semaphore_mem>>, %arg24: memref<!tpu.dma_semaphore, #tpu.memory_space<semaphore_mem>>, %arg25: memref<!tpu.dma_semaphore, #tpu.memory_space<semaphore_mem>>, %arg26: memref<!tpu.dma_semaphore, #tpu.memory_space<semaphore_mem>>, %arg27: memref<10000xf32, #tpu.memory_space<vmem>>) attributes {dimension_semantics = [#tpu.dimension_semantics<core_parallel>, #tpu.dimension_semantics<subcore_parallel>], iteration_bounds = array<i64: 2, 16>, scalar_prefetch = 0 : i64, scratch_operands = 17 : i64, tpu.core_type = #tpu.core_type<sc_vector_subcore>, window_params = [{transform_indices = #map}, {transform_indices = #map}, {transform_indices = #map}, {transform_indices = #map}, {transform_indices = #map1}, {transform_indices = #map1}, {transform_indices = #map2}, {transform_indices = #map2}, {transform_indices = #map2}]} {
    %broadcast_in_dim3A = arith.constant 0.000000e+00 : f32
    %broadcast_in_dim3A_0 = vector.broadcast %broadcast_in_dim3A : f32 to vector<16xf32>
    %scan3A = arith.constant 0 : i32
    %scan3A_1 = arith.constant 0 : i32
    %scan3A_2 = arith.constant 125 : i32
    %scan3A_3 = arith.addi %scan3A_1, %scan3A_2 : i32
    %scan3A_4 = arith.constant 1 : i32
    scf.for %scan3A_25 = %scan3A_1 to %scan3A_3 step %scan3A_4  : i32 {
      %swap3A = arith.index_cast %scan3A_25 : i32 to index
      %swap3A_26 = arith.constant 0 : index
      %swap3A_27 = tpu.vector_load %arg17[%swap3A, %swap3A_26] {strides = array<i32>} : memref<125x64xf32, #tpu.memory_space<vmem>>, vector<16xf32>,
      tpu.vector_store %arg17[%swap3A, %swap3A_26], %broadcast_in_dim3A_0 {strides = array<i32>} : memref<125x64xf32, #tpu.memory_space<vmem>>, vector<16xf32>,
      %swap3A_28 = arith.index_cast %scan3A_25 : i32 to index
      %swap3A_29 = arith.constant 16 : index
      %swap3A_30 = tpu.vector_load %arg17[%swap3A_28, %swap3A_29] {strides = array<i32>} : memref<125x64xf32, #tpu.memory_space<vmem>>, vector<16xf32>,
      tpu.vector_store %arg17[%swap3A_28, %swap3A_29], %broadcast_in_dim3A_0 {strides = array<i32>} : memref<125x64xf32, #tpu.memory_space<vmem>>, vector<16xf32>,
      %swap3A_31 = arith.index_cast %scan3A_25 : i32 to index
      %swap3A_32 = arith.constant 32 : index
      %swap3A_33 = tpu.vector_load %arg17[%swap3A_31, %swap3A_32] {strides = array<i32>} : memref<125x64xf32, #tpu.memory_space<vmem>>, vector<16xf32>,
      tpu.vector_store %arg17[%swap3A_31, %swap3A_32], %broadcast_in_dim3A_0 {strides = array<i32>} : memref<125x64xf32, #tpu.memory_space<vmem>>, vector<16xf32>,
      %swap3A_34 = arith.index_cast %scan3A_25 : i32 to index
      %swap3A_35 = arith.constant 48 : index
      %swap3A_36 = tpu.vector_load %arg17[%swap3A_34, %swap3A_35] {strides = array<i32>} : memref<125x64xf32, #tpu.memory_space<vmem>>, vector<16xf32>,
      tpu.vector_store %arg17[%swap3A_34, %swap3A_35], %broadcast_in_dim3A_0 {strides = array<i32>} : memref<125x64xf32, #tpu.memory_space<vmem>>, vector<16xf32>,
    }
    %scan3A_5 = arith.constant 125 : i32
    "tpu.region"() ({
      %run_scoped3A = tpu.sem_alloc : memref<!tpu.dma_semaphore, #tpu.memory_space<semaphore_mem>>
      %dma_start3A = arith.constant 0 : i32
      %dma_start3A_25 = arith.constant 0 : i32
      %dma_start3A_26 = tpu.memref_slice %arg6[%arg0, %arg1, %dma_start3A, %dma_start3A_25] : memref<2x16x160x125xi32, #tpu.memory_space<hbm>> -> memref<1x1x160x125xi32, #tpu.memory_space<hbm>>
      %dma_start3A_27 = tpu.memref_squeeze %dma_start3A_26 : memref<1x1x160x125xi32, #tpu.memory_space<hbm>> -> memref<160x125xi32, #tpu.memory_space<hbm>>
      %dma_start3A_28 = arith.constant 0 : i32
      %dma_start3A_29 = arith.constant 0 : i32
      %dma_start3A_30 = tpu.memref_slice %arg6[%arg0, %arg1, %dma_start3A_28, %dma_start3A_29] : memref<2x16x160x125xi32, #tpu.memory_space<hbm>> -> memref<1x1x160x125xi32, #tpu.memory_space<hbm>>
      %dma_start3A_31 = tpu.memref_squeeze %dma_start3A_30 : memref<1x1x160x125xi32, #tpu.memory_space<hbm>> -> memref<160x125xi32, #tpu.memory_space<hbm>>
      tpu.enqueue_dma source(%dma_start3A_31 : memref<160x125xi32, #tpu.memory_space<hbm>>) target(%arg11 : memref<160x125xi32, #tpu.memory_space<vmem>>) target_semaphore(%run_scoped3A : memref<!tpu.dma_semaphore, #tpu.memory_space<semaphore_mem>>)
      %dma_wait3A = arith.constant 0 : i32
      %dma_wait3A_32 = arith.constant 0 : i32
      %dma_wait3A_33 = tpu.memref_slice %arg6[%arg0, %arg1, %dma_wait3A, %dma_wait3A_32] : memref<2x16x160x125xi32, #tpu.memory_space<hbm>> -> memref<1x1x160x125xi32, #tpu.memory_space<hbm>>
      %dma_wait3A_34 = tpu.memref_squeeze %dma_wait3A_33 : memref<1x1x160x125xi32, #tpu.memory_space<hbm>> -> memref<160x125xi32, #tpu.memory_space<hbm>>
      %dma_wait3A_35 = arith.constant 0 : i32
      %dma_wait3A_36 = arith.constant 0 : i32
      %dma_wait3A_37 = tpu.memref_slice %arg6[%arg0, %arg1, %dma_wait3A_35, %dma_wait3A_36] : memref<2x16x160x125xi32, #tpu.memory_space<hbm>> -> memref<1x1x160x125xi32, #tpu.memory_space<hbm>>
      %dma_wait3A_38 = tpu.memref_squeeze %dma_wait3A_37 : memref<1x1x160x125xi32, #tpu.memory_space<hbm>> -> memref<160x125xi32, #tpu.memory_space<hbm>>
      tpu.wait_dma2 semaphore(%run_scoped3A : memref<!tpu.dma_semaphore, #tpu.memory_space<semaphore_mem>>) src(%dma_wait3A_38 : memref<160x125xi32, #tpu.memory_space<hbm>>) dst(%arg11 : memref<160x125xi32, #tpu.memory_space<vmem>>)
      tpu.yield
    }) : () -> ()
    "tpu.region"() ({
      %run_scoped3A = tpu.sem_alloc : memref<!tpu.dma_semaphore, #tpu.memory_space<semaphore_mem>>
      %dma_start3A = arith.constant 0 : i32
      %dma_start3A_25 = arith.constant 0 : i32
      %dma_start3A_26 = tpu.memref_slice %arg7[%arg0, %arg1, %dma_start3A, %dma_start3A_25] : memref<2x16x160x125xi32, #tpu.memory_space<hbm>> -> memref<1x1x160x125xi32, #tpu.memory_space<hbm>>
      %dma_start3A_27 = tpu.memref_squeeze %dma_start3A_26 : memref<1x1x160x125xi32, #tpu.memory_space<hbm>> -> memref<160x125xi32, #tpu.memory_space<hbm>>
      %dma_start3A_28 = arith.constant 0 : i32
      %dma_start3A_29 = arith.constant 0 : i32
      %dma_start3A_30 = tpu.memref_slice %arg7[%arg0, %arg1, %dma_start3A_28, %dma_start3A_29] : memref<2x16x160x125xi32, #tpu.memory_space<hbm>> -> memref<1x1x160x125xi32, #tpu.memory_space<hbm>>
      %dma_start3A_31 = tpu.memref_squeeze %dma_start3A_30 : memref<1x1x160x125xi32, #tpu.memory_space<hbm>> -> memref<160x125xi32, #tpu.memory_space<hbm>>
      tpu.enqueue_dma source(%dma_start3A_31 : memref<160x125xi32, #tpu.memory_space<hbm>>) target(%arg12 : memref<160x125xi32, #tpu.memory_space<vmem>>) target_semaphore(%run_scoped3A : memref<!tpu.dma_semaphore, #tpu.memory_space<semaphore_mem>>)
      %dma_wait3A = arith.constant 0 : i32
      %dma_wait3A_32 = arith.constant 0 : i32
      %dma_wait3A_33 = tpu.memref_slice %arg7[%arg0, %arg1, %dma_wait3A, %dma_wait3A_32] : memref<2x16x160x125xi32, #tpu.memory_space<hbm>> -> memref<1x1x160x125xi32, #tpu.memory_space<hbm>>
      %dma_wait3A_34 = tpu.memref_squeeze %dma_wait3A_33 : memref<1x1x160x125xi32, #tpu.memory_space<hbm>> -> memref<160x125xi32, #tpu.memory_space<hbm>>
      %dma_wait3A_35 = arith.constant 0 : i32
      %dma_wait3A_36 = arith.constant 0 : i32
      %dma_wait3A_37 = tpu.memref_slice %arg7[%arg0, %arg1, %dma_wait3A_35, %dma_wait3A_36] : memref<2x16x160x125xi32, #tpu.memory_space<hbm>> -> memref<1x1x160x125xi32, #tpu.memory_space<hbm>>
      %dma_wait3A_38 = tpu.memref_squeeze %dma_wait3A_37 : memref<1x1x160x125xi32, #tpu.memory_space<hbm>> -> memref<160x125xi32, #tpu.memory_space<hbm>>
      tpu.wait_dma2 semaphore(%run_scoped3A : memref<!tpu.dma_semaphore, #tpu.memory_space<semaphore_mem>>) src(%dma_wait3A_38 : memref<160x125xi32, #tpu.memory_space<hbm>>) dst(%arg12 : memref<160x125xi32, #tpu.memory_space<vmem>>)
      tpu.yield
    }) : () -> ()
    %broadcast_in_dim3A_6 = arith.constant 0.000000e+00 : f32
    %broadcast_in_dim3A_7 = vector.broadcast %broadcast_in_dim3A_6 : f32 to vector<16xf32>
    %broadcast_in_dim3A_8 = arith.constant 1.000000e+00 : f32
    %broadcast_in_dim3A_9 = vector.broadcast %broadcast_in_dim3A_8 : f32 to vector<16xf32>
    %iota3A = tpu.iota {dimensions = array<i32: 0>} : vector<16xi32>
    %ge3A = arith.constant 3 : i32
    %ge3A_10 = vector.broadcast %ge3A : i32 to vector<16xi32>
    %ge3A_11 = arith.cmpi sge, %iota3A, %ge3A_10 : vector<16xi32>
    %scan3A_12 = arith.constant 0 : i32
    %scan3A_13 = arith.constant 0 : i32
    %scan3A_14 = arith.constant 625 : i32
    %scan3A_15 = arith.addi %scan3A_13, %scan3A_14 : i32
    %scan3A_16 = arith.constant 1 : i32
    scf.for %scan3A_25 = %scan3A_13 to %scan3A_15 step %scan3A_16  : i32 {
      %mul3A = arith.constant 16 : i32
      %mul3A_26 = arith.muli %scan3A_25, %mul3A : i32
      %swap3A = arith.index_cast %mul3A_26 : i32 to index
      %swap3A_27 = tpu.vector_load %arg27[%swap3A] {strides = array<i32>} : memref<10000xf32, #tpu.memory_space<vmem>>, vector<16xf32>,
      tpu.vector_store %arg27[%swap3A], %broadcast_in_dim3A_7 {strides = array<i32>} : memref<10000xf32, #tpu.memory_space<vmem>>, vector<16xf32>,
    }
    %scan3A_17 = arith.constant 625 : i32
    %eq3A = arith.constant 0 : i32
    %eq3A_18 = arith.cmpi eq, %arg0, %eq3A : i32
    %convert_element_type3A = arith.extui %eq3A_18 : i1 to i32
    %cond3A = arith.constant 0 : i32
    %cond3A_19 = arith.cmpi ne, %convert_element_type3A, %cond3A : i32
    scf.if %cond3A_19 {
      %mul3A = arith.constant 625 : i32
      %mul3A_25 = arith.muli %arg1, %mul3A : i32
      %add3A = arith.constant 0 : i32
      %add3A_26 = arith.addi %mul3A_25, %add3A : i32
      %dma_start3A = arith.constant 0 : i32
      %dma_start3A_27 = tpu.memref_slice %arg18[%add3A_26, %dma_start3A] : memref<10000x64xf32, #tpu.memory_space<vmem_shared>> -> memref<125x64xf32, #tpu.memory_space<vmem_shared>>
      %dma_start3A_28 = arith.constant 0 : i32
      %dma_start3A_29 = tpu.memref_slice %arg18[%add3A_26, %dma_start3A_28] : memref<10000x64xf32, #tpu.memory_space<vmem_shared>> -> memref<125x64xf32, #tpu.memory_space<vmem_shared>>
      tpu.enqueue_dma source(%arg17 : memref<125x64xf32, #tpu.memory_space<vmem>>) target(%dma_start3A_29 : memref<125x64xf32, #tpu.memory_space<vmem_shared>>) target_semaphore(%arg19 : memref<!tpu.dma_semaphore, #tpu.memory_space<semaphore_mem>>)
      %add3A_30 = arith.constant 125 : i32
      %add3A_31 = arith.addi %mul3A_25, %add3A_30 : i32
      %dma_start3A_32 = arith.constant 0 : i32
      %dma_start3A_33 = tpu.memref_slice %arg18[%add3A_31, %dma_start3A_32] : memref<10000x64xf32, #tpu.memory_space<vmem_shared>> -> memref<125x64xf32, #tpu.memory_space<vmem_shared>>
      %dma_start3A_34 = arith.constant 0 : i32
      %dma_start3A_35 = tpu.memref_slice %arg18[%add3A_31, %dma_start3A_34] : memref<10000x64xf32, #tpu.memory_space<vmem_shared>> -> memref<125x64xf32, #tpu.memory_space<vmem_shared>>
      tpu.enqueue_dma source(%arg17 : memref<125x64xf32, #tpu.memory_space<vmem>>) target(%dma_start3A_35 : memref<125x64xf32, #tpu.memory_space<vmem_shared>>) target_semaphore(%arg19 : memref<!tpu.dma_semaphore, #tpu.memory_space<semaphore_mem>>)
      %add3A_36 = arith.constant 250 : i32
      %add3A_37 = arith.addi %mul3A_25, %add3A_36 : i32
      %dma_start3A_38 = arith.constant 0 : i32
      %dma_start3A_39 = tpu.memref_slice %arg18[%add3A_37, %dma_start3A_38] : memref<10000x64xf32, #tpu.memory_space<vmem_shared>> -> memref<125x64xf32, #tpu.memory_space<vmem_shared>>
      %dma_start3A_40 = arith.constant 0 : i32
      %dma_start3A_41 = tpu.memref_slice %arg18[%add3A_37, %dma_start3A_40] : memref<10000x64xf32, #tpu.memory_space<vmem_shared>> -> memref<125x64xf32, #tpu.memory_space<vmem_shared>>
      tpu.enqueue_dma source(%arg17 : memref<125x64xf32, #tpu.memory_space<vmem>>) target(%dma_start3A_41 : memref<125x64xf32, #tpu.memory_space<vmem_shared>>) target_semaphore(%arg19 : memref<!tpu.dma_semaphore, #tpu.memory_space<semaphore_mem>>)
      %add3A_42 = arith.constant 375 : i32
      %add3A_43 = arith.addi %mul3A_25, %add3A_42 : i32
      %dma_start3A_44 = arith.constant 0 : i32
      %dma_start3A_45 = tpu.memref_slice %arg18[%add3A_43, %dma_start3A_44] : memref<10000x64xf32, #tpu.memory_space<vmem_shared>> -> memref<125x64xf32, #tpu.memory_space<vmem_shared>>
      %dma_start3A_46 = arith.constant 0 : i32
      %dma_start3A_47 = tpu.memref_slice %arg18[%add3A_43, %dma_start3A_46] : memref<10000x64xf32, #tpu.memory_space<vmem_shared>> -> memref<125x64xf32, #tpu.memory_space<vmem_shared>>
      tpu.enqueue_dma source(%arg17 : memref<125x64xf32, #tpu.memory_space<vmem>>) target(%dma_start3A_47 : memref<125x64xf32, #tpu.memory_space<vmem_shared>>) target_semaphore(%arg19 : memref<!tpu.dma_semaphore, #tpu.memory_space<semaphore_mem>>)
      %add3A_48 = arith.constant 500 : i32
      %add3A_49 = arith.addi %mul3A_25, %add3A_48 : i32
      %dma_start3A_50 = arith.constant 0 : i32
      %dma_start3A_51 = tpu.memref_slice %arg18[%add3A_49, %dma_start3A_50] : memref<10000x64xf32, #tpu.memory_space<vmem_shared>> -> memref<125x64xf32, #tpu.memory_space<vmem_shared>>
      %dma_start3A_52 = arith.constant 0 : i32
      %dma_start3A_53 = tpu.memref_slice %arg18[%add3A_49, %dma_start3A_52] : memref<10000x64xf32, #tpu.memory_space<vmem_shared>> -> memref<125x64xf32, #tpu.memory_space<vmem_shared>>
      tpu.enqueue_dma source(%arg17 : memref<125x64xf32, #tpu.memory_space<vmem>>) target(%dma_start3A_53 : memref<125x64xf32, #tpu.memory_space<vmem_shared>>) target_semaphore(%arg19 : memref<!tpu.dma_semaphore, #tpu.memory_space<semaphore_mem>>)
      %dma_wait3A = arith.constant 0 : i32
      %dma_wait3A_54 = tpu.memref_slice %arg18[%mul3A_25, %dma_wait3A] : memref<10000x64xf32, #tpu.memory_space<vmem_shared>> -> memref<125x64xf32, #tpu.memory_space<vmem_shared>>
      %dma_wait3A_55 = arith.constant 0 : i32
      %dma_wait3A_56 = tpu.memref_slice %arg18[%mul3A_25, %dma_wait3A_55] : memref<10000x64xf32, #tpu.memory_space<vmem_shared>> -> memref<125x64xf32, #tpu.memory_space<vmem_shared>>
      tpu.wait_dma2 semaphore(%arg19 : memref<!tpu.dma_semaphore, #tpu.memory_space<semaphore_mem>>) src(%arg17 : memref<125x64xf32, #tpu.memory_space<vmem>>) dst(%dma_wait3A_56 : memref<125x64xf32, #tpu.memory_space<vmem_shared>>)
      %dma_wait3A_57 = arith.constant 0 : i32
      %dma_wait3A_58 = tpu.memref_slice %arg18[%mul3A_25, %dma_wait3A_57] : memref<10000x64xf32, #tpu.memory_space<vmem_shared>> -> memref<125x64xf32, #tpu.memory_space<vmem_shared>>
      %dma_wait3A_59 = arith.constant 0 : i32
      %dma_wait3A_60 = tpu.memref_slice %arg18[%mul3A_25, %dma_wait3A_59] : memref<10000x64xf32, #tpu.memory_space<vmem_shared>> -> memref<125x64xf32, #tpu.memory_space<vmem_shared>>
      tpu.wait_dma2 semaphore(%arg19 : memref<!tpu.dma_semaphore, #tpu.memory_space<semaphore_mem>>) src(%arg17 : memref<125x64xf32, #tpu.memory_space<vmem>>) dst(%dma_wait3A_60 : memref<125x64xf32, #tpu.memory_space<vmem_shared>>)
      %dma_wait3A_61 = arith.constant 0 : i32
      %dma_wait3A_62 = tpu.memref_slice %arg18[%mul3A_25, %dma_wait3A_61] : memref<10000x64xf32, #tpu.memory_space<vmem_shared>> -> memref<125x64xf32, #tpu.memory_space<vmem_shared>>
      %dma_wait3A_63 = arith.constant 0 : i32
      %dma_wait3A_64 = tpu.memref_slice %arg18[%mul3A_25, %dma_wait3A_63] : memref<10000x64xf32, #tpu.memory_space<vmem_shared>> -> memref<125x64xf32, #tpu.memory_space<vmem_shared>>
      tpu.wait_dma2 semaphore(%arg19 : memref<!tpu.dma_semaphore, #tpu.memory_space<semaphore_mem>>) src(%arg17 : memref<125x64xf32, #tpu.memory_space<vmem>>) dst(%dma_wait3A_64 : memref<125x64xf32, #tpu.memory_space<vmem_shared>>)
      %dma_wait3A_65 = arith.constant 0 : i32
      %dma_wait3A_66 = tpu.memref_slice %arg18[%mul3A_25, %dma_wait3A_65] : memref<10000x64xf32, #tpu.memory_space<vmem_shared>> -> memref<125x64xf32, #tpu.memory_space<vmem_shared>>
      %dma_wait3A_67 = arith.constant 0 : i32
      %dma_wait3A_68 = tpu.memref_slice %arg18[%mul3A_25, %dma_wait3A_67] : memref<10000x64xf32, #tpu.memory_space<vmem_shared>> -> memref<125x64xf32, #tpu.memory_space<vmem_shared>>
      tpu.wait_dma2 semaphore(%arg19 : memref<!tpu.dma_semaphore, #tpu.memory_space<semaphore_mem>>) src(%arg17 : memref<125x64xf32, #tpu.memory_space<vmem>>) dst(%dma_wait3A_68 : memref<125x64xf32, #tpu.memory_space<vmem_shared>>)
      %dma_wait3A_69 = arith.constant 0 : i32
      %dma_wait3A_70 = tpu.memref_slice %arg18[%mul3A_25, %dma_wait3A_69] : memref<10000x64xf32, #tpu.memory_space<vmem_shared>> -> memref<125x64xf32, #tpu.memory_space<vmem_shared>>
      %dma_wait3A_71 = arith.constant 0 : i32
      %dma_wait3A_72 = tpu.memref_slice %arg18[%mul3A_25, %dma_wait3A_71] : memref<10000x64xf32, #tpu.memory_space<vmem_shared>> -> memref<125x64xf32, #tpu.memory_space<vmem_shared>>
      tpu.wait_dma2 semaphore(%arg19 : memref<!tpu.dma_semaphore, #tpu.memory_space<semaphore_mem>>) src(%arg17 : memref<125x64xf32, #tpu.memory_space<vmem>>) dst(%dma_wait3A_72 : memref<125x64xf32, #tpu.memory_space<vmem_shared>>)
      %barrier3A = arith.constant 0 : index
      tpu.barrier barrier_id(%barrier3A)
      %dma_start3A_73 = arith.constant 0 : i32
      %dma_start3A_74 = arith.constant 0 : i32
      %dma_start3A_75 = tpu.memref_slice %arg11[%dma_start3A_73, %dma_start3A_74] : memref<160x125xi32, #tpu.memory_space<vmem>> -> memref<1x125xi32, #tpu.memory_space<vmem>>
      %dma_start3A_76 = tpu.memref_squeeze %dma_start3A_75 : memref<1x125xi32, #tpu.memory_space<vmem>> -> memref<125xi32, #tpu.memory_space<vmem>>
      %dma_start3A_77 = arith.constant 0 : i32
      %dma_start3A_78 = arith.constant 0 : i32
      %dma_start3A_79 = tpu.memref_slice %arg2[%dma_start3A_77, %dma_start3A_78] : memref<10000x64xf32, #tpu.memory_space<hbm>> -> memref<10000x64xf32, #tpu.memory_space<hbm>>
      tpu.enqueue_indirect_dma source(%dma_start3A_79 : memref<10000x64xf32, #tpu.memory_space<hbm>>) target(%arg13 : memref<125x64xf32, #tpu.memory_space<vmem>>) offsets(%dma_start3A_76 : memref<125xi32, #tpu.memory_space<vmem>>) semaphore(%arg19 : memref<!tpu.dma_semaphore, #tpu.memory_space<semaphore_mem>>)
      %dma_start3A_80 = arith.constant 1 : i32
      %dma_start3A_81 = arith.constant 0 : i32
      %dma_start3A_82 = tpu.memref_slice %arg11[%dma_start3A_80, %dma_start3A_81] : memref<160x125xi32, #tpu.memory_space<vmem>> -> memref<1x125xi32, #tpu.memory_space<vmem>>
      %dma_start3A_83 = tpu.memref_squeeze %dma_start3A_82 : memref<1x125xi32, #tpu.memory_space<vmem>> -> memref<125xi32, #tpu.memory_space<vmem>>
      %dma_start3A_84 = arith.constant 0 : i32
      %dma_start3A_85 = arith.constant 0 : i32
      %dma_start3A_86 = tpu.memref_slice %arg2[%dma_start3A_84, %dma_start3A_85] : memref<10000x64xf32, #tpu.memory_space<hbm>> -> memref<10000x64xf32, #tpu.memory_space<hbm>>
      tpu.enqueue_indirect_dma source(%dma_start3A_86 : memref<10000x64xf32, #tpu.memory_space<hbm>>) target(%arg14 : memref<125x64xf32, #tpu.memory_space<vmem>>) offsets(%dma_start3A_83 : memref<125xi32, #tpu.memory_space<vmem>>) semaphore(%arg20 : memref<!tpu.dma_semaphore, #tpu.memory_space<semaphore_mem>>)
      %dma_start3A_87 = arith.constant 0 : i32
      %dma_start3A_88 = arith.constant 0 : i32
      %dma_start3A_89 = tpu.memref_slice %arg12[%dma_start3A_87, %dma_start3A_88] : memref<160x125xi32, #tpu.memory_space<vmem>> -> memref<1x125xi32, #tpu.memory_space<vmem>>
      %dma_start3A_90 = tpu.memref_squeeze %dma_start3A_89 : memref<1x125xi32, #tpu.memory_space<vmem>> -> memref<125xi32, #tpu.memory_space<vmem>>
      %dma_start3A_91 = arith.constant 0 : i32
      %dma_start3A_92 = arith.constant 0 : i32
      %dma_start3A_93 = tpu.memref_slice %arg18[%dma_start3A_91, %dma_start3A_92] : memref<10000x64xf32, #tpu.memory_space<vmem_shared>> -> memref<10000x64xf32, #tpu.memory_space<vmem_shared>>
      tpu.enqueue_indirect_dma source(%arg17 : memref<125x64xf32, #tpu.memory_space<vmem>>) target(%dma_start3A_93 : memref<10000x64xf32, #tpu.memory_space<vmem_shared>>) offsets(%dma_start3A_90 : memref<125xi32, #tpu.memory_space<vmem>>) semaphore(%arg25 : memref<!tpu.dma_semaphore, #tpu.memory_space<semaphore_mem>>) {add = true}
      %dma_start3A_94 = arith.constant 0 : i32
      %dma_start3A_95 = arith.constant 0 : i32
      %dma_start3A_96 = tpu.memref_slice %arg12[%dma_start3A_94, %dma_start3A_95] : memref<160x125xi32, #tpu.memory_space<vmem>> -> memref<1x125xi32, #tpu.memory_space<vmem>>
      %dma_start3A_97 = tpu.memref_squeeze %dma_start3A_96 : memref<1x125xi32, #tpu.memory_space<vmem>> -> memref<125xi32, #tpu.memory_space<vmem>>
      %dma_start3A_98 = arith.constant 0 : i32
      %dma_start3A_99 = arith.constant 0 : i32
      %dma_start3A_100 = tpu.memref_slice %arg18[%dma_start3A_98, %dma_start3A_99] : memref<10000x64xf32, #tpu.memory_space<vmem_shared>> -> memref<10000x64xf32, #tpu.memory_space<vmem_shared>>
      tpu.enqueue_indirect_dma source(%arg17 : memref<125x64xf32, #tpu.memory_space<vmem>>) target(%dma_start3A_100 : memref<10000x64xf32, #tpu.memory_space<vmem_shared>>) offsets(%dma_start3A_97 : memref<125xi32, #tpu.memory_space<vmem>>) semaphore(%arg26 : memref<!tpu.dma_semaphore, #tpu.memory_space<semaphore_mem>>) {add = true}
      %scan3A_101 = arith.constant 0 : i32
      %scan3A_102 = arith.constant 0 : i32
      %scan3A_103 = arith.constant 40 : i32
      %scan3A_104 = arith.addi %scan3A_102, %scan3A_103 : i32
      %scan3A_105 = arith.constant 1 : i32
      scf.for %scan3A_268 = %scan3A_102 to %scan3A_104 step %scan3A_105  : i32 {
        %mul3A_269 = arith.constant 4 : i32
        %mul3A_270 = arith.muli %mul3A_269, %scan3A_268 : i32
        %add3A_271 = arith.constant 0 : i32
        %add3A_272 = arith.addi %mul3A_270, %add3A_271 : i32
        %dma_wait3A_273 = arith.constant 0 : i32
        %dma_wait3A_274 = tpu.memref_slice %arg11[%add3A_272, %dma_wait3A_273] : memref<160x125xi32, #tpu.memory_space<vmem>> -> memref<1x125xi32, #tpu.memory_space<vmem>>
        %dma_wait3A_275 = tpu.memref_squeeze %dma_wait3A_274 : memref<1x125xi32, #tpu.memory_space<vmem>> -> memref<125xi32, #tpu.memory_space<vmem>>
        %dma_wait3A_276 = arith.constant 0 : i32
        %dma_wait3A_277 = arith.constant 0 : i32
        %dma_wait3A_278 = tpu.memref_slice %arg2[%dma_wait3A_276, %dma_wait3A_277] : memref<10000x64xf32, #tpu.memory_space<hbm>> -> memref<10000x64xf32, #tpu.memory_space<hbm>>
        tpu.wait_indirect_dma semaphore(%arg19 : memref<!tpu.dma_semaphore, #tpu.memory_space<semaphore_mem>>) src(%dma_wait3A_278 : memref<10000x64xf32, #tpu.memory_space<hbm>>) dst(%arg13 : memref<125x64xf32, #tpu.memory_space<vmem>>)
        %dma_start3A_279 = arith.constant 0 : i32
        %dma_start3A_280 = tpu.memref_slice %arg12[%add3A_272, %dma_start3A_279] : memref<160x125xi32, #tpu.memory_space<vmem>> -> memref<1x125xi32, #tpu.memory_space<vmem>>
        %dma_start3A_281 = tpu.memref_squeeze %dma_start3A_280 : memref<1x125xi32, #tpu.memory_space<vmem>> -> memref<125xi32, #tpu.memory_space<vmem>>
        %dma_start3A_282 = arith.constant 0 : i32
        %dma_start3A_283 = arith.constant 0 : i32
        %dma_start3A_284 = tpu.memref_slice %arg18[%dma_start3A_282, %dma_start3A_283] : memref<10000x64xf32, #tpu.memory_space<vmem_shared>> -> memref<10000x64xf32, #tpu.memory_space<vmem_shared>>
        tpu.enqueue_indirect_dma source(%arg13 : memref<125x64xf32, #tpu.memory_space<vmem>>) target(%dma_start3A_284 : memref<10000x64xf32, #tpu.memory_space<vmem_shared>>) offsets(%dma_start3A_281 : memref<125xi32, #tpu.memory_space<vmem>>) semaphore(%arg23 : memref<!tpu.dma_semaphore, #tpu.memory_space<semaphore_mem>>) {add = true}
        %get3A = arith.index_cast %add3A_272 : i32 to index
        %get3A_285 = arith.constant 0 : index
        %get3A_286 = tpu.vector_load %arg12[%get3A, %get3A_285] {strides = array<i32>} : memref<160x125xi32, #tpu.memory_space<vmem>>, vector<16xi32>,
        tpu.vector_store_idx %arg27[%get3A_286], %broadcast_in_dim3A_9 {add = true} : memref<10000xf32, #tpu.memory_space<vmem>>[vector<16xi32>], vector<16xf32>,
        %get3A_287 = arith.index_cast %add3A_272 : i32 to index
        %get3A_288 = arith.constant 16 : index
        %get3A_289 = tpu.vector_load %arg12[%get3A_287, %get3A_288] {strides = array<i32>} : memref<160x125xi32, #tpu.memory_space<vmem>>, vector<16xi32>,
        tpu.vector_store_idx %arg27[%get3A_289], %broadcast_in_dim3A_9 {add = true} : memref<10000xf32, #tpu.memory_space<vmem>>[vector<16xi32>], vector<16xf32>,
        %get3A_290 = arith.index_cast %add3A_272 : i32 to index
        %get3A_291 = arith.constant 32 : index
        %get3A_292 = tpu.vector_load %arg12[%get3A_290, %get3A_291] {strides = array<i32>} : memref<160x125xi32, #tpu.memory_space<vmem>>, vector<16xi32>,
        tpu.vector_store_idx %arg27[%get3A_292], %broadcast_in_dim3A_9 {add = true} : memref<10000xf32, #tpu.memory_space<vmem>>[vector<16xi32>], vector<16xf32>,
        %get3A_293 = arith.index_cast %add3A_272 : i32 to index
        %get3A_294 = arith.constant 48 : index
        %get3A_295 = tpu.vector_load %arg12[%get3A_293, %get3A_294] {strides = array<i32>} : memref<160x125xi32, #tpu.memory_space<vmem>>, vector<16xi32>,
        tpu.vector_store_idx %arg27[%get3A_295], %broadcast_in_dim3A_9 {add = true} : memref<10000xf32, #tpu.memory_space<vmem>>[vector<16xi32>], vector<16xf32>,
        %get3A_296 = arith.index_cast %add3A_272 : i32 to index
        %get3A_297 = arith.constant 64 : index
        %get3A_298 = tpu.vector_load %arg12[%get3A_296, %get3A_297] {strides = array<i32>} : memref<160x125xi32, #tpu.memory_space<vmem>>, vector<16xi32>,
        tpu.vector_store_idx %arg27[%get3A_298], %broadcast_in_dim3A_9 {add = true} : memref<10000xf32, #tpu.memory_space<vmem>>[vector<16xi32>], vector<16xf32>,
        %get3A_299 = arith.index_cast %add3A_272 : i32 to index
        %get3A_300 = arith.constant 80 : index
        %get3A_301 = tpu.vector_load %arg12[%get3A_299, %get3A_300] {strides = array<i32>} : memref<160x125xi32, #tpu.memory_space<vmem>>, vector<16xi32>,
        tpu.vector_store_idx %arg27[%get3A_301], %broadcast_in_dim3A_9 {add = true} : memref<10000xf32, #tpu.memory_space<vmem>>[vector<16xi32>], vector<16xf32>,
        %get3A_302 = arith.index_cast %add3A_272 : i32 to index
        %get3A_303 = arith.constant 96 : index
        %get3A_304 = tpu.vector_load %arg12[%get3A_302, %get3A_303] {strides = array<i32>} : memref<160x125xi32, #tpu.memory_space<vmem>>, vector<16xi32>,
        tpu.vector_store_idx %arg27[%get3A_304], %broadcast_in_dim3A_9 {add = true} : memref<10000xf32, #tpu.memory_space<vmem>>[vector<16xi32>], vector<16xf32>,
        %get3A_305 = arith.index_cast %add3A_272 : i32 to index
        %get3A_306 = arith.constant 109 : index
        %get3A_307 = tpu.vector_load %arg12[%get3A_305, %get3A_306] {strides = array<i32>} : memref<160x125xi32, #tpu.memory_space<vmem>>, vector<16xi32>,
        tpu.vector_store_idx %arg27[%get3A_307], %broadcast_in_dim3A_9 masked %ge3A_11 {add = true} : memref<10000xf32, #tpu.memory_space<vmem>>[vector<16xi32>], vector<16xf32>, vector<16xi1>
        %sub3A = arith.constant 2 : i32
        %sub3A_308 = arith.subi %add3A_272, %sub3A : i32
        %max3A = arith.constant 0 : i32
        %max3A_309 = arith.maxsi %sub3A_308, %max3A : i32
        %dma_wait3A_310 = arith.constant 0 : i32
        %dma_wait3A_311 = tpu.memref_slice %arg12[%max3A_309, %dma_wait3A_310] : memref<160x125xi32, #tpu.memory_space<vmem>> -> memref<1x125xi32, #tpu.memory_space<vmem>>
        %dma_wait3A_312 = tpu.memref_squeeze %dma_wait3A_311 : memref<1x125xi32, #tpu.memory_space<vmem>> -> memref<125xi32, #tpu.memory_space<vmem>>
        %dma_wait3A_313 = arith.constant 0 : i32
        %dma_wait3A_314 = arith.constant 0 : i32
        %dma_wait3A_315 = tpu.memref_slice %arg18[%dma_wait3A_313, %dma_wait3A_314] : memref<10000x64xf32, #tpu.memory_space<vmem_shared>> -> memref<10000x64xf32, #tpu.memory_space<vmem_shared>>
        tpu.wait_indirect_dma semaphore(%arg25 : memref<!tpu.dma_semaphore, #tpu.memory_space<semaphore_mem>>) src(%arg15 : memref<125x64xf32, #tpu.memory_space<vmem>>) dst(%dma_wait3A_315 : memref<10000x64xf32, #tpu.memory_space<vmem_shared>>)
        %add3A_316 = arith.constant 2 : i32
        %add3A_317 = arith.addi %add3A_272, %add3A_316 : i32
        %min3A = arith.constant 159 : i32
        %min3A_318 = arith.minsi %add3A_317, %min3A : i32
        %dma_start3A_319 = arith.constant 0 : i32
        %dma_start3A_320 = tpu.memref_slice %arg11[%min3A_318, %dma_start3A_319] : memref<160x125xi32, #tpu.memory_space<vmem>> -> memref<1x125xi32, #tpu.memory_space<vmem>>
        %dma_start3A_321 = tpu.memref_squeeze %dma_start3A_320 : memref<1x125xi32, #tpu.memory_space<vmem>> -> memref<125xi32, #tpu.memory_space<vmem>>
        %dma_start3A_322 = arith.constant 0 : i32
        %dma_start3A_323 = arith.constant 0 : i32
        %dma_start3A_324 = tpu.memref_slice %arg2[%dma_start3A_322, %dma_start3A_323] : memref<10000x64xf32, #tpu.memory_space<hbm>> -> memref<10000x64xf32, #tpu.memory_space<hbm>>
        tpu.enqueue_indirect_dma source(%dma_start3A_324 : memref<10000x64xf32, #tpu.memory_space<hbm>>) target(%arg15 : memref<125x64xf32, #tpu.memory_space<vmem>>) offsets(%dma_start3A_321 : memref<125xi32, #tpu.memory_space<vmem>>) semaphore(%arg21 : memref<!tpu.dma_semaphore, #tpu.memory_space<semaphore_mem>>)
        %add3A_325 = arith.constant 1 : i32
        %add3A_326 = arith.addi %mul3A_270, %add3A_325 : i32
        %dma_wait3A_327 = arith.constant 0 : i32
        %dma_wait3A_328 = tpu.memref_slice %arg11[%add3A_326, %dma_wait3A_327] : memref<160x125xi32, #tpu.memory_space<vmem>> -> memref<1x125xi32, #tpu.memory_space<vmem>>
        %dma_wait3A_329 = tpu.memref_squeeze %dma_wait3A_328 : memref<1x125xi32, #tpu.memory_space<vmem>> -> memref<125xi32, #tpu.memory_space<vmem>>
        %dma_wait3A_330 = arith.constant 0 : i32
        %dma_wait3A_331 = arith.constant 0 : i32
        %dma_wait3A_332 = tpu.memref_slice %arg2[%dma_wait3A_330, %dma_wait3A_331] : memref<10000x64xf32, #tpu.memory_space<hbm>> -> memref<10000x64xf32, #tpu.memory_space<hbm>>
        tpu.wait_indirect_dma semaphore(%arg20 : memref<!tpu.dma_semaphore, #tpu.memory_space<semaphore_mem>>) src(%dma_wait3A_332 : memref<10000x64xf32, #tpu.memory_space<hbm>>) dst(%arg14 : memref<125x64xf32, #tpu.memory_space<vmem>>)
        %dma_start3A_333 = arith.constant 0 : i32
        %dma_start3A_334 = tpu.memref_slice %arg12[%add3A_326, %dma_start3A_333] : memref<160x125xi32, #tpu.memory_space<vmem>> -> memref<1x125xi32, #tpu.memory_space<vmem>>
        %dma_start3A_335 = tpu.memref_squeeze %dma_start3A_334 : memref<1x125xi32, #tpu.memory_space<vmem>> -> memref<125xi32, #tpu.memory_space<vmem>>
        %dma_start3A_336 = arith.constant 0 : i32
        %dma_start3A_337 = arith.constant 0 : i32
        %dma_start3A_338 = tpu.memref_slice %arg18[%dma_start3A_336, %dma_start3A_337] : memref<10000x64xf32, #tpu.memory_space<vmem_shared>> -> memref<10000x64xf32, #tpu.memory_space<vmem_shared>>
        tpu.enqueue_indirect_dma source(%arg14 : memref<125x64xf32, #tpu.memory_space<vmem>>) target(%dma_start3A_338 : memref<10000x64xf32, #tpu.memory_space<vmem_shared>>) offsets(%dma_start3A_335 : memref<125xi32, #tpu.memory_space<vmem>>) semaphore(%arg24 : memref<!tpu.dma_semaphore, #tpu.memory_space<semaphore_mem>>) {add = true}
        %get3A_339 = arith.index_cast %add3A_326 : i32 to index
        %get3A_340 = arith.constant 0 : index
        %get3A_341 = tpu.vector_load %arg12[%get3A_339, %get3A_340] {strides = array<i32>} : memref<160x125xi32, #tpu.memory_space<vmem>>, vector<16xi32>,
        tpu.vector_store_idx %arg27[%get3A_341], %broadcast_in_dim3A_9 {add = true} : memref<10000xf32, #tpu.memory_space<vmem>>[vector<16xi32>], vector<16xf32>,
        %get3A_342 = arith.index_cast %add3A_326 : i32 to index
        %get3A_343 = arith.constant 16 : index
        %get3A_344 = tpu.vector_load %arg12[%get3A_342, %get3A_343] {strides = array<i32>} : memref<160x125xi32, #tpu.memory_space<vmem>>, vector<16xi32>,
        tpu.vector_store_idx %arg27[%get3A_344], %broadcast_in_dim3A_9 {add = true} : memref<10000xf32, #tpu.memory_space<vmem>>[vector<16xi32>], vector<16xf32>,
        %get3A_345 = arith.index_cast %add3A_326 : i32 to index
        %get3A_346 = arith.constant 32 : index
        %get3A_347 = tpu.vector_load %arg12[%get3A_345, %get3A_346] {strides = array<i32>} : memref<160x125xi32, #tpu.memory_space<vmem>>, vector<16xi32>,
        tpu.vector_store_idx %arg27[%get3A_347], %broadcast_in_dim3A_9 {add = true} : memref<10000xf32, #tpu.memory_space<vmem>>[vector<16xi32>], vector<16xf32>,
        %get3A_348 = arith.index_cast %add3A_326 : i32 to index
        %get3A_349 = arith.constant 48 : index
        %get3A_350 = tpu.vector_load %arg12[%get3A_348, %get3A_349] {strides = array<i32>} : memref<160x125xi32, #tpu.memory_space<vmem>>, vector<16xi32>,
        tpu.vector_store_idx %arg27[%get3A_350], %broadcast_in_dim3A_9 {add = true} : memref<10000xf32, #tpu.memory_space<vmem>>[vector<16xi32>], vector<16xf32>,
        %get3A_351 = arith.index_cast %add3A_326 : i32 to index
        %get3A_352 = arith.constant 64 : index
        %get3A_353 = tpu.vector_load %arg12[%get3A_351, %get3A_352] {strides = array<i32>} : memref<160x125xi32, #tpu.memory_space<vmem>>, vector<16xi32>,
        tpu.vector_store_idx %arg27[%get3A_353], %broadcast_in_dim3A_9 {add = true} : memref<10000xf32, #tpu.memory_space<vmem>>[vector<16xi32>], vector<16xf32>,
        %get3A_354 = arith.index_cast %add3A_326 : i32 to index
        %get3A_355 = arith.constant 80 : index
        %get3A_356 = tpu.vector_load %arg12[%get3A_354, %get3A_355] {strides = array<i32>} : memref<160x125xi32, #tpu.memory_space<vmem>>, vector<16xi32>,
        tpu.vector_store_idx %arg27[%get3A_356], %broadcast_in_dim3A_9 {add = true} : memref<10000xf32, #tpu.memory_space<vmem>>[vector<16xi32>], vector<16xf32>,
        %get3A_357 = arith.index_cast %add3A_326 : i32 to index
        %get3A_358 = arith.constant 96 : index
        %get3A_359 = tpu.vector_load %arg12[%get3A_357, %get3A_358] {strides = array<i32>} : memref<160x125xi32, #tpu.memory_space<vmem>>, vector<16xi32>,
        tpu.vector_store_idx %arg27[%get3A_359], %broadcast_in_dim3A_9 {add = true} : memref<10000xf32, #tpu.memory_space<vmem>>[vector<16xi32>], vector<16xf32>,
        %get3A_360 = arith.index_cast %add3A_326 : i32 to index
        %get3A_361 = arith.constant 109 : index
        %get3A_362 = tpu.vector_load %arg12[%get3A_360, %get3A_361] {strides = array<i32>} : memref<160x125xi32, #tpu.memory_space<vmem>>, vector<16xi32>,
        tpu.vector_store_idx %arg27[%get3A_362], %broadcast_in_dim3A_9 masked %ge3A_11 {add = true} : memref<10000xf32, #tpu.memory_space<vmem>>[vector<16xi32>], vector<16xf32>, vector<16xi1>
        %sub3A_363 = arith.constant 2 : i32
        %sub3A_364 = arith.subi %add3A_326, %sub3A_363 : i32
        %max3A_365 = arith.constant 0 : i32
        %max3A_366 = arith.maxsi %sub3A_364, %max3A_365 : i32
        %dma_wait3A_367 = arith.constant 0 : i32
        %dma_wait3A_368 = tpu.memref_slice %arg12[%max3A_366, %dma_wait3A_367] : memref<160x125xi32, #tpu.memory_space<vmem>> -> memref<1x125xi32, #tpu.memory_space<vmem>>
        %dma_wait3A_369 = tpu.memref_squeeze %dma_wait3A_368 : memref<1x125xi32, #tpu.memory_space<vmem>> -> memref<125xi32, #tpu.memory_space<vmem>>
        %dma_wait3A_370 = arith.constant 0 : i32
        %dma_wait3A_371 = arith.constant 0 : i32
        %dma_wait3A_372 = tpu.memref_slice %arg18[%dma_wait3A_370, %dma_wait3A_371] : memref<10000x64xf32, #tpu.memory_space<vmem_shared>> -> memref<10000x64xf32, #tpu.memory_space<vmem_shared>>
        tpu.wait_indirect_dma semaphore(%arg26 : memref<!tpu.dma_semaphore, #tpu.memory_space<semaphore_mem>>) src(%arg16 : memref<125x64xf32, #tpu.memory_space<vmem>>) dst(%dma_wait3A_372 : memref<10000x64xf32, #tpu.memory_space<vmem_shared>>)
        %add3A_373 = arith.constant 2 : i32
        %add3A_374 = arith.addi %add3A_326, %add3A_373 : i32
        %min3A_375 = arith.constant 159 : i32
        %min3A_376 = arith.minsi %add3A_374, %min3A_375 : i32
        %dma_start3A_377 = arith.constant 0 : i32
        %dma_start3A_378 = tpu.memref_slice %arg11[%min3A_376, %dma_start3A_377] : memref<160x125xi32, #tpu.memory_space<vmem>> -> memref<1x125xi32, #tpu.memory_space<vmem>>
        %dma_start3A_379 = tpu.memref_squeeze %dma_start3A_378 : memref<1x125xi32, #tpu.memory_space<vmem>> -> memref<125xi32, #tpu.memory_space<vmem>>
        %dma_start3A_380 = arith.constant 0 : i32
        %dma_start3A_381 = arith.constant 0 : i32
        %dma_start3A_382 = tpu.memref_slice %arg2[%dma_start3A_380, %dma_start3A_381] : memref<10000x64xf32, #tpu.memory_space<hbm>> -> memref<10000x64xf32, #tpu.memory_space<hbm>>
        tpu.enqueue_indirect_dma source(%dma_start3A_382 : memref<10000x64xf32, #tpu.memory_space<hbm>>) target(%arg16 : memref<125x64xf32, #tpu.memory_space<vmem>>) offsets(%dma_start3A_379 : memref<125xi32, #tpu.memory_space<vmem>>) semaphore(%arg22 : memref<!tpu.dma_semaphore, #tpu.memory_space<semaphore_mem>>)
        %add3A_383 = arith.constant 2 : i32
        %add3A_384 = arith.addi %mul3A_270, %add3A_383 : i32
        %dma_wait3A_385 = arith.constant 0 : i32
        %dma_wait3A_386 = tpu.memref_slice %arg11[%add3A_384, %dma_wait3A_385] : memref<160x125xi32, #tpu.memory_space<vmem>> -> memref<1x125xi32, #tpu.memory_space<vmem>>
        %dma_wait3A_387 = tpu.memref_squeeze %dma_wait3A_386 : memref<1x125xi32, #tpu.memory_space<vmem>> -> memref<125xi32, #tpu.memory_space<vmem>>
        %dma_wait3A_388 = arith.constant 0 : i32
        %dma_wait3A_389 = arith.constant 0 : i32
        %dma_wait3A_390 = tpu.memref_slice %arg2[%dma_wait3A_388, %dma_wait3A_389] : memref<10000x64xf32, #tpu.memory_space<hbm>> -> memref<10000x64xf32, #tpu.memory_space<hbm>>
        tpu.wait_indirect_dma semaphore(%arg21 : memref<!tpu.dma_semaphore, #tpu.memory_space<semaphore_mem>>) src(%dma_wait3A_390 : memref<10000x64xf32, #tpu.memory_space<hbm>>) dst(%arg15 : memref<125x64xf32, #tpu.memory_space<vmem>>)
        %dma_start3A_391 = arith.constant 0 : i32
        %dma_start3A_392 = tpu.memref_slice %arg12[%add3A_384, %dma_start3A_391] : memref<160x125xi32, #tpu.memory_space<vmem>> -> memref<1x125xi32, #tpu.memory_space<vmem>>
        %dma_start3A_393 = tpu.memref_squeeze %dma_start3A_392 : memref<1x125xi32, #tpu.memory_space<vmem>> -> memref<125xi32, #tpu.memory_space<vmem>>
        %dma_start3A_394 = arith.constant 0 : i32
        %dma_start3A_395 = arith.constant 0 : i32
        %dma_start3A_396 = tpu.memref_slice %arg18[%dma_start3A_394, %dma_start3A_395] : memref<10000x64xf32, #tpu.memory_space<vmem_shared>> -> memref<10000x64xf32, #tpu.memory_space<vmem_shared>>
        tpu.enqueue_indirect_dma source(%arg15 : memref<125x64xf32, #tpu.memory_space<vmem>>) target(%dma_start3A_396 : memref<10000x64xf32, #tpu.memory_space<vmem_shared>>) offsets(%dma_start3A_393 : memref<125xi32, #tpu.memory_space<vmem>>) semaphore(%arg25 : memref<!tpu.dma_semaphore, #tpu.memory_space<semaphore_mem>>) {add = true}
        %get3A_397 = arith.index_cast %add3A_384 : i32 to index
        %get3A_398 = arith.constant 0 : index
        %get3A_399 = tpu.vector_load %arg12[%get3A_397, %get3A_398] {strides = array<i32>} : memref<160x125xi32, #tpu.memory_space<vmem>>, vector<16xi32>,
        tpu.vector_store_idx %arg27[%get3A_399], %broadcast_in_dim3A_9 {add = true} : memref<10000xf32, #tpu.memory_space<vmem>>[vector<16xi32>], vector<16xf32>,
        %get3A_400 = arith.index_cast %add3A_384 : i32 to index
        %get3A_401 = arith.constant 16 : index
        %get3A_402 = tpu.vector_load %arg12[%get3A_400, %get3A_401] {strides = array<i32>} : memref<160x125xi32, #tpu.memory_space<vmem>>, vector<16xi32>,
        tpu.vector_store_idx %arg27[%get3A_402], %broadcast_in_dim3A_9 {add = true} : memref<10000xf32, #tpu.memory_space<vmem>>[vector<16xi32>], vector<16xf32>,
        %get3A_403 = arith.index_cast %add3A_384 : i32 to index
        %get3A_404 = arith.constant 32 : index
        %get3A_405 = tpu.vector_load %arg12[%get3A_403, %get3A_404] {strides = array<i32>} : memref<160x125xi32, #tpu.memory_space<vmem>>, vector<16xi32>,
        tpu.vector_store_idx %arg27[%get3A_405], %broadcast_in_dim3A_9 {add = true} : memref<10000xf32, #tpu.memory_space<vmem>>[vector<16xi32>], vector<16xf32>,
        %get3A_406 = arith.index_cast %add3A_384 : i32 to index
        %get3A_407 = arith.constant 48 : index
        %get3A_408 = tpu.vector_load %arg12[%get3A_406, %get3A_407] {strides = array<i32>} : memref<160x125xi32, #tpu.memory_space<vmem>>, vector<16xi32>,
        tpu.vector_store_idx %arg27[%get3A_408], %broadcast_in_dim3A_9 {add = true} : memref<10000xf32, #tpu.memory_space<vmem>>[vector<16xi32>], vector<16xf32>,
        %get3A_409 = arith.index_cast %add3A_384 : i32 to index
        %get3A_410 = arith.constant 64 : index
        %get3A_411 = tpu.vector_load %arg12[%get3A_409, %get3A_410] {strides = array<i32>} : memref<160x125xi32, #tpu.memory_space<vmem>>, vector<16xi32>,
        tpu.vector_store_idx %arg27[%get3A_411], %broadcast_in_dim3A_9 {add = true} : memref<10000xf32, #tpu.memory_space<vmem>>[vector<16xi32>], vector<16xf32>,
        %get3A_412 = arith.index_cast %add3A_384 : i32 to index
        %get3A_413 = arith.constant 80 : index
        %get3A_414 = tpu.vector_load %arg12[%get3A_412, %get3A_413] {strides = array<i32>} : memref<160x125xi32, #tpu.memory_space<vmem>>, vector<16xi32>,
        tpu.vector_store_idx %arg27[%get3A_414], %broadcast_in_dim3A_9 {add = true} : memref<10000xf32, #tpu.memory_space<vmem>>[vector<16xi32>], vector<16xf32>,
        %get3A_415 = arith.index_cast %add3A_384 : i32 to index
        %get3A_416 = arith.constant 96 : index
        %get3A_417 = tpu.vector_load %arg12[%get3A_415, %get3A_416] {strides = array<i32>} : memref<160x125xi32, #tpu.memory_space<vmem>>, vector<16xi32>,
        tpu.vector_store_idx %arg27[%get3A_417], %broadcast_in_dim3A_9 {add = true} : memref<10000xf32, #tpu.memory_space<vmem>>[vector<16xi32>], vector<16xf32>,
        %get3A_418 = arith.index_cast %add3A_384 : i32 to index
        %get3A_419 = arith.constant 109 : index
        %get3A_420 = tpu.vector_load %arg12[%get3A_418, %get3A_419] {strides = array<i32>} : memref<160x125xi32, #tpu.memory_space<vmem>>, vector<16xi32>,
        tpu.vector_store_idx %arg27[%get3A_420], %broadcast_in_dim3A_9 masked %ge3A_11 {add = true} : memref<10000xf32, #tpu.memory_space<vmem>>[vector<16xi32>], vector<16xf32>, vector<16xi1>
        %sub3A_421 = arith.constant 2 : i32
        %sub3A_422 = arith.subi %add3A_384, %sub3A_421 : i32
        %max3A_423 = arith.constant 0 : i32
        %max3A_424 = arith.maxsi %sub3A_422, %max3A_423 : i32
        %dma_wait3A_425 = arith.constant 0 : i32
        %dma_wait3A_426 = tpu.memref_slice %arg12[%max3A_424, %dma_wait3A_425] : memref<160x125xi32, #tpu.memory_space<vmem>> -> memref<1x125xi32, #tpu.memory_space<vmem>>
        %dma_wait3A_427 = tpu.memref_squeeze %dma_wait3A_426 : memref<1x125xi32, #tpu.memory_space<vmem>> -> memref<125xi32, #tpu.memory_space<vmem>>
        %dma_wait3A_428 = arith.constant 0 : i32
        %dma_wait3A_429 = arith.constant 0 : i32
        %dma_wait3A_430 = tpu.memref_slice %arg18[%dma_wait3A_428, %dma_wait3A_429] : memref<10000x64xf32, #tpu.memory_space<vmem_shared>> -> memref<10000x64xf32, #tpu.memory_space<vmem_shared>>
        tpu.wait_indirect_dma semaphore(%arg23 : memref<!tpu.dma_semaphore, #tpu.memory_space<semaphore_mem>>) src(%arg13 : memref<125x64xf32, #tpu.memory_space<vmem>>) dst(%dma_wait3A_430 : memref<10000x64xf32, #tpu.memory_space<vmem_shared>>)
        %add3A_431 = arith.constant 2 : i32
        %add3A_432 = arith.addi %add3A_384, %add3A_431 : i32
        %min3A_433 = arith.constant 159 : i32
        %min3A_434 = arith.minsi %add3A_432, %min3A_433 : i32
        %dma_start3A_435 = arith.constant 0 : i32
        %dma_start3A_436 = tpu.memref_slice %arg11[%min3A_434, %dma_start3A_435] : memref<160x125xi32, #tpu.memory_space<vmem>> -> memref<1x125xi32, #tpu.memory_space<vmem>>
        %dma_start3A_437 = tpu.memref_squeeze %dma_start3A_436 : memref<1x125xi32, #tpu.memory_space<vmem>> -> memref<125xi32, #tpu.memory_space<vmem>>
        %dma_start3A_438 = arith.constant 0 : i32
        %dma_start3A_439 = arith.constant 0 : i32
        %dma_start3A_440 = tpu.memref_slice %arg2[%dma_start3A_438, %dma_start3A_439] : memref<10000x64xf32, #tpu.memory_space<hbm>> -> memref<10000x64xf32, #tpu.memory_space<hbm>>
        tpu.enqueue_indirect_dma source(%dma_start3A_440 : memref<10000x64xf32, #tpu.memory_space<hbm>>) target(%arg13 : memref<125x64xf32, #tpu.memory_space<vmem>>) offsets(%dma_start3A_437 : memref<125xi32, #tpu.memory_space<vmem>>) semaphore(%arg19 : memref<!tpu.dma_semaphore, #tpu.memory_space<semaphore_mem>>)
        %add3A_441 = arith.constant 3 : i32
        %add3A_442 = arith.addi %mul3A_270, %add3A_441 : i32
        %dma_wait3A_443 = arith.constant 0 : i32
        %dma_wait3A_444 = tpu.memref_slice %arg11[%add3A_442, %dma_wait3A_443] : memref<160x125xi32, #tpu.memory_space<vmem>> -> memref<1x125xi32, #tpu.memory_space<vmem>>
        %dma_wait3A_445 = tpu.memref_squeeze %dma_wait3A_444 : memref<1x125xi32, #tpu.memory_space<vmem>> -> memref<125xi32, #tpu.memory_space<vmem>>
        %dma_wait3A_446 = arith.constant 0 : i32
        %dma_wait3A_447 = arith.constant 0 : i32
        %dma_wait3A_448 = tpu.memref_slice %arg2[%dma_wait3A_446, %dma_wait3A_447] : memref<10000x64xf32, #tpu.memory_space<hbm>> -> memref<10000x64xf32, #tpu.memory_space<hbm>>
        tpu.wait_indirect_dma semaphore(%arg22 : memref<!tpu.dma_semaphore, #tpu.memory_space<semaphore_mem>>) src(%dma_wait3A_448 : memref<10000x64xf32, #tpu.memory_space<hbm>>) dst(%arg16 : memref<125x64xf32, #tpu.memory_space<vmem>>)
        %dma_start3A_449 = arith.constant 0 : i32
        %dma_start3A_450 = tpu.memref_slice %arg12[%add3A_442, %dma_start3A_449] : memref<160x125xi32, #tpu.memory_space<vmem>> -> memref<1x125xi32, #tpu.memory_space<vmem>>
        %dma_start3A_451 = tpu.memref_squeeze %dma_start3A_450 : memref<1x125xi32, #tpu.memory_space<vmem>> -> memref<125xi32, #tpu.memory_space<vmem>>
        %dma_start3A_452 = arith.constant 0 : i32
        %dma_start3A_453 = arith.constant 0 : i32
        %dma_start3A_454 = tpu.memref_slice %arg18[%dma_start3A_452, %dma_start3A_453] : memref<10000x64xf32, #tpu.memory_space<vmem_shared>> -> memref<10000x64xf32, #tpu.memory_space<vmem_shared>>
        tpu.enqueue_indirect_dma source(%arg16 : memref<125x64xf32, #tpu.memory_space<vmem>>) target(%dma_start3A_454 : memref<10000x64xf32, #tpu.memory_space<vmem_shared>>) offsets(%dma_start3A_451 : memref<125xi32, #tpu.memory_space<vmem>>) semaphore(%arg26 : memref<!tpu.dma_semaphore, #tpu.memory_space<semaphore_mem>>) {add = true}
        %get3A_455 = arith.index_cast %add3A_442 : i32 to index
        %get3A_456 = arith.constant 0 : index
        %get3A_457 = tpu.vector_load %arg12[%get3A_455, %get3A_456] {strides = array<i32>} : memref<160x125xi32, #tpu.memory_space<vmem>>, vector<16xi32>,
        tpu.vector_store_idx %arg27[%get3A_457], %broadcast_in_dim3A_9 {add = true} : memref<10000xf32, #tpu.memory_space<vmem>>[vector<16xi32>], vector<16xf32>,
        %get3A_458 = arith.index_cast %add3A_442 : i32 to index
        %get3A_459 = arith.constant 16 : index
        %get3A_460 = tpu.vector_load %arg12[%get3A_458, %get3A_459] {strides = array<i32>} : memref<160x125xi32, #tpu.memory_space<vmem>>, vector<16xi32>,
        tpu.vector_store_idx %arg27[%get3A_460], %broadcast_in_dim3A_9 {add = true} : memref<10000xf32, #tpu.memory_space<vmem>>[vector<16xi32>], vector<16xf32>,
        %get3A_461 = arith.index_cast %add3A_442 : i32 to index
        %get3A_462 = arith.constant 32 : index
        %get3A_463 = tpu.vector_load %arg12[%get3A_461, %get3A_462] {strides = array<i32>} : memref<160x125xi32, #tpu.memory_space<vmem>>, vector<16xi32>,
        tpu.vector_store_idx %arg27[%get3A_463], %broadcast_in_dim3A_9 {add = true} : memref<10000xf32, #tpu.memory_space<vmem>>[vector<16xi32>], vector<16xf32>,
        %get3A_464 = arith.index_cast %add3A_442 : i32 to index
        %get3A_465 = arith.constant 48 : index
        %get3A_466 = tpu.vector_load %arg12[%get3A_464, %get3A_465] {strides = array<i32>} : memref<160x125xi32, #tpu.memory_space<vmem>>, vector<16xi32>,
        tpu.vector_store_idx %arg27[%get3A_466], %broadcast_in_dim3A_9 {add = true} : memref<10000xf32, #tpu.memory_space<vmem>>[vector<16xi32>], vector<16xf32>,
        %get3A_467 = arith.index_cast %add3A_442 : i32 to index
        %get3A_468 = arith.constant 64 : index
        %get3A_469 = tpu.vector_load %arg12[%get3A_467, %get3A_468] {strides = array<i32>} : memref<160x125xi32, #tpu.memory_space<vmem>>, vector<16xi32>,
        tpu.vector_store_idx %arg27[%get3A_469], %broadcast_in_dim3A_9 {add = true} : memref<10000xf32, #tpu.memory_space<vmem>>[vector<16xi32>], vector<16xf32>,
        %get3A_470 = arith.index_cast %add3A_442 : i32 to index
        %get3A_471 = arith.constant 80 : index
        %get3A_472 = tpu.vector_load %arg12[%get3A_470, %get3A_471] {strides = array<i32>} : memref<160x125xi32, #tpu.memory_space<vmem>>, vector<16xi32>,
        tpu.vector_store_idx %arg27[%get3A_472], %broadcast_in_dim3A_9 {add = true} : memref<10000xf32, #tpu.memory_space<vmem>>[vector<16xi32>], vector<16xf32>,
        %get3A_473 = arith.index_cast %add3A_442 : i32 to index
        %get3A_474 = arith.constant 96 : index
        %get3A_475 = tpu.vector_load %arg12[%get3A_473, %get3A_474] {strides = array<i32>} : memref<160x125xi32, #tpu.memory_space<vmem>>, vector<16xi32>,
        tpu.vector_store_idx %arg27[%get3A_475], %broadcast_in_dim3A_9 {add = true} : memref<10000xf32, #tpu.memory_space<vmem>>[vector<16xi32>], vector<16xf32>,
        %get3A_476 = arith.index_cast %add3A_442 : i32 to index
        %get3A_477 = arith.constant 109 : index
        %get3A_478 = tpu.vector_load %arg12[%get3A_476, %get3A_477] {strides = array<i32>} : memref<160x125xi32, #tpu.memory_space<vmem>>, vector<16xi32>,
        tpu.vector_store_idx %arg27[%get3A_478], %broadcast_in_dim3A_9 masked %ge3A_11 {add = true} : memref<10000xf32, #tpu.memory_space<vmem>>[vector<16xi32>], vector<16xf32>, vector<16xi1>
        %sub3A_479 = arith.constant 2 : i32
        %sub3A_480 = arith.subi %add3A_442, %sub3A_479 : i32
        %max3A_481 = arith.constant 0 : i32
        %max3A_482 = arith.maxsi %sub3A_480, %max3A_481 : i32
        %dma_wait3A_483 = arith.constant 0 : i32
        %dma_wait3A_484 = tpu.memref_slice %arg12[%max3A_482, %dma_wait3A_483] : memref<160x125xi32, #tpu.memory_space<vmem>> -> memref<1x125xi32, #tpu.memory_space<vmem>>
        %dma_wait3A_485 = tpu.memref_squeeze %dma_wait3A_484 : memref<1x125xi32, #tpu.memory_space<vmem>> -> memref<125xi32, #tpu.memory_space<vmem>>
        %dma_wait3A_486 = arith.constant 0 : i32
        %dma_wait3A_487 = arith.constant 0 : i32
        %dma_wait3A_488 = tpu.memref_slice %arg18[%dma_wait3A_486, %dma_wait3A_487] : memref<10000x64xf32, #tpu.memory_space<vmem_shared>> -> memref<10000x64xf32, #tpu.memory_space<vmem_shared>>
        tpu.wait_indirect_dma semaphore(%arg24 : memref<!tpu.dma_semaphore, #tpu.memory_space<semaphore_mem>>) src(%arg14 : memref<125x64xf32, #tpu.memory_space<vmem>>) dst(%dma_wait3A_488 : memref<10000x64xf32, #tpu.memory_space<vmem_shared>>)
        %add3A_489 = arith.constant 2 : i32
        %add3A_490 = arith.addi %add3A_442, %add3A_489 : i32
        %min3A_491 = arith.constant 159 : i32
        %min3A_492 = arith.minsi %add3A_490, %min3A_491 : i32
        %dma_start3A_493 = arith.constant 0 : i32
        %dma_start3A_494 = tpu.memref_slice %arg11[%min3A_492, %dma_start3A_493] : memref<160x125xi32, #tpu.memory_space<vmem>> -> memref<1x125xi32, #tpu.memory_space<vmem>>
        %dma_start3A_495 = tpu.memref_squeeze %dma_start3A_494 : memref<1x125xi32, #tpu.memory_space<vmem>> -> memref<125xi32, #tpu.memory_space<vmem>>
        %dma_start3A_496 = arith.constant 0 : i32
        %dma_start3A_497 = arith.constant 0 : i32
        %dma_start3A_498 = tpu.memref_slice %arg2[%dma_start3A_496, %dma_start3A_497] : memref<10000x64xf32, #tpu.memory_space<hbm>> -> memref<10000x64xf32, #tpu.memory_space<hbm>>
        tpu.enqueue_indirect_dma source(%dma_start3A_498 : memref<10000x64xf32, #tpu.memory_space<hbm>>) target(%arg14 : memref<125x64xf32, #tpu.memory_space<vmem>>) offsets(%dma_start3A_495 : memref<125xi32, #tpu.memory_space<vmem>>) semaphore(%arg20 : memref<!tpu.dma_semaphore, #tpu.memory_space<semaphore_mem>>)
      }
      %scan3A_106 = arith.constant 40 : i32
      %dma_wait3A_107 = arith.constant 159 : i32
      %dma_wait3A_108 = arith.constant 0 : i32
      %dma_wait3A_109 = tpu.memref_slice %arg11[%dma_wait3A_107, %dma_wait3A_108] : memref<160x125xi32, #tpu.memory_space<vmem>> -> memref<1x125xi32, #tpu.memory_space<vmem>>
      %dma_wait3A_110 = tpu.memref_squeeze %dma_wait3A_109 : memref<1x125xi32, #tpu.memory_space<vmem>> -> memref<125xi32, #tpu.memory_space<vmem>>
      %dma_wait3A_111 = arith.constant 0 : i32
      %dma_wait3A_112 = arith.constant 0 : i32
      %dma_wait3A_113 = tpu.memref_slice %arg2[%dma_wait3A_111, %dma_wait3A_112] : memref<10000x64xf32, #tpu.memory_space<hbm>> -> memref<10000x64xf32, #tpu.memory_space<hbm>>
      tpu.wait_indirect_dma semaphore(%arg19 : memref<!tpu.dma_semaphore, #tpu.memory_space<semaphore_mem>>) src(%dma_wait3A_113 : memref<10000x64xf32, #tpu.memory_space<hbm>>) dst(%arg13 : memref<125x64xf32, #tpu.memory_space<vmem>>)
      %dma_wait3A_114 = arith.constant 159 : i32
      %dma_wait3A_115 = arith.constant 0 : i32
      %dma_wait3A_116 = tpu.memref_slice %arg11[%dma_wait3A_114, %dma_wait3A_115] : memref<160x125xi32, #tpu.memory_space<vmem>> -> memref<1x125xi32, #tpu.memory_space<vmem>>
      %dma_wait3A_117 = tpu.memref_squeeze %dma_wait3A_116 : memref<1x125xi32, #tpu.memory_space<vmem>> -> memref<125xi32, #tpu.memory_space<vmem>>
      %dma_wait3A_118 = arith.constant 0 : i32
      %dma_wait3A_119 = arith.constant 0 : i32
      %dma_wait3A_120 = tpu.memref_slice %arg2[%dma_wait3A_118, %dma_wait3A_119] : memref<10000x64xf32, #tpu.memory_space<hbm>> -> memref<10000x64xf32, #tpu.memory_space<hbm>>
      tpu.wait_indirect_dma semaphore(%arg20 : memref<!tpu.dma_semaphore, #tpu.memory_space<semaphore_mem>>) src(%dma_wait3A_120 : memref<10000x64xf32, #tpu.memory_space<hbm>>) dst(%arg14 : memref<125x64xf32, #tpu.memory_space<vmem>>)
      %dma_wait3A_121 = arith.constant 158 : i32
      %dma_wait3A_122 = arith.constant 0 : i32
      %dma_wait3A_123 = tpu.memref_slice %arg12[%dma_wait3A_121, %dma_wait3A_122] : memref<160x125xi32, #tpu.memory_space<vmem>> -> memref<1x125xi32, #tpu.memory_space<vmem>>
      %dma_wait3A_124 = tpu.memref_squeeze %dma_wait3A_123 : memref<1x125xi32, #tpu.memory_space<vmem>> -> memref<125xi32, #tpu.memory_space<vmem>>
      %dma_wait3A_125 = arith.constant 0 : i32
      %dma_wait3A_126 = arith.constant 0 : i32
      %dma_wait3A_127 = tpu.memref_slice %arg18[%dma_wait3A_125, %dma_wait3A_126] : memref<10000x64xf32, #tpu.memory_space<vmem_shared>> -> memref<10000x64xf32, #tpu.memory_space<vmem_shared>>
      tpu.wait_indirect_dma semaphore(%arg25 : memref<!tpu.dma_semaphore, #tpu.memory_space<semaphore_mem>>) src(%arg15 : memref<125x64xf32, #tpu.memory_space<vmem>>) dst(%dma_wait3A_127 : memref<10000x64xf32, #tpu.memory_space<vmem_shared>>)
      %dma_wait3A_128 = arith.constant 159 : i32
      %dma_wait3A_129 = arith.constant 0 : i32
      %dma_wait3A_130 = tpu.memref_slice %arg12[%dma_wait3A_128, %dma_wait3A_129] : memref<160x125xi32, #tpu.memory_space<vmem>> -> memref<1x125xi32, #tpu.memory_space<vmem>>
      %dma_wait3A_131 = tpu.memref_squeeze %dma_wait3A_130 : memref<1x125xi32, #tpu.memory_space<vmem>> -> memref<125xi32, #tpu.memory_space<vmem>>
      %dma_wait3A_132 = arith.constant 0 : i32
      %dma_wait3A_133 = arith.constant 0 : i32
      %dma_wait3A_134 = tpu.memref_slice %arg18[%dma_wait3A_132, %dma_wait3A_133] : memref<10000x64xf32, #tpu.memory_space<vmem_shared>> -> memref<10000x64xf32, #tpu.memory_space<vmem_shared>>
      tpu.wait_indirect_dma semaphore(%arg26 : memref<!tpu.dma_semaphore, #tpu.memory_space<semaphore_mem>>) src(%arg16 : memref<125x64xf32, #tpu.memory_space<vmem>>) dst(%dma_wait3A_134 : memref<10000x64xf32, #tpu.memory_space<vmem_shared>>)
      "tpu.region"() ({
        %run_scoped3A = tpu.sem_alloc : memref<!tpu.dma_semaphore, #tpu.memory_space<semaphore_mem>>
        %dma_start3A_268 = arith.constant 0 : i32
        %dma_start3A_269 = tpu.memref_slice %arg10[%arg0, %arg1, %dma_start3A_268] : memref<2x16x10000xf32, #tpu.memory_space<hbm>> -> memref<1x1x10000xf32, #tpu.memory_space<hbm>>
        %dma_start3A_270 = tpu.memref_squeeze %dma_start3A_269 : memref<1x1x10000xf32, #tpu.memory_space<hbm>> -> memref<10000xf32, #tpu.memory_space<hbm>>
        %dma_start3A_271 = arith.constant 0 : i32
        %dma_start3A_272 = tpu.memref_slice %arg10[%arg0, %arg1, %dma_start3A_271] : memref<2x16x10000xf32, #tpu.memory_space<hbm>> -> memref<1x1x10000xf32, #tpu.memory_space<hbm>>
        %dma_start3A_273 = tpu.memref_squeeze %dma_start3A_272 : memref<1x1x10000xf32, #tpu.memory_space<hbm>> -> memref<10000xf32, #tpu.memory_space<hbm>>
        tpu.enqueue_dma source(%arg27 : memref<10000xf32, #tpu.memory_space<vmem>>) target(%dma_start3A_273 : memref<10000xf32, #tpu.memory_space<hbm>>) target_semaphore(%run_scoped3A : memref<!tpu.dma_semaphore, #tpu.memory_space<semaphore_mem>>)
        %dma_wait3A_274 = arith.constant 0 : i32
        %dma_wait3A_275 = tpu.memref_slice %arg10[%arg0, %arg1, %dma_wait3A_274] : memref<2x16x10000xf32, #tpu.memory_space<hbm>> -> memref<1x1x10000xf32, #tpu.memory_space<hbm>>
        %dma_wait3A_276 = tpu.memref_squeeze %dma_wait3A_275 : memref<1x1x10000xf32, #tpu.memory_space<hbm>> -> memref<10000xf32, #tpu.memory_space<hbm>>
        %dma_wait3A_277 = arith.constant 0 : i32
        %dma_wait3A_278 = tpu.memref_slice %arg10[%arg0, %arg1, %dma_wait3A_277] : memref<2x16x10000xf32, #tpu.memory_space<hbm>> -> memref<1x1x10000xf32, #tpu.memory_space<hbm>>
        %dma_wait3A_279 = tpu.memref_squeeze %dma_wait3A_278 : memref<1x1x10000xf32, #tpu.memory_space<hbm>> -> memref<10000xf32, #tpu.memory_space<hbm>>
        tpu.wait_dma2 semaphore(%run_scoped3A : memref<!tpu.dma_semaphore, #tpu.memory_space<semaphore_mem>>) src(%arg27 : memref<10000xf32, #tpu.memory_space<vmem>>) dst(%dma_wait3A_279 : memref<10000xf32, #tpu.memory_space<hbm>>)
        tpu.yield
      }) : () -> ()
      %barrier3A_135 = arith.constant 0 : index
      tpu.barrier barrier_id(%barrier3A_135)
      %mul3A_136 = arith.constant 624 : i32
      %mul3A_137 = arith.muli %arg1, %mul3A_136 : i32
      "tpu.region"() ({
        %run_scoped3A = tpu.sem_alloc : memref<!tpu.dma_semaphore, #tpu.memory_space<semaphore_mem>>
        %dma_start3A_268 = arith.constant 0 : i32
        %dma_start3A_269 = tpu.memref_slice %arg8[%arg0, %mul3A_137, %dma_start3A_268] : memref<2x10000x64xf32, #tpu.memory_space<hbm>> -> memref<1x624x64xf32, #tpu.memory_space<hbm>>
        %dma_start3A_270 = tpu.memref_squeeze %dma_start3A_269 : memref<1x624x64xf32, #tpu.memory_space<hbm>> -> memref<624x64xf32, #tpu.memory_space<hbm>>
        %dma_start3A_271 = arith.constant 0 : i32
        %dma_start3A_272 = tpu.memref_slice %arg18[%mul3A_137, %dma_start3A_271] : memref<10000x64xf32, #tpu.memory_space<vmem_shared>> -> memref<624x64xf32, #tpu.memory_space<vmem_shared>>
        tpu.enqueue_dma source(%dma_start3A_272 : memref<624x64xf32, #tpu.memory_space<vmem_shared>>) target(%dma_start3A_270 : memref<624x64xf32, #tpu.memory_space<hbm>>) target_semaphore(%run_scoped3A : memref<!tpu.dma_semaphore, #tpu.memory_space<semaphore_mem>>)
        %dma_wait3A_273 = arith.constant 0 : i32
        %dma_wait3A_274 = tpu.memref_slice %arg8[%arg0, %mul3A_137, %dma_wait3A_273] : memref<2x10000x64xf32, #tpu.memory_space<hbm>> -> memref<1x624x64xf32, #tpu.memory_space<hbm>>
        %dma_wait3A_275 = tpu.memref_squeeze %dma_wait3A_274 : memref<1x624x64xf32, #tpu.memory_space<hbm>> -> memref<624x64xf32, #tpu.memory_space<hbm>>
        %dma_wait3A_276 = arith.constant 0 : i32
        %dma_wait3A_277 = tpu.memref_slice %arg18[%mul3A_137, %dma_wait3A_276] : memref<10000x64xf32, #tpu.memory_space<vmem_shared>> -> memref<624x64xf32, #tpu.memory_space<vmem_shared>>
        tpu.wait_dma2 semaphore(%run_scoped3A : memref<!tpu.dma_semaphore, #tpu.memory_space<semaphore_mem>>) src(%dma_wait3A_277 : memref<624x64xf32, #tpu.memory_space<vmem_shared>>) dst(%dma_wait3A_275 : memref<624x64xf32, #tpu.memory_space<hbm>>)
        tpu.yield
      }) : () -> ()
      %eq3A_138 = arith.constant 15 : i32
      %eq3A_139 = arith.cmpi eq, %arg1, %eq3A_138 : i32
      %convert_element_type3A_140 = arith.extui %eq3A_139 : i1 to i32
      %cond3A_141 = arith.constant 0 : i32
      %cond3A_142 = arith.cmpi ne, %convert_element_type3A_140, %cond3A_141 : i32
      scf.if %cond3A_142 {
        "tpu.region"() ({
          %run_scoped3A = tpu.sem_alloc : memref<!tpu.dma_semaphore, #tpu.memory_space<semaphore_mem>>
          %dma_start3A_268 = arith.constant 9984 : i32
          %dma_start3A_269 = arith.constant 0 : i32
          %dma_start3A_270 = tpu.memref_slice %arg8[%arg0, %dma_start3A_268, %dma_start3A_269] : memref<2x10000x64xf32, #tpu.memory_space<hbm>> -> memref<1x16x64xf32, #tpu.memory_space<hbm>>
          %dma_start3A_271 = tpu.memref_squeeze %dma_start3A_270 : memref<1x16x64xf32, #tpu.memory_space<hbm>> -> memref<16x64xf32, #tpu.memory_space<hbm>>
          %dma_start3A_272 = arith.constant 9984 : i32
          %dma_start3A_273 = arith.constant 0 : i32
          %dma_start3A_274 = tpu.memref_slice %arg18[%dma_start3A_272, %dma_start3A_273] : memref<10000x64xf32, #tpu.memory_space<vmem_shared>> -> memref<16x64xf32, #tpu.memory_space<vmem_shared>>
          tpu.enqueue_dma source(%dma_start3A_274 : memref<16x64xf32, #tpu.memory_space<vmem_shared>>) target(%dma_start3A_271 : memref<16x64xf32, #tpu.memory_space<hbm>>) target_semaphore(%run_scoped3A : memref<!tpu.dma_semaphore, #tpu.memory_space<semaphore_mem>>)
          %dma_wait3A_275 = arith.constant 9984 : i32
          %dma_wait3A_276 = arith.constant 0 : i32
          %dma_wait3A_277 = tpu.memref_slice %arg8[%arg0, %dma_wait3A_275, %dma_wait3A_276] : memref<2x10000x64xf32, #tpu.memory_space<hbm>> -> memref<1x16x64xf32, #tpu.memory_space<hbm>>
          %dma_wait3A_278 = tpu.memref_squeeze %dma_wait3A_277 : memref<1x16x64xf32, #tpu.memory_space<hbm>> -> memref<16x64xf32, #tpu.memory_space<hbm>>
          %dma_wait3A_279 = arith.constant 9984 : i32
          %dma_wait3A_280 = arith.constant 0 : i32
          %dma_wait3A_281 = tpu.memref_slice %arg18[%dma_wait3A_279, %dma_wait3A_280] : memref<10000x64xf32, #tpu.memory_space<vmem_shared>> -> memref<16x64xf32, #tpu.memory_space<vmem_shared>>
          tpu.wait_dma2 semaphore(%run_scoped3A : memref<!tpu.dma_semaphore, #tpu.memory_space<semaphore_mem>>) src(%dma_wait3A_281 : memref<16x64xf32, #tpu.memory_space<vmem_shared>>) dst(%dma_wait3A_278 : memref<16x64xf32, #tpu.memory_space<hbm>>)
          tpu.yield
        }) : () -> ()
      } else {
      }
      %barrier3A_143 = arith.constant 0 : index
      tpu.barrier barrier_id(%barrier3A_143)
      %mul3A_144 = arith.constant 625 : i32
      %mul3A_145 = arith.muli %arg1, %mul3A_144 : i32
      %add3A_146 = arith.constant 0 : i32
      %add3A_147 = arith.addi %mul3A_145, %add3A_146 : i32
      %dma_start3A_148 = arith.constant 0 : i32
      %dma_start3A_149 = tpu.memref_slice %arg18[%add3A_147, %dma_start3A_148] : memref<10000x64xf32, #tpu.memory_space<vmem_shared>> -> memref<125x64xf32, #tpu.memory_space<vmem_shared>>
      %dma_start3A_150 = arith.constant 0 : i32
      %dma_start3A_151 = tpu.memref_slice %arg18[%add3A_147, %dma_start3A_150] : memref<10000x64xf32, #tpu.memory_space<vmem_shared>> -> memref<125x64xf32, #tpu.memory_space<vmem_shared>>
      tpu.enqueue_dma source(%arg17 : memref<125x64xf32, #tpu.memory_space<vmem>>) target(%dma_start3A_151 : memref<125x64xf32, #tpu.memory_space<vmem_shared>>) target_semaphore(%arg19 : memref<!tpu.dma_semaphore, #tpu.memory_space<semaphore_mem>>)
      %add3A_152 = arith.constant 125 : i32
      %add3A_153 = arith.addi %mul3A_145, %add3A_152 : i32
      %dma_start3A_154 = arith.constant 0 : i32
      %dma_start3A_155 = tpu.memref_slice %arg18[%add3A_153, %dma_start3A_154] : memref<10000x64xf32, #tpu.memory_space<vmem_shared>> -> memref<125x64xf32, #tpu.memory_space<vmem_shared>>
      %dma_start3A_156 = arith.constant 0 : i32
      %dma_start3A_157 = tpu.memref_slice %arg18[%add3A_153, %dma_start3A_156] : memref<10000x64xf32, #tpu.memory_space<vmem_shared>> -> memref<125x64xf32, #tpu.memory_space<vmem_shared>>
      tpu.enqueue_dma source(%arg17 : memref<125x64xf32, #tpu.memory_space<vmem>>) target(%dma_start3A_157 : memref<125x64xf32, #tpu.memory_space<vmem_shared>>) target_semaphore(%arg19 : memref<!tpu.dma_semaphore, #tpu.memory_space<semaphore_mem>>)
      %add3A_158 = arith.constant 250 : i32
      %add3A_159 = arith.addi %mul3A_145, %add3A_158 : i32
      %dma_start3A_160 = arith.constant 0 : i32
      %dma_start3A_161 = tpu.memref_slice %arg18[%add3A_159, %dma_start3A_160] : memref<10000x64xf32, #tpu.memory_space<vmem_shared>> -> memref<125x64xf32, #tpu.memory_space<vmem_shared>>
      %dma_start3A_162 = arith.constant 0 : i32
      %dma_start3A_163 = tpu.memref_slice %arg18[%add3A_159, %dma_start3A_162] : memref<10000x64xf32, #tpu.memory_space<vmem_shared>> -> memref<125x64xf32, #tpu.memory_space<vmem_shared>>
      tpu.enqueue_dma source(%arg17 : memref<125x64xf32, #tpu.memory_space<vmem>>) target(%dma_start3A_163 : memref<125x64xf32, #tpu.memory_space<vmem_shared>>) target_semaphore(%arg19 : memref<!tpu.dma_semaphore, #tpu.memory_space<semaphore_mem>>)
      %add3A_164 = arith.constant 375 : i32
      %add3A_165 = arith.addi %mul3A_145, %add3A_164 : i32
      %dma_start3A_166 = arith.constant 0 : i32
      %dma_start3A_167 = tpu.memref_slice %arg18[%add3A_165, %dma_start3A_166] : memref<10000x64xf32, #tpu.memory_space<vmem_shared>> -> memref<125x64xf32, #tpu.memory_space<vmem_shared>>
      %dma_start3A_168 = arith.constant 0 : i32
      %dma_start3A_169 = tpu.memref_slice %arg18[%add3A_165, %dma_start3A_168] : memref<10000x64xf32, #tpu.memory_space<vmem_shared>> -> memref<125x64xf32, #tpu.memory_space<vmem_shared>>
      tpu.enqueue_dma source(%arg17 : memref<125x64xf32, #tpu.memory_space<vmem>>) target(%dma_start3A_169 : memref<125x64xf32, #tpu.memory_space<vmem_shared>>) target_semaphore(%arg19 : memref<!tpu.dma_semaphore, #tpu.memory_space<semaphore_mem>>)
      %add3A_170 = arith.constant 500 : i32
      %add3A_171 = arith.addi %mul3A_145, %add3A_170 : i32
      %dma_start3A_172 = arith.constant 0 : i32
      %dma_start3A_173 = tpu.memref_slice %arg18[%add3A_171, %dma_start3A_172] : memref<10000x64xf32, #tpu.memory_space<vmem_shared>> -> memref<125x64xf32, #tpu.memory_space<vmem_shared>>
      %dma_start3A_174 = arith.constant 0 : i32
      %dma_start3A_175 = tpu.memref_slice %arg18[%add3A_171, %dma_start3A_174] : memref<10000x64xf32, #tpu.memory_space<vmem_shared>> -> memref<125x64xf32, #tpu.memory_space<vmem_shared>>
      tpu.enqueue_dma source(%arg17 : memref<125x64xf32, #tpu.memory_space<vmem>>) target(%dma_start3A_175 : memref<125x64xf32, #tpu.memory_space<vmem_shared>>) target_semaphore(%arg19 : memref<!tpu.dma_semaphore, #tpu.memory_space<semaphore_mem>>)
      %dma_wait3A_176 = arith.constant 0 : i32
      %dma_wait3A_177 = tpu.memref_slice %arg18[%mul3A_145, %dma_wait3A_176] : memref<10000x64xf32, #tpu.memory_space<vmem_shared>> -> memref<125x64xf32, #tpu.memory_space<vmem_shared>>
      %dma_wait3A_178 = arith.constant 0 : i32
      %dma_wait3A_179 = tpu.memref_slice %arg18[%mul3A_145, %dma_wait3A_178] : memref<10000x64xf32, #tpu.memory_space<vmem_shared>> -> memref<125x64xf32, #tpu.memory_space<vmem_shared>>
      tpu.wait_dma2 semaphore(%arg19 : memref<!tpu.dma_semaphore, #tpu.memory_space<semaphore_mem>>) src(%arg17 : memref<125x64xf32, #tpu.memory_space<vmem>>) dst(%dma_wait3A_179 : memref<125x64xf32, #tpu.memory_space<vmem_shared>>)
      %dma_wait3A_180 = arith.constant 0 : i32
      %dma_wait3A_181 = tpu.memref_slice %arg18[%mul3A_145, %dma_wait3A_180] : memref<10000x64xf32, #tpu.memory_space<vmem_shared>> -> memref<125x64xf32, #tpu.memory_space<vmem_shared>>
      %dma_wait3A_182 = arith.constant 0 : i32
      %dma_wait3A_183 = tpu.memref_slice %arg18[%mul3A_145, %dma_wait3A_182] : memref<10000x64xf32, #tpu.memory_space<vmem_shared>> -> memref<125x64xf32, #tpu.memory_space<vmem_shared>>
      tpu.wait_dma2 semaphore(%arg19 : memref<!tpu.dma_semaphore, #tpu.memory_space<semaphore_mem>>) src(%arg17 : memref<125x64xf32, #tpu.memory_space<vmem>>) dst(%dma_wait3A_183 : memref<125x64xf32, #tpu.memory_space<vmem_shared>>)
      %dma_wait3A_184 = arith.constant 0 : i32
      %dma_wait3A_185 = tpu.memref_slice %arg18[%mul3A_145, %dma_wait3A_184] : memref<10000x64xf32, #tpu.memory_space<vmem_shared>> -> memref<125x64xf32, #tpu.memory_space<vmem_shared>>
      %dma_wait3A_186 = arith.constant 0 : i32
      %dma_wait3A_187 = tpu.memref_slice %arg18[%mul3A_145, %dma_wait3A_186] : memref<10000x64xf32, #tpu.memory_space<vmem_shared>> -> memref<125x64xf32, #tpu.memory_space<vmem_shared>>
      tpu.wait_dma2 semaphore(%arg19 : memref<!tpu.dma_semaphore, #tpu.memory_space<semaphore_mem>>) src(%arg17 : memref<125x64xf32, #tpu.memory_space<vmem>>) dst(%dma_wait3A_187 : memref<125x64xf32, #tpu.memory_space<vmem_shared>>)
      %dma_wait3A_188 = arith.constant 0 : i32
      %dma_wait3A_189 = tpu.memref_slice %arg18[%mul3A_145, %dma_wait3A_188] : memref<10000x64xf32, #tpu.memory_space<vmem_shared>> -> memref<125x64xf32, #tpu.memory_space<vmem_shared>>
      %dma_wait3A_190 = arith.constant 0 : i32
      %dma_wait3A_191 = tpu.memref_slice %arg18[%mul3A_145, %dma_wait3A_190] : memref<10000x64xf32, #tpu.memory_space<vmem_shared>> -> memref<125x64xf32, #tpu.memory_space<vmem_shared>>
      tpu.wait_dma2 semaphore(%arg19 : memref<!tpu.dma_semaphore, #tpu.memory_space<semaphore_mem>>) src(%arg17 : memref<125x64xf32, #tpu.memory_space<vmem>>) dst(%dma_wait3A_191 : memref<125x64xf32, #tpu.memory_space<vmem_shared>>)
      %dma_wait3A_192 = arith.constant 0 : i32
      %dma_wait3A_193 = tpu.memref_slice %arg18[%mul3A_145, %dma_wait3A_192] : memref<10000x64xf32, #tpu.memory_space<vmem_shared>> -> memref<125x64xf32, #tpu.memory_space<vmem_shared>>
      %dma_wait3A_194 = arith.constant 0 : i32
      %dma_wait3A_195 = tpu.memref_slice %arg18[%mul3A_145, %dma_wait3A_194] : memref<10000x64xf32, #tpu.memory_space<vmem_shared>> -> memref<125x64xf32, #tpu.memory_space<vmem_shared>>
      tpu.wait_dma2 semaphore(%arg19 : memref<!tpu.dma_semaphore, #tpu.memory_space<semaphore_mem>>) src(%arg17 : memref<125x64xf32, #tpu.memory_space<vmem>>) dst(%dma_wait3A_195 : memref<125x64xf32, #tpu.memory_space<vmem_shared>>)
      %barrier3A_196 = arith.constant 0 : index
      tpu.barrier barrier_id(%barrier3A_196)
      %dma_start3A_197 = arith.constant 0 : i32
      %dma_start3A_198 = arith.constant 0 : i32
      %dma_start3A_199 = tpu.memref_slice %arg11[%dma_start3A_197, %dma_start3A_198] : memref<160x125xi32, #tpu.memory_space<vmem>> -> memref<1x125xi32, #tpu.memory_space<vmem>>
      %dma_start3A_200 = tpu.memref_squeeze %dma_start3A_199 : memref<1x125xi32, #tpu.memory_space<vmem>> -> memref<125xi32, #tpu.memory_space<vmem>>
      %dma_start3A_201 = arith.constant 0 : i32
      %dma_start3A_202 = arith.constant 0 : i32
      %dma_start3A_203 = tpu.memref_slice %arg3[%dma_start3A_201, %dma_start3A_202] : memref<10000x64xf32, #tpu.memory_space<hbm>> -> memref<10000x64xf32, #tpu.memory_space<hbm>>
      tpu.enqueue_indirect_dma source(%dma_start3A_203 : memref<10000x64xf32, #tpu.memory_space<hbm>>) target(%arg13 : memref<125x64xf32, #tpu.memory_space<vmem>>) offsets(%dma_start3A_200 : memref<125xi32, #tpu.memory_space<vmem>>) semaphore(%arg19 : memref<!tpu.dma_semaphore, #tpu.memory_space<semaphore_mem>>)
      %dma_start3A_204 = arith.constant 1 : i32
      %dma_start3A_205 = arith.constant 0 : i32
      %dma_start3A_206 = tpu.memref_slice %arg11[%dma_start3A_204, %dma_start3A_205] : memref<160x125xi32, #tpu.memory_space<vmem>> -> memref<1x125xi32, #tpu.memory_space<vmem>>
      %dma_start3A_207 = tpu.memref_squeeze %dma_start3A_206 : memref<1x125xi32, #tpu.memory_space<vmem>> -> memref<125xi32, #tpu.memory_space<vmem>>
      %dma_start3A_208 = arith.constant 0 : i32
      %dma_start3A_209 = arith.constant 0 : i32
      %dma_start3A_210 = tpu.memref_slice %arg3[%dma_start3A_208, %dma_start3A_209] : memref<10000x64xf32, #tpu.memory_space<hbm>> -> memref<10000x64xf32, #tpu.memory_space<hbm>>
      tpu.enqueue_indirect_dma source(%dma_start3A_210 : memref<10000x64xf32, #tpu.memory_space<hbm>>) target(%arg14 : memref<125x64xf32, #tpu.memory_space<vmem>>) offsets(%dma_start3A_207 : memref<125xi32, #tpu.memory_space<vmem>>) semaphore(%arg20 : memref<!tpu.dma_semaphore, #tpu.memory_space<semaphore_mem>>)
      %dma_start3A_211 = arith.constant 0 : i32
      %dma_start3A_212 = arith.constant 0 : i32
      %dma_start3A_213 = tpu.memref_slice %arg12[%dma_start3A_211, %dma_start3A_212] : memref<160x125xi32, #tpu.memory_space<vmem>> -> memref<1x125xi32, #tpu.memory_space<vmem>>
      %dma_start3A_214 = tpu.memref_squeeze %dma_start3A_213 : memref<1x125xi32, #tpu.memory_space<vmem>> -> memref<125xi32, #tpu.memory_space<vmem>>
      %dma_start3A_215 = arith.constant 0 : i32
      %dma_start3A_216 = arith.constant 0 : i32
      %dma_start3A_217 = tpu.memref_slice %arg18[%dma_start3A_215, %dma_start3A_216] : memref<10000x64xf32, #tpu.memory_space<vmem_shared>> -> memref<10000x64xf32, #tpu.memory_space<vmem_shared>>
      tpu.enqueue_indirect_dma source(%arg17 : memref<125x64xf32, #tpu.memory_space<vmem>>) target(%dma_start3A_217 : memref<10000x64xf32, #tpu.memory_space<vmem_shared>>) offsets(%dma_start3A_214 : memref<125xi32, #tpu.memory_space<vmem>>) semaphore(%arg25 : memref<!tpu.dma_semaphore, #tpu.memory_space<semaphore_mem>>) {add = true}
      %dma_start3A_218 = arith.constant 0 : i32
      %dma_start3A_219 = arith.constant 0 : i32
      %dma_start3A_220 = tpu.memref_slice %arg12[%dma_start3A_218, %dma_start3A_219] : memref<160x125xi32, #tpu.memory_space<vmem>> -> memref<1x125xi32, #tpu.memory_space<vmem>>
      %dma_start3A_221 = tpu.memref_squeeze %dma_start3A_220 : memref<1x125xi32, #tpu.memory_space<vmem>> -> memref<125xi32, #tpu.memory_space<vmem>>
      %dma_start3A_222 = arith.constant 0 : i32
      %dma_start3A_223 = arith.constant 0 : i32
      %dma_start3A_224 = tpu.memref_slice %arg18[%dma_start3A_222, %dma_start3A_223] : memref<10000x64xf32, #tpu.memory_space<vmem_shared>> -> memref<10000x64xf32, #tpu.memory_space<vmem_shared>>
      tpu.enqueue_indirect_dma source(%arg17 : memref<125x64xf32, #tpu.memory_space<vmem>>) target(%dma_start3A_224 : memref<10000x64xf32, #tpu.memory_space<vmem_shared>>) offsets(%dma_start3A_221 : memref<125xi32, #tpu.memory_space<vmem>>) semaphore(%arg26 : memref<!tpu.dma_semaphore, #tpu.memory_space<semaphore_mem>>) {add = true}
      %scan3A_225 = arith.constant 0 : i32
      %scan3A_226 = arith.constant 0 : i32
      %scan3A_227 = arith.constant 40 : i32
      %scan3A_228 = arith.addi %scan3A_226, %scan3A_227 : i32
      %scan3A_229 = arith.constant 1 : i32
      scf.for %scan3A_268 = %scan3A_226 to %scan3A_228 step %scan3A_229  : i32 {
        %mul3A_269 = arith.constant 4 : i32
        %mul3A_270 = arith.muli %mul3A_269, %scan3A_268 : i32
        %add3A_271 = arith.constant 0 : i32
        %add3A_272 = arith.addi %mul3A_270, %add3A_271 : i32
        %dma_wait3A_273 = arith.constant 0 : i32
        %dma_wait3A_274 = tpu.memref_slice %arg11[%add3A_272, %dma_wait3A_273] : memref<160x125xi32, #tpu.memory_space<vmem>> -> memref<1x125xi32, #tpu.memory_space<vmem>>
        %dma_wait3A_275 = tpu.memref_squeeze %dma_wait3A_274 : memref<1x125xi32, #tpu.memory_space<vmem>> -> memref<125xi32, #tpu.memory_space<vmem>>
        %dma_wait3A_276 = arith.constant 0 : i32
        %dma_wait3A_277 = arith.constant 0 : i32
        %dma_wait3A_278 = tpu.memref_slice %arg3[%dma_wait3A_276, %dma_wait3A_277] : memref<10000x64xf32, #tpu.memory_space<hbm>> -> memref<10000x64xf32, #tpu.memory_space<hbm>>
        tpu.wait_indirect_dma semaphore(%arg19 : memref<!tpu.dma_semaphore, #tpu.memory_space<semaphore_mem>>) src(%dma_wait3A_278 : memref<10000x64xf32, #tpu.memory_space<hbm>>) dst(%arg13 : memref<125x64xf32, #tpu.memory_space<vmem>>)
        %dma_start3A_279 = arith.constant 0 : i32
        %dma_start3A_280 = tpu.memref_slice %arg12[%add3A_272, %dma_start3A_279] : memref<160x125xi32, #tpu.memory_space<vmem>> -> memref<1x125xi32, #tpu.memory_space<vmem>>
        %dma_start3A_281 = tpu.memref_squeeze %dma_start3A_280 : memref<1x125xi32, #tpu.memory_space<vmem>> -> memref<125xi32, #tpu.memory_space<vmem>>
        %dma_start3A_282 = arith.constant 0 : i32
        %dma_start3A_283 = arith.constant 0 : i32
        %dma_start3A_284 = tpu.memref_slice %arg18[%dma_start3A_282, %dma_start3A_283] : memref<10000x64xf32, #tpu.memory_space<vmem_shared>> -> memref<10000x64xf32, #tpu.memory_space<vmem_shared>>
        tpu.enqueue_indirect_dma source(%arg13 : memref<125x64xf32, #tpu.memory_space<vmem>>) target(%dma_start3A_284 : memref<10000x64xf32, #tpu.memory_space<vmem_shared>>) offsets(%dma_start3A_281 : memref<125xi32, #tpu.memory_space<vmem>>) semaphore(%arg23 : memref<!tpu.dma_semaphore, #tpu.memory_space<semaphore_mem>>) {add = true}
        %sub3A = arith.constant 2 : i32
        %sub3A_285 = arith.subi %add3A_272, %sub3A : i32
        %max3A = arith.constant 0 : i32
        %max3A_286 = arith.maxsi %sub3A_285, %max3A : i32
        %dma_wait3A_287 = arith.constant 0 : i32
        %dma_wait3A_288 = tpu.memref_slice %arg12[%max3A_286, %dma_wait3A_287] : memref<160x125xi32, #tpu.memory_space<vmem>> -> memref<1x125xi32, #tpu.memory_space<vmem>>
        %dma_wait3A_289 = tpu.memref_squeeze %dma_wait3A_288 : memref<1x125xi32, #tpu.memory_space<vmem>> -> memref<125xi32, #tpu.memory_space<vmem>>
        %dma_wait3A_290 = arith.constant 0 : i32
        %dma_wait3A_291 = arith.constant 0 : i32
        %dma_wait3A_292 = tpu.memref_slice %arg18[%dma_wait3A_290, %dma_wait3A_291] : memref<10000x64xf32, #tpu.memory_space<vmem_shared>> -> memref<10000x64xf32, #tpu.memory_space<vmem_shared>>
        tpu.wait_indirect_dma semaphore(%arg25 : memref<!tpu.dma_semaphore, #tpu.memory_space<semaphore_mem>>) src(%arg15 : memref<125x64xf32, #tpu.memory_space<vmem>>) dst(%dma_wait3A_292 : memref<10000x64xf32, #tpu.memory_space<vmem_shared>>)
        %add3A_293 = arith.constant 2 : i32
        %add3A_294 = arith.addi %add3A_272, %add3A_293 : i32
        %min3A = arith.constant 159 : i32
        %min3A_295 = arith.minsi %add3A_294, %min3A : i32
        %dma_start3A_296 = arith.constant 0 : i32
        %dma_start3A_297 = tpu.memref_slice %arg11[%min3A_295, %dma_start3A_296] : memref<160x125xi32, #tpu.memory_space<vmem>> -> memref<1x125xi32, #tpu.memory_space<vmem>>
        %dma_start3A_298 = tpu.memref_squeeze %dma_start3A_297 : memref<1x125xi32, #tpu.memory_space<vmem>> -> memref<125xi32, #tpu.memory_space<vmem>>
        %dma_start3A_299 = arith.constant 0 : i32
        %dma_start3A_300 = arith.constant 0 : i32
        %dma_start3A_301 = tpu.memref_slice %arg3[%dma_start3A_299, %dma_start3A_300] : memref<10000x64xf32, #tpu.memory_space<hbm>> -> memref<10000x64xf32, #tpu.memory_space<hbm>>
        tpu.enqueue_indirect_dma source(%dma_start3A_301 : memref<10000x64xf32, #tpu.memory_space<hbm>>) target(%arg15 : memref<125x64xf32, #tpu.memory_space<vmem>>) offsets(%dma_start3A_298 : memref<125xi32, #tpu.memory_space<vmem>>) semaphore(%arg21 : memref<!tpu.dma_semaphore, #tpu.memory_space<semaphore_mem>>)
        %add3A_302 = arith.constant 1 : i32
        %add3A_303 = arith.addi %mul3A_270, %add3A_302 : i32
        %dma_wait3A_304 = arith.constant 0 : i32
        %dma_wait3A_305 = tpu.memref_slice %arg11[%add3A_303, %dma_wait3A_304] : memref<160x125xi32, #tpu.memory_space<vmem>> -> memref<1x125xi32, #tpu.memory_space<vmem>>
        %dma_wait3A_306 = tpu.memref_squeeze %dma_wait3A_305 : memref<1x125xi32, #tpu.memory_space<vmem>> -> memref<125xi32, #tpu.memory_space<vmem>>
        %dma_wait3A_307 = arith.constant 0 : i32
        %dma_wait3A_308 = arith.constant 0 : i32
        %dma_wait3A_309 = tpu.memref_slice %arg3[%dma_wait3A_307, %dma_wait3A_308] : memref<10000x64xf32, #tpu.memory_space<hbm>> -> memref<10000x64xf32, #tpu.memory_space<hbm>>
        tpu.wait_indirect_dma semaphore(%arg20 : memref<!tpu.dma_semaphore, #tpu.memory_space<semaphore_mem>>) src(%dma_wait3A_309 : memref<10000x64xf32, #tpu.memory_space<hbm>>) dst(%arg14 : memref<125x64xf32, #tpu.memory_space<vmem>>)
        %dma_start3A_310 = arith.constant 0 : i32
        %dma_start3A_311 = tpu.memref_slice %arg12[%add3A_303, %dma_start3A_310] : memref<160x125xi32, #tpu.memory_space<vmem>> -> memref<1x125xi32, #tpu.memory_space<vmem>>
        %dma_start3A_312 = tpu.memref_squeeze %dma_start3A_311 : memref<1x125xi32, #tpu.memory_space<vmem>> -> memref<125xi32, #tpu.memory_space<vmem>>
        %dma_start3A_313 = arith.constant 0 : i32
        %dma_start3A_314 = arith.constant 0 : i32
        %dma_start3A_315 = tpu.memref_slice %arg18[%dma_start3A_313, %dma_start3A_314] : memref<10000x64xf32, #tpu.memory_space<vmem_shared>> -> memref<10000x64xf32, #tpu.memory_space<vmem_shared>>
        tpu.enqueue_indirect_dma source(%arg14 : memref<125x64xf32, #tpu.memory_space<vmem>>) target(%dma_start3A_315 : memref<10000x64xf32, #tpu.memory_space<vmem_shared>>) offsets(%dma_start3A_312 : memref<125xi32, #tpu.memory_space<vmem>>) semaphore(%arg24 : memref<!tpu.dma_semaphore, #tpu.memory_space<semaphore_mem>>) {add = true}
        %sub3A_316 = arith.constant 2 : i32
        %sub3A_317 = arith.subi %add3A_303, %sub3A_316 : i32
        %max3A_318 = arith.constant 0 : i32
        %max3A_319 = arith.maxsi %sub3A_317, %max3A_318 : i32
        %dma_wait3A_320 = arith.constant 0 : i32
        %dma_wait3A_321 = tpu.memref_slice %arg12[%max3A_319, %dma_wait3A_320] : memref<160x125xi32, #tpu.memory_space<vmem>> -> memref<1x125xi32, #tpu.memory_space<vmem>>
        %dma_wait3A_322 = tpu.memref_squeeze %dma_wait3A_321 : memref<1x125xi32, #tpu.memory_space<vmem>> -> memref<125xi32, #tpu.memory_space<vmem>>
        %dma_wait3A_323 = arith.constant 0 : i32
        %dma_wait3A_324 = arith.constant 0 : i32
        %dma_wait3A_325 = tpu.memref_slice %arg18[%dma_wait3A_323, %dma_wait3A_324] : memref<10000x64xf32, #tpu.memory_space<vmem_shared>> -> memref<10000x64xf32, #tpu.memory_space<vmem_shared>>
        tpu.wait_indirect_dma semaphore(%arg26 : memref<!tpu.dma_semaphore, #tpu.memory_space<semaphore_mem>>) src(%arg16 : memref<125x64xf32, #tpu.memory_space<vmem>>) dst(%dma_wait3A_325 : memref<10000x64xf32, #tpu.memory_space<vmem_shared>>)
        %add3A_326 = arith.constant 2 : i32
        %add3A_327 = arith.addi %add3A_303, %add3A_326 : i32
        %min3A_328 = arith.constant 159 : i32
        %min3A_329 = arith.minsi %add3A_327, %min3A_328 : i32
        %dma_start3A_330 = arith.constant 0 : i32
        %dma_start3A_331 = tpu.memref_slice %arg11[%min3A_329, %dma_start3A_330] : memref<160x125xi32, #tpu.memory_space<vmem>> -> memref<1x125xi32, #tpu.memory_space<vmem>>
        %dma_start3A_332 = tpu.memref_squeeze %dma_start3A_331 : memref<1x125xi32, #tpu.memory_space<vmem>> -> memref<125xi32, #tpu.memory_space<vmem>>
        %dma_start3A_333 = arith.constant 0 : i32
        %dma_start3A_334 = arith.constant 0 : i32
        %dma_start3A_335 = tpu.memref_slice %arg3[%dma_start3A_333, %dma_start3A_334] : memref<10000x64xf32, #tpu.memory_space<hbm>> -> memref<10000x64xf32, #tpu.memory_space<hbm>>
        tpu.enqueue_indirect_dma source(%dma_start3A_335 : memref<10000x64xf32, #tpu.memory_space<hbm>>) target(%arg16 : memref<125x64xf32, #tpu.memory_space<vmem>>) offsets(%dma_start3A_332 : memref<125xi32, #tpu.memory_space<vmem>>) semaphore(%arg22 : memref<!tpu.dma_semaphore, #tpu.memory_space<semaphore_mem>>)
        %add3A_336 = arith.constant 2 : i32
        %add3A_337 = arith.addi %mul3A_270, %add3A_336 : i32
        %dma_wait3A_338 = arith.constant 0 : i32
        %dma_wait3A_339 = tpu.memref_slice %arg11[%add3A_337, %dma_wait3A_338] : memref<160x125xi32, #tpu.memory_space<vmem>> -> memref<1x125xi32, #tpu.memory_space<vmem>>
        %dma_wait3A_340 = tpu.memref_squeeze %dma_wait3A_339 : memref<1x125xi32, #tpu.memory_space<vmem>> -> memref<125xi32, #tpu.memory_space<vmem>>
        %dma_wait3A_341 = arith.constant 0 : i32
        %dma_wait3A_342 = arith.constant 0 : i32
        %dma_wait3A_343 = tpu.memref_slice %arg3[%dma_wait3A_341, %dma_wait3A_342] : memref<10000x64xf32, #tpu.memory_space<hbm>> -> memref<10000x64xf32, #tpu.memory_space<hbm>>
        tpu.wait_indirect_dma semaphore(%arg21 : memref<!tpu.dma_semaphore, #tpu.memory_space<semaphore_mem>>) src(%dma_wait3A_343 : memref<10000x64xf32, #tpu.memory_space<hbm>>) dst(%arg15 : memref<125x64xf32, #tpu.memory_space<vmem>>)
        %dma_start3A_344 = arith.constant 0 : i32
        %dma_start3A_345 = tpu.memref_slice %arg12[%add3A_337, %dma_start3A_344] : memref<160x125xi32, #tpu.memory_space<vmem>> -> memref<1x125xi32, #tpu.memory_space<vmem>>
        %dma_start3A_346 = tpu.memref_squeeze %dma_start3A_345 : memref<1x125xi32, #tpu.memory_space<vmem>> -> memref<125xi32, #tpu.memory_space<vmem>>
        %dma_start3A_347 = arith.constant 0 : i32
        %dma_start3A_348 = arith.constant 0 : i32
        %dma_start3A_349 = tpu.memref_slice %arg18[%dma_start3A_347, %dma_start3A_348] : memref<10000x64xf32, #tpu.memory_space<vmem_shared>> -> memref<10000x64xf32, #tpu.memory_space<vmem_shared>>
        tpu.enqueue_indirect_dma source(%arg15 : memref<125x64xf32, #tpu.memory_space<vmem>>) target(%dma_start3A_349 : memref<10000x64xf32, #tpu.memory_space<vmem_shared>>) offsets(%dma_start3A_346 : memref<125xi32, #tpu.memory_space<vmem>>) semaphore(%arg25 : memref<!tpu.dma_semaphore, #tpu.memory_space<semaphore_mem>>) {add = true}
        %sub3A_350 = arith.constant 2 : i32
        %sub3A_351 = arith.subi %add3A_337, %sub3A_350 : i32
        %max3A_352 = arith.constant 0 : i32
        %max3A_353 = arith.maxsi %sub3A_351, %max3A_352 : i32
        %dma_wait3A_354 = arith.constant 0 : i32
        %dma_wait3A_355 = tpu.memref_slice %arg12[%max3A_353, %dma_wait3A_354] : memref<160x125xi32, #tpu.memory_space<vmem>> -> memref<1x125xi32, #tpu.memory_space<vmem>>
        %dma_wait3A_356 = tpu.memref_squeeze %dma_wait3A_355 : memref<1x125xi32, #tpu.memory_space<vmem>> -> memref<125xi32, #tpu.memory_space<vmem>>
        %dma_wait3A_357 = arith.constant 0 : i32
        %dma_wait3A_358 = arith.constant 0 : i32
        %dma_wait3A_359 = tpu.memref_slice %arg18[%dma_wait3A_357, %dma_wait3A_358] : memref<10000x64xf32, #tpu.memory_space<vmem_shared>> -> memref<10000x64xf32, #tpu.memory_space<vmem_shared>>
        tpu.wait_indirect_dma semaphore(%arg23 : memref<!tpu.dma_semaphore, #tpu.memory_space<semaphore_mem>>) src(%arg13 : memref<125x64xf32, #tpu.memory_space<vmem>>) dst(%dma_wait3A_359 : memref<10000x64xf32, #tpu.memory_space<vmem_shared>>)
        %add3A_360 = arith.constant 2 : i32
        %add3A_361 = arith.addi %add3A_337, %add3A_360 : i32
        %min3A_362 = arith.constant 159 : i32
        %min3A_363 = arith.minsi %add3A_361, %min3A_362 : i32
        %dma_start3A_364 = arith.constant 0 : i32
        %dma_start3A_365 = tpu.memref_slice %arg11[%min3A_363, %dma_start3A_364] : memref<160x125xi32, #tpu.memory_space<vmem>> -> memref<1x125xi32, #tpu.memory_space<vmem>>
        %dma_start3A_366 = tpu.memref_squeeze %dma_start3A_365 : memref<1x125xi32, #tpu.memory_space<vmem>> -> memref<125xi32, #tpu.memory_space<vmem>>
        %dma_start3A_367 = arith.constant 0 : i32
        %dma_start3A_368 = arith.constant 0 : i32
        %dma_start3A_369 = tpu.memref_slice %arg3[%dma_start3A_367, %dma_start3A_368] : memref<10000x64xf32, #tpu.memory_space<hbm>> -> memref<10000x64xf32, #tpu.memory_space<hbm>>
        tpu.enqueue_indirect_dma source(%dma_start3A_369 : memref<10000x64xf32, #tpu.memory_space<hbm>>) target(%arg13 : memref<125x64xf32, #tpu.memory_space<vmem>>) offsets(%dma_start3A_366 : memref<125xi32, #tpu.memory_space<vmem>>) semaphore(%arg19 : memref<!tpu.dma_semaphore, #tpu.memory_space<semaphore_mem>>)
        %add3A_370 = arith.constant 3 : i32
        %add3A_371 = arith.addi %mul3A_270, %add3A_370 : i32
        %dma_wait3A_372 = arith.constant 0 : i32
        %dma_wait3A_373 = tpu.memref_slice %arg11[%add3A_371, %dma_wait3A_372] : memref<160x125xi32, #tpu.memory_space<vmem>> -> memref<1x125xi32, #tpu.memory_space<vmem>>
        %dma_wait3A_374 = tpu.memref_squeeze %dma_wait3A_373 : memref<1x125xi32, #tpu.memory_space<vmem>> -> memref<125xi32, #tpu.memory_space<vmem>>
        %dma_wait3A_375 = arith.constant 0 : i32
        %dma_wait3A_376 = arith.constant 0 : i32
        %dma_wait3A_377 = tpu.memref_slice %arg3[%dma_wait3A_375, %dma_wait3A_376] : memref<10000x64xf32, #tpu.memory_space<hbm>> -> memref<10000x64xf32, #tpu.memory_space<hbm>>
        tpu.wait_indirect_dma semaphore(%arg22 : memref<!tpu.dma_semaphore, #tpu.memory_space<semaphore_mem>>) src(%dma_wait3A_377 : memref<10000x64xf32, #tpu.memory_space<hbm>>) dst(%arg16 : memref<125x64xf32, #tpu.memory_space<vmem>>)
        %dma_start3A_378 = arith.constant 0 : i32
        %dma_start3A_379 = tpu.memref_slice %arg12[%add3A_371, %dma_start3A_378] : memref<160x125xi32, #tpu.memory_space<vmem>> -> memref<1x125xi32, #tpu.memory_space<vmem>>
        %dma_start3A_380 = tpu.memref_squeeze %dma_start3A_379 : memref<1x125xi32, #tpu.memory_space<vmem>> -> memref<125xi32, #tpu.memory_space<vmem>>
        %dma_start3A_381 = arith.constant 0 : i32
        %dma_start3A_382 = arith.constant 0 : i32
        %dma_start3A_383 = tpu.memref_slice %arg18[%dma_start3A_381, %dma_start3A_382] : memref<10000x64xf32, #tpu.memory_space<vmem_shared>> -> memref<10000x64xf32, #tpu.memory_space<vmem_shared>>
        tpu.enqueue_indirect_dma source(%arg16 : memref<125x64xf32, #tpu.memory_space<vmem>>) target(%dma_start3A_383 : memref<10000x64xf32, #tpu.memory_space<vmem_shared>>) offsets(%dma_start3A_380 : memref<125xi32, #tpu.memory_space<vmem>>) semaphore(%arg26 : memref<!tpu.dma_semaphore, #tpu.memory_space<semaphore_mem>>) {add = true}
        %sub3A_384 = arith.constant 2 : i32
        %sub3A_385 = arith.subi %add3A_371, %sub3A_384 : i32
        %max3A_386 = arith.constant 0 : i32
        %max3A_387 = arith.maxsi %sub3A_385, %max3A_386 : i32
        %dma_wait3A_388 = arith.constant 0 : i32
        %dma_wait3A_389 = tpu.memref_slice %arg12[%max3A_387, %dma_wait3A_388] : memref<160x125xi32, #tpu.memory_space<vmem>> -> memref<1x125xi32, #tpu.memory_space<vmem>>
        %dma_wait3A_390 = tpu.memref_squeeze %dma_wait3A_389 : memref<1x125xi32, #tpu.memory_space<vmem>> -> memref<125xi32, #tpu.memory_space<vmem>>
        %dma_wait3A_391 = arith.constant 0 : i32
        %dma_wait3A_392 = arith.constant 0 : i32
        %dma_wait3A_393 = tpu.memref_slice %arg18[%dma_wait3A_391, %dma_wait3A_392] : memref<10000x64xf32, #tpu.memory_space<vmem_shared>> -> memref<10000x64xf32, #tpu.memory_space<vmem_shared>>
        tpu.wait_indirect_dma semaphore(%arg24 : memref<!tpu.dma_semaphore, #tpu.memory_space<semaphore_mem>>) src(%arg14 : memref<125x64xf32, #tpu.memory_space<vmem>>) dst(%dma_wait3A_393 : memref<10000x64xf32, #tpu.memory_space<vmem_shared>>)
        %add3A_394 = arith.constant 2 : i32
        %add3A_395 = arith.addi %add3A_371, %add3A_394 : i32
        %min3A_396 = arith.constant 159 : i32
        %min3A_397 = arith.minsi %add3A_395, %min3A_396 : i32
        %dma_start3A_398 = arith.constant 0 : i32
        %dma_start3A_399 = tpu.memref_slice %arg11[%min3A_397, %dma_start3A_398] : memref<160x125xi32, #tpu.memory_space<vmem>> -> memref<1x125xi32, #tpu.memory_space<vmem>>
        %dma_start3A_400 = tpu.memref_squeeze %dma_start3A_399 : memref<1x125xi32, #tpu.memory_space<vmem>> -> memref<125xi32, #tpu.memory_space<vmem>>
        %dma_start3A_401 = arith.constant 0 : i32
        %dma_start3A_402 = arith.constant 0 : i32
        %dma_start3A_403 = tpu.memref_slice %arg3[%dma_start3A_401, %dma_start3A_402] : memref<10000x64xf32, #tpu.memory_space<hbm>> -> memref<10000x64xf32, #tpu.memory_space<hbm>>
        tpu.enqueue_indirect_dma source(%dma_start3A_403 : memref<10000x64xf32, #tpu.memory_space<hbm>>) target(%arg14 : memref<125x64xf32, #tpu.memory_space<vmem>>) offsets(%dma_start3A_400 : memref<125xi32, #tpu.memory_space<vmem>>) semaphore(%arg20 : memref<!tpu.dma_semaphore, #tpu.memory_space<semaphore_mem>>)
      }
      %scan3A_230 = arith.constant 40 : i32
      %dma_wait3A_231 = arith.constant 159 : i32
      %dma_wait3A_232 = arith.constant 0 : i32
      %dma_wait3A_233 = tpu.memref_slice %arg11[%dma_wait3A_231, %dma_wait3A_232] : memref<160x125xi32, #tpu.memory_space<vmem>> -> memref<1x125xi32, #tpu.memory_space<vmem>>
      %dma_wait3A_234 = tpu.memref_squeeze %dma_wait3A_233 : memref<1x125xi32, #tpu.memory_space<vmem>> -> memref<125xi32, #tpu.memory_space<vmem>>
      %dma_wait3A_235 = arith.constant 0 : i32
      %dma_wait3A_236 = arith.constant 0 : i32
      %dma_wait3A_237 = tpu.memref_slice %arg3[%dma_wait3A_235, %dma_wait3A_236] : memref<10000x64xf32, #tpu.memory_space<hbm>> -> memref<10000x64xf32, #tpu.memory_space<hbm>>
      tpu.wait_indirect_dma semaphore(%arg19 : memref<!tpu.dma_semaphore, #tpu.memory_space<semaphore_mem>>) src(%dma_wait3A_237 : memref<10000x64xf32, #tpu.memory_space<hbm>>) dst(%arg13 : memref<125x64xf32, #tpu.memory_space<vmem>>)
      %dma_wait3A_238 = arith.constant 159 : i32
      %dma_wait3A_239 = arith.constant 0 : i32
      %dma_wait3A_240 = tpu.memref_slice %arg11[%dma_wait3A_238, %dma_wait3A_239] : memref<160x125xi32, #tpu.memory_space<vmem>> -> memref<1x125xi32, #tpu.memory_space<vmem>>
      %dma_wait3A_241 = tpu.memref_squeeze %dma_wait3A_240 : memref<1x125xi32, #tpu.memory_space<vmem>> -> memref<125xi32, #tpu.memory_space<vmem>>
      %dma_wait3A_242 = arith.constant 0 : i32
      %dma_wait3A_243 = arith.constant 0 : i32
      %dma_wait3A_244 = tpu.memref_slice %arg3[%dma_wait3A_242, %dma_wait3A_243] : memref<10000x64xf32, #tpu.memory_space<hbm>> -> memref<10000x64xf32, #tpu.memory_space<hbm>>
      tpu.wait_indirect_dma semaphore(%arg20 : memref<!tpu.dma_semaphore, #tpu.memory_space<semaphore_mem>>) src(%dma_wait3A_244 : memref<10000x64xf32, #tpu.memory_space<hbm>>) dst(%arg14 : memref<125x64xf32, #tpu.memory_space<vmem>>)
      %dma_wait3A_245 = arith.constant 158 : i32
      %dma_wait3A_246 = arith.constant 0 : i32
      %dma_wait3A_247 = tpu.memref_slice %arg12[%dma_wait3A_245, %dma_wait3A_246] : memref<160x125xi32, #tpu.memory_space<vmem>> -> memref<1x125xi32, #tpu.memory_space<vmem>>
      %dma_wait3A_248 = tpu.memref_squeeze %dma_wait3A_247 : memref<1x125xi32, #tpu.memory_space<vmem>> -> memref<125xi32, #tpu.memory_space<vmem>>
      %dma_wait3A_249 = arith.constant 0 : i32
      %dma_wait3A_250 = arith.constant 0 : i32
      %dma_wait3A_251 = tpu.memref_slice %arg18[%dma_wait3A_249, %dma_wait3A_250] : memref<10000x64xf32, #tpu.memory_space<vmem_shared>> -> memref<10000x64xf32, #tpu.memory_space<vmem_shared>>
      tpu.wait_indirect_dma semaphore(%arg25 : memref<!tpu.dma_semaphore, #tpu.memory_space<semaphore_mem>>) src(%arg15 : memref<125x64xf32, #tpu.memory_space<vmem>>) dst(%dma_wait3A_251 : memref<10000x64xf32, #tpu.memory_space<vmem_shared>>)
      %dma_wait3A_252 = arith.constant 159 : i32
      %dma_wait3A_253 = arith.constant 0 : i32
      %dma_wait3A_254 = tpu.memref_slice %arg12[%dma_wait3A_252, %dma_wait3A_253] : memref<160x125xi32, #tpu.memory_space<vmem>> -> memref<1x125xi32, #tpu.memory_space<vmem>>
      %dma_wait3A_255 = tpu.memref_squeeze %dma_wait3A_254 : memref<1x125xi32, #tpu.memory_space<vmem>> -> memref<125xi32, #tpu.memory_space<vmem>>
      %dma_wait3A_256 = arith.constant 0 : i32
      %dma_wait3A_257 = arith.constant 0 : i32
      %dma_wait3A_258 = tpu.memref_slice %arg18[%dma_wait3A_256, %dma_wait3A_257] : memref<10000x64xf32, #tpu.memory_space<vmem_shared>> -> memref<10000x64xf32, #tpu.memory_space<vmem_shared>>
      tpu.wait_indirect_dma semaphore(%arg26 : memref<!tpu.dma_semaphore, #tpu.memory_space<semaphore_mem>>) src(%arg16 : memref<125x64xf32, #tpu.memory_space<vmem>>) dst(%dma_wait3A_258 : memref<10000x64xf32, #tpu.memory_space<vmem_shared>>)
      %barrier3A_259 = arith.constant 0 : index
      tpu.barrier barrier_id(%barrier3A_259)
      %mul3A_260 = arith.constant 624 : i32
      %mul3A_261 = arith.muli %arg1, %mul3A_260 : i32
      "tpu.region"() ({
        %run_scoped3A = tpu.sem_alloc : memref<!tpu.dma_semaphore, #tpu.memory_space<semaphore_mem>>
        %dma_start3A_268 = arith.constant 0 : i32
        %dma_start3A_269 = tpu.memref_slice %arg9[%arg0, %mul3A_261, %dma_start3A_268] : memref<2x10000x64xf32, #tpu.memory_space<hbm>> -> memref<1x624x64xf32, #tpu.memory_space<hbm>>
        %dma_start3A_270 = tpu.memref_squeeze %dma_start3A_269 : memref<1x624x64xf32, #tpu.memory_space<hbm>> -> memref<624x64xf32, #tpu.memory_space<hbm>>
        %dma_start3A_271 = arith.constant 0 : i32
        %dma_start3A_272 = tpu.memref_slice %arg18[%mul3A_261, %dma_start3A_271] : memref<10000x64xf32, #tpu.memory_space<vmem_shared>> -> memref<624x64xf32, #tpu.memory_space<vmem_shared>>
        tpu.enqueue_dma source(%dma_start3A_272 : memref<624x64xf32, #tpu.memory_space<vmem_shared>>) target(%dma_start3A_270 : memref<624x64xf32, #tpu.memory_space<hbm>>) target_semaphore(%run_scoped3A : memref<!tpu.dma_semaphore, #tpu.memory_space<semaphore_mem>>)
        %dma_wait3A_273 = arith.constant 0 : i32
        %dma_wait3A_274 = tpu.memref_slice %arg9[%arg0, %mul3A_261, %dma_wait3A_273] : memref<2x10000x64xf32, #tpu.memory_space<hbm>> -> memref<1x624x64xf32, #tpu.memory_space<hbm>>
        %dma_wait3A_275 = tpu.memref_squeeze %dma_wait3A_274 : memref<1x624x64xf32, #tpu.memory_space<hbm>> -> memref<624x64xf32, #tpu.memory_space<hbm>>
        %dma_wait3A_276 = arith.constant 0 : i32
        %dma_wait3A_277 = tpu.memref_slice %arg18[%mul3A_261, %dma_wait3A_276] : memref<10000x64xf32, #tpu.memory_space<vmem_shared>> -> memref<624x64xf32, #tpu.memory_space<vmem_shared>>
        tpu.wait_dma2 semaphore(%run_scoped3A : memref<!tpu.dma_semaphore, #tpu.memory_space<semaphore_mem>>) src(%dma_wait3A_277 : memref<624x64xf32, #tpu.memory_space<vmem_shared>>) dst(%dma_wait3A_275 : memref<624x64xf32, #tpu.memory_space<hbm>>)
        tpu.yield
      }) : () -> ()
      %eq3A_262 = arith.constant 15 : i32
      %eq3A_263 = arith.cmpi eq, %arg1, %eq3A_262 : i32
      %convert_element_type3A_264 = arith.extui %eq3A_263 : i1 to i32
      %cond3A_265 = arith.constant 0 : i32
      %cond3A_266 = arith.cmpi ne, %convert_element_type3A_264, %cond3A_265 : i32
      scf.if %cond3A_266 {
        "tpu.region"() ({
          %run_scoped3A = tpu.sem_alloc : memref<!tpu.dma_semaphore, #tpu.memory_space<semaphore_mem>>
          %dma_start3A_268 = arith.constant 9984 : i32
          %dma_start3A_269 = arith.constant 0 : i32
          %dma_start3A_270 = tpu.memref_slice %arg9[%arg0, %dma_start3A_268, %dma_start3A_269] : memref<2x10000x64xf32, #tpu.memory_space<hbm>> -> memref<1x16x64xf32, #tpu.memory_space<hbm>>
          %dma_start3A_271 = tpu.memref_squeeze %dma_start3A_270 : memref<1x16x64xf32, #tpu.memory_space<hbm>> -> memref<16x64xf32, #tpu.memory_space<hbm>>
          %dma_start3A_272 = arith.constant 9984 : i32
          %dma_start3A_273 = arith.constant 0 : i32
          %dma_start3A_274 = tpu.memref_slice %arg18[%dma_start3A_272, %dma_start3A_273] : memref<10000x64xf32, #tpu.memory_space<vmem_shared>> -> memref<16x64xf32, #tpu.memory_space<vmem_shared>>
          tpu.enqueue_dma source(%dma_start3A_274 : memref<16x64xf32, #tpu.memory_space<vmem_shared>>) target(%dma_start3A_271 : memref<16x64xf32, #tpu.memory_space<hbm>>) target_semaphore(%run_scoped3A : memref<!tpu.dma_semaphore, #tpu.memory_space<semaphore_mem>>)
          %dma_wait3A_275 = arith.constant 9984 : i32
          %dma_wait3A_276 = arith.constant 0 : i32
          %dma_wait3A_277 = tpu.memref_slice %arg9[%arg0, %dma_wait3A_275, %dma_wait3A_276] : memref<2x10000x64xf32, #tpu.memory_space<hbm>> -> memref<1x16x64xf32, #tpu.memory_space<hbm>>
          %dma_wait3A_278 = tpu.memref_squeeze %dma_wait3A_277 : memref<1x16x64xf32, #tpu.memory_space<hbm>> -> memref<16x64xf32, #tpu.memory_space<hbm>>
          %dma_wait3A_279 = arith.constant 9984 : i32
          %dma_wait3A_280 = arith.constant 0 : i32
          %dma_wait3A_281 = tpu.memref_slice %arg18[%dma_wait3A_279, %dma_wait3A_280] : memref<10000x64xf32, #tpu.memory_space<vmem_shared>> -> memref<16x64xf32, #tpu.memory_space<vmem_shared>>
          tpu.wait_dma2 semaphore(%run_scoped3A : memref<!tpu.dma_semaphore, #tpu.memory_space<semaphore_mem>>) src(%dma_wait3A_281 : memref<16x64xf32, #tpu.memory_space<vmem_shared>>) dst(%dma_wait3A_278 : memref<16x64xf32, #tpu.memory_space<hbm>>)
          tpu.yield
        }) : () -> ()
      } else {
      }
      %barrier3A_267 = arith.constant 0 : index
      tpu.barrier barrier_id(%barrier3A_267)
    } else {
    }
    %eq3A_20 = arith.constant 1 : i32
    %eq3A_21 = arith.cmpi eq, %arg0, %eq3A_20 : i32
    %convert_element_type3A_22 = arith.extui %eq3A_21 : i1 to i32
    %cond3A_23 = arith.constant 0 : i32
    %cond3A_24 = arith.cmpi ne, %convert_element_type3A_22, %cond3A_23 : i32
    scf.if %cond3A_24 {
      %mul3A = arith.constant 625 : i32
      %mul3A_25 = arith.muli %arg1, %mul3A : i32
      %add3A = arith.constant 0 : i32
      %add3A_26 = arith.addi %mul3A_25, %add3A : i32
      %dma_start3A = arith.constant 0 : i32
      %dma_start3A_27 = tpu.memref_slice %arg18[%add3A_26, %dma_start3A] : memref<10000x64xf32, #tpu.memory_space<vmem_shared>> -> memref<125x64xf32, #tpu.memory_space<vmem_shared>>
      %dma_start3A_28 = arith.constant 0 : i32
      %dma_start3A_29 = tpu.memref_slice %arg18[%add3A_26, %dma_start3A_28] : memref<10000x64xf32, #tpu.memory_space<vmem_shared>> -> memref<125x64xf32, #tpu.memory_space<vmem_shared>>
      tpu.enqueue_dma source(%arg17 : memref<125x64xf32, #tpu.memory_space<vmem>>) target(%dma_start3A_29 : memref<125x64xf32, #tpu.memory_space<vmem_shared>>) target_semaphore(%arg19 : memref<!tpu.dma_semaphore, #tpu.memory_space<semaphore_mem>>)
      %add3A_30 = arith.constant 125 : i32
      %add3A_31 = arith.addi %mul3A_25, %add3A_30 : i32
      %dma_start3A_32 = arith.constant 0 : i32
      %dma_start3A_33 = tpu.memref_slice %arg18[%add3A_31, %dma_start3A_32] : memref<10000x64xf32, #tpu.memory_space<vmem_shared>> -> memref<125x64xf32, #tpu.memory_space<vmem_shared>>
      %dma_start3A_34 = arith.constant 0 : i32
      %dma_start3A_35 = tpu.memref_slice %arg18[%add3A_31, %dma_start3A_34] : memref<10000x64xf32, #tpu.memory_space<vmem_shared>> -> memref<125x64xf32, #tpu.memory_space<vmem_shared>>
      tpu.enqueue_dma source(%arg17 : memref<125x64xf32, #tpu.memory_space<vmem>>) target(%dma_start3A_35 : memref<125x64xf32, #tpu.memory_space<vmem_shared>>) target_semaphore(%arg19 : memref<!tpu.dma_semaphore, #tpu.memory_space<semaphore_mem>>)
      %add3A_36 = arith.constant 250 : i32
      %add3A_37 = arith.addi %mul3A_25, %add3A_36 : i32
      %dma_start3A_38 = arith.constant 0 : i32
      %dma_start3A_39 = tpu.memref_slice %arg18[%add3A_37, %dma_start3A_38] : memref<10000x64xf32, #tpu.memory_space<vmem_shared>> -> memref<125x64xf32, #tpu.memory_space<vmem_shared>>
      %dma_start3A_40 = arith.constant 0 : i32
      %dma_start3A_41 = tpu.memref_slice %arg18[%add3A_37, %dma_start3A_40] : memref<10000x64xf32, #tpu.memory_space<vmem_shared>> -> memref<125x64xf32, #tpu.memory_space<vmem_shared>>
      tpu.enqueue_dma source(%arg17 : memref<125x64xf32, #tpu.memory_space<vmem>>) target(%dma_start3A_41 : memref<125x64xf32, #tpu.memory_space<vmem_shared>>) target_semaphore(%arg19 : memref<!tpu.dma_semaphore, #tpu.memory_space<semaphore_mem>>)
      %add3A_42 = arith.constant 375 : i32
      %add3A_43 = arith.addi %mul3A_25, %add3A_42 : i32
      %dma_start3A_44 = arith.constant 0 : i32
      %dma_start3A_45 = tpu.memref_slice %arg18[%add3A_43, %dma_start3A_44] : memref<10000x64xf32, #tpu.memory_space<vmem_shared>> -> memref<125x64xf32, #tpu.memory_space<vmem_shared>>
      %dma_start3A_46 = arith.constant 0 : i32
      %dma_start3A_47 = tpu.memref_slice %arg18[%add3A_43, %dma_start3A_46] : memref<10000x64xf32, #tpu.memory_space<vmem_shared>> -> memref<125x64xf32, #tpu.memory_space<vmem_shared>>
      tpu.enqueue_dma source(%arg17 : memref<125x64xf32, #tpu.memory_space<vmem>>) target(%dma_start3A_47 : memref<125x64xf32, #tpu.memory_space<vmem_shared>>) target_semaphore(%arg19 : memref<!tpu.dma_semaphore, #tpu.memory_space<semaphore_mem>>)
      %add3A_48 = arith.constant 500 : i32
      %add3A_49 = arith.addi %mul3A_25, %add3A_48 : i32
      %dma_start3A_50 = arith.constant 0 : i32
      %dma_start3A_51 = tpu.memref_slice %arg18[%add3A_49, %dma_start3A_50] : memref<10000x64xf32, #tpu.memory_space<vmem_shared>> -> memref<125x64xf32, #tpu.memory_space<vmem_shared>>
      %dma_start3A_52 = arith.constant 0 : i32
      %dma_start3A_53 = tpu.memref_slice %arg18[%add3A_49, %dma_start3A_52] : memref<10000x64xf32, #tpu.memory_space<vmem_shared>> -> memref<125x64xf32, #tpu.memory_space<vmem_shared>>
      tpu.enqueue_dma source(%arg17 : memref<125x64xf32, #tpu.memory_space<vmem>>) target(%dma_start3A_53 : memref<125x64xf32, #tpu.memory_space<vmem_shared>>) target_semaphore(%arg19 : memref<!tpu.dma_semaphore, #tpu.memory_space<semaphore_mem>>)
      %dma_wait3A = arith.constant 0 : i32
      %dma_wait3A_54 = tpu.memref_slice %arg18[%mul3A_25, %dma_wait3A] : memref<10000x64xf32, #tpu.memory_space<vmem_shared>> -> memref<125x64xf32, #tpu.memory_space<vmem_shared>>
      %dma_wait3A_55 = arith.constant 0 : i32
      %dma_wait3A_56 = tpu.memref_slice %arg18[%mul3A_25, %dma_wait3A_55] : memref<10000x64xf32, #tpu.memory_space<vmem_shared>> -> memref<125x64xf32, #tpu.memory_space<vmem_shared>>
      tpu.wait_dma2 semaphore(%arg19 : memref<!tpu.dma_semaphore, #tpu.memory_space<semaphore_mem>>) src(%arg17 : memref<125x64xf32, #tpu.memory_space<vmem>>) dst(%dma_wait3A_56 : memref<125x64xf32, #tpu.memory_space<vmem_shared>>)
      %dma_wait3A_57 = arith.constant 0 : i32
      %dma_wait3A_58 = tpu.memref_slice %arg18[%mul3A_25, %dma_wait3A_57] : memref<10000x64xf32, #tpu.memory_space<vmem_shared>> -> memref<125x64xf32, #tpu.memory_space<vmem_shared>>
      %dma_wait3A_59 = arith.constant 0 : i32
      %dma_wait3A_60 = tpu.memref_slice %arg18[%mul3A_25, %dma_wait3A_59] : memref<10000x64xf32, #tpu.memory_space<vmem_shared>> -> memref<125x64xf32, #tpu.memory_space<vmem_shared>>
      tpu.wait_dma2 semaphore(%arg19 : memref<!tpu.dma_semaphore, #tpu.memory_space<semaphore_mem>>) src(%arg17 : memref<125x64xf32, #tpu.memory_space<vmem>>) dst(%dma_wait3A_60 : memref<125x64xf32, #tpu.memory_space<vmem_shared>>)
      %dma_wait3A_61 = arith.constant 0 : i32
      %dma_wait3A_62 = tpu.memref_slice %arg18[%mul3A_25, %dma_wait3A_61] : memref<10000x64xf32, #tpu.memory_space<vmem_shared>> -> memref<125x64xf32, #tpu.memory_space<vmem_shared>>
      %dma_wait3A_63 = arith.constant 0 : i32
      %dma_wait3A_64 = tpu.memref_slice %arg18[%mul3A_25, %dma_wait3A_63] : memref<10000x64xf32, #tpu.memory_space<vmem_shared>> -> memref<125x64xf32, #tpu.memory_space<vmem_shared>>
      tpu.wait_dma2 semaphore(%arg19 : memref<!tpu.dma_semaphore, #tpu.memory_space<semaphore_mem>>) src(%arg17 : memref<125x64xf32, #tpu.memory_space<vmem>>) dst(%dma_wait3A_64 : memref<125x64xf32, #tpu.memory_space<vmem_shared>>)
      %dma_wait3A_65 = arith.constant 0 : i32
      %dma_wait3A_66 = tpu.memref_slice %arg18[%mul3A_25, %dma_wait3A_65] : memref<10000x64xf32, #tpu.memory_space<vmem_shared>> -> memref<125x64xf32, #tpu.memory_space<vmem_shared>>
      %dma_wait3A_67 = arith.constant 0 : i32
      %dma_wait3A_68 = tpu.memref_slice %arg18[%mul3A_25, %dma_wait3A_67] : memref<10000x64xf32, #tpu.memory_space<vmem_shared>> -> memref<125x64xf32, #tpu.memory_space<vmem_shared>>
      tpu.wait_dma2 semaphore(%arg19 : memref<!tpu.dma_semaphore, #tpu.memory_space<semaphore_mem>>) src(%arg17 : memref<125x64xf32, #tpu.memory_space<vmem>>) dst(%dma_wait3A_68 : memref<125x64xf32, #tpu.memory_space<vmem_shared>>)
      %dma_wait3A_69 = arith.constant 0 : i32
      %dma_wait3A_70 = tpu.memref_slice %arg18[%mul3A_25, %dma_wait3A_69] : memref<10000x64xf32, #tpu.memory_space<vmem_shared>> -> memref<125x64xf32, #tpu.memory_space<vmem_shared>>
      %dma_wait3A_71 = arith.constant 0 : i32
      %dma_wait3A_72 = tpu.memref_slice %arg18[%mul3A_25, %dma_wait3A_71] : memref<10000x64xf32, #tpu.memory_space<vmem_shared>> -> memref<125x64xf32, #tpu.memory_space<vmem_shared>>
      tpu.wait_dma2 semaphore(%arg19 : memref<!tpu.dma_semaphore, #tpu.memory_space<semaphore_mem>>) src(%arg17 : memref<125x64xf32, #tpu.memory_space<vmem>>) dst(%dma_wait3A_72 : memref<125x64xf32, #tpu.memory_space<vmem_shared>>)
      %barrier3A = arith.constant 0 : index
      tpu.barrier barrier_id(%barrier3A)
      %dma_start3A_73 = arith.constant 0 : i32
      %dma_start3A_74 = arith.constant 0 : i32
      %dma_start3A_75 = tpu.memref_slice %arg11[%dma_start3A_73, %dma_start3A_74] : memref<160x125xi32, #tpu.memory_space<vmem>> -> memref<1x125xi32, #tpu.memory_space<vmem>>
      %dma_start3A_76 = tpu.memref_squeeze %dma_start3A_75 : memref<1x125xi32, #tpu.memory_space<vmem>> -> memref<125xi32, #tpu.memory_space<vmem>>
      %dma_start3A_77 = arith.constant 0 : i32
      %dma_start3A_78 = arith.constant 0 : i32
      %dma_start3A_79 = tpu.memref_slice %arg4[%dma_start3A_77, %dma_start3A_78] : memref<10000x64xf32, #tpu.memory_space<hbm>> -> memref<10000x64xf32, #tpu.memory_space<hbm>>
      tpu.enqueue_indirect_dma source(%dma_start3A_79 : memref<10000x64xf32, #tpu.memory_space<hbm>>) target(%arg13 : memref<125x64xf32, #tpu.memory_space<vmem>>) offsets(%dma_start3A_76 : memref<125xi32, #tpu.memory_space<vmem>>) semaphore(%arg19 : memref<!tpu.dma_semaphore, #tpu.memory_space<semaphore_mem>>)
      %dma_start3A_80 = arith.constant 1 : i32
      %dma_start3A_81 = arith.constant 0 : i32
      %dma_start3A_82 = tpu.memref_slice %arg11[%dma_start3A_80, %dma_start3A_81] : memref<160x125xi32, #tpu.memory_space<vmem>> -> memref<1x125xi32, #tpu.memory_space<vmem>>
      %dma_start3A_83 = tpu.memref_squeeze %dma_start3A_82 : memref<1x125xi32, #tpu.memory_space<vmem>> -> memref<125xi32, #tpu.memory_space<vmem>>
      %dma_start3A_84 = arith.constant 0 : i32
      %dma_start3A_85 = arith.constant 0 : i32
      %dma_start3A_86 = tpu.memref_slice %arg4[%dma_start3A_84, %dma_start3A_85] : memref<10000x64xf32, #tpu.memory_space<hbm>> -> memref<10000x64xf32, #tpu.memory_space<hbm>>
      tpu.enqueue_indirect_dma source(%dma_start3A_86 : memref<10000x64xf32, #tpu.memory_space<hbm>>) target(%arg14 : memref<125x64xf32, #tpu.memory_space<vmem>>) offsets(%dma_start3A_83 : memref<125xi32, #tpu.memory_space<vmem>>) semaphore(%arg20 : memref<!tpu.dma_semaphore, #tpu.memory_space<semaphore_mem>>)
      %dma_start3A_87 = arith.constant 0 : i32
      %dma_start3A_88 = arith.constant 0 : i32
      %dma_start3A_89 = tpu.memref_slice %arg12[%dma_start3A_87, %dma_start3A_88] : memref<160x125xi32, #tpu.memory_space<vmem>> -> memref<1x125xi32, #tpu.memory_space<vmem>>
      %dma_start3A_90 = tpu.memref_squeeze %dma_start3A_89 : memref<1x125xi32, #tpu.memory_space<vmem>> -> memref<125xi32, #tpu.memory_space<vmem>>
      %dma_start3A_91 = arith.constant 0 : i32
      %dma_start3A_92 = arith.constant 0 : i32
      %dma_start3A_93 = tpu.memref_slice %arg18[%dma_start3A_91, %dma_start3A_92] : memref<10000x64xf32, #tpu.memory_space<vmem_shared>> -> memref<10000x64xf32, #tpu.memory_space<vmem_shared>>
      tpu.enqueue_indirect_dma source(%arg17 : memref<125x64xf32, #tpu.memory_space<vmem>>) target(%dma_start3A_93 : memref<10000x64xf32, #tpu.memory_space<vmem_shared>>) offsets(%dma_start3A_90 : memref<125xi32, #tpu.memory_space<vmem>>) semaphore(%arg25 : memref<!tpu.dma_semaphore, #tpu.memory_space<semaphore_mem>>) {add = true}
      %dma_start3A_94 = arith.constant 0 : i32
      %dma_start3A_95 = arith.constant 0 : i32
      %dma_start3A_96 = tpu.memref_slice %arg12[%dma_start3A_94, %dma_start3A_95] : memref<160x125xi32, #tpu.memory_space<vmem>> -> memref<1x125xi32, #tpu.memory_space<vmem>>
      %dma_start3A_97 = tpu.memref_squeeze %dma_start3A_96 : memref<1x125xi32, #tpu.memory_space<vmem>> -> memref<125xi32, #tpu.memory_space<vmem>>
      %dma_start3A_98 = arith.constant 0 : i32
      %dma_start3A_99 = arith.constant 0 : i32
      %dma_start3A_100 = tpu.memref_slice %arg18[%dma_start3A_98, %dma_start3A_99] : memref<10000x64xf32, #tpu.memory_space<vmem_shared>> -> memref<10000x64xf32, #tpu.memory_space<vmem_shared>>
      tpu.enqueue_indirect_dma source(%arg17 : memref<125x64xf32, #tpu.memory_space<vmem>>) target(%dma_start3A_100 : memref<10000x64xf32, #tpu.memory_space<vmem_shared>>) offsets(%dma_start3A_97 : memref<125xi32, #tpu.memory_space<vmem>>) semaphore(%arg26 : memref<!tpu.dma_semaphore, #tpu.memory_space<semaphore_mem>>) {add = true}
      %scan3A_101 = arith.constant 0 : i32
      %scan3A_102 = arith.constant 0 : i32
      %scan3A_103 = arith.constant 40 : i32
      %scan3A_104 = arith.addi %scan3A_102, %scan3A_103 : i32
      %scan3A_105 = arith.constant 1 : i32
      scf.for %scan3A_268 = %scan3A_102 to %scan3A_104 step %scan3A_105  : i32 {
        %mul3A_269 = arith.constant 4 : i32
        %mul3A_270 = arith.muli %mul3A_269, %scan3A_268 : i32
        %add3A_271 = arith.constant 0 : i32
        %add3A_272 = arith.addi %mul3A_270, %add3A_271 : i32
        %dma_wait3A_273 = arith.constant 0 : i32
        %dma_wait3A_274 = tpu.memref_slice %arg11[%add3A_272, %dma_wait3A_273] : memref<160x125xi32, #tpu.memory_space<vmem>> -> memref<1x125xi32, #tpu.memory_space<vmem>>
        %dma_wait3A_275 = tpu.memref_squeeze %dma_wait3A_274 : memref<1x125xi32, #tpu.memory_space<vmem>> -> memref<125xi32, #tpu.memory_space<vmem>>
        %dma_wait3A_276 = arith.constant 0 : i32
        %dma_wait3A_277 = arith.constant 0 : i32
        %dma_wait3A_278 = tpu.memref_slice %arg4[%dma_wait3A_276, %dma_wait3A_277] : memref<10000x64xf32, #tpu.memory_space<hbm>> -> memref<10000x64xf32, #tpu.memory_space<hbm>>
        tpu.wait_indirect_dma semaphore(%arg19 : memref<!tpu.dma_semaphore, #tpu.memory_space<semaphore_mem>>) src(%dma_wait3A_278 : memref<10000x64xf32, #tpu.memory_space<hbm>>) dst(%arg13 : memref<125x64xf32, #tpu.memory_space<vmem>>)
        %dma_start3A_279 = arith.constant 0 : i32
        %dma_start3A_280 = tpu.memref_slice %arg12[%add3A_272, %dma_start3A_279] : memref<160x125xi32, #tpu.memory_space<vmem>> -> memref<1x125xi32, #tpu.memory_space<vmem>>
        %dma_start3A_281 = tpu.memref_squeeze %dma_start3A_280 : memref<1x125xi32, #tpu.memory_space<vmem>> -> memref<125xi32, #tpu.memory_space<vmem>>
        %dma_start3A_282 = arith.constant 0 : i32
        %dma_start3A_283 = arith.constant 0 : i32
        %dma_start3A_284 = tpu.memref_slice %arg18[%dma_start3A_282, %dma_start3A_283] : memref<10000x64xf32, #tpu.memory_space<vmem_shared>> -> memref<10000x64xf32, #tpu.memory_space<vmem_shared>>
        tpu.enqueue_indirect_dma source(%arg13 : memref<125x64xf32, #tpu.memory_space<vmem>>) target(%dma_start3A_284 : memref<10000x64xf32, #tpu.memory_space<vmem_shared>>) offsets(%dma_start3A_281 : memref<125xi32, #tpu.memory_space<vmem>>) semaphore(%arg23 : memref<!tpu.dma_semaphore, #tpu.memory_space<semaphore_mem>>) {add = true}
        %get3A = arith.index_cast %add3A_272 : i32 to index
        %get3A_285 = arith.constant 0 : index
        %get3A_286 = tpu.vector_load %arg12[%get3A, %get3A_285] {strides = array<i32>} : memref<160x125xi32, #tpu.memory_space<vmem>>, vector<16xi32>,
        tpu.vector_store_idx %arg27[%get3A_286], %broadcast_in_dim3A_9 {add = true} : memref<10000xf32, #tpu.memory_space<vmem>>[vector<16xi32>], vector<16xf32>,
        %get3A_287 = arith.index_cast %add3A_272 : i32 to index
        %get3A_288 = arith.constant 16 : index
        %get3A_289 = tpu.vector_load %arg12[%get3A_287, %get3A_288] {strides = array<i32>} : memref<160x125xi32, #tpu.memory_space<vmem>>, vector<16xi32>,
        tpu.vector_store_idx %arg27[%get3A_289], %broadcast_in_dim3A_9 {add = true} : memref<10000xf32, #tpu.memory_space<vmem>>[vector<16xi32>], vector<16xf32>,
        %get3A_290 = arith.index_cast %add3A_272 : i32 to index
        %get3A_291 = arith.constant 32 : index
        %get3A_292 = tpu.vector_load %arg12[%get3A_290, %get3A_291] {strides = array<i32>} : memref<160x125xi32, #tpu.memory_space<vmem>>, vector<16xi32>,
        tpu.vector_store_idx %arg27[%get3A_292], %broadcast_in_dim3A_9 {add = true} : memref<10000xf32, #tpu.memory_space<vmem>>[vector<16xi32>], vector<16xf32>,
        %get3A_293 = arith.index_cast %add3A_272 : i32 to index
        %get3A_294 = arith.constant 48 : index
        %get3A_295 = tpu.vector_load %arg12[%get3A_293, %get3A_294] {strides = array<i32>} : memref<160x125xi32, #tpu.memory_space<vmem>>, vector<16xi32>,
        tpu.vector_store_idx %arg27[%get3A_295], %broadcast_in_dim3A_9 {add = true} : memref<10000xf32, #tpu.memory_space<vmem>>[vector<16xi32>], vector<16xf32>,
        %get3A_296 = arith.index_cast %add3A_272 : i32 to index
        %get3A_297 = arith.constant 64 : index
        %get3A_298 = tpu.vector_load %arg12[%get3A_296, %get3A_297] {strides = array<i32>} : memref<160x125xi32, #tpu.memory_space<vmem>>, vector<16xi32>,
        tpu.vector_store_idx %arg27[%get3A_298], %broadcast_in_dim3A_9 {add = true} : memref<10000xf32, #tpu.memory_space<vmem>>[vector<16xi32>], vector<16xf32>,
        %get3A_299 = arith.index_cast %add3A_272 : i32 to index
        %get3A_300 = arith.constant 80 : index
        %get3A_301 = tpu.vector_load %arg12[%get3A_299, %get3A_300] {strides = array<i32>} : memref<160x125xi32, #tpu.memory_space<vmem>>, vector<16xi32>,
        tpu.vector_store_idx %arg27[%get3A_301], %broadcast_in_dim3A_9 {add = true} : memref<10000xf32, #tpu.memory_space<vmem>>[vector<16xi32>], vector<16xf32>,
        %get3A_302 = arith.index_cast %add3A_272 : i32 to index
        %get3A_303 = arith.constant 96 : index
        %get3A_304 = tpu.vector_load %arg12[%get3A_302, %get3A_303] {strides = array<i32>} : memref<160x125xi32, #tpu.memory_space<vmem>>, vector<16xi32>,
        tpu.vector_store_idx %arg27[%get3A_304], %broadcast_in_dim3A_9 {add = true} : memref<10000xf32, #tpu.memory_space<vmem>>[vector<16xi32>], vector<16xf32>,
        %get3A_305 = arith.index_cast %add3A_272 : i32 to index
        %get3A_306 = arith.constant 109 : index
        %get3A_307 = tpu.vector_load %arg12[%get3A_305, %get3A_306] {strides = array<i32>} : memref<160x125xi32, #tpu.memory_space<vmem>>, vector<16xi32>,
        tpu.vector_store_idx %arg27[%get3A_307], %broadcast_in_dim3A_9 masked %ge3A_11 {add = true} : memref<10000xf32, #tpu.memory_space<vmem>>[vector<16xi32>], vector<16xf32>, vector<16xi1>
        %sub3A = arith.constant 2 : i32
        %sub3A_308 = arith.subi %add3A_272, %sub3A : i32
        %max3A = arith.constant 0 : i32
        %max3A_309 = arith.maxsi %sub3A_308, %max3A : i32
        %dma_wait3A_310 = arith.constant 0 : i32
        %dma_wait3A_311 = tpu.memref_slice %arg12[%max3A_309, %dma_wait3A_310] : memref<160x125xi32, #tpu.memory_space<vmem>> -> memref<1x125xi32, #tpu.memory_space<vmem>>
        %dma_wait3A_312 = tpu.memref_squeeze %dma_wait3A_311 : memref<1x125xi32, #tpu.memory_space<vmem>> -> memref<125xi32, #tpu.memory_space<vmem>>
        %dma_wait3A_313 = arith.constant 0 : i32
        %dma_wait3A_314 = arith.constant 0 : i32
        %dma_wait3A_315 = tpu.memref_slice %arg18[%dma_wait3A_313, %dma_wait3A_314] : memref<10000x64xf32, #tpu.memory_space<vmem_shared>> -> memref<10000x64xf32, #tpu.memory_space<vmem_shared>>
        tpu.wait_indirect_dma semaphore(%arg25 : memref<!tpu.dma_semaphore, #tpu.memory_space<semaphore_mem>>) src(%arg15 : memref<125x64xf32, #tpu.memory_space<vmem>>) dst(%dma_wait3A_315 : memref<10000x64xf32, #tpu.memory_space<vmem_shared>>)
        %add3A_316 = arith.constant 2 : i32
        %add3A_317 = arith.addi %add3A_272, %add3A_316 : i32
        %min3A = arith.constant 159 : i32
        %min3A_318 = arith.minsi %add3A_317, %min3A : i32
        %dma_start3A_319 = arith.constant 0 : i32
        %dma_start3A_320 = tpu.memref_slice %arg11[%min3A_318, %dma_start3A_319] : memref<160x125xi32, #tpu.memory_space<vmem>> -> memref<1x125xi32, #tpu.memory_space<vmem>>
        %dma_start3A_321 = tpu.memref_squeeze %dma_start3A_320 : memref<1x125xi32, #tpu.memory_space<vmem>> -> memref<125xi32, #tpu.memory_space<vmem>>
        %dma_start3A_322 = arith.constant 0 : i32
        %dma_start3A_323 = arith.constant 0 : i32
        %dma_start3A_324 = tpu.memref_slice %arg4[%dma_start3A_322, %dma_start3A_323] : memref<10000x64xf32, #tpu.memory_space<hbm>> -> memref<10000x64xf32, #tpu.memory_space<hbm>>
        tpu.enqueue_indirect_dma source(%dma_start3A_324 : memref<10000x64xf32, #tpu.memory_space<hbm>>) target(%arg15 : memref<125x64xf32, #tpu.memory_space<vmem>>) offsets(%dma_start3A_321 : memref<125xi32, #tpu.memory_space<vmem>>) semaphore(%arg21 : memref<!tpu.dma_semaphore, #tpu.memory_space<semaphore_mem>>)
        %add3A_325 = arith.constant 1 : i32
        %add3A_326 = arith.addi %mul3A_270, %add3A_325 : i32
        %dma_wait3A_327 = arith.constant 0 : i32
        %dma_wait3A_328 = tpu.memref_slice %arg11[%add3A_326, %dma_wait3A_327] : memref<160x125xi32, #tpu.memory_space<vmem>> -> memref<1x125xi32, #tpu.memory_space<vmem>>
        %dma_wait3A_329 = tpu.memref_squeeze %dma_wait3A_328 : memref<1x125xi32, #tpu.memory_space<vmem>> -> memref<125xi32, #tpu.memory_space<vmem>>
        %dma_wait3A_330 = arith.constant 0 : i32
        %dma_wait3A_331 = arith.constant 0 : i32
        %dma_wait3A_332 = tpu.memref_slice %arg4[%dma_wait3A_330, %dma_wait3A_331] : memref<10000x64xf32, #tpu.memory_space<hbm>> -> memref<10000x64xf32, #tpu.memory_space<hbm>>
        tpu.wait_indirect_dma semaphore(%arg20 : memref<!tpu.dma_semaphore, #tpu.memory_space<semaphore_mem>>) src(%dma_wait3A_332 : memref<10000x64xf32, #tpu.memory_space<hbm>>) dst(%arg14 : memref<125x64xf32, #tpu.memory_space<vmem>>)
        %dma_start3A_333 = arith.constant 0 : i32
        %dma_start3A_334 = tpu.memref_slice %arg12[%add3A_326, %dma_start3A_333] : memref<160x125xi32, #tpu.memory_space<vmem>> -> memref<1x125xi32, #tpu.memory_space<vmem>>
        %dma_start3A_335 = tpu.memref_squeeze %dma_start3A_334 : memref<1x125xi32, #tpu.memory_space<vmem>> -> memref<125xi32, #tpu.memory_space<vmem>>
        %dma_start3A_336 = arith.constant 0 : i32
        %dma_start3A_337 = arith.constant 0 : i32
        %dma_start3A_338 = tpu.memref_slice %arg18[%dma_start3A_336, %dma_start3A_337] : memref<10000x64xf32, #tpu.memory_space<vmem_shared>> -> memref<10000x64xf32, #tpu.memory_space<vmem_shared>>
        tpu.enqueue_indirect_dma source(%arg14 : memref<125x64xf32, #tpu.memory_space<vmem>>) target(%dma_start3A_338 : memref<10000x64xf32, #tpu.memory_space<vmem_shared>>) offsets(%dma_start3A_335 : memref<125xi32, #tpu.memory_space<vmem>>) semaphore(%arg24 : memref<!tpu.dma_semaphore, #tpu.memory_space<semaphore_mem>>) {add = true}
        %get3A_339 = arith.index_cast %add3A_326 : i32 to index
        %get3A_340 = arith.constant 0 : index
        %get3A_341 = tpu.vector_load %arg12[%get3A_339, %get3A_340] {strides = array<i32>} : memref<160x125xi32, #tpu.memory_space<vmem>>, vector<16xi32>,
        tpu.vector_store_idx %arg27[%get3A_341], %broadcast_in_dim3A_9 {add = true} : memref<10000xf32, #tpu.memory_space<vmem>>[vector<16xi32>], vector<16xf32>,
        %get3A_342 = arith.index_cast %add3A_326 : i32 to index
        %get3A_343 = arith.constant 16 : index
        %get3A_344 = tpu.vector_load %arg12[%get3A_342, %get3A_343] {strides = array<i32>} : memref<160x125xi32, #tpu.memory_space<vmem>>, vector<16xi32>,
        tpu.vector_store_idx %arg27[%get3A_344], %broadcast_in_dim3A_9 {add = true} : memref<10000xf32, #tpu.memory_space<vmem>>[vector<16xi32>], vector<16xf32>,
        %get3A_345 = arith.index_cast %add3A_326 : i32 to index
        %get3A_346 = arith.constant 32 : index
        %get3A_347 = tpu.vector_load %arg12[%get3A_345, %get3A_346] {strides = array<i32>} : memref<160x125xi32, #tpu.memory_space<vmem>>, vector<16xi32>,
        tpu.vector_store_idx %arg27[%get3A_347], %broadcast_in_dim3A_9 {add = true} : memref<10000xf32, #tpu.memory_space<vmem>>[vector<16xi32>], vector<16xf32>,
        %get3A_348 = arith.index_cast %add3A_326 : i32 to index
        %get3A_349 = arith.constant 48 : index
        %get3A_350 = tpu.vector_load %arg12[%get3A_348, %get3A_349] {strides = array<i32>} : memref<160x125xi32, #tpu.memory_space<vmem>>, vector<16xi32>,
        tpu.vector_store_idx %arg27[%get3A_350], %broadcast_in_dim3A_9 {add = true} : memref<10000xf32, #tpu.memory_space<vmem>>[vector<16xi32>], vector<16xf32>,
        %get3A_351 = arith.index_cast %add3A_326 : i32 to index
        %get3A_352 = arith.constant 64 : index
        %get3A_353 = tpu.vector_load %arg12[%get3A_351, %get3A_352] {strides = array<i32>} : memref<160x125xi32, #tpu.memory_space<vmem>>, vector<16xi32>,
        tpu.vector_store_idx %arg27[%get3A_353], %broadcast_in_dim3A_9 {add = true} : memref<10000xf32, #tpu.memory_space<vmem>>[vector<16xi32>], vector<16xf32>,
        %get3A_354 = arith.index_cast %add3A_326 : i32 to index
        %get3A_355 = arith.constant 80 : index
        %get3A_356 = tpu.vector_load %arg12[%get3A_354, %get3A_355] {strides = array<i32>} : memref<160x125xi32, #tpu.memory_space<vmem>>, vector<16xi32>,
        tpu.vector_store_idx %arg27[%get3A_356], %broadcast_in_dim3A_9 {add = true} : memref<10000xf32, #tpu.memory_space<vmem>>[vector<16xi32>], vector<16xf32>,
        %get3A_357 = arith.index_cast %add3A_326 : i32 to index
        %get3A_358 = arith.constant 96 : index
        %get3A_359 = tpu.vector_load %arg12[%get3A_357, %get3A_358] {strides = array<i32>} : memref<160x125xi32, #tpu.memory_space<vmem>>, vector<16xi32>,
        tpu.vector_store_idx %arg27[%get3A_359], %broadcast_in_dim3A_9 {add = true} : memref<10000xf32, #tpu.memory_space<vmem>>[vector<16xi32>], vector<16xf32>,
        %get3A_360 = arith.index_cast %add3A_326 : i32 to index
        %get3A_361 = arith.constant 109 : index
        %get3A_362 = tpu.vector_load %arg12[%get3A_360, %get3A_361] {strides = array<i32>} : memref<160x125xi32, #tpu.memory_space<vmem>>, vector<16xi32>,
        tpu.vector_store_idx %arg27[%get3A_362], %broadcast_in_dim3A_9 masked %ge3A_11 {add = true} : memref<10000xf32, #tpu.memory_space<vmem>>[vector<16xi32>], vector<16xf32>, vector<16xi1>
        %sub3A_363 = arith.constant 2 : i32
        %sub3A_364 = arith.subi %add3A_326, %sub3A_363 : i32
        %max3A_365 = arith.constant 0 : i32
        %max3A_366 = arith.maxsi %sub3A_364, %max3A_365 : i32
        %dma_wait3A_367 = arith.constant 0 : i32
        %dma_wait3A_368 = tpu.memref_slice %arg12[%max3A_366, %dma_wait3A_367] : memref<160x125xi32, #tpu.memory_space<vmem>> -> memref<1x125xi32, #tpu.memory_space<vmem>>
        %dma_wait3A_369 = tpu.memref_squeeze %dma_wait3A_368 : memref<1x125xi32, #tpu.memory_space<vmem>> -> memref<125xi32, #tpu.memory_space<vmem>>
        %dma_wait3A_370 = arith.constant 0 : i32
        %dma_wait3A_371 = arith.constant 0 : i32
        %dma_wait3A_372 = tpu.memref_slice %arg18[%dma_wait3A_370, %dma_wait3A_371] : memref<10000x64xf32, #tpu.memory_space<vmem_shared>> -> memref<10000x64xf32, #tpu.memory_space<vmem_shared>>
        tpu.wait_indirect_dma semaphore(%arg26 : memref<!tpu.dma_semaphore, #tpu.memory_space<semaphore_mem>>) src(%arg16 : memref<125x64xf32, #tpu.memory_space<vmem>>) dst(%dma_wait3A_372 : memref<10000x64xf32, #tpu.memory_space<vmem_shared>>)
        %add3A_373 = arith.constant 2 : i32
        %add3A_374 = arith.addi %add3A_326, %add3A_373 : i32
        %min3A_375 = arith.constant 159 : i32
        %min3A_376 = arith.minsi %add3A_374, %min3A_375 : i32
        %dma_start3A_377 = arith.constant 0 : i32
        %dma_start3A_378 = tpu.memref_slice %arg11[%min3A_376, %dma_start3A_377] : memref<160x125xi32, #tpu.memory_space<vmem>> -> memref<1x125xi32, #tpu.memory_space<vmem>>
        %dma_start3A_379 = tpu.memref_squeeze %dma_start3A_378 : memref<1x125xi32, #tpu.memory_space<vmem>> -> memref<125xi32, #tpu.memory_space<vmem>>
        %dma_start3A_380 = arith.constant 0 : i32
        %dma_start3A_381 = arith.constant 0 : i32
        %dma_start3A_382 = tpu.memref_slice %arg4[%dma_start3A_380, %dma_start3A_381] : memref<10000x64xf32, #tpu.memory_space<hbm>> -> memref<10000x64xf32, #tpu.memory_space<hbm>>
        tpu.enqueue_indirect_dma source(%dma_start3A_382 : memref<10000x64xf32, #tpu.memory_space<hbm>>) target(%arg16 : memref<125x64xf32, #tpu.memory_space<vmem>>) offsets(%dma_start3A_379 : memref<125xi32, #tpu.memory_space<vmem>>) semaphore(%arg22 : memref<!tpu.dma_semaphore, #tpu.memory_space<semaphore_mem>>)
        %add3A_383 = arith.constant 2 : i32
        %add3A_384 = arith.addi %mul3A_270, %add3A_383 : i32
        %dma_wait3A_385 = arith.constant 0 : i32
        %dma_wait3A_386 = tpu.memref_slice %arg11[%add3A_384, %dma_wait3A_385] : memref<160x125xi32, #tpu.memory_space<vmem>> -> memref<1x125xi32, #tpu.memory_space<vmem>>
        %dma_wait3A_387 = tpu.memref_squeeze %dma_wait3A_386 : memref<1x125xi32, #tpu.memory_space<vmem>> -> memref<125xi32, #tpu.memory_space<vmem>>
        %dma_wait3A_388 = arith.constant 0 : i32
        %dma_wait3A_389 = arith.constant 0 : i32
        %dma_wait3A_390 = tpu.memref_slice %arg4[%dma_wait3A_388, %dma_wait3A_389] : memref<10000x64xf32, #tpu.memory_space<hbm>> -> memref<10000x64xf32, #tpu.memory_space<hbm>>
        tpu.wait_indirect_dma semaphore(%arg21 : memref<!tpu.dma_semaphore, #tpu.memory_space<semaphore_mem>>) src(%dma_wait3A_390 : memref<10000x64xf32, #tpu.memory_space<hbm>>) dst(%arg15 : memref<125x64xf32, #tpu.memory_space<vmem>>)
        %dma_start3A_391 = arith.constant 0 : i32
        %dma_start3A_392 = tpu.memref_slice %arg12[%add3A_384, %dma_start3A_391] : memref<160x125xi32, #tpu.memory_space<vmem>> -> memref<1x125xi32, #tpu.memory_space<vmem>>
        %dma_start3A_393 = tpu.memref_squeeze %dma_start3A_392 : memref<1x125xi32, #tpu.memory_space<vmem>> -> memref<125xi32, #tpu.memory_space<vmem>>
        %dma_start3A_394 = arith.constant 0 : i32
        %dma_start3A_395 = arith.constant 0 : i32
        %dma_start3A_396 = tpu.memref_slice %arg18[%dma_start3A_394, %dma_start3A_395] : memref<10000x64xf32, #tpu.memory_space<vmem_shared>> -> memref<10000x64xf32, #tpu.memory_space<vmem_shared>>
        tpu.enqueue_indirect_dma source(%arg15 : memref<125x64xf32, #tpu.memory_space<vmem>>) target(%dma_start3A_396 : memref<10000x64xf32, #tpu.memory_space<vmem_shared>>) offsets(%dma_start3A_393 : memref<125xi32, #tpu.memory_space<vmem>>) semaphore(%arg25 : memref<!tpu.dma_semaphore, #tpu.memory_space<semaphore_mem>>) {add = true}
        %get3A_397 = arith.index_cast %add3A_384 : i32 to index
        %get3A_398 = arith.constant 0 : index
        %get3A_399 = tpu.vector_load %arg12[%get3A_397, %get3A_398] {strides = array<i32>} : memref<160x125xi32, #tpu.memory_space<vmem>>, vector<16xi32>,
        tpu.vector_store_idx %arg27[%get3A_399], %broadcast_in_dim3A_9 {add = true} : memref<10000xf32, #tpu.memory_space<vmem>>[vector<16xi32>], vector<16xf32>,
        %get3A_400 = arith.index_cast %add3A_384 : i32 to index
        %get3A_401 = arith.constant 16 : index
        %get3A_402 = tpu.vector_load %arg12[%get3A_400, %get3A_401] {strides = array<i32>} : memref<160x125xi32, #tpu.memory_space<vmem>>, vector<16xi32>,
        tpu.vector_store_idx %arg27[%get3A_402], %broadcast_in_dim3A_9 {add = true} : memref<10000xf32, #tpu.memory_space<vmem>>[vector<16xi32>], vector<16xf32>,
        %get3A_403 = arith.index_cast %add3A_384 : i32 to index
        %get3A_404 = arith.constant 32 : index
        %get3A_405 = tpu.vector_load %arg12[%get3A_403, %get3A_404] {strides = array<i32>} : memref<160x125xi32, #tpu.memory_space<vmem>>, vector<16xi32>,
        tpu.vector_store_idx %arg27[%get3A_405], %broadcast_in_dim3A_9 {add = true} : memref<10000xf32, #tpu.memory_space<vmem>>[vector<16xi32>], vector<16xf32>,
        %get3A_406 = arith.index_cast %add3A_384 : i32 to index
        %get3A_407 = arith.constant 48 : index
        %get3A_408 = tpu.vector_load %arg12[%get3A_406, %get3A_407] {strides = array<i32>} : memref<160x125xi32, #tpu.memory_space<vmem>>, vector<16xi32>,
        tpu.vector_store_idx %arg27[%get3A_408], %broadcast_in_dim3A_9 {add = true} : memref<10000xf32, #tpu.memory_space<vmem>>[vector<16xi32>], vector<16xf32>,
        %get3A_409 = arith.index_cast %add3A_384 : i32 to index
        %get3A_410 = arith.constant 64 : index
        %get3A_411 = tpu.vector_load %arg12[%get3A_409, %get3A_410] {strides = array<i32>} : memref<160x125xi32, #tpu.memory_space<vmem>>, vector<16xi32>,
        tpu.vector_store_idx %arg27[%get3A_411], %broadcast_in_dim3A_9 {add = true} : memref<10000xf32, #tpu.memory_space<vmem>>[vector<16xi32>], vector<16xf32>,
        %get3A_412 = arith.index_cast %add3A_384 : i32 to index
        %get3A_413 = arith.constant 80 : index
        %get3A_414 = tpu.vector_load %arg12[%get3A_412, %get3A_413] {strides = array<i32>} : memref<160x125xi32, #tpu.memory_space<vmem>>, vector<16xi32>,
        tpu.vector_store_idx %arg27[%get3A_414], %broadcast_in_dim3A_9 {add = true} : memref<10000xf32, #tpu.memory_space<vmem>>[vector<16xi32>], vector<16xf32>,
        %get3A_415 = arith.index_cast %add3A_384 : i32 to index
        %get3A_416 = arith.constant 96 : index
        %get3A_417 = tpu.vector_load %arg12[%get3A_415, %get3A_416] {strides = array<i32>} : memref<160x125xi32, #tpu.memory_space<vmem>>, vector<16xi32>,
        tpu.vector_store_idx %arg27[%get3A_417], %broadcast_in_dim3A_9 {add = true} : memref<10000xf32, #tpu.memory_space<vmem>>[vector<16xi32>], vector<16xf32>,
        %get3A_418 = arith.index_cast %add3A_384 : i32 to index
        %get3A_419 = arith.constant 109 : index
        %get3A_420 = tpu.vector_load %arg12[%get3A_418, %get3A_419] {strides = array<i32>} : memref<160x125xi32, #tpu.memory_space<vmem>>, vector<16xi32>,
        tpu.vector_store_idx %arg27[%get3A_420], %broadcast_in_dim3A_9 masked %ge3A_11 {add = true} : memref<10000xf32, #tpu.memory_space<vmem>>[vector<16xi32>], vector<16xf32>, vector<16xi1>
        %sub3A_421 = arith.constant 2 : i32
        %sub3A_422 = arith.subi %add3A_384, %sub3A_421 : i32
        %max3A_423 = arith.constant 0 : i32
        %max3A_424 = arith.maxsi %sub3A_422, %max3A_423 : i32
        %dma_wait3A_425 = arith.constant 0 : i32
        %dma_wait3A_426 = tpu.memref_slice %arg12[%max3A_424, %dma_wait3A_425] : memref<160x125xi32, #tpu.memory_space<vmem>> -> memref<1x125xi32, #tpu.memory_space<vmem>>
        %dma_wait3A_427 = tpu.memref_squeeze %dma_wait3A_426 : memref<1x125xi32, #tpu.memory_space<vmem>> -> memref<125xi32, #tpu.memory_space<vmem>>
        %dma_wait3A_428 = arith.constant 0 : i32
        %dma_wait3A_429 = arith.constant 0 : i32
        %dma_wait3A_430 = tpu.memref_slice %arg18[%dma_wait3A_428, %dma_wait3A_429] : memref<10000x64xf32, #tpu.memory_space<vmem_shared>> -> memref<10000x64xf32, #tpu.memory_space<vmem_shared>>
        tpu.wait_indirect_dma semaphore(%arg23 : memref<!tpu.dma_semaphore, #tpu.memory_space<semaphore_mem>>) src(%arg13 : memref<125x64xf32, #tpu.memory_space<vmem>>) dst(%dma_wait3A_430 : memref<10000x64xf32, #tpu.memory_space<vmem_shared>>)
        %add3A_431 = arith.constant 2 : i32
        %add3A_432 = arith.addi %add3A_384, %add3A_431 : i32
        %min3A_433 = arith.constant 159 : i32
        %min3A_434 = arith.minsi %add3A_432, %min3A_433 : i32
        %dma_start3A_435 = arith.constant 0 : i32
        %dma_start3A_436 = tpu.memref_slice %arg11[%min3A_434, %dma_start3A_435] : memref<160x125xi32, #tpu.memory_space<vmem>> -> memref<1x125xi32, #tpu.memory_space<vmem>>
        %dma_start3A_437 = tpu.memref_squeeze %dma_start3A_436 : memref<1x125xi32, #tpu.memory_space<vmem>> -> memref<125xi32, #tpu.memory_space<vmem>>
        %dma_start3A_438 = arith.constant 0 : i32
        %dma_start3A_439 = arith.constant 0 : i32
        %dma_start3A_440 = tpu.memref_slice %arg4[%dma_start3A_438, %dma_start3A_439] : memref<10000x64xf32, #tpu.memory_space<hbm>> -> memref<10000x64xf32, #tpu.memory_space<hbm>>
        tpu.enqueue_indirect_dma source(%dma_start3A_440 : memref<10000x64xf32, #tpu.memory_space<hbm>>) target(%arg13 : memref<125x64xf32, #tpu.memory_space<vmem>>) offsets(%dma_start3A_437 : memref<125xi32, #tpu.memory_space<vmem>>) semaphore(%arg19 : memref<!tpu.dma_semaphore, #tpu.memory_space<semaphore_mem>>)
        %add3A_441 = arith.constant 3 : i32
        %add3A_442 = arith.addi %mul3A_270, %add3A_441 : i32
        %dma_wait3A_443 = arith.constant 0 : i32
        %dma_wait3A_444 = tpu.memref_slice %arg11[%add3A_442, %dma_wait3A_443] : memref<160x125xi32, #tpu.memory_space<vmem>> -> memref<1x125xi32, #tpu.memory_space<vmem>>
        %dma_wait3A_445 = tpu.memref_squeeze %dma_wait3A_444 : memref<1x125xi32, #tpu.memory_space<vmem>> -> memref<125xi32, #tpu.memory_space<vmem>>
        %dma_wait3A_446 = arith.constant 0 : i32
        %dma_wait3A_447 = arith.constant 0 : i32
        %dma_wait3A_448 = tpu.memref_slice %arg4[%dma_wait3A_446, %dma_wait3A_447] : memref<10000x64xf32, #tpu.memory_space<hbm>> -> memref<10000x64xf32, #tpu.memory_space<hbm>>
        tpu.wait_indirect_dma semaphore(%arg22 : memref<!tpu.dma_semaphore, #tpu.memory_space<semaphore_mem>>) src(%dma_wait3A_448 : memref<10000x64xf32, #tpu.memory_space<hbm>>) dst(%arg16 : memref<125x64xf32, #tpu.memory_space<vmem>>)
        %dma_start3A_449 = arith.constant 0 : i32
        %dma_start3A_450 = tpu.memref_slice %arg12[%add3A_442, %dma_start3A_449] : memref<160x125xi32, #tpu.memory_space<vmem>> -> memref<1x125xi32, #tpu.memory_space<vmem>>
        %dma_start3A_451 = tpu.memref_squeeze %dma_start3A_450 : memref<1x125xi32, #tpu.memory_space<vmem>> -> memref<125xi32, #tpu.memory_space<vmem>>
        %dma_start3A_452 = arith.constant 0 : i32
        %dma_start3A_453 = arith.constant 0 : i32
        %dma_start3A_454 = tpu.memref_slice %arg18[%dma_start3A_452, %dma_start3A_453] : memref<10000x64xf32, #tpu.memory_space<vmem_shared>> -> memref<10000x64xf32, #tpu.memory_space<vmem_shared>>
        tpu.enqueue_indirect_dma source(%arg16 : memref<125x64xf32, #tpu.memory_space<vmem>>) target(%dma_start3A_454 : memref<10000x64xf32, #tpu.memory_space<vmem_shared>>) offsets(%dma_start3A_451 : memref<125xi32, #tpu.memory_space<vmem>>) semaphore(%arg26 : memref<!tpu.dma_semaphore, #tpu.memory_space<semaphore_mem>>) {add = true}
        %get3A_455 = arith.index_cast %add3A_442 : i32 to index
        %get3A_456 = arith.constant 0 : index
        %get3A_457 = tpu.vector_load %arg12[%get3A_455, %get3A_456] {strides = array<i32>} : memref<160x125xi32, #tpu.memory_space<vmem>>, vector<16xi32>,
        tpu.vector_store_idx %arg27[%get3A_457], %broadcast_in_dim3A_9 {add = true} : memref<10000xf32, #tpu.memory_space<vmem>>[vector<16xi32>], vector<16xf32>,
        %get3A_458 = arith.index_cast %add3A_442 : i32 to index
        %get3A_459 = arith.constant 16 : index
        %get3A_460 = tpu.vector_load %arg12[%get3A_458, %get3A_459] {strides = array<i32>} : memref<160x125xi32, #tpu.memory_space<vmem>>, vector<16xi32>,
        tpu.vector_store_idx %arg27[%get3A_460], %broadcast_in_dim3A_9 {add = true} : memref<10000xf32, #tpu.memory_space<vmem>>[vector<16xi32>], vector<16xf32>,
        %get3A_461 = arith.index_cast %add3A_442 : i32 to index
        %get3A_462 = arith.constant 32 : index
        %get3A_463 = tpu.vector_load %arg12[%get3A_461, %get3A_462] {strides = array<i32>} : memref<160x125xi32, #tpu.memory_space<vmem>>, vector<16xi32>,
        tpu.vector_store_idx %arg27[%get3A_463], %broadcast_in_dim3A_9 {add = true} : memref<10000xf32, #tpu.memory_space<vmem>>[vector<16xi32>], vector<16xf32>,
        %get3A_464 = arith.index_cast %add3A_442 : i32 to index
        %get3A_465 = arith.constant 48 : index
        %get3A_466 = tpu.vector_load %arg12[%get3A_464, %get3A_465] {strides = array<i32>} : memref<160x125xi32, #tpu.memory_space<vmem>>, vector<16xi32>,
        tpu.vector_store_idx %arg27[%get3A_466], %broadcast_in_dim3A_9 {add = true} : memref<10000xf32, #tpu.memory_space<vmem>>[vector<16xi32>], vector<16xf32>,
        %get3A_467 = arith.index_cast %add3A_442 : i32 to index
        %get3A_468 = arith.constant 64 : index
        %get3A_469 = tpu.vector_load %arg12[%get3A_467, %get3A_468] {strides = array<i32>} : memref<160x125xi32, #tpu.memory_space<vmem>>, vector<16xi32>,
        tpu.vector_store_idx %arg27[%get3A_469], %broadcast_in_dim3A_9 {add = true} : memref<10000xf32, #tpu.memory_space<vmem>>[vector<16xi32>], vector<16xf32>,
        %get3A_470 = arith.index_cast %add3A_442 : i32 to index
        %get3A_471 = arith.constant 80 : index
        %get3A_472 = tpu.vector_load %arg12[%get3A_470, %get3A_471] {strides = array<i32>} : memref<160x125xi32, #tpu.memory_space<vmem>>, vector<16xi32>,
        tpu.vector_store_idx %arg27[%get3A_472], %broadcast_in_dim3A_9 {add = true} : memref<10000xf32, #tpu.memory_space<vmem>>[vector<16xi32>], vector<16xf32>,
        %get3A_473 = arith.index_cast %add3A_442 : i32 to index
        %get3A_474 = arith.constant 96 : index
        %get3A_475 = tpu.vector_load %arg12[%get3A_473, %get3A_474] {strides = array<i32>} : memref<160x125xi32, #tpu.memory_space<vmem>>, vector<16xi32>,
        tpu.vector_store_idx %arg27[%get3A_475], %broadcast_in_dim3A_9 {add = true} : memref<10000xf32, #tpu.memory_space<vmem>>[vector<16xi32>], vector<16xf32>,
        %get3A_476 = arith.index_cast %add3A_442 : i32 to index
        %get3A_477 = arith.constant 109 : index
        %get3A_478 = tpu.vector_load %arg12[%get3A_476, %get3A_477] {strides = array<i32>} : memref<160x125xi32, #tpu.memory_space<vmem>>, vector<16xi32>,
        tpu.vector_store_idx %arg27[%get3A_478], %broadcast_in_dim3A_9 masked %ge3A_11 {add = true} : memref<10000xf32, #tpu.memory_space<vmem>>[vector<16xi32>], vector<16xf32>, vector<16xi1>
        %sub3A_479 = arith.constant 2 : i32
        %sub3A_480 = arith.subi %add3A_442, %sub3A_479 : i32
        %max3A_481 = arith.constant 0 : i32
        %max3A_482 = arith.maxsi %sub3A_480, %max3A_481 : i32
        %dma_wait3A_483 = arith.constant 0 : i32
        %dma_wait3A_484 = tpu.memref_slice %arg12[%max3A_482, %dma_wait3A_483] : memref<160x125xi32, #tpu.memory_space<vmem>> -> memref<1x125xi32, #tpu.memory_space<vmem>>
        %dma_wait3A_485 = tpu.memref_squeeze %dma_wait3A_484 : memref<1x125xi32, #tpu.memory_space<vmem>> -> memref<125xi32, #tpu.memory_space<vmem>>
        %dma_wait3A_486 = arith.constant 0 : i32
        %dma_wait3A_487 = arith.constant 0 : i32
        %dma_wait3A_488 = tpu.memref_slice %arg18[%dma_wait3A_486, %dma_wait3A_487] : memref<10000x64xf32, #tpu.memory_space<vmem_shared>> -> memref<10000x64xf32, #tpu.memory_space<vmem_shared>>
        tpu.wait_indirect_dma semaphore(%arg24 : memref<!tpu.dma_semaphore, #tpu.memory_space<semaphore_mem>>) src(%arg14 : memref<125x64xf32, #tpu.memory_space<vmem>>) dst(%dma_wait3A_488 : memref<10000x64xf32, #tpu.memory_space<vmem_shared>>)
        %add3A_489 = arith.constant 2 : i32
        %add3A_490 = arith.addi %add3A_442, %add3A_489 : i32
        %min3A_491 = arith.constant 159 : i32
        %min3A_492 = arith.minsi %add3A_490, %min3A_491 : i32
        %dma_start3A_493 = arith.constant 0 : i32
        %dma_start3A_494 = tpu.memref_slice %arg11[%min3A_492, %dma_start3A_493] : memref<160x125xi32, #tpu.memory_space<vmem>> -> memref<1x125xi32, #tpu.memory_space<vmem>>
        %dma_start3A_495 = tpu.memref_squeeze %dma_start3A_494 : memref<1x125xi32, #tpu.memory_space<vmem>> -> memref<125xi32, #tpu.memory_space<vmem>>
        %dma_start3A_496 = arith.constant 0 : i32
        %dma_start3A_497 = arith.constant 0 : i32
        %dma_start3A_498 = tpu.memref_slice %arg4[%dma_start3A_496, %dma_start3A_497] : memref<10000x64xf32, #tpu.memory_space<hbm>> -> memref<10000x64xf32, #tpu.memory_space<hbm>>
        tpu.enqueue_indirect_dma source(%dma_start3A_498 : memref<10000x64xf32, #tpu.memory_space<hbm>>) target(%arg14 : memref<125x64xf32, #tpu.memory_space<vmem>>) offsets(%dma_start3A_495 : memref<125xi32, #tpu.memory_space<vmem>>) semaphore(%arg20 : memref<!tpu.dma_semaphore, #tpu.memory_space<semaphore_mem>>)
      }
      %scan3A_106 = arith.constant 40 : i32
      %dma_wait3A_107 = arith.constant 159 : i32
      %dma_wait3A_108 = arith.constant 0 : i32
      %dma_wait3A_109 = tpu.memref_slice %arg11[%dma_wait3A_107, %dma_wait3A_108] : memref<160x125xi32, #tpu.memory_space<vmem>> -> memref<1x125xi32, #tpu.memory_space<vmem>>
      %dma_wait3A_110 = tpu.memref_squeeze %dma_wait3A_109 : memref<1x125xi32, #tpu.memory_space<vmem>> -> memref<125xi32, #tpu.memory_space<vmem>>
      %dma_wait3A_111 = arith.constant 0 : i32
      %dma_wait3A_112 = arith.constant 0 : i32
      %dma_wait3A_113 = tpu.memref_slice %arg4[%dma_wait3A_111, %dma_wait3A_112] : memref<10000x64xf32, #tpu.memory_space<hbm>> -> memref<10000x64xf32, #tpu.memory_space<hbm>>
      tpu.wait_indirect_dma semaphore(%arg19 : memref<!tpu.dma_semaphore, #tpu.memory_space<semaphore_mem>>) src(%dma_wait3A_113 : memref<10000x64xf32, #tpu.memory_space<hbm>>) dst(%arg13 : memref<125x64xf32, #tpu.memory_space<vmem>>)
      %dma_wait3A_114 = arith.constant 159 : i32
      %dma_wait3A_115 = arith.constant 0 : i32
      %dma_wait3A_116 = tpu.memref_slice %arg11[%dma_wait3A_114, %dma_wait3A_115] : memref<160x125xi32, #tpu.memory_space<vmem>> -> memref<1x125xi32, #tpu.memory_space<vmem>>
      %dma_wait3A_117 = tpu.memref_squeeze %dma_wait3A_116 : memref<1x125xi32, #tpu.memory_space<vmem>> -> memref<125xi32, #tpu.memory_space<vmem>>
      %dma_wait3A_118 = arith.constant 0 : i32
      %dma_wait3A_119 = arith.constant 0 : i32
      %dma_wait3A_120 = tpu.memref_slice %arg4[%dma_wait3A_118, %dma_wait3A_119] : memref<10000x64xf32, #tpu.memory_space<hbm>> -> memref<10000x64xf32, #tpu.memory_space<hbm>>
      tpu.wait_indirect_dma semaphore(%arg20 : memref<!tpu.dma_semaphore, #tpu.memory_space<semaphore_mem>>) src(%dma_wait3A_120 : memref<10000x64xf32, #tpu.memory_space<hbm>>) dst(%arg14 : memref<125x64xf32, #tpu.memory_space<vmem>>)
      %dma_wait3A_121 = arith.constant 158 : i32
      %dma_wait3A_122 = arith.constant 0 : i32
      %dma_wait3A_123 = tpu.memref_slice %arg12[%dma_wait3A_121, %dma_wait3A_122] : memref<160x125xi32, #tpu.memory_space<vmem>> -> memref<1x125xi32, #tpu.memory_space<vmem>>
      %dma_wait3A_124 = tpu.memref_squeeze %dma_wait3A_123 : memref<1x125xi32, #tpu.memory_space<vmem>> -> memref<125xi32, #tpu.memory_space<vmem>>
      %dma_wait3A_125 = arith.constant 0 : i32
      %dma_wait3A_126 = arith.constant 0 : i32
      %dma_wait3A_127 = tpu.memref_slice %arg18[%dma_wait3A_125, %dma_wait3A_126] : memref<10000x64xf32, #tpu.memory_space<vmem_shared>> -> memref<10000x64xf32, #tpu.memory_space<vmem_shared>>
      tpu.wait_indirect_dma semaphore(%arg25 : memref<!tpu.dma_semaphore, #tpu.memory_space<semaphore_mem>>) src(%arg15 : memref<125x64xf32, #tpu.memory_space<vmem>>) dst(%dma_wait3A_127 : memref<10000x64xf32, #tpu.memory_space<vmem_shared>>)
      %dma_wait3A_128 = arith.constant 159 : i32
      %dma_wait3A_129 = arith.constant 0 : i32
      %dma_wait3A_130 = tpu.memref_slice %arg12[%dma_wait3A_128, %dma_wait3A_129] : memref<160x125xi32, #tpu.memory_space<vmem>> -> memref<1x125xi32, #tpu.memory_space<vmem>>
      %dma_wait3A_131 = tpu.memref_squeeze %dma_wait3A_130 : memref<1x125xi32, #tpu.memory_space<vmem>> -> memref<125xi32, #tpu.memory_space<vmem>>
      %dma_wait3A_132 = arith.constant 0 : i32
      %dma_wait3A_133 = arith.constant 0 : i32
      %dma_wait3A_134 = tpu.memref_slice %arg18[%dma_wait3A_132, %dma_wait3A_133] : memref<10000x64xf32, #tpu.memory_space<vmem_shared>> -> memref<10000x64xf32, #tpu.memory_space<vmem_shared>>
      tpu.wait_indirect_dma semaphore(%arg26 : memref<!tpu.dma_semaphore, #tpu.memory_space<semaphore_mem>>) src(%arg16 : memref<125x64xf32, #tpu.memory_space<vmem>>) dst(%dma_wait3A_134 : memref<10000x64xf32, #tpu.memory_space<vmem_shared>>)
      "tpu.region"() ({
        %run_scoped3A = tpu.sem_alloc : memref<!tpu.dma_semaphore, #tpu.memory_space<semaphore_mem>>
        %dma_start3A_268 = arith.constant 0 : i32
        %dma_start3A_269 = tpu.memref_slice %arg10[%arg0, %arg1, %dma_start3A_268] : memref<2x16x10000xf32, #tpu.memory_space<hbm>> -> memref<1x1x10000xf32, #tpu.memory_space<hbm>>
        %dma_start3A_270 = tpu.memref_squeeze %dma_start3A_269 : memref<1x1x10000xf32, #tpu.memory_space<hbm>> -> memref<10000xf32, #tpu.memory_space<hbm>>
        %dma_start3A_271 = arith.constant 0 : i32
        %dma_start3A_272 = tpu.memref_slice %arg10[%arg0, %arg1, %dma_start3A_271] : memref<2x16x10000xf32, #tpu.memory_space<hbm>> -> memref<1x1x10000xf32, #tpu.memory_space<hbm>>
        %dma_start3A_273 = tpu.memref_squeeze %dma_start3A_272 : memref<1x1x10000xf32, #tpu.memory_space<hbm>> -> memref<10000xf32, #tpu.memory_space<hbm>>
        tpu.enqueue_dma source(%arg27 : memref<10000xf32, #tpu.memory_space<vmem>>) target(%dma_start3A_273 : memref<10000xf32, #tpu.memory_space<hbm>>) target_semaphore(%run_scoped3A : memref<!tpu.dma_semaphore, #tpu.memory_space<semaphore_mem>>)
        %dma_wait3A_274 = arith.constant 0 : i32
        %dma_wait3A_275 = tpu.memref_slice %arg10[%arg0, %arg1, %dma_wait3A_274] : memref<2x16x10000xf32, #tpu.memory_space<hbm>> -> memref<1x1x10000xf32, #tpu.memory_space<hbm>>
        %dma_wait3A_276 = tpu.memref_squeeze %dma_wait3A_275 : memref<1x1x10000xf32, #tpu.memory_space<hbm>> -> memref<10000xf32, #tpu.memory_space<hbm>>
        %dma_wait3A_277 = arith.constant 0 : i32
        %dma_wait3A_278 = tpu.memref_slice %arg10[%arg0, %arg1, %dma_wait3A_277] : memref<2x16x10000xf32, #tpu.memory_space<hbm>> -> memref<1x1x10000xf32, #tpu.memory_space<hbm>>
        %dma_wait3A_279 = tpu.memref_squeeze %dma_wait3A_278 : memref<1x1x10000xf32, #tpu.memory_space<hbm>> -> memref<10000xf32, #tpu.memory_space<hbm>>
        tpu.wait_dma2 semaphore(%run_scoped3A : memref<!tpu.dma_semaphore, #tpu.memory_space<semaphore_mem>>) src(%arg27 : memref<10000xf32, #tpu.memory_space<vmem>>) dst(%dma_wait3A_279 : memref<10000xf32, #tpu.memory_space<hbm>>)
        tpu.yield
      }) : () -> ()
      %barrier3A_135 = arith.constant 0 : index
      tpu.barrier barrier_id(%barrier3A_135)
      %mul3A_136 = arith.constant 624 : i32
      %mul3A_137 = arith.muli %arg1, %mul3A_136 : i32
      "tpu.region"() ({
        %run_scoped3A = tpu.sem_alloc : memref<!tpu.dma_semaphore, #tpu.memory_space<semaphore_mem>>
        %dma_start3A_268 = arith.constant 0 : i32
        %dma_start3A_269 = tpu.memref_slice %arg8[%arg0, %mul3A_137, %dma_start3A_268] : memref<2x10000x64xf32, #tpu.memory_space<hbm>> -> memref<1x624x64xf32, #tpu.memory_space<hbm>>
        %dma_start3A_270 = tpu.memref_squeeze %dma_start3A_269 : memref<1x624x64xf32, #tpu.memory_space<hbm>> -> memref<624x64xf32, #tpu.memory_space<hbm>>
        %dma_start3A_271 = arith.constant 0 : i32
        %dma_start3A_272 = tpu.memref_slice %arg18[%mul3A_137, %dma_start3A_271] : memref<10000x64xf32, #tpu.memory_space<vmem_shared>> -> memref<624x64xf32, #tpu.memory_space<vmem_shared>>
        tpu.enqueue_dma source(%dma_start3A_272 : memref<624x64xf32, #tpu.memory_space<vmem_shared>>) target(%dma_start3A_270 : memref<624x64xf32, #tpu.memory_space<hbm>>) target_semaphore(%run_scoped3A : memref<!tpu.dma_semaphore, #tpu.memory_space<semaphore_mem>>)
        %dma_wait3A_273 = arith.constant 0 : i32
        %dma_wait3A_274 = tpu.memref_slice %arg8[%arg0, %mul3A_137, %dma_wait3A_273] : memref<2x10000x64xf32, #tpu.memory_space<hbm>> -> memref<1x624x64xf32, #tpu.memory_space<hbm>>
        %dma_wait3A_275 = tpu.memref_squeeze %dma_wait3A_274 : memref<1x624x64xf32, #tpu.memory_space<hbm>> -> memref<624x64xf32, #tpu.memory_space<hbm>>
        %dma_wait3A_276 = arith.constant 0 : i32
        %dma_wait3A_277 = tpu.memref_slice %arg18[%mul3A_137, %dma_wait3A_276] : memref<10000x64xf32, #tpu.memory_space<vmem_shared>> -> memref<624x64xf32, #tpu.memory_space<vmem_shared>>
        tpu.wait_dma2 semaphore(%run_scoped3A : memref<!tpu.dma_semaphore, #tpu.memory_space<semaphore_mem>>) src(%dma_wait3A_277 : memref<624x64xf32, #tpu.memory_space<vmem_shared>>) dst(%dma_wait3A_275 : memref<624x64xf32, #tpu.memory_space<hbm>>)
        tpu.yield
      }) : () -> ()
      %eq3A_138 = arith.constant 15 : i32
      %eq3A_139 = arith.cmpi eq, %arg1, %eq3A_138 : i32
      %convert_element_type3A_140 = arith.extui %eq3A_139 : i1 to i32
      %cond3A_141 = arith.constant 0 : i32
      %cond3A_142 = arith.cmpi ne, %convert_element_type3A_140, %cond3A_141 : i32
      scf.if %cond3A_142 {
        "tpu.region"() ({
          %run_scoped3A = tpu.sem_alloc : memref<!tpu.dma_semaphore, #tpu.memory_space<semaphore_mem>>
          %dma_start3A_268 = arith.constant 9984 : i32
          %dma_start3A_269 = arith.constant 0 : i32
          %dma_start3A_270 = tpu.memref_slice %arg8[%arg0, %dma_start3A_268, %dma_start3A_269] : memref<2x10000x64xf32, #tpu.memory_space<hbm>> -> memref<1x16x64xf32, #tpu.memory_space<hbm>>
          %dma_start3A_271 = tpu.memref_squeeze %dma_start3A_270 : memref<1x16x64xf32, #tpu.memory_space<hbm>> -> memref<16x64xf32, #tpu.memory_space<hbm>>
          %dma_start3A_272 = arith.constant 9984 : i32
          %dma_start3A_273 = arith.constant 0 : i32
          %dma_start3A_274 = tpu.memref_slice %arg18[%dma_start3A_272, %dma_start3A_273] : memref<10000x64xf32, #tpu.memory_space<vmem_shared>> -> memref<16x64xf32, #tpu.memory_space<vmem_shared>>
          tpu.enqueue_dma source(%dma_start3A_274 : memref<16x64xf32, #tpu.memory_space<vmem_shared>>) target(%dma_start3A_271 : memref<16x64xf32, #tpu.memory_space<hbm>>) target_semaphore(%run_scoped3A : memref<!tpu.dma_semaphore, #tpu.memory_space<semaphore_mem>>)
          %dma_wait3A_275 = arith.constant 9984 : i32
          %dma_wait3A_276 = arith.constant 0 : i32
          %dma_wait3A_277 = tpu.memref_slice %arg8[%arg0, %dma_wait3A_275, %dma_wait3A_276] : memref<2x10000x64xf32, #tpu.memory_space<hbm>> -> memref<1x16x64xf32, #tpu.memory_space<hbm>>
          %dma_wait3A_278 = tpu.memref_squeeze %dma_wait3A_277 : memref<1x16x64xf32, #tpu.memory_space<hbm>> -> memref<16x64xf32, #tpu.memory_space<hbm>>
          %dma_wait3A_279 = arith.constant 9984 : i32
          %dma_wait3A_280 = arith.constant 0 : i32
          %dma_wait3A_281 = tpu.memref_slice %arg18[%dma_wait3A_279, %dma_wait3A_280] : memref<10000x64xf32, #tpu.memory_space<vmem_shared>> -> memref<16x64xf32, #tpu.memory_space<vmem_shared>>
          tpu.wait_dma2 semaphore(%run_scoped3A : memref<!tpu.dma_semaphore, #tpu.memory_space<semaphore_mem>>) src(%dma_wait3A_281 : memref<16x64xf32, #tpu.memory_space<vmem_shared>>) dst(%dma_wait3A_278 : memref<16x64xf32, #tpu.memory_space<hbm>>)
          tpu.yield
        }) : () -> ()
      } else {
      }
      %barrier3A_143 = arith.constant 0 : index
      tpu.barrier barrier_id(%barrier3A_143)
      %mul3A_144 = arith.constant 625 : i32
      %mul3A_145 = arith.muli %arg1, %mul3A_144 : i32
      %add3A_146 = arith.constant 0 : i32
      %add3A_147 = arith.addi %mul3A_145, %add3A_146 : i32
      %dma_start3A_148 = arith.constant 0 : i32
      %dma_start3A_149 = tpu.memref_slice %arg18[%add3A_147, %dma_start3A_148] : memref<10000x64xf32, #tpu.memory_space<vmem_shared>> -> memref<125x64xf32, #tpu.memory_space<vmem_shared>>
      %dma_start3A_150 = arith.constant 0 : i32
      %dma_start3A_151 = tpu.memref_slice %arg18[%add3A_147, %dma_start3A_150] : memref<10000x64xf32, #tpu.memory_space<vmem_shared>> -> memref<125x64xf32, #tpu.memory_space<vmem_shared>>
      tpu.enqueue_dma source(%arg17 : memref<125x64xf32, #tpu.memory_space<vmem>>) target(%dma_start3A_151 : memref<125x64xf32, #tpu.memory_space<vmem_shared>>) target_semaphore(%arg19 : memref<!tpu.dma_semaphore, #tpu.memory_space<semaphore_mem>>)
      %add3A_152 = arith.constant 125 : i32
      %add3A_153 = arith.addi %mul3A_145, %add3A_152 : i32
      %dma_start3A_154 = arith.constant 0 : i32
      %dma_start3A_155 = tpu.memref_slice %arg18[%add3A_153, %dma_start3A_154] : memref<10000x64xf32, #tpu.memory_space<vmem_shared>> -> memref<125x64xf32, #tpu.memory_space<vmem_shared>>
      %dma_start3A_156 = arith.constant 0 : i32
      %dma_start3A_157 = tpu.memref_slice %arg18[%add3A_153, %dma_start3A_156] : memref<10000x64xf32, #tpu.memory_space<vmem_shared>> -> memref<125x64xf32, #tpu.memory_space<vmem_shared>>
      tpu.enqueue_dma source(%arg17 : memref<125x64xf32, #tpu.memory_space<vmem>>) target(%dma_start3A_157 : memref<125x64xf32, #tpu.memory_space<vmem_shared>>) target_semaphore(%arg19 : memref<!tpu.dma_semaphore, #tpu.memory_space<semaphore_mem>>)
      %add3A_158 = arith.constant 250 : i32
      %add3A_159 = arith.addi %mul3A_145, %add3A_158 : i32
      %dma_start3A_160 = arith.constant 0 : i32
      %dma_start3A_161 = tpu.memref_slice %arg18[%add3A_159, %dma_start3A_160] : memref<10000x64xf32, #tpu.memory_space<vmem_shared>> -> memref<125x64xf32, #tpu.memory_space<vmem_shared>>
      %dma_start3A_162 = arith.constant 0 : i32
      %dma_start3A_163 = tpu.memref_slice %arg18[%add3A_159, %dma_start3A_162] : memref<10000x64xf32, #tpu.memory_space<vmem_shared>> -> memref<125x64xf32, #tpu.memory_space<vmem_shared>>
      tpu.enqueue_dma source(%arg17 : memref<125x64xf32, #tpu.memory_space<vmem>>) target(%dma_start3A_163 : memref<125x64xf32, #tpu.memory_space<vmem_shared>>) target_semaphore(%arg19 : memref<!tpu.dma_semaphore, #tpu.memory_space<semaphore_mem>>)
      %add3A_164 = arith.constant 375 : i32
      %add3A_165 = arith.addi %mul3A_145, %add3A_164 : i32
      %dma_start3A_166 = arith.constant 0 : i32
      %dma_start3A_167 = tpu.memref_slice %arg18[%add3A_165, %dma_start3A_166] : memref<10000x64xf32, #tpu.memory_space<vmem_shared>> -> memref<125x64xf32, #tpu.memory_space<vmem_shared>>
      %dma_start3A_168 = arith.constant 0 : i32
      %dma_start3A_169 = tpu.memref_slice %arg18[%add3A_165, %dma_start3A_168] : memref<10000x64xf32, #tpu.memory_space<vmem_shared>> -> memref<125x64xf32, #tpu.memory_space<vmem_shared>>
      tpu.enqueue_dma source(%arg17 : memref<125x64xf32, #tpu.memory_space<vmem>>) target(%dma_start3A_169 : memref<125x64xf32, #tpu.memory_space<vmem_shared>>) target_semaphore(%arg19 : memref<!tpu.dma_semaphore, #tpu.memory_space<semaphore_mem>>)
      %add3A_170 = arith.constant 500 : i32
      %add3A_171 = arith.addi %mul3A_145, %add3A_170 : i32
      %dma_start3A_172 = arith.constant 0 : i32
      %dma_start3A_173 = tpu.memref_slice %arg18[%add3A_171, %dma_start3A_172] : memref<10000x64xf32, #tpu.memory_space<vmem_shared>> -> memref<125x64xf32, #tpu.memory_space<vmem_shared>>
      %dma_start3A_174 = arith.constant 0 : i32
      %dma_start3A_175 = tpu.memref_slice %arg18[%add3A_171, %dma_start3A_174] : memref<10000x64xf32, #tpu.memory_space<vmem_shared>> -> memref<125x64xf32, #tpu.memory_space<vmem_shared>>
      tpu.enqueue_dma source(%arg17 : memref<125x64xf32, #tpu.memory_space<vmem>>) target(%dma_start3A_175 : memref<125x64xf32, #tpu.memory_space<vmem_shared>>) target_semaphore(%arg19 : memref<!tpu.dma_semaphore, #tpu.memory_space<semaphore_mem>>)
      %dma_wait3A_176 = arith.constant 0 : i32
      %dma_wait3A_177 = tpu.memref_slice %arg18[%mul3A_145, %dma_wait3A_176] : memref<10000x64xf32, #tpu.memory_space<vmem_shared>> -> memref<125x64xf32, #tpu.memory_space<vmem_shared>>
      %dma_wait3A_178 = arith.constant 0 : i32
      %dma_wait3A_179 = tpu.memref_slice %arg18[%mul3A_145, %dma_wait3A_178] : memref<10000x64xf32, #tpu.memory_space<vmem_shared>> -> memref<125x64xf32, #tpu.memory_space<vmem_shared>>
      tpu.wait_dma2 semaphore(%arg19 : memref<!tpu.dma_semaphore, #tpu.memory_space<semaphore_mem>>) src(%arg17 : memref<125x64xf32, #tpu.memory_space<vmem>>) dst(%dma_wait3A_179 : memref<125x64xf32, #tpu.memory_space<vmem_shared>>)
      %dma_wait3A_180 = arith.constant 0 : i32
      %dma_wait3A_181 = tpu.memref_slice %arg18[%mul3A_145, %dma_wait3A_180] : memref<10000x64xf32, #tpu.memory_space<vmem_shared>> -> memref<125x64xf32, #tpu.memory_space<vmem_shared>>
      %dma_wait3A_182 = arith.constant 0 : i32
      %dma_wait3A_183 = tpu.memref_slice %arg18[%mul3A_145, %dma_wait3A_182] : memref<10000x64xf32, #tpu.memory_space<vmem_shared>> -> memref<125x64xf32, #tpu.memory_space<vmem_shared>>
      tpu.wait_dma2 semaphore(%arg19 : memref<!tpu.dma_semaphore, #tpu.memory_space<semaphore_mem>>) src(%arg17 : memref<125x64xf32, #tpu.memory_space<vmem>>) dst(%dma_wait3A_183 : memref<125x64xf32, #tpu.memory_space<vmem_shared>>)
      %dma_wait3A_184 = arith.constant 0 : i32
      %dma_wait3A_185 = tpu.memref_slice %arg18[%mul3A_145, %dma_wait3A_184] : memref<10000x64xf32, #tpu.memory_space<vmem_shared>> -> memref<125x64xf32, #tpu.memory_space<vmem_shared>>
      %dma_wait3A_186 = arith.constant 0 : i32
      %dma_wait3A_187 = tpu.memref_slice %arg18[%mul3A_145, %dma_wait3A_186] : memref<10000x64xf32, #tpu.memory_space<vmem_shared>> -> memref<125x64xf32, #tpu.memory_space<vmem_shared>>
      tpu.wait_dma2 semaphore(%arg19 : memref<!tpu.dma_semaphore, #tpu.memory_space<semaphore_mem>>) src(%arg17 : memref<125x64xf32, #tpu.memory_space<vmem>>) dst(%dma_wait3A_187 : memref<125x64xf32, #tpu.memory_space<vmem_shared>>)
      %dma_wait3A_188 = arith.constant 0 : i32
      %dma_wait3A_189 = tpu.memref_slice %arg18[%mul3A_145, %dma_wait3A_188] : memref<10000x64xf32, #tpu.memory_space<vmem_shared>> -> memref<125x64xf32, #tpu.memory_space<vmem_shared>>
      %dma_wait3A_190 = arith.constant 0 : i32
      %dma_wait3A_191 = tpu.memref_slice %arg18[%mul3A_145, %dma_wait3A_190] : memref<10000x64xf32, #tpu.memory_space<vmem_shared>> -> memref<125x64xf32, #tpu.memory_space<vmem_shared>>
      tpu.wait_dma2 semaphore(%arg19 : memref<!tpu.dma_semaphore, #tpu.memory_space<semaphore_mem>>) src(%arg17 : memref<125x64xf32, #tpu.memory_space<vmem>>) dst(%dma_wait3A_191 : memref<125x64xf32, #tpu.memory_space<vmem_shared>>)
      %dma_wait3A_192 = arith.constant 0 : i32
      %dma_wait3A_193 = tpu.memref_slice %arg18[%mul3A_145, %dma_wait3A_192] : memref<10000x64xf32, #tpu.memory_space<vmem_shared>> -> memref<125x64xf32, #tpu.memory_space<vmem_shared>>
      %dma_wait3A_194 = arith.constant 0 : i32
      %dma_wait3A_195 = tpu.memref_slice %arg18[%mul3A_145, %dma_wait3A_194] : memref<10000x64xf32, #tpu.memory_space<vmem_shared>> -> memref<125x64xf32, #tpu.memory_space<vmem_shared>>
      tpu.wait_dma2 semaphore(%arg19 : memref<!tpu.dma_semaphore, #tpu.memory_space<semaphore_mem>>) src(%arg17 : memref<125x64xf32, #tpu.memory_space<vmem>>) dst(%dma_wait3A_195 : memref<125x64xf32, #tpu.memory_space<vmem_shared>>)
      %barrier3A_196 = arith.constant 0 : index
      tpu.barrier barrier_id(%barrier3A_196)
      %dma_start3A_197 = arith.constant 0 : i32
      %dma_start3A_198 = arith.constant 0 : i32
      %dma_start3A_199 = tpu.memref_slice %arg11[%dma_start3A_197, %dma_start3A_198] : memref<160x125xi32, #tpu.memory_space<vmem>> -> memref<1x125xi32, #tpu.memory_space<vmem>>
      %dma_start3A_200 = tpu.memref_squeeze %dma_start3A_199 : memref<1x125xi32, #tpu.memory_space<vmem>> -> memref<125xi32, #tpu.memory_space<vmem>>
      %dma_start3A_201 = arith.constant 0 : i32
      %dma_start3A_202 = arith.constant 0 : i32
      %dma_start3A_203 = tpu.memref_slice %arg5[%dma_start3A_201, %dma_start3A_202] : memref<10000x64xf32, #tpu.memory_space<hbm>> -> memref<10000x64xf32, #tpu.memory_space<hbm>>
      tpu.enqueue_indirect_dma source(%dma_start3A_203 : memref<10000x64xf32, #tpu.memory_space<hbm>>) target(%arg13 : memref<125x64xf32, #tpu.memory_space<vmem>>) offsets(%dma_start3A_200 : memref<125xi32, #tpu.memory_space<vmem>>) semaphore(%arg19 : memref<!tpu.dma_semaphore, #tpu.memory_space<semaphore_mem>>)
      %dma_start3A_204 = arith.constant 1 : i32
      %dma_start3A_205 = arith.constant 0 : i32
      %dma_start3A_206 = tpu.memref_slice %arg11[%dma_start3A_204, %dma_start3A_205] : memref<160x125xi32, #tpu.memory_space<vmem>> -> memref<1x125xi32, #tpu.memory_space<vmem>>
      %dma_start3A_207 = tpu.memref_squeeze %dma_start3A_206 : memref<1x125xi32, #tpu.memory_space<vmem>> -> memref<125xi32, #tpu.memory_space<vmem>>
      %dma_start3A_208 = arith.constant 0 : i32
      %dma_start3A_209 = arith.constant 0 : i32
      %dma_start3A_210 = tpu.memref_slice %arg5[%dma_start3A_208, %dma_start3A_209] : memref<10000x64xf32, #tpu.memory_space<hbm>> -> memref<10000x64xf32, #tpu.memory_space<hbm>>
      tpu.enqueue_indirect_dma source(%dma_start3A_210 : memref<10000x64xf32, #tpu.memory_space<hbm>>) target(%arg14 : memref<125x64xf32, #tpu.memory_space<vmem>>) offsets(%dma_start3A_207 : memref<125xi32, #tpu.memory_space<vmem>>) semaphore(%arg20 : memref<!tpu.dma_semaphore, #tpu.memory_space<semaphore_mem>>)
      %dma_start3A_211 = arith.constant 0 : i32
      %dma_start3A_212 = arith.constant 0 : i32
      %dma_start3A_213 = tpu.memref_slice %arg12[%dma_start3A_211, %dma_start3A_212] : memref<160x125xi32, #tpu.memory_space<vmem>> -> memref<1x125xi32, #tpu.memory_space<vmem>>
      %dma_start3A_214 = tpu.memref_squeeze %dma_start3A_213 : memref<1x125xi32, #tpu.memory_space<vmem>> -> memref<125xi32, #tpu.memory_space<vmem>>
      %dma_start3A_215 = arith.constant 0 : i32
      %dma_start3A_216 = arith.constant 0 : i32
      %dma_start3A_217 = tpu.memref_slice %arg18[%dma_start3A_215, %dma_start3A_216] : memref<10000x64xf32, #tpu.memory_space<vmem_shared>> -> memref<10000x64xf32, #tpu.memory_space<vmem_shared>>
      tpu.enqueue_indirect_dma source(%arg17 : memref<125x64xf32, #tpu.memory_space<vmem>>) target(%dma_start3A_217 : memref<10000x64xf32, #tpu.memory_space<vmem_shared>>) offsets(%dma_start3A_214 : memref<125xi32, #tpu.memory_space<vmem>>) semaphore(%arg25 : memref<!tpu.dma_semaphore, #tpu.memory_space<semaphore_mem>>) {add = true}
      %dma_start3A_218 = arith.constant 0 : i32
      %dma_start3A_219 = arith.constant 0 : i32
      %dma_start3A_220 = tpu.memref_slice %arg12[%dma_start3A_218, %dma_start3A_219] : memref<160x125xi32, #tpu.memory_space<vmem>> -> memref<1x125xi32, #tpu.memory_space<vmem>>
      %dma_start3A_221 = tpu.memref_squeeze %dma_start3A_220 : memref<1x125xi32, #tpu.memory_space<vmem>> -> memref<125xi32, #tpu.memory_space<vmem>>
      %dma_start3A_222 = arith.constant 0 : i32
      %dma_start3A_223 = arith.constant 0 : i32
      %dma_start3A_224 = tpu.memref_slice %arg18[%dma_start3A_222, %dma_start3A_223] : memref<10000x64xf32, #tpu.memory_space<vmem_shared>> -> memref<10000x64xf32, #tpu.memory_space<vmem_shared>>
      tpu.enqueue_indirect_dma source(%arg17 : memref<125x64xf32, #tpu.memory_space<vmem>>) target(%dma_start3A_224 : memref<10000x64xf32, #tpu.memory_space<vmem_shared>>) offsets(%dma_start3A_221 : memref<125xi32, #tpu.memory_space<vmem>>) semaphore(%arg26 : memref<!tpu.dma_semaphore, #tpu.memory_space<semaphore_mem>>) {add = true}
      %scan3A_225 = arith.constant 0 : i32
      %scan3A_226 = arith.constant 0 : i32
      %scan3A_227 = arith.constant 40 : i32
      %scan3A_228 = arith.addi %scan3A_226, %scan3A_227 : i32
      %scan3A_229 = arith.constant 1 : i32
      scf.for %scan3A_268 = %scan3A_226 to %scan3A_228 step %scan3A_229  : i32 {
        %mul3A_269 = arith.constant 4 : i32
        %mul3A_270 = arith.muli %mul3A_269, %scan3A_268 : i32
        %add3A_271 = arith.constant 0 : i32
        %add3A_272 = arith.addi %mul3A_270, %add3A_271 : i32
        %dma_wait3A_273 = arith.constant 0 : i32
        %dma_wait3A_274 = tpu.memref_slice %arg11[%add3A_272, %dma_wait3A_273] : memref<160x125xi32, #tpu.memory_space<vmem>> -> memref<1x125xi32, #tpu.memory_space<vmem>>
        %dma_wait3A_275 = tpu.memref_squeeze %dma_wait3A_274 : memref<1x125xi32, #tpu.memory_space<vmem>> -> memref<125xi32, #tpu.memory_space<vmem>>
        %dma_wait3A_276 = arith.constant 0 : i32
        %dma_wait3A_277 = arith.constant 0 : i32
        %dma_wait3A_278 = tpu.memref_slice %arg5[%dma_wait3A_276, %dma_wait3A_277] : memref<10000x64xf32, #tpu.memory_space<hbm>> -> memref<10000x64xf32, #tpu.memory_space<hbm>>
        tpu.wait_indirect_dma semaphore(%arg19 : memref<!tpu.dma_semaphore, #tpu.memory_space<semaphore_mem>>) src(%dma_wait3A_278 : memref<10000x64xf32, #tpu.memory_space<hbm>>) dst(%arg13 : memref<125x64xf32, #tpu.memory_space<vmem>>)
        %dma_start3A_279 = arith.constant 0 : i32
        %dma_start3A_280 = tpu.memref_slice %arg12[%add3A_272, %dma_start3A_279] : memref<160x125xi32, #tpu.memory_space<vmem>> -> memref<1x125xi32, #tpu.memory_space<vmem>>
        %dma_start3A_281 = tpu.memref_squeeze %dma_start3A_280 : memref<1x125xi32, #tpu.memory_space<vmem>> -> memref<125xi32, #tpu.memory_space<vmem>>
        %dma_start3A_282 = arith.constant 0 : i32
        %dma_start3A_283 = arith.constant 0 : i32
        %dma_start3A_284 = tpu.memref_slice %arg18[%dma_start3A_282, %dma_start3A_283] : memref<10000x64xf32, #tpu.memory_space<vmem_shared>> -> memref<10000x64xf32, #tpu.memory_space<vmem_shared>>
        tpu.enqueue_indirect_dma source(%arg13 : memref<125x64xf32, #tpu.memory_space<vmem>>) target(%dma_start3A_284 : memref<10000x64xf32, #tpu.memory_space<vmem_shared>>) offsets(%dma_start3A_281 : memref<125xi32, #tpu.memory_space<vmem>>) semaphore(%arg23 : memref<!tpu.dma_semaphore, #tpu.memory_space<semaphore_mem>>) {add = true}
        %sub3A = arith.constant 2 : i32
        %sub3A_285 = arith.subi %add3A_272, %sub3A : i32
        %max3A = arith.constant 0 : i32
        %max3A_286 = arith.maxsi %sub3A_285, %max3A : i32
        %dma_wait3A_287 = arith.constant 0 : i32
        %dma_wait3A_288 = tpu.memref_slice %arg12[%max3A_286, %dma_wait3A_287] : memref<160x125xi32, #tpu.memory_space<vmem>> -> memref<1x125xi32, #tpu.memory_space<vmem>>
        %dma_wait3A_289 = tpu.memref_squeeze %dma_wait3A_288 : memref<1x125xi32, #tpu.memory_space<vmem>> -> memref<125xi32, #tpu.memory_space<vmem>>
        %dma_wait3A_290 = arith.constant 0 : i32
        %dma_wait3A_291 = arith.constant 0 : i32
        %dma_wait3A_292 = tpu.memref_slice %arg18[%dma_wait3A_290, %dma_wait3A_291] : memref<10000x64xf32, #tpu.memory_space<vmem_shared>> -> memref<10000x64xf32, #tpu.memory_space<vmem_shared>>
        tpu.wait_indirect_dma semaphore(%arg25 : memref<!tpu.dma_semaphore, #tpu.memory_space<semaphore_mem>>) src(%arg15 : memref<125x64xf32, #tpu.memory_space<vmem>>) dst(%dma_wait3A_292 : memref<10000x64xf32, #tpu.memory_space<vmem_shared>>)
        %add3A_293 = arith.constant 2 : i32
        %add3A_294 = arith.addi %add3A_272, %add3A_293 : i32
        %min3A = arith.constant 159 : i32
        %min3A_295 = arith.minsi %add3A_294, %min3A : i32
        %dma_start3A_296 = arith.constant 0 : i32
        %dma_start3A_297 = tpu.memref_slice %arg11[%min3A_295, %dma_start3A_296] : memref<160x125xi32, #tpu.memory_space<vmem>> -> memref<1x125xi32, #tpu.memory_space<vmem>>
        %dma_start3A_298 = tpu.memref_squeeze %dma_start3A_297 : memref<1x125xi32, #tpu.memory_space<vmem>> -> memref<125xi32, #tpu.memory_space<vmem>>
        %dma_start3A_299 = arith.constant 0 : i32
        %dma_start3A_300 = arith.constant 0 : i32
        %dma_start3A_301 = tpu.memref_slice %arg5[%dma_start3A_299, %dma_start3A_300] : memref<10000x64xf32, #tpu.memory_space<hbm>> -> memref<10000x64xf32, #tpu.memory_space<hbm>>
        tpu.enqueue_indirect_dma source(%dma_start3A_301 : memref<10000x64xf32, #tpu.memory_space<hbm>>) target(%arg15 : memref<125x64xf32, #tpu.memory_space<vmem>>) offsets(%dma_start3A_298 : memref<125xi32, #tpu.memory_space<vmem>>) semaphore(%arg21 : memref<!tpu.dma_semaphore, #tpu.memory_space<semaphore_mem>>)
        %add3A_302 = arith.constant 1 : i32
        %add3A_303 = arith.addi %mul3A_270, %add3A_302 : i32
        %dma_wait3A_304 = arith.constant 0 : i32
        %dma_wait3A_305 = tpu.memref_slice %arg11[%add3A_303, %dma_wait3A_304] : memref<160x125xi32, #tpu.memory_space<vmem>> -> memref<1x125xi32, #tpu.memory_space<vmem>>
        %dma_wait3A_306 = tpu.memref_squeeze %dma_wait3A_305 : memref<1x125xi32, #tpu.memory_space<vmem>> -> memref<125xi32, #tpu.memory_space<vmem>>
        %dma_wait3A_307 = arith.constant 0 : i32
        %dma_wait3A_308 = arith.constant 0 : i32
        %dma_wait3A_309 = tpu.memref_slice %arg5[%dma_wait3A_307, %dma_wait3A_308] : memref<10000x64xf32, #tpu.memory_space<hbm>> -> memref<10000x64xf32, #tpu.memory_space<hbm>>
        tpu.wait_indirect_dma semaphore(%arg20 : memref<!tpu.dma_semaphore, #tpu.memory_space<semaphore_mem>>) src(%dma_wait3A_309 : memref<10000x64xf32, #tpu.memory_space<hbm>>) dst(%arg14 : memref<125x64xf32, #tpu.memory_space<vmem>>)
        %dma_start3A_310 = arith.constant 0 : i32
        %dma_start3A_311 = tpu.memref_slice %arg12[%add3A_303, %dma_start3A_310] : memref<160x125xi32, #tpu.memory_space<vmem>> -> memref<1x125xi32, #tpu.memory_space<vmem>>
        %dma_start3A_312 = tpu.memref_squeeze %dma_start3A_311 : memref<1x125xi32, #tpu.memory_space<vmem>> -> memref<125xi32, #tpu.memory_space<vmem>>
        %dma_start3A_313 = arith.constant 0 : i32
        %dma_start3A_314 = arith.constant 0 : i32
        %dma_start3A_315 = tpu.memref_slice %arg18[%dma_start3A_313, %dma_start3A_314] : memref<10000x64xf32, #tpu.memory_space<vmem_shared>> -> memref<10000x64xf32, #tpu.memory_space<vmem_shared>>
        tpu.enqueue_indirect_dma source(%arg14 : memref<125x64xf32, #tpu.memory_space<vmem>>) target(%dma_start3A_315 : memref<10000x64xf32, #tpu.memory_space<vmem_shared>>) offsets(%dma_start3A_312 : memref<125xi32, #tpu.memory_space<vmem>>) semaphore(%arg24 : memref<!tpu.dma_semaphore, #tpu.memory_space<semaphore_mem>>) {add = true}
        %sub3A_316 = arith.constant 2 : i32
        %sub3A_317 = arith.subi %add3A_303, %sub3A_316 : i32
        %max3A_318 = arith.constant 0 : i32
        %max3A_319 = arith.maxsi %sub3A_317, %max3A_318 : i32
        %dma_wait3A_320 = arith.constant 0 : i32
        %dma_wait3A_321 = tpu.memref_slice %arg12[%max3A_319, %dma_wait3A_320] : memref<160x125xi32, #tpu.memory_space<vmem>> -> memref<1x125xi32, #tpu.memory_space<vmem>>
        %dma_wait3A_322 = tpu.memref_squeeze %dma_wait3A_321 : memref<1x125xi32, #tpu.memory_space<vmem>> -> memref<125xi32, #tpu.memory_space<vmem>>
        %dma_wait3A_323 = arith.constant 0 : i32
        %dma_wait3A_324 = arith.constant 0 : i32
        %dma_wait3A_325 = tpu.memref_slice %arg18[%dma_wait3A_323, %dma_wait3A_324] : memref<10000x64xf32, #tpu.memory_space<vmem_shared>> -> memref<10000x64xf32, #tpu.memory_space<vmem_shared>>
        tpu.wait_indirect_dma semaphore(%arg26 : memref<!tpu.dma_semaphore, #tpu.memory_space<semaphore_mem>>) src(%arg16 : memref<125x64xf32, #tpu.memory_space<vmem>>) dst(%dma_wait3A_325 : memref<10000x64xf32, #tpu.memory_space<vmem_shared>>)
        %add3A_326 = arith.constant 2 : i32
        %add3A_327 = arith.addi %add3A_303, %add3A_326 : i32
        %min3A_328 = arith.constant 159 : i32
        %min3A_329 = arith.minsi %add3A_327, %min3A_328 : i32
        %dma_start3A_330 = arith.constant 0 : i32
        %dma_start3A_331 = tpu.memref_slice %arg11[%min3A_329, %dma_start3A_330] : memref<160x125xi32, #tpu.memory_space<vmem>> -> memref<1x125xi32, #tpu.memory_space<vmem>>
        %dma_start3A_332 = tpu.memref_squeeze %dma_start3A_331 : memref<1x125xi32, #tpu.memory_space<vmem>> -> memref<125xi32, #tpu.memory_space<vmem>>
        %dma_start3A_333 = arith.constant 0 : i32
        %dma_start3A_334 = arith.constant 0 : i32
        %dma_start3A_335 = tpu.memref_slice %arg5[%dma_start3A_333, %dma_start3A_334] : memref<10000x64xf32, #tpu.memory_space<hbm>> -> memref<10000x64xf32, #tpu.memory_space<hbm>>
        tpu.enqueue_indirect_dma source(%dma_start3A_335 : memref<10000x64xf32, #tpu.memory_space<hbm>>) target(%arg16 : memref<125x64xf32, #tpu.memory_space<vmem>>) offsets(%dma_start3A_332 : memref<125xi32, #tpu.memory_space<vmem>>) semaphore(%arg22 : memref<!tpu.dma_semaphore, #tpu.memory_space<semaphore_mem>>)
        %add3A_336 = arith.constant 2 : i32
        %add3A_337 = arith.addi %mul3A_270, %add3A_336 : i32
        %dma_wait3A_338 = arith.constant 0 : i32
        %dma_wait3A_339 = tpu.memref_slice %arg11[%add3A_337, %dma_wait3A_338] : memref<160x125xi32, #tpu.memory_space<vmem>> -> memref<1x125xi32, #tpu.memory_space<vmem>>
        %dma_wait3A_340 = tpu.memref_squeeze %dma_wait3A_339 : memref<1x125xi32, #tpu.memory_space<vmem>> -> memref<125xi32, #tpu.memory_space<vmem>>
        %dma_wait3A_341 = arith.constant 0 : i32
        %dma_wait3A_342 = arith.constant 0 : i32
        %dma_wait3A_343 = tpu.memref_slice %arg5[%dma_wait3A_341, %dma_wait3A_342] : memref<10000x64xf32, #tpu.memory_space<hbm>> -> memref<10000x64xf32, #tpu.memory_space<hbm>>
        tpu.wait_indirect_dma semaphore(%arg21 : memref<!tpu.dma_semaphore, #tpu.memory_space<semaphore_mem>>) src(%dma_wait3A_343 : memref<10000x64xf32, #tpu.memory_space<hbm>>) dst(%arg15 : memref<125x64xf32, #tpu.memory_space<vmem>>)
        %dma_start3A_344 = arith.constant 0 : i32
        %dma_start3A_345 = tpu.memref_slice %arg12[%add3A_337, %dma_start3A_344] : memref<160x125xi32, #tpu.memory_space<vmem>> -> memref<1x125xi32, #tpu.memory_space<vmem>>
        %dma_start3A_346 = tpu.memref_squeeze %dma_start3A_345 : memref<1x125xi32, #tpu.memory_space<vmem>> -> memref<125xi32, #tpu.memory_space<vmem>>
        %dma_start3A_347 = arith.constant 0 : i32
        %dma_start3A_348 = arith.constant 0 : i32
        %dma_start3A_349 = tpu.memref_slice %arg18[%dma_start3A_347, %dma_start3A_348] : memref<10000x64xf32, #tpu.memory_space<vmem_shared>> -> memref<10000x64xf32, #tpu.memory_space<vmem_shared>>
        tpu.enqueue_indirect_dma source(%arg15 : memref<125x64xf32, #tpu.memory_space<vmem>>) target(%dma_start3A_349 : memref<10000x64xf32, #tpu.memory_space<vmem_shared>>) offsets(%dma_start3A_346 : memref<125xi32, #tpu.memory_space<vmem>>) semaphore(%arg25 : memref<!tpu.dma_semaphore, #tpu.memory_space<semaphore_mem>>) {add = true}
        %sub3A_350 = arith.constant 2 : i32
        %sub3A_351 = arith.subi %add3A_337, %sub3A_350 : i32
        %max3A_352 = arith.constant 0 : i32
        %max3A_353 = arith.maxsi %sub3A_351, %max3A_352 : i32
        %dma_wait3A_354 = arith.constant 0 : i32
        %dma_wait3A_355 = tpu.memref_slice %arg12[%max3A_353, %dma_wait3A_354] : memref<160x125xi32, #tpu.memory_space<vmem>> -> memref<1x125xi32, #tpu.memory_space<vmem>>
        %dma_wait3A_356 = tpu.memref_squeeze %dma_wait3A_355 : memref<1x125xi32, #tpu.memory_space<vmem>> -> memref<125xi32, #tpu.memory_space<vmem>>
        %dma_wait3A_357 = arith.constant 0 : i32
        %dma_wait3A_358 = arith.constant 0 : i32
        %dma_wait3A_359 = tpu.memref_slice %arg18[%dma_wait3A_357, %dma_wait3A_358] : memref<10000x64xf32, #tpu.memory_space<vmem_shared>> -> memref<10000x64xf32, #tpu.memory_space<vmem_shared>>
        tpu.wait_indirect_dma semaphore(%arg23 : memref<!tpu.dma_semaphore, #tpu.memory_space<semaphore_mem>>) src(%arg13 : memref<125x64xf32, #tpu.memory_space<vmem>>) dst(%dma_wait3A_359 : memref<10000x64xf32, #tpu.memory_space<vmem_shared>>)
        %add3A_360 = arith.constant 2 : i32
        %add3A_361 = arith.addi %add3A_337, %add3A_360 : i32
        %min3A_362 = arith.constant 159 : i32
        %min3A_363 = arith.minsi %add3A_361, %min3A_362 : i32
        %dma_start3A_364 = arith.constant 0 : i32
        %dma_start3A_365 = tpu.memref_slice %arg11[%min3A_363, %dma_start3A_364] : memref<160x125xi32, #tpu.memory_space<vmem>> -> memref<1x125xi32, #tpu.memory_space<vmem>>
        %dma_start3A_366 = tpu.memref_squeeze %dma_start3A_365 : memref<1x125xi32, #tpu.memory_space<vmem>> -> memref<125xi32, #tpu.memory_space<vmem>>
        %dma_start3A_367 = arith.constant 0 : i32
        %dma_start3A_368 = arith.constant 0 : i32
        %dma_start3A_369 = tpu.memref_slice %arg5[%dma_start3A_367, %dma_start3A_368] : memref<10000x64xf32, #tpu.memory_space<hbm>> -> memref<10000x64xf32, #tpu.memory_space<hbm>>
        tpu.enqueue_indirect_dma source(%dma_start3A_369 : memref<10000x64xf32, #tpu.memory_space<hbm>>) target(%arg13 : memref<125x64xf32, #tpu.memory_space<vmem>>) offsets(%dma_start3A_366 : memref<125xi32, #tpu.memory_space<vmem>>) semaphore(%arg19 : memref<!tpu.dma_semaphore, #tpu.memory_space<semaphore_mem>>)
        %add3A_370 = arith.constant 3 : i32
        %add3A_371 = arith.addi %mul3A_270, %add3A_370 : i32
        %dma_wait3A_372 = arith.constant 0 : i32
        %dma_wait3A_373 = tpu.memref_slice %arg11[%add3A_371, %dma_wait3A_372] : memref<160x125xi32, #tpu.memory_space<vmem>> -> memref<1x125xi32, #tpu.memory_space<vmem>>
        %dma_wait3A_374 = tpu.memref_squeeze %dma_wait3A_373 : memref<1x125xi32, #tpu.memory_space<vmem>> -> memref<125xi32, #tpu.memory_space<vmem>>
        %dma_wait3A_375 = arith.constant 0 : i32
        %dma_wait3A_376 = arith.constant 0 : i32
        %dma_wait3A_377 = tpu.memref_slice %arg5[%dma_wait3A_375, %dma_wait3A_376] : memref<10000x64xf32, #tpu.memory_space<hbm>> -> memref<10000x64xf32, #tpu.memory_space<hbm>>
        tpu.wait_indirect_dma semaphore(%arg22 : memref<!tpu.dma_semaphore, #tpu.memory_space<semaphore_mem>>) src(%dma_wait3A_377 : memref<10000x64xf32, #tpu.memory_space<hbm>>) dst(%arg16 : memref<125x64xf32, #tpu.memory_space<vmem>>)
        %dma_start3A_378 = arith.constant 0 : i32
        %dma_start3A_379 = tpu.memref_slice %arg12[%add3A_371, %dma_start3A_378] : memref<160x125xi32, #tpu.memory_space<vmem>> -> memref<1x125xi32, #tpu.memory_space<vmem>>
        %dma_start3A_380 = tpu.memref_squeeze %dma_start3A_379 : memref<1x125xi32, #tpu.memory_space<vmem>> -> memref<125xi32, #tpu.memory_space<vmem>>
        %dma_start3A_381 = arith.constant 0 : i32
        %dma_start3A_382 = arith.constant 0 : i32
        %dma_start3A_383 = tpu.memref_slice %arg18[%dma_start3A_381, %dma_start3A_382] : memref<10000x64xf32, #tpu.memory_space<vmem_shared>> -> memref<10000x64xf32, #tpu.memory_space<vmem_shared>>
        tpu.enqueue_indirect_dma source(%arg16 : memref<125x64xf32, #tpu.memory_space<vmem>>) target(%dma_start3A_383 : memref<10000x64xf32, #tpu.memory_space<vmem_shared>>) offsets(%dma_start3A_380 : memref<125xi32, #tpu.memory_space<vmem>>) semaphore(%arg26 : memref<!tpu.dma_semaphore, #tpu.memory_space<semaphore_mem>>) {add = true}
        %sub3A_384 = arith.constant 2 : i32
        %sub3A_385 = arith.subi %add3A_371, %sub3A_384 : i32
        %max3A_386 = arith.constant 0 : i32
        %max3A_387 = arith.maxsi %sub3A_385, %max3A_386 : i32
        %dma_wait3A_388 = arith.constant 0 : i32
        %dma_wait3A_389 = tpu.memref_slice %arg12[%max3A_387, %dma_wait3A_388] : memref<160x125xi32, #tpu.memory_space<vmem>> -> memref<1x125xi32, #tpu.memory_space<vmem>>
        %dma_wait3A_390 = tpu.memref_squeeze %dma_wait3A_389 : memref<1x125xi32, #tpu.memory_space<vmem>> -> memref<125xi32, #tpu.memory_space<vmem>>
        %dma_wait3A_391 = arith.constant 0 : i32
        %dma_wait3A_392 = arith.constant 0 : i32
        %dma_wait3A_393 = tpu.memref_slice %arg18[%dma_wait3A_391, %dma_wait3A_392] : memref<10000x64xf32, #tpu.memory_space<vmem_shared>> -> memref<10000x64xf32, #tpu.memory_space<vmem_shared>>
        tpu.wait_indirect_dma semaphore(%arg24 : memref<!tpu.dma_semaphore, #tpu.memory_space<semaphore_mem>>) src(%arg14 : memref<125x64xf32, #tpu.memory_space<vmem>>) dst(%dma_wait3A_393 : memref<10000x64xf32, #tpu.memory_space<vmem_shared>>)
        %add3A_394 = arith.constant 2 : i32
        %add3A_395 = arith.addi %add3A_371, %add3A_394 : i32
        %min3A_396 = arith.constant 159 : i32
        %min3A_397 = arith.minsi %add3A_395, %min3A_396 : i32
        %dma_start3A_398 = arith.constant 0 : i32
        %dma_start3A_399 = tpu.memref_slice %arg11[%min3A_397, %dma_start3A_398] : memref<160x125xi32, #tpu.memory_space<vmem>> -> memref<1x125xi32, #tpu.memory_space<vmem>>
        %dma_start3A_400 = tpu.memref_squeeze %dma_start3A_399 : memref<1x125xi32, #tpu.memory_space<vmem>> -> memref<125xi32, #tpu.memory_space<vmem>>
        %dma_start3A_401 = arith.constant 0 : i32
        %dma_start3A_402 = arith.constant 0 : i32
        %dma_start3A_403 = tpu.memref_slice %arg5[%dma_start3A_401, %dma_start3A_402] : memref<10000x64xf32, #tpu.memory_space<hbm>> -> memref<10000x64xf32, #tpu.memory_space<hbm>>
        tpu.enqueue_indirect_dma source(%dma_start3A_403 : memref<10000x64xf32, #tpu.memory_space<hbm>>) target(%arg14 : memref<125x64xf32, #tpu.memory_space<vmem>>) offsets(%dma_start3A_400 : memref<125xi32, #tpu.memory_space<vmem>>) semaphore(%arg20 : memref<!tpu.dma_semaphore, #tpu.memory_space<semaphore_mem>>)
      }
      %scan3A_230 = arith.constant 40 : i32
      %dma_wait3A_231 = arith.constant 159 : i32
      %dma_wait3A_232 = arith.constant 0 : i32
      %dma_wait3A_233 = tpu.memref_slice %arg11[%dma_wait3A_231, %dma_wait3A_232] : memref<160x125xi32, #tpu.memory_space<vmem>> -> memref<1x125xi32, #tpu.memory_space<vmem>>
      %dma_wait3A_234 = tpu.memref_squeeze %dma_wait3A_233 : memref<1x125xi32, #tpu.memory_space<vmem>> -> memref<125xi32, #tpu.memory_space<vmem>>
      %dma_wait3A_235 = arith.constant 0 : i32
      %dma_wait3A_236 = arith.constant 0 : i32
      %dma_wait3A_237 = tpu.memref_slice %arg5[%dma_wait3A_235, %dma_wait3A_236] : memref<10000x64xf32, #tpu.memory_space<hbm>> -> memref<10000x64xf32, #tpu.memory_space<hbm>>
      tpu.wait_indirect_dma semaphore(%arg19 : memref<!tpu.dma_semaphore, #tpu.memory_space<semaphore_mem>>) src(%dma_wait3A_237 : memref<10000x64xf32, #tpu.memory_space<hbm>>) dst(%arg13 : memref<125x64xf32, #tpu.memory_space<vmem>>)
      %dma_wait3A_238 = arith.constant 159 : i32
      %dma_wait3A_239 = arith.constant 0 : i32
      %dma_wait3A_240 = tpu.memref_slice %arg11[%dma_wait3A_238, %dma_wait3A_239] : memref<160x125xi32, #tpu.memory_space<vmem>> -> memref<1x125xi32, #tpu.memory_space<vmem>>
      %dma_wait3A_241 = tpu.memref_squeeze %dma_wait3A_240 : memref<1x125xi32, #tpu.memory_space<vmem>> -> memref<125xi32, #tpu.memory_space<vmem>>
      %dma_wait3A_242 = arith.constant 0 : i32
      %dma_wait3A_243 = arith.constant 0 : i32
      %dma_wait3A_244 = tpu.memref_slice %arg5[%dma_wait3A_242, %dma_wait3A_243] : memref<10000x64xf32, #tpu.memory_space<hbm>> -> memref<10000x64xf32, #tpu.memory_space<hbm>>
      tpu.wait_indirect_dma semaphore(%arg20 : memref<!tpu.dma_semaphore, #tpu.memory_space<semaphore_mem>>) src(%dma_wait3A_244 : memref<10000x64xf32, #tpu.memory_space<hbm>>) dst(%arg14 : memref<125x64xf32, #tpu.memory_space<vmem>>)
      %dma_wait3A_245 = arith.constant 158 : i32
      %dma_wait3A_246 = arith.constant 0 : i32
      %dma_wait3A_247 = tpu.memref_slice %arg12[%dma_wait3A_245, %dma_wait3A_246] : memref<160x125xi32, #tpu.memory_space<vmem>> -> memref<1x125xi32, #tpu.memory_space<vmem>>
      %dma_wait3A_248 = tpu.memref_squeeze %dma_wait3A_247 : memref<1x125xi32, #tpu.memory_space<vmem>> -> memref<125xi32, #tpu.memory_space<vmem>>
      %dma_wait3A_249 = arith.constant 0 : i32
      %dma_wait3A_250 = arith.constant 0 : i32
      %dma_wait3A_251 = tpu.memref_slice %arg18[%dma_wait3A_249, %dma_wait3A_250] : memref<10000x64xf32, #tpu.memory_space<vmem_shared>> -> memref<10000x64xf32, #tpu.memory_space<vmem_shared>>
      tpu.wait_indirect_dma semaphore(%arg25 : memref<!tpu.dma_semaphore, #tpu.memory_space<semaphore_mem>>) src(%arg15 : memref<125x64xf32, #tpu.memory_space<vmem>>) dst(%dma_wait3A_251 : memref<10000x64xf32, #tpu.memory_space<vmem_shared>>)
      %dma_wait3A_252 = arith.constant 159 : i32
      %dma_wait3A_253 = arith.constant 0 : i32
      %dma_wait3A_254 = tpu.memref_slice %arg12[%dma_wait3A_252, %dma_wait3A_253] : memref<160x125xi32, #tpu.memory_space<vmem>> -> memref<1x125xi32, #tpu.memory_space<vmem>>
      %dma_wait3A_255 = tpu.memref_squeeze %dma_wait3A_254 : memref<1x125xi32, #tpu.memory_space<vmem>> -> memref<125xi32, #tpu.memory_space<vmem>>
      %dma_wait3A_256 = arith.constant 0 : i32
      %dma_wait3A_257 = arith.constant 0 : i32
      %dma_wait3A_258 = tpu.memref_slice %arg18[%dma_wait3A_256, %dma_wait3A_257] : memref<10000x64xf32, #tpu.memory_space<vmem_shared>> -> memref<10000x64xf32, #tpu.memory_space<vmem_shared>>
      tpu.wait_indirect_dma semaphore(%arg26 : memref<!tpu.dma_semaphore, #tpu.memory_space<semaphore_mem>>) src(%arg16 : memref<125x64xf32, #tpu.memory_space<vmem>>) dst(%dma_wait3A_258 : memref<10000x64xf32, #tpu.memory_space<vmem_shared>>)
      %barrier3A_259 = arith.constant 0 : index
      tpu.barrier barrier_id(%barrier3A_259)
      %mul3A_260 = arith.constant 624 : i32
      %mul3A_261 = arith.muli %arg1, %mul3A_260 : i32
      "tpu.region"() ({
        %run_scoped3A = tpu.sem_alloc : memref<!tpu.dma_semaphore, #tpu.memory_space<semaphore_mem>>
        %dma_start3A_268 = arith.constant 0 : i32
        %dma_start3A_269 = tpu.memref_slice %arg9[%arg0, %mul3A_261, %dma_start3A_268] : memref<2x10000x64xf32, #tpu.memory_space<hbm>> -> memref<1x624x64xf32, #tpu.memory_space<hbm>>
        %dma_start3A_270 = tpu.memref_squeeze %dma_start3A_269 : memref<1x624x64xf32, #tpu.memory_space<hbm>> -> memref<624x64xf32, #tpu.memory_space<hbm>>
        %dma_start3A_271 = arith.constant 0 : i32
        %dma_start3A_272 = tpu.memref_slice %arg18[%mul3A_261, %dma_start3A_271] : memref<10000x64xf32, #tpu.memory_space<vmem_shared>> -> memref<624x64xf32, #tpu.memory_space<vmem_shared>>
        tpu.enqueue_dma source(%dma_start3A_272 : memref<624x64xf32, #tpu.memory_space<vmem_shared>>) target(%dma_start3A_270 : memref<624x64xf32, #tpu.memory_space<hbm>>) target_semaphore(%run_scoped3A : memref<!tpu.dma_semaphore, #tpu.memory_space<semaphore_mem>>)
        %dma_wait3A_273 = arith.constant 0 : i32
        %dma_wait3A_274 = tpu.memref_slice %arg9[%arg0, %mul3A_261, %dma_wait3A_273] : memref<2x10000x64xf32, #tpu.memory_space<hbm>> -> memref<1x624x64xf32, #tpu.memory_space<hbm>>
        %dma_wait3A_275 = tpu.memref_squeeze %dma_wait3A_274 : memref<1x624x64xf32, #tpu.memory_space<hbm>> -> memref<624x64xf32, #tpu.memory_space<hbm>>
        %dma_wait3A_276 = arith.constant 0 : i32
        %dma_wait3A_277 = tpu.memref_slice %arg18[%mul3A_261, %dma_wait3A_276] : memref<10000x64xf32, #tpu.memory_space<vmem_shared>> -> memref<624x64xf32, #tpu.memory_space<vmem_shared>>
        tpu.wait_dma2 semaphore(%run_scoped3A : memref<!tpu.dma_semaphore, #tpu.memory_space<semaphore_mem>>) src(%dma_wait3A_277 : memref<624x64xf32, #tpu.memory_space<vmem_shared>>) dst(%dma_wait3A_275 : memref<624x64xf32, #tpu.memory_space<hbm>>)
        tpu.yield
      }) : () -> ()
      %eq3A_262 = arith.constant 15 : i32
      %eq3A_263 = arith.cmpi eq, %arg1, %eq3A_262 : i32
      %convert_element_type3A_264 = arith.extui %eq3A_263 : i1 to i32
      %cond3A_265 = arith.constant 0 : i32
      %cond3A_266 = arith.cmpi ne, %convert_element_type3A_264, %cond3A_265 : i32
      scf.if %cond3A_266 {
        "tpu.region"() ({
          %run_scoped3A = tpu.sem_alloc : memref<!tpu.dma_semaphore, #tpu.memory_space<semaphore_mem>>
          %dma_start3A_268 = arith.constant 9984 : i32
          %dma_start3A_269 = arith.constant 0 : i32
          %dma_start3A_270 = tpu.memref_slice %arg9[%arg0, %dma_start3A_268, %dma_start3A_269] : memref<2x10000x64xf32, #tpu.memory_space<hbm>> -> memref<1x16x64xf32, #tpu.memory_space<hbm>>
          %dma_start3A_271 = tpu.memref_squeeze %dma_start3A_270 : memref<1x16x64xf32, #tpu.memory_space<hbm>> -> memref<16x64xf32, #tpu.memory_space<hbm>>
          %dma_start3A_272 = arith.constant 9984 : i32
          %dma_start3A_273 = arith.constant 0 : i32
          %dma_start3A_274 = tpu.memref_slice %arg18[%dma_start3A_272, %dma_start3A_273] : memref<10000x64xf32, #tpu.memory_space<vmem_shared>> -> memref<16x64xf32, #tpu.memory_space<vmem_shared>>
          tpu.enqueue_dma source(%dma_start3A_274 : memref<16x64xf32, #tpu.memory_space<vmem_shared>>) target(%dma_start3A_271 : memref<16x64xf32, #tpu.memory_space<hbm>>) target_semaphore(%run_scoped3A : memref<!tpu.dma_semaphore, #tpu.memory_space<semaphore_mem>>)
          %dma_wait3A_275 = arith.constant 9984 : i32
          %dma_wait3A_276 = arith.constant 0 : i32
          %dma_wait3A_277 = tpu.memref_slice %arg9[%arg0, %dma_wait3A_275, %dma_wait3A_276] : memref<2x10000x64xf32, #tpu.memory_space<hbm>> -> memref<1x16x64xf32, #tpu.memory_space<hbm>>
          %dma_wait3A_278 = tpu.memref_squeeze %dma_wait3A_277 : memref<1x16x64xf32, #tpu.memory_space<hbm>> -> memref<16x64xf32, #tpu.memory_space<hbm>>
          %dma_wait3A_279 = arith.constant 9984 : i32
          %dma_wait3A_280 = arith.constant 0 : i32
          %dma_wait3A_281 = tpu.memref_slice %arg18[%dma_wait3A_279, %dma_wait3A_280] : memref<10000x64xf32, #tpu.memory_space<vmem_shared>> -> memref<16x64xf32, #tpu.memory_space<vmem_shared>>
          tpu.wait_dma2 semaphore(%run_scoped3A : memref<!tpu.dma_semaphore, #tpu.memory_space<semaphore_mem>>) src(%dma_wait3A_281 : memref<16x64xf32, #tpu.memory_space<vmem_shared>>) dst(%dma_wait3A_278 : memref<16x64xf32, #tpu.memory_space<hbm>>)
          tpu.yield
        }) : () -> ()
      } else {
      }
      %barrier3A_267 = arith.constant 0 : index
      tpu.barrier barrier_id(%barrier3A_267)
    } else {
    }
    return
  }
}

#map = affine_map<(d0, d1) -> (0, 0)>
#map1 = affine_map<(d0, d1) -> (0, 0, 0, 0)>
#map2 = affine_map<(d0, d1) -> (0, 0, 0)>
module attributes {stable_mosaic.version = 14 : i64} {
  func.func @body(%arg0: i32, %arg1: i32, %arg2: memref<10000x64xf32, #tpu.memory_space<hbm>>, %arg3: memref<10000x64xf32, #tpu.memory_space<hbm>>, %arg4: memref<10000x64xf32, #tpu.memory_space<hbm>>, %arg5: memref<10000x64xf32, #tpu.memory_space<hbm>>, %arg6: memref<2x16x160x125xi32, #tpu.memory_space<hbm>>, %arg7: memref<2x16x160x125xi32, #tpu.memory_space<hbm>>, %arg8: memref<2x10000x64xf32, #tpu.memory_space<hbm>>, %arg9: memref<2x10000x64xf32, #tpu.memory_space<hbm>>, %arg10: memref<160x125xi32, #tpu.memory_space<vmem>>, %arg11: memref<160x125xi32, #tpu.memory_space<vmem>>, %arg12: memref<125x64xf32, #tpu.memory_space<vmem>>, %arg13: memref<125x64xf32, #tpu.memory_space<vmem>>, %arg14: memref<125x64xf32, #tpu.memory_space<vmem>>, %arg15: memref<125x64xf32, #tpu.memory_space<vmem>>, %arg16: memref<125x64xf32, #tpu.memory_space<vmem>>, %arg17: memref<10000x64xf32, #tpu.memory_space<vmem_shared>>, %arg18: memref<!tpu.dma_semaphore, #tpu.memory_space<semaphore_mem>>, %arg19: memref<!tpu.dma_semaphore, #tpu.memory_space<semaphore_mem>>, %arg20: memref<!tpu.dma_semaphore, #tpu.memory_space<semaphore_mem>>, %arg21: memref<!tpu.dma_semaphore, #tpu.memory_space<semaphore_mem>>, %arg22: memref<!tpu.dma_semaphore, #tpu.memory_space<semaphore_mem>>, %arg23: memref<!tpu.dma_semaphore, #tpu.memory_space<semaphore_mem>>, %arg24: memref<!tpu.dma_semaphore, #tpu.memory_space<semaphore_mem>>, %arg25: memref<!tpu.dma_semaphore, #tpu.memory_space<semaphore_mem>>) attributes {dimension_semantics = [#tpu.dimension_semantics<core_parallel>, #tpu.dimension_semantics<subcore_parallel>], iteration_bounds = array<i64: 2, 16>, scalar_prefetch = 0 : i64, scratch_operands = 16 : i64, tpu.core_type = #tpu.core_type<sc_vector_subcore>, window_params = [{transform_indices = #map}, {transform_indices = #map}, {transform_indices = #map}, {transform_indices = #map}, {transform_indices = #map1}, {transform_indices = #map1}, {transform_indices = #map2}, {transform_indices = #map2}]} {
    %broadcast_in_dim3A = arith.constant 0.000000e+00 : f32
    %broadcast_in_dim3A_0 = vector.broadcast %broadcast_in_dim3A : f32 to vector<16xf32>
    %scan3A = arith.constant 0 : i32
    %scan3A_1 = arith.constant 0 : i32
    %scan3A_2 = arith.constant 125 : i32
    %scan3A_3 = arith.addi %scan3A_1, %scan3A_2 : i32
    %scan3A_4 = arith.constant 1 : i32
    scf.for %scan3A_13 = %scan3A_1 to %scan3A_3 step %scan3A_4  : i32 {
      %swap3A = arith.index_cast %scan3A_13 : i32 to index
      %swap3A_14 = arith.constant 0 : index
      %swap3A_15 = tpu.vector_load %arg16[%swap3A, %swap3A_14] {strides = array<i32>} : memref<125x64xf32, #tpu.memory_space<vmem>>, vector<16xf32>,
      tpu.vector_store %arg16[%swap3A, %swap3A_14], %broadcast_in_dim3A_0 {strides = array<i32>} : memref<125x64xf32, #tpu.memory_space<vmem>>, vector<16xf32>,
      %swap3A_16 = arith.index_cast %scan3A_13 : i32 to index
      %swap3A_17 = arith.constant 16 : index
      %swap3A_18 = tpu.vector_load %arg16[%swap3A_16, %swap3A_17] {strides = array<i32>} : memref<125x64xf32, #tpu.memory_space<vmem>>, vector<16xf32>,
      tpu.vector_store %arg16[%swap3A_16, %swap3A_17], %broadcast_in_dim3A_0 {strides = array<i32>} : memref<125x64xf32, #tpu.memory_space<vmem>>, vector<16xf32>,
      %swap3A_19 = arith.index_cast %scan3A_13 : i32 to index
      %swap3A_20 = arith.constant 32 : index
      %swap3A_21 = tpu.vector_load %arg16[%swap3A_19, %swap3A_20] {strides = array<i32>} : memref<125x64xf32, #tpu.memory_space<vmem>>, vector<16xf32>,
      tpu.vector_store %arg16[%swap3A_19, %swap3A_20], %broadcast_in_dim3A_0 {strides = array<i32>} : memref<125x64xf32, #tpu.memory_space<vmem>>, vector<16xf32>,
      %swap3A_22 = arith.index_cast %scan3A_13 : i32 to index
      %swap3A_23 = arith.constant 48 : index
      %swap3A_24 = tpu.vector_load %arg16[%swap3A_22, %swap3A_23] {strides = array<i32>} : memref<125x64xf32, #tpu.memory_space<vmem>>, vector<16xf32>,
      tpu.vector_store %arg16[%swap3A_22, %swap3A_23], %broadcast_in_dim3A_0 {strides = array<i32>} : memref<125x64xf32, #tpu.memory_space<vmem>>, vector<16xf32>,
    }
    %scan3A_5 = arith.constant 125 : i32
    "tpu.region"() ({
      %run_scoped3A = tpu.sem_alloc : memref<!tpu.dma_semaphore, #tpu.memory_space<semaphore_mem>>
      %dma_start3A = arith.constant 0 : i32
      %dma_start3A_13 = arith.constant 0 : i32
      %dma_start3A_14 = tpu.memref_slice %arg6[%arg0, %arg1, %dma_start3A, %dma_start3A_13] : memref<2x16x160x125xi32, #tpu.memory_space<hbm>> -> memref<1x1x160x125xi32, #tpu.memory_space<hbm>>
      %dma_start3A_15 = tpu.memref_squeeze %dma_start3A_14 : memref<1x1x160x125xi32, #tpu.memory_space<hbm>> -> memref<160x125xi32, #tpu.memory_space<hbm>>
      %dma_start3A_16 = arith.constant 0 : i32
      %dma_start3A_17 = arith.constant 0 : i32
      %dma_start3A_18 = tpu.memref_slice %arg6[%arg0, %arg1, %dma_start3A_16, %dma_start3A_17] : memref<2x16x160x125xi32, #tpu.memory_space<hbm>> -> memref<1x1x160x125xi32, #tpu.memory_space<hbm>>
      %dma_start3A_19 = tpu.memref_squeeze %dma_start3A_18 : memref<1x1x160x125xi32, #tpu.memory_space<hbm>> -> memref<160x125xi32, #tpu.memory_space<hbm>>
      tpu.enqueue_dma source(%dma_start3A_19 : memref<160x125xi32, #tpu.memory_space<hbm>>) target(%arg10 : memref<160x125xi32, #tpu.memory_space<vmem>>) target_semaphore(%run_scoped3A : memref<!tpu.dma_semaphore, #tpu.memory_space<semaphore_mem>>)
      %dma_wait3A = arith.constant 0 : i32
      %dma_wait3A_20 = arith.constant 0 : i32
      %dma_wait3A_21 = tpu.memref_slice %arg6[%arg0, %arg1, %dma_wait3A, %dma_wait3A_20] : memref<2x16x160x125xi32, #tpu.memory_space<hbm>> -> memref<1x1x160x125xi32, #tpu.memory_space<hbm>>
      %dma_wait3A_22 = tpu.memref_squeeze %dma_wait3A_21 : memref<1x1x160x125xi32, #tpu.memory_space<hbm>> -> memref<160x125xi32, #tpu.memory_space<hbm>>
      %dma_wait3A_23 = arith.constant 0 : i32
      %dma_wait3A_24 = arith.constant 0 : i32
      %dma_wait3A_25 = tpu.memref_slice %arg6[%arg0, %arg1, %dma_wait3A_23, %dma_wait3A_24] : memref<2x16x160x125xi32, #tpu.memory_space<hbm>> -> memref<1x1x160x125xi32, #tpu.memory_space<hbm>>
      %dma_wait3A_26 = tpu.memref_squeeze %dma_wait3A_25 : memref<1x1x160x125xi32, #tpu.memory_space<hbm>> -> memref<160x125xi32, #tpu.memory_space<hbm>>
      tpu.wait_dma2 semaphore(%run_scoped3A : memref<!tpu.dma_semaphore, #tpu.memory_space<semaphore_mem>>) src(%dma_wait3A_26 : memref<160x125xi32, #tpu.memory_space<hbm>>) dst(%arg10 : memref<160x125xi32, #tpu.memory_space<vmem>>)
      tpu.yield
    }) : () -> ()
    "tpu.region"() ({
      %run_scoped3A = tpu.sem_alloc : memref<!tpu.dma_semaphore, #tpu.memory_space<semaphore_mem>>
      %dma_start3A = arith.constant 0 : i32
      %dma_start3A_13 = arith.constant 0 : i32
      %dma_start3A_14 = tpu.memref_slice %arg7[%arg0, %arg1, %dma_start3A, %dma_start3A_13] : memref<2x16x160x125xi32, #tpu.memory_space<hbm>> -> memref<1x1x160x125xi32, #tpu.memory_space<hbm>>
      %dma_start3A_15 = tpu.memref_squeeze %dma_start3A_14 : memref<1x1x160x125xi32, #tpu.memory_space<hbm>> -> memref<160x125xi32, #tpu.memory_space<hbm>>
      %dma_start3A_16 = arith.constant 0 : i32
      %dma_start3A_17 = arith.constant 0 : i32
      %dma_start3A_18 = tpu.memref_slice %arg7[%arg0, %arg1, %dma_start3A_16, %dma_start3A_17] : memref<2x16x160x125xi32, #tpu.memory_space<hbm>> -> memref<1x1x160x125xi32, #tpu.memory_space<hbm>>
      %dma_start3A_19 = tpu.memref_squeeze %dma_start3A_18 : memref<1x1x160x125xi32, #tpu.memory_space<hbm>> -> memref<160x125xi32, #tpu.memory_space<hbm>>
      tpu.enqueue_dma source(%dma_start3A_19 : memref<160x125xi32, #tpu.memory_space<hbm>>) target(%arg11 : memref<160x125xi32, #tpu.memory_space<vmem>>) target_semaphore(%run_scoped3A : memref<!tpu.dma_semaphore, #tpu.memory_space<semaphore_mem>>)
      %dma_wait3A = arith.constant 0 : i32
      %dma_wait3A_20 = arith.constant 0 : i32
      %dma_wait3A_21 = tpu.memref_slice %arg7[%arg0, %arg1, %dma_wait3A, %dma_wait3A_20] : memref<2x16x160x125xi32, #tpu.memory_space<hbm>> -> memref<1x1x160x125xi32, #tpu.memory_space<hbm>>
      %dma_wait3A_22 = tpu.memref_squeeze %dma_wait3A_21 : memref<1x1x160x125xi32, #tpu.memory_space<hbm>> -> memref<160x125xi32, #tpu.memory_space<hbm>>
      %dma_wait3A_23 = arith.constant 0 : i32
      %dma_wait3A_24 = arith.constant 0 : i32
      %dma_wait3A_25 = tpu.memref_slice %arg7[%arg0, %arg1, %dma_wait3A_23, %dma_wait3A_24] : memref<2x16x160x125xi32, #tpu.memory_space<hbm>> -> memref<1x1x160x125xi32, #tpu.memory_space<hbm>>
      %dma_wait3A_26 = tpu.memref_squeeze %dma_wait3A_25 : memref<1x1x160x125xi32, #tpu.memory_space<hbm>> -> memref<160x125xi32, #tpu.memory_space<hbm>>
      tpu.wait_dma2 semaphore(%run_scoped3A : memref<!tpu.dma_semaphore, #tpu.memory_space<semaphore_mem>>) src(%dma_wait3A_26 : memref<160x125xi32, #tpu.memory_space<hbm>>) dst(%arg11 : memref<160x125xi32, #tpu.memory_space<vmem>>)
      tpu.yield
    }) : () -> ()
    %eq3A = arith.constant 0 : i32
    %eq3A_6 = arith.cmpi eq, %arg0, %eq3A : i32
    %convert_element_type3A = arith.extui %eq3A_6 : i1 to i32
    %cond3A = arith.constant 0 : i32
    %cond3A_7 = arith.cmpi ne, %convert_element_type3A, %cond3A : i32
    scf.if %cond3A_7 {
      %mul3A = arith.constant 625 : i32
      %mul3A_13 = arith.muli %arg1, %mul3A : i32
      %add3A = arith.constant 0 : i32
      %add3A_14 = arith.addi %mul3A_13, %add3A : i32
      %dma_start3A = arith.constant 0 : i32
      %dma_start3A_15 = tpu.memref_slice %arg17[%add3A_14, %dma_start3A] : memref<10000x64xf32, #tpu.memory_space<vmem_shared>> -> memref<125x64xf32, #tpu.memory_space<vmem_shared>>
      %dma_start3A_16 = arith.constant 0 : i32
      %dma_start3A_17 = tpu.memref_slice %arg17[%add3A_14, %dma_start3A_16] : memref<10000x64xf32, #tpu.memory_space<vmem_shared>> -> memref<125x64xf32, #tpu.memory_space<vmem_shared>>
      tpu.enqueue_dma source(%arg16 : memref<125x64xf32, #tpu.memory_space<vmem>>) target(%dma_start3A_17 : memref<125x64xf32, #tpu.memory_space<vmem_shared>>) target_semaphore(%arg18 : memref<!tpu.dma_semaphore, #tpu.memory_space<semaphore_mem>>)
      %add3A_18 = arith.constant 125 : i32
      %add3A_19 = arith.addi %mul3A_13, %add3A_18 : i32
      %dma_start3A_20 = arith.constant 0 : i32
      %dma_start3A_21 = tpu.memref_slice %arg17[%add3A_19, %dma_start3A_20] : memref<10000x64xf32, #tpu.memory_space<vmem_shared>> -> memref<125x64xf32, #tpu.memory_space<vmem_shared>>
      %dma_start3A_22 = arith.constant 0 : i32
      %dma_start3A_23 = tpu.memref_slice %arg17[%add3A_19, %dma_start3A_22] : memref<10000x64xf32, #tpu.memory_space<vmem_shared>> -> memref<125x64xf32, #tpu.memory_space<vmem_shared>>
      tpu.enqueue_dma source(%arg16 : memref<125x64xf32, #tpu.memory_space<vmem>>) target(%dma_start3A_23 : memref<125x64xf32, #tpu.memory_space<vmem_shared>>) target_semaphore(%arg18 : memref<!tpu.dma_semaphore, #tpu.memory_space<semaphore_mem>>)
      %add3A_24 = arith.constant 250 : i32
      %add3A_25 = arith.addi %mul3A_13, %add3A_24 : i32
      %dma_start3A_26 = arith.constant 0 : i32
      %dma_start3A_27 = tpu.memref_slice %arg17[%add3A_25, %dma_start3A_26] : memref<10000x64xf32, #tpu.memory_space<vmem_shared>> -> memref<125x64xf32, #tpu.memory_space<vmem_shared>>
      %dma_start3A_28 = arith.constant 0 : i32
      %dma_start3A_29 = tpu.memref_slice %arg17[%add3A_25, %dma_start3A_28] : memref<10000x64xf32, #tpu.memory_space<vmem_shared>> -> memref<125x64xf32, #tpu.memory_space<vmem_shared>>
      tpu.enqueue_dma source(%arg16 : memref<125x64xf32, #tpu.memory_space<vmem>>) target(%dma_start3A_29 : memref<125x64xf32, #tpu.memory_space<vmem_shared>>) target_semaphore(%arg18 : memref<!tpu.dma_semaphore, #tpu.memory_space<semaphore_mem>>)
      %add3A_30 = arith.constant 375 : i32
      %add3A_31 = arith.addi %mul3A_13, %add3A_30 : i32
      %dma_start3A_32 = arith.constant 0 : i32
      %dma_start3A_33 = tpu.memref_slice %arg17[%add3A_31, %dma_start3A_32] : memref<10000x64xf32, #tpu.memory_space<vmem_shared>> -> memref<125x64xf32, #tpu.memory_space<vmem_shared>>
      %dma_start3A_34 = arith.constant 0 : i32
      %dma_start3A_35 = tpu.memref_slice %arg17[%add3A_31, %dma_start3A_34] : memref<10000x64xf32, #tpu.memory_space<vmem_shared>> -> memref<125x64xf32, #tpu.memory_space<vmem_shared>>
      tpu.enqueue_dma source(%arg16 : memref<125x64xf32, #tpu.memory_space<vmem>>) target(%dma_start3A_35 : memref<125x64xf32, #tpu.memory_space<vmem_shared>>) target_semaphore(%arg18 : memref<!tpu.dma_semaphore, #tpu.memory_space<semaphore_mem>>)
      %add3A_36 = arith.constant 500 : i32
      %add3A_37 = arith.addi %mul3A_13, %add3A_36 : i32
      %dma_start3A_38 = arith.constant 0 : i32
      %dma_start3A_39 = tpu.memref_slice %arg17[%add3A_37, %dma_start3A_38] : memref<10000x64xf32, #tpu.memory_space<vmem_shared>> -> memref<125x64xf32, #tpu.memory_space<vmem_shared>>
      %dma_start3A_40 = arith.constant 0 : i32
      %dma_start3A_41 = tpu.memref_slice %arg17[%add3A_37, %dma_start3A_40] : memref<10000x64xf32, #tpu.memory_space<vmem_shared>> -> memref<125x64xf32, #tpu.memory_space<vmem_shared>>
      tpu.enqueue_dma source(%arg16 : memref<125x64xf32, #tpu.memory_space<vmem>>) target(%dma_start3A_41 : memref<125x64xf32, #tpu.memory_space<vmem_shared>>) target_semaphore(%arg18 : memref<!tpu.dma_semaphore, #tpu.memory_space<semaphore_mem>>)
      %dma_wait3A = arith.constant 0 : i32
      %dma_wait3A_42 = tpu.memref_slice %arg17[%mul3A_13, %dma_wait3A] : memref<10000x64xf32, #tpu.memory_space<vmem_shared>> -> memref<125x64xf32, #tpu.memory_space<vmem_shared>>
      %dma_wait3A_43 = arith.constant 0 : i32
      %dma_wait3A_44 = tpu.memref_slice %arg17[%mul3A_13, %dma_wait3A_43] : memref<10000x64xf32, #tpu.memory_space<vmem_shared>> -> memref<125x64xf32, #tpu.memory_space<vmem_shared>>
      tpu.wait_dma2 semaphore(%arg18 : memref<!tpu.dma_semaphore, #tpu.memory_space<semaphore_mem>>) src(%arg16 : memref<125x64xf32, #tpu.memory_space<vmem>>) dst(%dma_wait3A_44 : memref<125x64xf32, #tpu.memory_space<vmem_shared>>)
      %dma_wait3A_45 = arith.constant 0 : i32
      %dma_wait3A_46 = tpu.memref_slice %arg17[%mul3A_13, %dma_wait3A_45] : memref<10000x64xf32, #tpu.memory_space<vmem_shared>> -> memref<125x64xf32, #tpu.memory_space<vmem_shared>>
      %dma_wait3A_47 = arith.constant 0 : i32
      %dma_wait3A_48 = tpu.memref_slice %arg17[%mul3A_13, %dma_wait3A_47] : memref<10000x64xf32, #tpu.memory_space<vmem_shared>> -> memref<125x64xf32, #tpu.memory_space<vmem_shared>>
      tpu.wait_dma2 semaphore(%arg18 : memref<!tpu.dma_semaphore, #tpu.memory_space<semaphore_mem>>) src(%arg16 : memref<125x64xf32, #tpu.memory_space<vmem>>) dst(%dma_wait3A_48 : memref<125x64xf32, #tpu.memory_space<vmem_shared>>)
      %dma_wait3A_49 = arith.constant 0 : i32
      %dma_wait3A_50 = tpu.memref_slice %arg17[%mul3A_13, %dma_wait3A_49] : memref<10000x64xf32, #tpu.memory_space<vmem_shared>> -> memref<125x64xf32, #tpu.memory_space<vmem_shared>>
      %dma_wait3A_51 = arith.constant 0 : i32
      %dma_wait3A_52 = tpu.memref_slice %arg17[%mul3A_13, %dma_wait3A_51] : memref<10000x64xf32, #tpu.memory_space<vmem_shared>> -> memref<125x64xf32, #tpu.memory_space<vmem_shared>>
      tpu.wait_dma2 semaphore(%arg18 : memref<!tpu.dma_semaphore, #tpu.memory_space<semaphore_mem>>) src(%arg16 : memref<125x64xf32, #tpu.memory_space<vmem>>) dst(%dma_wait3A_52 : memref<125x64xf32, #tpu.memory_space<vmem_shared>>)
      %dma_wait3A_53 = arith.constant 0 : i32
      %dma_wait3A_54 = tpu.memref_slice %arg17[%mul3A_13, %dma_wait3A_53] : memref<10000x64xf32, #tpu.memory_space<vmem_shared>> -> memref<125x64xf32, #tpu.memory_space<vmem_shared>>
      %dma_wait3A_55 = arith.constant 0 : i32
      %dma_wait3A_56 = tpu.memref_slice %arg17[%mul3A_13, %dma_wait3A_55] : memref<10000x64xf32, #tpu.memory_space<vmem_shared>> -> memref<125x64xf32, #tpu.memory_space<vmem_shared>>
      tpu.wait_dma2 semaphore(%arg18 : memref<!tpu.dma_semaphore, #tpu.memory_space<semaphore_mem>>) src(%arg16 : memref<125x64xf32, #tpu.memory_space<vmem>>) dst(%dma_wait3A_56 : memref<125x64xf32, #tpu.memory_space<vmem_shared>>)
      %dma_wait3A_57 = arith.constant 0 : i32
      %dma_wait3A_58 = tpu.memref_slice %arg17[%mul3A_13, %dma_wait3A_57] : memref<10000x64xf32, #tpu.memory_space<vmem_shared>> -> memref<125x64xf32, #tpu.memory_space<vmem_shared>>
      %dma_wait3A_59 = arith.constant 0 : i32
      %dma_wait3A_60 = tpu.memref_slice %arg17[%mul3A_13, %dma_wait3A_59] : memref<10000x64xf32, #tpu.memory_space<vmem_shared>> -> memref<125x64xf32, #tpu.memory_space<vmem_shared>>
      tpu.wait_dma2 semaphore(%arg18 : memref<!tpu.dma_semaphore, #tpu.memory_space<semaphore_mem>>) src(%arg16 : memref<125x64xf32, #tpu.memory_space<vmem>>) dst(%dma_wait3A_60 : memref<125x64xf32, #tpu.memory_space<vmem_shared>>)
      %barrier3A = arith.constant 0 : index
      tpu.barrier barrier_id(%barrier3A)
      %dma_start3A_61 = arith.constant 0 : i32
      %dma_start3A_62 = arith.constant 0 : i32
      %dma_start3A_63 = tpu.memref_slice %arg10[%dma_start3A_61, %dma_start3A_62] : memref<160x125xi32, #tpu.memory_space<vmem>> -> memref<1x125xi32, #tpu.memory_space<vmem>>
      %dma_start3A_64 = tpu.memref_squeeze %dma_start3A_63 : memref<1x125xi32, #tpu.memory_space<vmem>> -> memref<125xi32, #tpu.memory_space<vmem>>
      %dma_start3A_65 = arith.constant 0 : i32
      %dma_start3A_66 = arith.constant 0 : i32
      %dma_start3A_67 = tpu.memref_slice %arg2[%dma_start3A_65, %dma_start3A_66] : memref<10000x64xf32, #tpu.memory_space<hbm>> -> memref<10000x64xf32, #tpu.memory_space<hbm>>
      tpu.enqueue_indirect_dma source(%dma_start3A_67 : memref<10000x64xf32, #tpu.memory_space<hbm>>) target(%arg12 : memref<125x64xf32, #tpu.memory_space<vmem>>) offsets(%dma_start3A_64 : memref<125xi32, #tpu.memory_space<vmem>>) semaphore(%arg18 : memref<!tpu.dma_semaphore, #tpu.memory_space<semaphore_mem>>)
      %dma_start3A_68 = arith.constant 1 : i32
      %dma_start3A_69 = arith.constant 0 : i32
      %dma_start3A_70 = tpu.memref_slice %arg10[%dma_start3A_68, %dma_start3A_69] : memref<160x125xi32, #tpu.memory_space<vmem>> -> memref<1x125xi32, #tpu.memory_space<vmem>>
      %dma_start3A_71 = tpu.memref_squeeze %dma_start3A_70 : memref<1x125xi32, #tpu.memory_space<vmem>> -> memref<125xi32, #tpu.memory_space<vmem>>
      %dma_start3A_72 = arith.constant 0 : i32
      %dma_start3A_73 = arith.constant 0 : i32
      %dma_start3A_74 = tpu.memref_slice %arg2[%dma_start3A_72, %dma_start3A_73] : memref<10000x64xf32, #tpu.memory_space<hbm>> -> memref<10000x64xf32, #tpu.memory_space<hbm>>
      tpu.enqueue_indirect_dma source(%dma_start3A_74 : memref<10000x64xf32, #tpu.memory_space<hbm>>) target(%arg13 : memref<125x64xf32, #tpu.memory_space<vmem>>) offsets(%dma_start3A_71 : memref<125xi32, #tpu.memory_space<vmem>>) semaphore(%arg19 : memref<!tpu.dma_semaphore, #tpu.memory_space<semaphore_mem>>)
      %dma_start3A_75 = arith.constant 0 : i32
      %dma_start3A_76 = arith.constant 0 : i32
      %dma_start3A_77 = tpu.memref_slice %arg11[%dma_start3A_75, %dma_start3A_76] : memref<160x125xi32, #tpu.memory_space<vmem>> -> memref<1x125xi32, #tpu.memory_space<vmem>>
      %dma_start3A_78 = tpu.memref_squeeze %dma_start3A_77 : memref<1x125xi32, #tpu.memory_space<vmem>> -> memref<125xi32, #tpu.memory_space<vmem>>
      %dma_start3A_79 = arith.constant 0 : i32
      %dma_start3A_80 = arith.constant 0 : i32
      %dma_start3A_81 = tpu.memref_slice %arg17[%dma_start3A_79, %dma_start3A_80] : memref<10000x64xf32, #tpu.memory_space<vmem_shared>> -> memref<10000x64xf32, #tpu.memory_space<vmem_shared>>
      tpu.enqueue_indirect_dma source(%arg16 : memref<125x64xf32, #tpu.memory_space<vmem>>) target(%dma_start3A_81 : memref<10000x64xf32, #tpu.memory_space<vmem_shared>>) offsets(%dma_start3A_78 : memref<125xi32, #tpu.memory_space<vmem>>) semaphore(%arg24 : memref<!tpu.dma_semaphore, #tpu.memory_space<semaphore_mem>>) {add = true}
      %dma_start3A_82 = arith.constant 0 : i32
      %dma_start3A_83 = arith.constant 0 : i32
      %dma_start3A_84 = tpu.memref_slice %arg11[%dma_start3A_82, %dma_start3A_83] : memref<160x125xi32, #tpu.memory_space<vmem>> -> memref<1x125xi32, #tpu.memory_space<vmem>>
      %dma_start3A_85 = tpu.memref_squeeze %dma_start3A_84 : memref<1x125xi32, #tpu.memory_space<vmem>> -> memref<125xi32, #tpu.memory_space<vmem>>
      %dma_start3A_86 = arith.constant 0 : i32
      %dma_start3A_87 = arith.constant 0 : i32
      %dma_start3A_88 = tpu.memref_slice %arg17[%dma_start3A_86, %dma_start3A_87] : memref<10000x64xf32, #tpu.memory_space<vmem_shared>> -> memref<10000x64xf32, #tpu.memory_space<vmem_shared>>
      tpu.enqueue_indirect_dma source(%arg16 : memref<125x64xf32, #tpu.memory_space<vmem>>) target(%dma_start3A_88 : memref<10000x64xf32, #tpu.memory_space<vmem_shared>>) offsets(%dma_start3A_85 : memref<125xi32, #tpu.memory_space<vmem>>) semaphore(%arg25 : memref<!tpu.dma_semaphore, #tpu.memory_space<semaphore_mem>>) {add = true}
      %scan3A_89 = arith.constant 0 : i32
      %scan3A_90 = arith.constant 0 : i32
      %scan3A_91 = arith.constant 40 : i32
      %scan3A_92 = arith.addi %scan3A_90, %scan3A_91 : i32
      %scan3A_93 = arith.constant 1 : i32
      scf.for %scan3A_256 = %scan3A_90 to %scan3A_92 step %scan3A_93  : i32 {
        %mul3A_257 = arith.constant 4 : i32
        %mul3A_258 = arith.muli %mul3A_257, %scan3A_256 : i32
        %add3A_259 = arith.constant 0 : i32
        %add3A_260 = arith.addi %mul3A_258, %add3A_259 : i32
        %dma_wait3A_261 = arith.constant 0 : i32
        %dma_wait3A_262 = tpu.memref_slice %arg10[%add3A_260, %dma_wait3A_261] : memref<160x125xi32, #tpu.memory_space<vmem>> -> memref<1x125xi32, #tpu.memory_space<vmem>>
        %dma_wait3A_263 = tpu.memref_squeeze %dma_wait3A_262 : memref<1x125xi32, #tpu.memory_space<vmem>> -> memref<125xi32, #tpu.memory_space<vmem>>
        %dma_wait3A_264 = arith.constant 0 : i32
        %dma_wait3A_265 = arith.constant 0 : i32
        %dma_wait3A_266 = tpu.memref_slice %arg2[%dma_wait3A_264, %dma_wait3A_265] : memref<10000x64xf32, #tpu.memory_space<hbm>> -> memref<10000x64xf32, #tpu.memory_space<hbm>>
        tpu.wait_indirect_dma semaphore(%arg18 : memref<!tpu.dma_semaphore, #tpu.memory_space<semaphore_mem>>) src(%dma_wait3A_266 : memref<10000x64xf32, #tpu.memory_space<hbm>>) dst(%arg12 : memref<125x64xf32, #tpu.memory_space<vmem>>)
        %dma_start3A_267 = arith.constant 0 : i32
        %dma_start3A_268 = tpu.memref_slice %arg11[%add3A_260, %dma_start3A_267] : memref<160x125xi32, #tpu.memory_space<vmem>> -> memref<1x125xi32, #tpu.memory_space<vmem>>
        %dma_start3A_269 = tpu.memref_squeeze %dma_start3A_268 : memref<1x125xi32, #tpu.memory_space<vmem>> -> memref<125xi32, #tpu.memory_space<vmem>>
        %dma_start3A_270 = arith.constant 0 : i32
        %dma_start3A_271 = arith.constant 0 : i32
        %dma_start3A_272 = tpu.memref_slice %arg17[%dma_start3A_270, %dma_start3A_271] : memref<10000x64xf32, #tpu.memory_space<vmem_shared>> -> memref<10000x64xf32, #tpu.memory_space<vmem_shared>>
        tpu.enqueue_indirect_dma source(%arg12 : memref<125x64xf32, #tpu.memory_space<vmem>>) target(%dma_start3A_272 : memref<10000x64xf32, #tpu.memory_space<vmem_shared>>) offsets(%dma_start3A_269 : memref<125xi32, #tpu.memory_space<vmem>>) semaphore(%arg22 : memref<!tpu.dma_semaphore, #tpu.memory_space<semaphore_mem>>) {add = true}
        %sub3A = arith.constant 2 : i32
        %sub3A_273 = arith.subi %add3A_260, %sub3A : i32
        %max3A = arith.constant 0 : i32
        %max3A_274 = arith.maxsi %sub3A_273, %max3A : i32
        %dma_wait3A_275 = arith.constant 0 : i32
        %dma_wait3A_276 = tpu.memref_slice %arg11[%max3A_274, %dma_wait3A_275] : memref<160x125xi32, #tpu.memory_space<vmem>> -> memref<1x125xi32, #tpu.memory_space<vmem>>
        %dma_wait3A_277 = tpu.memref_squeeze %dma_wait3A_276 : memref<1x125xi32, #tpu.memory_space<vmem>> -> memref<125xi32, #tpu.memory_space<vmem>>
        %dma_wait3A_278 = arith.constant 0 : i32
        %dma_wait3A_279 = arith.constant 0 : i32
        %dma_wait3A_280 = tpu.memref_slice %arg17[%dma_wait3A_278, %dma_wait3A_279] : memref<10000x64xf32, #tpu.memory_space<vmem_shared>> -> memref<10000x64xf32, #tpu.memory_space<vmem_shared>>
        tpu.wait_indirect_dma semaphore(%arg24 : memref<!tpu.dma_semaphore, #tpu.memory_space<semaphore_mem>>) src(%arg14 : memref<125x64xf32, #tpu.memory_space<vmem>>) dst(%dma_wait3A_280 : memref<10000x64xf32, #tpu.memory_space<vmem_shared>>)
        %add3A_281 = arith.constant 2 : i32
        %add3A_282 = arith.addi %add3A_260, %add3A_281 : i32
        %min3A = arith.constant 159 : i32
        %min3A_283 = arith.minsi %add3A_282, %min3A : i32
        %dma_start3A_284 = arith.constant 0 : i32
        %dma_start3A_285 = tpu.memref_slice %arg10[%min3A_283, %dma_start3A_284] : memref<160x125xi32, #tpu.memory_space<vmem>> -> memref<1x125xi32, #tpu.memory_space<vmem>>
        %dma_start3A_286 = tpu.memref_squeeze %dma_start3A_285 : memref<1x125xi32, #tpu.memory_space<vmem>> -> memref<125xi32, #tpu.memory_space<vmem>>
        %dma_start3A_287 = arith.constant 0 : i32
        %dma_start3A_288 = arith.constant 0 : i32
        %dma_start3A_289 = tpu.memref_slice %arg2[%dma_start3A_287, %dma_start3A_288] : memref<10000x64xf32, #tpu.memory_space<hbm>> -> memref<10000x64xf32, #tpu.memory_space<hbm>>
        tpu.enqueue_indirect_dma source(%dma_start3A_289 : memref<10000x64xf32, #tpu.memory_space<hbm>>) target(%arg14 : memref<125x64xf32, #tpu.memory_space<vmem>>) offsets(%dma_start3A_286 : memref<125xi32, #tpu.memory_space<vmem>>) semaphore(%arg20 : memref<!tpu.dma_semaphore, #tpu.memory_space<semaphore_mem>>)
        %add3A_290 = arith.constant 1 : i32
        %add3A_291 = arith.addi %mul3A_258, %add3A_290 : i32
        %dma_wait3A_292 = arith.constant 0 : i32
        %dma_wait3A_293 = tpu.memref_slice %arg10[%add3A_291, %dma_wait3A_292] : memref<160x125xi32, #tpu.memory_space<vmem>> -> memref<1x125xi32, #tpu.memory_space<vmem>>
        %dma_wait3A_294 = tpu.memref_squeeze %dma_wait3A_293 : memref<1x125xi32, #tpu.memory_space<vmem>> -> memref<125xi32, #tpu.memory_space<vmem>>
        %dma_wait3A_295 = arith.constant 0 : i32
        %dma_wait3A_296 = arith.constant 0 : i32
        %dma_wait3A_297 = tpu.memref_slice %arg2[%dma_wait3A_295, %dma_wait3A_296] : memref<10000x64xf32, #tpu.memory_space<hbm>> -> memref<10000x64xf32, #tpu.memory_space<hbm>>
        tpu.wait_indirect_dma semaphore(%arg19 : memref<!tpu.dma_semaphore, #tpu.memory_space<semaphore_mem>>) src(%dma_wait3A_297 : memref<10000x64xf32, #tpu.memory_space<hbm>>) dst(%arg13 : memref<125x64xf32, #tpu.memory_space<vmem>>)
        %dma_start3A_298 = arith.constant 0 : i32
        %dma_start3A_299 = tpu.memref_slice %arg11[%add3A_291, %dma_start3A_298] : memref<160x125xi32, #tpu.memory_space<vmem>> -> memref<1x125xi32, #tpu.memory_space<vmem>>
        %dma_start3A_300 = tpu.memref_squeeze %dma_start3A_299 : memref<1x125xi32, #tpu.memory_space<vmem>> -> memref<125xi32, #tpu.memory_space<vmem>>
        %dma_start3A_301 = arith.constant 0 : i32
        %dma_start3A_302 = arith.constant 0 : i32
        %dma_start3A_303 = tpu.memref_slice %arg17[%dma_start3A_301, %dma_start3A_302] : memref<10000x64xf32, #tpu.memory_space<vmem_shared>> -> memref<10000x64xf32, #tpu.memory_space<vmem_shared>>
        tpu.enqueue_indirect_dma source(%arg13 : memref<125x64xf32, #tpu.memory_space<vmem>>) target(%dma_start3A_303 : memref<10000x64xf32, #tpu.memory_space<vmem_shared>>) offsets(%dma_start3A_300 : memref<125xi32, #tpu.memory_space<vmem>>) semaphore(%arg23 : memref<!tpu.dma_semaphore, #tpu.memory_space<semaphore_mem>>) {add = true}
        %sub3A_304 = arith.constant 2 : i32
        %sub3A_305 = arith.subi %add3A_291, %sub3A_304 : i32
        %max3A_306 = arith.constant 0 : i32
        %max3A_307 = arith.maxsi %sub3A_305, %max3A_306 : i32
        %dma_wait3A_308 = arith.constant 0 : i32
        %dma_wait3A_309 = tpu.memref_slice %arg11[%max3A_307, %dma_wait3A_308] : memref<160x125xi32, #tpu.memory_space<vmem>> -> memref<1x125xi32, #tpu.memory_space<vmem>>
        %dma_wait3A_310 = tpu.memref_squeeze %dma_wait3A_309 : memref<1x125xi32, #tpu.memory_space<vmem>> -> memref<125xi32, #tpu.memory_space<vmem>>
        %dma_wait3A_311 = arith.constant 0 : i32
        %dma_wait3A_312 = arith.constant 0 : i32
        %dma_wait3A_313 = tpu.memref_slice %arg17[%dma_wait3A_311, %dma_wait3A_312] : memref<10000x64xf32, #tpu.memory_space<vmem_shared>> -> memref<10000x64xf32, #tpu.memory_space<vmem_shared>>
        tpu.wait_indirect_dma semaphore(%arg25 : memref<!tpu.dma_semaphore, #tpu.memory_space<semaphore_mem>>) src(%arg15 : memref<125x64xf32, #tpu.memory_space<vmem>>) dst(%dma_wait3A_313 : memref<10000x64xf32, #tpu.memory_space<vmem_shared>>)
        %add3A_314 = arith.constant 2 : i32
        %add3A_315 = arith.addi %add3A_291, %add3A_314 : i32
        %min3A_316 = arith.constant 159 : i32
        %min3A_317 = arith.minsi %add3A_315, %min3A_316 : i32
        %dma_start3A_318 = arith.constant 0 : i32
        %dma_start3A_319 = tpu.memref_slice %arg10[%min3A_317, %dma_start3A_318] : memref<160x125xi32, #tpu.memory_space<vmem>> -> memref<1x125xi32, #tpu.memory_space<vmem>>
        %dma_start3A_320 = tpu.memref_squeeze %dma_start3A_319 : memref<1x125xi32, #tpu.memory_space<vmem>> -> memref<125xi32, #tpu.memory_space<vmem>>
        %dma_start3A_321 = arith.constant 0 : i32
        %dma_start3A_322 = arith.constant 0 : i32
        %dma_start3A_323 = tpu.memref_slice %arg2[%dma_start3A_321, %dma_start3A_322] : memref<10000x64xf32, #tpu.memory_space<hbm>> -> memref<10000x64xf32, #tpu.memory_space<hbm>>
        tpu.enqueue_indirect_dma source(%dma_start3A_323 : memref<10000x64xf32, #tpu.memory_space<hbm>>) target(%arg15 : memref<125x64xf32, #tpu.memory_space<vmem>>) offsets(%dma_start3A_320 : memref<125xi32, #tpu.memory_space<vmem>>) semaphore(%arg21 : memref<!tpu.dma_semaphore, #tpu.memory_space<semaphore_mem>>)
        %add3A_324 = arith.constant 2 : i32
        %add3A_325 = arith.addi %mul3A_258, %add3A_324 : i32
        %dma_wait3A_326 = arith.constant 0 : i32
        %dma_wait3A_327 = tpu.memref_slice %arg10[%add3A_325, %dma_wait3A_326] : memref<160x125xi32, #tpu.memory_space<vmem>> -> memref<1x125xi32, #tpu.memory_space<vmem>>
        %dma_wait3A_328 = tpu.memref_squeeze %dma_wait3A_327 : memref<1x125xi32, #tpu.memory_space<vmem>> -> memref<125xi32, #tpu.memory_space<vmem>>
        %dma_wait3A_329 = arith.constant 0 : i32
        %dma_wait3A_330 = arith.constant 0 : i32
        %dma_wait3A_331 = tpu.memref_slice %arg2[%dma_wait3A_329, %dma_wait3A_330] : memref<10000x64xf32, #tpu.memory_space<hbm>> -> memref<10000x64xf32, #tpu.memory_space<hbm>>
        tpu.wait_indirect_dma semaphore(%arg20 : memref<!tpu.dma_semaphore, #tpu.memory_space<semaphore_mem>>) src(%dma_wait3A_331 : memref<10000x64xf32, #tpu.memory_space<hbm>>) dst(%arg14 : memref<125x64xf32, #tpu.memory_space<vmem>>)
        %dma_start3A_332 = arith.constant 0 : i32
        %dma_start3A_333 = tpu.memref_slice %arg11[%add3A_325, %dma_start3A_332] : memref<160x125xi32, #tpu.memory_space<vmem>> -> memref<1x125xi32, #tpu.memory_space<vmem>>
        %dma_start3A_334 = tpu.memref_squeeze %dma_start3A_333 : memref<1x125xi32, #tpu.memory_space<vmem>> -> memref<125xi32, #tpu.memory_space<vmem>>
        %dma_start3A_335 = arith.constant 0 : i32
        %dma_start3A_336 = arith.constant 0 : i32
        %dma_start3A_337 = tpu.memref_slice %arg17[%dma_start3A_335, %dma_start3A_336] : memref<10000x64xf32, #tpu.memory_space<vmem_shared>> -> memref<10000x64xf32, #tpu.memory_space<vmem_shared>>
        tpu.enqueue_indirect_dma source(%arg14 : memref<125x64xf32, #tpu.memory_space<vmem>>) target(%dma_start3A_337 : memref<10000x64xf32, #tpu.memory_space<vmem_shared>>) offsets(%dma_start3A_334 : memref<125xi32, #tpu.memory_space<vmem>>) semaphore(%arg24 : memref<!tpu.dma_semaphore, #tpu.memory_space<semaphore_mem>>) {add = true}
        %sub3A_338 = arith.constant 2 : i32
        %sub3A_339 = arith.subi %add3A_325, %sub3A_338 : i32
        %max3A_340 = arith.constant 0 : i32
        %max3A_341 = arith.maxsi %sub3A_339, %max3A_340 : i32
        %dma_wait3A_342 = arith.constant 0 : i32
        %dma_wait3A_343 = tpu.memref_slice %arg11[%max3A_341, %dma_wait3A_342] : memref<160x125xi32, #tpu.memory_space<vmem>> -> memref<1x125xi32, #tpu.memory_space<vmem>>
        %dma_wait3A_344 = tpu.memref_squeeze %dma_wait3A_343 : memref<1x125xi32, #tpu.memory_space<vmem>> -> memref<125xi32, #tpu.memory_space<vmem>>
        %dma_wait3A_345 = arith.constant 0 : i32
        %dma_wait3A_346 = arith.constant 0 : i32
        %dma_wait3A_347 = tpu.memref_slice %arg17[%dma_wait3A_345, %dma_wait3A_346] : memref<10000x64xf32, #tpu.memory_space<vmem_shared>> -> memref<10000x64xf32, #tpu.memory_space<vmem_shared>>
        tpu.wait_indirect_dma semaphore(%arg22 : memref<!tpu.dma_semaphore, #tpu.memory_space<semaphore_mem>>) src(%arg12 : memref<125x64xf32, #tpu.memory_space<vmem>>) dst(%dma_wait3A_347 : memref<10000x64xf32, #tpu.memory_space<vmem_shared>>)
        %add3A_348 = arith.constant 2 : i32
        %add3A_349 = arith.addi %add3A_325, %add3A_348 : i32
        %min3A_350 = arith.constant 159 : i32
        %min3A_351 = arith.minsi %add3A_349, %min3A_350 : i32
        %dma_start3A_352 = arith.constant 0 : i32
        %dma_start3A_353 = tpu.memref_slice %arg10[%min3A_351, %dma_start3A_352] : memref<160x125xi32, #tpu.memory_space<vmem>> -> memref<1x125xi32, #tpu.memory_space<vmem>>
        %dma_start3A_354 = tpu.memref_squeeze %dma_start3A_353 : memref<1x125xi32, #tpu.memory_space<vmem>> -> memref<125xi32, #tpu.memory_space<vmem>>
        %dma_start3A_355 = arith.constant 0 : i32
        %dma_start3A_356 = arith.constant 0 : i32
        %dma_start3A_357 = tpu.memref_slice %arg2[%dma_start3A_355, %dma_start3A_356] : memref<10000x64xf32, #tpu.memory_space<hbm>> -> memref<10000x64xf32, #tpu.memory_space<hbm>>
        tpu.enqueue_indirect_dma source(%dma_start3A_357 : memref<10000x64xf32, #tpu.memory_space<hbm>>) target(%arg12 : memref<125x64xf32, #tpu.memory_space<vmem>>) offsets(%dma_start3A_354 : memref<125xi32, #tpu.memory_space<vmem>>) semaphore(%arg18 : memref<!tpu.dma_semaphore, #tpu.memory_space<semaphore_mem>>)
        %add3A_358 = arith.constant 3 : i32
        %add3A_359 = arith.addi %mul3A_258, %add3A_358 : i32
        %dma_wait3A_360 = arith.constant 0 : i32
        %dma_wait3A_361 = tpu.memref_slice %arg10[%add3A_359, %dma_wait3A_360] : memref<160x125xi32, #tpu.memory_space<vmem>> -> memref<1x125xi32, #tpu.memory_space<vmem>>
        %dma_wait3A_362 = tpu.memref_squeeze %dma_wait3A_361 : memref<1x125xi32, #tpu.memory_space<vmem>> -> memref<125xi32, #tpu.memory_space<vmem>>
        %dma_wait3A_363 = arith.constant 0 : i32
        %dma_wait3A_364 = arith.constant 0 : i32
        %dma_wait3A_365 = tpu.memref_slice %arg2[%dma_wait3A_363, %dma_wait3A_364] : memref<10000x64xf32, #tpu.memory_space<hbm>> -> memref<10000x64xf32, #tpu.memory_space<hbm>>
        tpu.wait_indirect_dma semaphore(%arg21 : memref<!tpu.dma_semaphore, #tpu.memory_space<semaphore_mem>>) src(%dma_wait3A_365 : memref<10000x64xf32, #tpu.memory_space<hbm>>) dst(%arg15 : memref<125x64xf32, #tpu.memory_space<vmem>>)
        %dma_start3A_366 = arith.constant 0 : i32
        %dma_start3A_367 = tpu.memref_slice %arg11[%add3A_359, %dma_start3A_366] : memref<160x125xi32, #tpu.memory_space<vmem>> -> memref<1x125xi32, #tpu.memory_space<vmem>>
        %dma_start3A_368 = tpu.memref_squeeze %dma_start3A_367 : memref<1x125xi32, #tpu.memory_space<vmem>> -> memref<125xi32, #tpu.memory_space<vmem>>
        %dma_start3A_369 = arith.constant 0 : i32
        %dma_start3A_370 = arith.constant 0 : i32
        %dma_start3A_371 = tpu.memref_slice %arg17[%dma_start3A_369, %dma_start3A_370] : memref<10000x64xf32, #tpu.memory_space<vmem_shared>> -> memref<10000x64xf32, #tpu.memory_space<vmem_shared>>
        tpu.enqueue_indirect_dma source(%arg15 : memref<125x64xf32, #tpu.memory_space<vmem>>) target(%dma_start3A_371 : memref<10000x64xf32, #tpu.memory_space<vmem_shared>>) offsets(%dma_start3A_368 : memref<125xi32, #tpu.memory_space<vmem>>) semaphore(%arg25 : memref<!tpu.dma_semaphore, #tpu.memory_space<semaphore_mem>>) {add = true}
        %sub3A_372 = arith.constant 2 : i32
        %sub3A_373 = arith.subi %add3A_359, %sub3A_372 : i32
        %max3A_374 = arith.constant 0 : i32
        %max3A_375 = arith.maxsi %sub3A_373, %max3A_374 : i32
        %dma_wait3A_376 = arith.constant 0 : i32
        %dma_wait3A_377 = tpu.memref_slice %arg11[%max3A_375, %dma_wait3A_376] : memref<160x125xi32, #tpu.memory_space<vmem>> -> memref<1x125xi32, #tpu.memory_space<vmem>>
        %dma_wait3A_378 = tpu.memref_squeeze %dma_wait3A_377 : memref<1x125xi32, #tpu.memory_space<vmem>> -> memref<125xi32, #tpu.memory_space<vmem>>
        %dma_wait3A_379 = arith.constant 0 : i32
        %dma_wait3A_380 = arith.constant 0 : i32
        %dma_wait3A_381 = tpu.memref_slice %arg17[%dma_wait3A_379, %dma_wait3A_380] : memref<10000x64xf32, #tpu.memory_space<vmem_shared>> -> memref<10000x64xf32, #tpu.memory_space<vmem_shared>>
        tpu.wait_indirect_dma semaphore(%arg23 : memref<!tpu.dma_semaphore, #tpu.memory_space<semaphore_mem>>) src(%arg13 : memref<125x64xf32, #tpu.memory_space<vmem>>) dst(%dma_wait3A_381 : memref<10000x64xf32, #tpu.memory_space<vmem_shared>>)
        %add3A_382 = arith.constant 2 : i32
        %add3A_383 = arith.addi %add3A_359, %add3A_382 : i32
        %min3A_384 = arith.constant 159 : i32
        %min3A_385 = arith.minsi %add3A_383, %min3A_384 : i32
        %dma_start3A_386 = arith.constant 0 : i32
        %dma_start3A_387 = tpu.memref_slice %arg10[%min3A_385, %dma_start3A_386] : memref<160x125xi32, #tpu.memory_space<vmem>> -> memref<1x125xi32, #tpu.memory_space<vmem>>
        %dma_start3A_388 = tpu.memref_squeeze %dma_start3A_387 : memref<1x125xi32, #tpu.memory_space<vmem>> -> memref<125xi32, #tpu.memory_space<vmem>>
        %dma_start3A_389 = arith.constant 0 : i32
        %dma_start3A_390 = arith.constant 0 : i32
        %dma_start3A_391 = tpu.memref_slice %arg2[%dma_start3A_389, %dma_start3A_390] : memref<10000x64xf32, #tpu.memory_space<hbm>> -> memref<10000x64xf32, #tpu.memory_space<hbm>>
        tpu.enqueue_indirect_dma source(%dma_start3A_391 : memref<10000x64xf32, #tpu.memory_space<hbm>>) target(%arg13 : memref<125x64xf32, #tpu.memory_space<vmem>>) offsets(%dma_start3A_388 : memref<125xi32, #tpu.memory_space<vmem>>) semaphore(%arg19 : memref<!tpu.dma_semaphore, #tpu.memory_space<semaphore_mem>>)
      }
      %scan3A_94 = arith.constant 40 : i32
      %dma_wait3A_95 = arith.constant 159 : i32
      %dma_wait3A_96 = arith.constant 0 : i32
      %dma_wait3A_97 = tpu.memref_slice %arg10[%dma_wait3A_95, %dma_wait3A_96] : memref<160x125xi32, #tpu.memory_space<vmem>> -> memref<1x125xi32, #tpu.memory_space<vmem>>
      %dma_wait3A_98 = tpu.memref_squeeze %dma_wait3A_97 : memref<1x125xi32, #tpu.memory_space<vmem>> -> memref<125xi32, #tpu.memory_space<vmem>>
      %dma_wait3A_99 = arith.constant 0 : i32
      %dma_wait3A_100 = arith.constant 0 : i32
      %dma_wait3A_101 = tpu.memref_slice %arg2[%dma_wait3A_99, %dma_wait3A_100] : memref<10000x64xf32, #tpu.memory_space<hbm>> -> memref<10000x64xf32, #tpu.memory_space<hbm>>
      tpu.wait_indirect_dma semaphore(%arg18 : memref<!tpu.dma_semaphore, #tpu.memory_space<semaphore_mem>>) src(%dma_wait3A_101 : memref<10000x64xf32, #tpu.memory_space<hbm>>) dst(%arg12 : memref<125x64xf32, #tpu.memory_space<vmem>>)
      %dma_wait3A_102 = arith.constant 159 : i32
      %dma_wait3A_103 = arith.constant 0 : i32
      %dma_wait3A_104 = tpu.memref_slice %arg10[%dma_wait3A_102, %dma_wait3A_103] : memref<160x125xi32, #tpu.memory_space<vmem>> -> memref<1x125xi32, #tpu.memory_space<vmem>>
      %dma_wait3A_105 = tpu.memref_squeeze %dma_wait3A_104 : memref<1x125xi32, #tpu.memory_space<vmem>> -> memref<125xi32, #tpu.memory_space<vmem>>
      %dma_wait3A_106 = arith.constant 0 : i32
      %dma_wait3A_107 = arith.constant 0 : i32
      %dma_wait3A_108 = tpu.memref_slice %arg2[%dma_wait3A_106, %dma_wait3A_107] : memref<10000x64xf32, #tpu.memory_space<hbm>> -> memref<10000x64xf32, #tpu.memory_space<hbm>>
      tpu.wait_indirect_dma semaphore(%arg19 : memref<!tpu.dma_semaphore, #tpu.memory_space<semaphore_mem>>) src(%dma_wait3A_108 : memref<10000x64xf32, #tpu.memory_space<hbm>>) dst(%arg13 : memref<125x64xf32, #tpu.memory_space<vmem>>)
      %dma_wait3A_109 = arith.constant 158 : i32
      %dma_wait3A_110 = arith.constant 0 : i32
      %dma_wait3A_111 = tpu.memref_slice %arg11[%dma_wait3A_109, %dma_wait3A_110] : memref<160x125xi32, #tpu.memory_space<vmem>> -> memref<1x125xi32, #tpu.memory_space<vmem>>
      %dma_wait3A_112 = tpu.memref_squeeze %dma_wait3A_111 : memref<1x125xi32, #tpu.memory_space<vmem>> -> memref<125xi32, #tpu.memory_space<vmem>>
      %dma_wait3A_113 = arith.constant 0 : i32
      %dma_wait3A_114 = arith.constant 0 : i32
      %dma_wait3A_115 = tpu.memref_slice %arg17[%dma_wait3A_113, %dma_wait3A_114] : memref<10000x64xf32, #tpu.memory_space<vmem_shared>> -> memref<10000x64xf32, #tpu.memory_space<vmem_shared>>
      tpu.wait_indirect_dma semaphore(%arg24 : memref<!tpu.dma_semaphore, #tpu.memory_space<semaphore_mem>>) src(%arg14 : memref<125x64xf32, #tpu.memory_space<vmem>>) dst(%dma_wait3A_115 : memref<10000x64xf32, #tpu.memory_space<vmem_shared>>)
      %dma_wait3A_116 = arith.constant 159 : i32
      %dma_wait3A_117 = arith.constant 0 : i32
      %dma_wait3A_118 = tpu.memref_slice %arg11[%dma_wait3A_116, %dma_wait3A_117] : memref<160x125xi32, #tpu.memory_space<vmem>> -> memref<1x125xi32, #tpu.memory_space<vmem>>
      %dma_wait3A_119 = tpu.memref_squeeze %dma_wait3A_118 : memref<1x125xi32, #tpu.memory_space<vmem>> -> memref<125xi32, #tpu.memory_space<vmem>>
      %dma_wait3A_120 = arith.constant 0 : i32
      %dma_wait3A_121 = arith.constant 0 : i32
      %dma_wait3A_122 = tpu.memref_slice %arg17[%dma_wait3A_120, %dma_wait3A_121] : memref<10000x64xf32, #tpu.memory_space<vmem_shared>> -> memref<10000x64xf32, #tpu.memory_space<vmem_shared>>
      tpu.wait_indirect_dma semaphore(%arg25 : memref<!tpu.dma_semaphore, #tpu.memory_space<semaphore_mem>>) src(%arg15 : memref<125x64xf32, #tpu.memory_space<vmem>>) dst(%dma_wait3A_122 : memref<10000x64xf32, #tpu.memory_space<vmem_shared>>)
      %barrier3A_123 = arith.constant 0 : index
      tpu.barrier barrier_id(%barrier3A_123)
      %mul3A_124 = arith.constant 624 : i32
      %mul3A_125 = arith.muli %arg1, %mul3A_124 : i32
      "tpu.region"() ({
        %run_scoped3A = tpu.sem_alloc : memref<!tpu.dma_semaphore, #tpu.memory_space<semaphore_mem>>
        %dma_start3A_256 = arith.constant 0 : i32
        %dma_start3A_257 = tpu.memref_slice %arg8[%arg0, %mul3A_125, %dma_start3A_256] : memref<2x10000x64xf32, #tpu.memory_space<hbm>> -> memref<1x624x64xf32, #tpu.memory_space<hbm>>
        %dma_start3A_258 = tpu.memref_squeeze %dma_start3A_257 : memref<1x624x64xf32, #tpu.memory_space<hbm>> -> memref<624x64xf32, #tpu.memory_space<hbm>>
        %dma_start3A_259 = arith.constant 0 : i32
        %dma_start3A_260 = tpu.memref_slice %arg17[%mul3A_125, %dma_start3A_259] : memref<10000x64xf32, #tpu.memory_space<vmem_shared>> -> memref<624x64xf32, #tpu.memory_space<vmem_shared>>
        tpu.enqueue_dma source(%dma_start3A_260 : memref<624x64xf32, #tpu.memory_space<vmem_shared>>) target(%dma_start3A_258 : memref<624x64xf32, #tpu.memory_space<hbm>>) target_semaphore(%run_scoped3A : memref<!tpu.dma_semaphore, #tpu.memory_space<semaphore_mem>>)
        %dma_wait3A_261 = arith.constant 0 : i32
        %dma_wait3A_262 = tpu.memref_slice %arg8[%arg0, %mul3A_125, %dma_wait3A_261] : memref<2x10000x64xf32, #tpu.memory_space<hbm>> -> memref<1x624x64xf32, #tpu.memory_space<hbm>>
        %dma_wait3A_263 = tpu.memref_squeeze %dma_wait3A_262 : memref<1x624x64xf32, #tpu.memory_space<hbm>> -> memref<624x64xf32, #tpu.memory_space<hbm>>
        %dma_wait3A_264 = arith.constant 0 : i32
        %dma_wait3A_265 = tpu.memref_slice %arg17[%mul3A_125, %dma_wait3A_264] : memref<10000x64xf32, #tpu.memory_space<vmem_shared>> -> memref<624x64xf32, #tpu.memory_space<vmem_shared>>
        tpu.wait_dma2 semaphore(%run_scoped3A : memref<!tpu.dma_semaphore, #tpu.memory_space<semaphore_mem>>) src(%dma_wait3A_265 : memref<624x64xf32, #tpu.memory_space<vmem_shared>>) dst(%dma_wait3A_263 : memref<624x64xf32, #tpu.memory_space<hbm>>)
        tpu.yield
      }) : () -> ()
      %eq3A_126 = arith.constant 15 : i32
      %eq3A_127 = arith.cmpi eq, %arg1, %eq3A_126 : i32
      %convert_element_type3A_128 = arith.extui %eq3A_127 : i1 to i32
      %cond3A_129 = arith.constant 0 : i32
      %cond3A_130 = arith.cmpi ne, %convert_element_type3A_128, %cond3A_129 : i32
      scf.if %cond3A_130 {
        "tpu.region"() ({
          %run_scoped3A = tpu.sem_alloc : memref<!tpu.dma_semaphore, #tpu.memory_space<semaphore_mem>>
          %dma_start3A_256 = arith.constant 9984 : i32
          %dma_start3A_257 = arith.constant 0 : i32
          %dma_start3A_258 = tpu.memref_slice %arg8[%arg0, %dma_start3A_256, %dma_start3A_257] : memref<2x10000x64xf32, #tpu.memory_space<hbm>> -> memref<1x16x64xf32, #tpu.memory_space<hbm>>
          %dma_start3A_259 = tpu.memref_squeeze %dma_start3A_258 : memref<1x16x64xf32, #tpu.memory_space<hbm>> -> memref<16x64xf32, #tpu.memory_space<hbm>>
          %dma_start3A_260 = arith.constant 9984 : i32
          %dma_start3A_261 = arith.constant 0 : i32
          %dma_start3A_262 = tpu.memref_slice %arg17[%dma_start3A_260, %dma_start3A_261] : memref<10000x64xf32, #tpu.memory_space<vmem_shared>> -> memref<16x64xf32, #tpu.memory_space<vmem_shared>>
          tpu.enqueue_dma source(%dma_start3A_262 : memref<16x64xf32, #tpu.memory_space<vmem_shared>>) target(%dma_start3A_259 : memref<16x64xf32, #tpu.memory_space<hbm>>) target_semaphore(%run_scoped3A : memref<!tpu.dma_semaphore, #tpu.memory_space<semaphore_mem>>)
          %dma_wait3A_263 = arith.constant 9984 : i32
          %dma_wait3A_264 = arith.constant 0 : i32
          %dma_wait3A_265 = tpu.memref_slice %arg8[%arg0, %dma_wait3A_263, %dma_wait3A_264] : memref<2x10000x64xf32, #tpu.memory_space<hbm>> -> memref<1x16x64xf32, #tpu.memory_space<hbm>>
          %dma_wait3A_266 = tpu.memref_squeeze %dma_wait3A_265 : memref<1x16x64xf32, #tpu.memory_space<hbm>> -> memref<16x64xf32, #tpu.memory_space<hbm>>
          %dma_wait3A_267 = arith.constant 9984 : i32
          %dma_wait3A_268 = arith.constant 0 : i32
          %dma_wait3A_269 = tpu.memref_slice %arg17[%dma_wait3A_267, %dma_wait3A_268] : memref<10000x64xf32, #tpu.memory_space<vmem_shared>> -> memref<16x64xf32, #tpu.memory_space<vmem_shared>>
          tpu.wait_dma2 semaphore(%run_scoped3A : memref<!tpu.dma_semaphore, #tpu.memory_space<semaphore_mem>>) src(%dma_wait3A_269 : memref<16x64xf32, #tpu.memory_space<vmem_shared>>) dst(%dma_wait3A_266 : memref<16x64xf32, #tpu.memory_space<hbm>>)
          tpu.yield
        }) : () -> ()
      } else {
      }
      %barrier3A_131 = arith.constant 0 : index
      tpu.barrier barrier_id(%barrier3A_131)
      %mul3A_132 = arith.constant 625 : i32
      %mul3A_133 = arith.muli %arg1, %mul3A_132 : i32
      %add3A_134 = arith.constant 0 : i32
      %add3A_135 = arith.addi %mul3A_133, %add3A_134 : i32
      %dma_start3A_136 = arith.constant 0 : i32
      %dma_start3A_137 = tpu.memref_slice %arg17[%add3A_135, %dma_start3A_136] : memref<10000x64xf32, #tpu.memory_space<vmem_shared>> -> memref<125x64xf32, #tpu.memory_space<vmem_shared>>
      %dma_start3A_138 = arith.constant 0 : i32
      %dma_start3A_139 = tpu.memref_slice %arg17[%add3A_135, %dma_start3A_138] : memref<10000x64xf32, #tpu.memory_space<vmem_shared>> -> memref<125x64xf32, #tpu.memory_space<vmem_shared>>
      tpu.enqueue_dma source(%arg16 : memref<125x64xf32, #tpu.memory_space<vmem>>) target(%dma_start3A_139 : memref<125x64xf32, #tpu.memory_space<vmem_shared>>) target_semaphore(%arg18 : memref<!tpu.dma_semaphore, #tpu.memory_space<semaphore_mem>>)
      %add3A_140 = arith.constant 125 : i32
      %add3A_141 = arith.addi %mul3A_133, %add3A_140 : i32
      %dma_start3A_142 = arith.constant 0 : i32
      %dma_start3A_143 = tpu.memref_slice %arg17[%add3A_141, %dma_start3A_142] : memref<10000x64xf32, #tpu.memory_space<vmem_shared>> -> memref<125x64xf32, #tpu.memory_space<vmem_shared>>
      %dma_start3A_144 = arith.constant 0 : i32
      %dma_start3A_145 = tpu.memref_slice %arg17[%add3A_141, %dma_start3A_144] : memref<10000x64xf32, #tpu.memory_space<vmem_shared>> -> memref<125x64xf32, #tpu.memory_space<vmem_shared>>
      tpu.enqueue_dma source(%arg16 : memref<125x64xf32, #tpu.memory_space<vmem>>) target(%dma_start3A_145 : memref<125x64xf32, #tpu.memory_space<vmem_shared>>) target_semaphore(%arg18 : memref<!tpu.dma_semaphore, #tpu.memory_space<semaphore_mem>>)
      %add3A_146 = arith.constant 250 : i32
      %add3A_147 = arith.addi %mul3A_133, %add3A_146 : i32
      %dma_start3A_148 = arith.constant 0 : i32
      %dma_start3A_149 = tpu.memref_slice %arg17[%add3A_147, %dma_start3A_148] : memref<10000x64xf32, #tpu.memory_space<vmem_shared>> -> memref<125x64xf32, #tpu.memory_space<vmem_shared>>
      %dma_start3A_150 = arith.constant 0 : i32
      %dma_start3A_151 = tpu.memref_slice %arg17[%add3A_147, %dma_start3A_150] : memref<10000x64xf32, #tpu.memory_space<vmem_shared>> -> memref<125x64xf32, #tpu.memory_space<vmem_shared>>
      tpu.enqueue_dma source(%arg16 : memref<125x64xf32, #tpu.memory_space<vmem>>) target(%dma_start3A_151 : memref<125x64xf32, #tpu.memory_space<vmem_shared>>) target_semaphore(%arg18 : memref<!tpu.dma_semaphore, #tpu.memory_space<semaphore_mem>>)
      %add3A_152 = arith.constant 375 : i32
      %add3A_153 = arith.addi %mul3A_133, %add3A_152 : i32
      %dma_start3A_154 = arith.constant 0 : i32
      %dma_start3A_155 = tpu.memref_slice %arg17[%add3A_153, %dma_start3A_154] : memref<10000x64xf32, #tpu.memory_space<vmem_shared>> -> memref<125x64xf32, #tpu.memory_space<vmem_shared>>
      %dma_start3A_156 = arith.constant 0 : i32
      %dma_start3A_157 = tpu.memref_slice %arg17[%add3A_153, %dma_start3A_156] : memref<10000x64xf32, #tpu.memory_space<vmem_shared>> -> memref<125x64xf32, #tpu.memory_space<vmem_shared>>
      tpu.enqueue_dma source(%arg16 : memref<125x64xf32, #tpu.memory_space<vmem>>) target(%dma_start3A_157 : memref<125x64xf32, #tpu.memory_space<vmem_shared>>) target_semaphore(%arg18 : memref<!tpu.dma_semaphore, #tpu.memory_space<semaphore_mem>>)
      %add3A_158 = arith.constant 500 : i32
      %add3A_159 = arith.addi %mul3A_133, %add3A_158 : i32
      %dma_start3A_160 = arith.constant 0 : i32
      %dma_start3A_161 = tpu.memref_slice %arg17[%add3A_159, %dma_start3A_160] : memref<10000x64xf32, #tpu.memory_space<vmem_shared>> -> memref<125x64xf32, #tpu.memory_space<vmem_shared>>
      %dma_start3A_162 = arith.constant 0 : i32
      %dma_start3A_163 = tpu.memref_slice %arg17[%add3A_159, %dma_start3A_162] : memref<10000x64xf32, #tpu.memory_space<vmem_shared>> -> memref<125x64xf32, #tpu.memory_space<vmem_shared>>
      tpu.enqueue_dma source(%arg16 : memref<125x64xf32, #tpu.memory_space<vmem>>) target(%dma_start3A_163 : memref<125x64xf32, #tpu.memory_space<vmem_shared>>) target_semaphore(%arg18 : memref<!tpu.dma_semaphore, #tpu.memory_space<semaphore_mem>>)
      %dma_wait3A_164 = arith.constant 0 : i32
      %dma_wait3A_165 = tpu.memref_slice %arg17[%mul3A_133, %dma_wait3A_164] : memref<10000x64xf32, #tpu.memory_space<vmem_shared>> -> memref<125x64xf32, #tpu.memory_space<vmem_shared>>
      %dma_wait3A_166 = arith.constant 0 : i32
      %dma_wait3A_167 = tpu.memref_slice %arg17[%mul3A_133, %dma_wait3A_166] : memref<10000x64xf32, #tpu.memory_space<vmem_shared>> -> memref<125x64xf32, #tpu.memory_space<vmem_shared>>
      tpu.wait_dma2 semaphore(%arg18 : memref<!tpu.dma_semaphore, #tpu.memory_space<semaphore_mem>>) src(%arg16 : memref<125x64xf32, #tpu.memory_space<vmem>>) dst(%dma_wait3A_167 : memref<125x64xf32, #tpu.memory_space<vmem_shared>>)
      %dma_wait3A_168 = arith.constant 0 : i32
      %dma_wait3A_169 = tpu.memref_slice %arg17[%mul3A_133, %dma_wait3A_168] : memref<10000x64xf32, #tpu.memory_space<vmem_shared>> -> memref<125x64xf32, #tpu.memory_space<vmem_shared>>
      %dma_wait3A_170 = arith.constant 0 : i32
      %dma_wait3A_171 = tpu.memref_slice %arg17[%mul3A_133, %dma_wait3A_170] : memref<10000x64xf32, #tpu.memory_space<vmem_shared>> -> memref<125x64xf32, #tpu.memory_space<vmem_shared>>
      tpu.wait_dma2 semaphore(%arg18 : memref<!tpu.dma_semaphore, #tpu.memory_space<semaphore_mem>>) src(%arg16 : memref<125x64xf32, #tpu.memory_space<vmem>>) dst(%dma_wait3A_171 : memref<125x64xf32, #tpu.memory_space<vmem_shared>>)
      %dma_wait3A_172 = arith.constant 0 : i32
      %dma_wait3A_173 = tpu.memref_slice %arg17[%mul3A_133, %dma_wait3A_172] : memref<10000x64xf32, #tpu.memory_space<vmem_shared>> -> memref<125x64xf32, #tpu.memory_space<vmem_shared>>
      %dma_wait3A_174 = arith.constant 0 : i32
      %dma_wait3A_175 = tpu.memref_slice %arg17[%mul3A_133, %dma_wait3A_174] : memref<10000x64xf32, #tpu.memory_space<vmem_shared>> -> memref<125x64xf32, #tpu.memory_space<vmem_shared>>
      tpu.wait_dma2 semaphore(%arg18 : memref<!tpu.dma_semaphore, #tpu.memory_space<semaphore_mem>>) src(%arg16 : memref<125x64xf32, #tpu.memory_space<vmem>>) dst(%dma_wait3A_175 : memref<125x64xf32, #tpu.memory_space<vmem_shared>>)
      %dma_wait3A_176 = arith.constant 0 : i32
      %dma_wait3A_177 = tpu.memref_slice %arg17[%mul3A_133, %dma_wait3A_176] : memref<10000x64xf32, #tpu.memory_space<vmem_shared>> -> memref<125x64xf32, #tpu.memory_space<vmem_shared>>
      %dma_wait3A_178 = arith.constant 0 : i32
      %dma_wait3A_179 = tpu.memref_slice %arg17[%mul3A_133, %dma_wait3A_178] : memref<10000x64xf32, #tpu.memory_space<vmem_shared>> -> memref<125x64xf32, #tpu.memory_space<vmem_shared>>
      tpu.wait_dma2 semaphore(%arg18 : memref<!tpu.dma_semaphore, #tpu.memory_space<semaphore_mem>>) src(%arg16 : memref<125x64xf32, #tpu.memory_space<vmem>>) dst(%dma_wait3A_179 : memref<125x64xf32, #tpu.memory_space<vmem_shared>>)
      %dma_wait3A_180 = arith.constant 0 : i32
      %dma_wait3A_181 = tpu.memref_slice %arg17[%mul3A_133, %dma_wait3A_180] : memref<10000x64xf32, #tpu.memory_space<vmem_shared>> -> memref<125x64xf32, #tpu.memory_space<vmem_shared>>
      %dma_wait3A_182 = arith.constant 0 : i32
      %dma_wait3A_183 = tpu.memref_slice %arg17[%mul3A_133, %dma_wait3A_182] : memref<10000x64xf32, #tpu.memory_space<vmem_shared>> -> memref<125x64xf32, #tpu.memory_space<vmem_shared>>
      tpu.wait_dma2 semaphore(%arg18 : memref<!tpu.dma_semaphore, #tpu.memory_space<semaphore_mem>>) src(%arg16 : memref<125x64xf32, #tpu.memory_space<vmem>>) dst(%dma_wait3A_183 : memref<125x64xf32, #tpu.memory_space<vmem_shared>>)
      %barrier3A_184 = arith.constant 0 : index
      tpu.barrier barrier_id(%barrier3A_184)
      %dma_start3A_185 = arith.constant 0 : i32
      %dma_start3A_186 = arith.constant 0 : i32
      %dma_start3A_187 = tpu.memref_slice %arg10[%dma_start3A_185, %dma_start3A_186] : memref<160x125xi32, #tpu.memory_space<vmem>> -> memref<1x125xi32, #tpu.memory_space<vmem>>
      %dma_start3A_188 = tpu.memref_squeeze %dma_start3A_187 : memref<1x125xi32, #tpu.memory_space<vmem>> -> memref<125xi32, #tpu.memory_space<vmem>>
      %dma_start3A_189 = arith.constant 0 : i32
      %dma_start3A_190 = arith.constant 0 : i32
      %dma_start3A_191 = tpu.memref_slice %arg3[%dma_start3A_189, %dma_start3A_190] : memref<10000x64xf32, #tpu.memory_space<hbm>> -> memref<10000x64xf32, #tpu.memory_space<hbm>>
      tpu.enqueue_indirect_dma source(%dma_start3A_191 : memref<10000x64xf32, #tpu.memory_space<hbm>>) target(%arg12 : memref<125x64xf32, #tpu.memory_space<vmem>>) offsets(%dma_start3A_188 : memref<125xi32, #tpu.memory_space<vmem>>) semaphore(%arg18 : memref<!tpu.dma_semaphore, #tpu.memory_space<semaphore_mem>>)
      %dma_start3A_192 = arith.constant 1 : i32
      %dma_start3A_193 = arith.constant 0 : i32
      %dma_start3A_194 = tpu.memref_slice %arg10[%dma_start3A_192, %dma_start3A_193] : memref<160x125xi32, #tpu.memory_space<vmem>> -> memref<1x125xi32, #tpu.memory_space<vmem>>
      %dma_start3A_195 = tpu.memref_squeeze %dma_start3A_194 : memref<1x125xi32, #tpu.memory_space<vmem>> -> memref<125xi32, #tpu.memory_space<vmem>>
      %dma_start3A_196 = arith.constant 0 : i32
      %dma_start3A_197 = arith.constant 0 : i32
      %dma_start3A_198 = tpu.memref_slice %arg3[%dma_start3A_196, %dma_start3A_197] : memref<10000x64xf32, #tpu.memory_space<hbm>> -> memref<10000x64xf32, #tpu.memory_space<hbm>>
      tpu.enqueue_indirect_dma source(%dma_start3A_198 : memref<10000x64xf32, #tpu.memory_space<hbm>>) target(%arg13 : memref<125x64xf32, #tpu.memory_space<vmem>>) offsets(%dma_start3A_195 : memref<125xi32, #tpu.memory_space<vmem>>) semaphore(%arg19 : memref<!tpu.dma_semaphore, #tpu.memory_space<semaphore_mem>>)
      %dma_start3A_199 = arith.constant 0 : i32
      %dma_start3A_200 = arith.constant 0 : i32
      %dma_start3A_201 = tpu.memref_slice %arg11[%dma_start3A_199, %dma_start3A_200] : memref<160x125xi32, #tpu.memory_space<vmem>> -> memref<1x125xi32, #tpu.memory_space<vmem>>
      %dma_start3A_202 = tpu.memref_squeeze %dma_start3A_201 : memref<1x125xi32, #tpu.memory_space<vmem>> -> memref<125xi32, #tpu.memory_space<vmem>>
      %dma_start3A_203 = arith.constant 0 : i32
      %dma_start3A_204 = arith.constant 0 : i32
      %dma_start3A_205 = tpu.memref_slice %arg17[%dma_start3A_203, %dma_start3A_204] : memref<10000x64xf32, #tpu.memory_space<vmem_shared>> -> memref<10000x64xf32, #tpu.memory_space<vmem_shared>>
      tpu.enqueue_indirect_dma source(%arg16 : memref<125x64xf32, #tpu.memory_space<vmem>>) target(%dma_start3A_205 : memref<10000x64xf32, #tpu.memory_space<vmem_shared>>) offsets(%dma_start3A_202 : memref<125xi32, #tpu.memory_space<vmem>>) semaphore(%arg24 : memref<!tpu.dma_semaphore, #tpu.memory_space<semaphore_mem>>) {add = true}
      %dma_start3A_206 = arith.constant 0 : i32
      %dma_start3A_207 = arith.constant 0 : i32
      %dma_start3A_208 = tpu.memref_slice %arg11[%dma_start3A_206, %dma_start3A_207] : memref<160x125xi32, #tpu.memory_space<vmem>> -> memref<1x125xi32, #tpu.memory_space<vmem>>
      %dma_start3A_209 = tpu.memref_squeeze %dma_start3A_208 : memref<1x125xi32, #tpu.memory_space<vmem>> -> memref<125xi32, #tpu.memory_space<vmem>>
      %dma_start3A_210 = arith.constant 0 : i32
      %dma_start3A_211 = arith.constant 0 : i32
      %dma_start3A_212 = tpu.memref_slice %arg17[%dma_start3A_210, %dma_start3A_211] : memref<10000x64xf32, #tpu.memory_space<vmem_shared>> -> memref<10000x64xf32, #tpu.memory_space<vmem_shared>>
      tpu.enqueue_indirect_dma source(%arg16 : memref<125x64xf32, #tpu.memory_space<vmem>>) target(%dma_start3A_212 : memref<10000x64xf32, #tpu.memory_space<vmem_shared>>) offsets(%dma_start3A_209 : memref<125xi32, #tpu.memory_space<vmem>>) semaphore(%arg25 : memref<!tpu.dma_semaphore, #tpu.memory_space<semaphore_mem>>) {add = true}
      %scan3A_213 = arith.constant 0 : i32
      %scan3A_214 = arith.constant 0 : i32
      %scan3A_215 = arith.constant 40 : i32
      %scan3A_216 = arith.addi %scan3A_214, %scan3A_215 : i32
      %scan3A_217 = arith.constant 1 : i32
      scf.for %scan3A_256 = %scan3A_214 to %scan3A_216 step %scan3A_217  : i32 {
        %mul3A_257 = arith.constant 4 : i32
        %mul3A_258 = arith.muli %mul3A_257, %scan3A_256 : i32
        %add3A_259 = arith.constant 0 : i32
        %add3A_260 = arith.addi %mul3A_258, %add3A_259 : i32
        %dma_wait3A_261 = arith.constant 0 : i32
        %dma_wait3A_262 = tpu.memref_slice %arg10[%add3A_260, %dma_wait3A_261] : memref<160x125xi32, #tpu.memory_space<vmem>> -> memref<1x125xi32, #tpu.memory_space<vmem>>
        %dma_wait3A_263 = tpu.memref_squeeze %dma_wait3A_262 : memref<1x125xi32, #tpu.memory_space<vmem>> -> memref<125xi32, #tpu.memory_space<vmem>>
        %dma_wait3A_264 = arith.constant 0 : i32
        %dma_wait3A_265 = arith.constant 0 : i32
        %dma_wait3A_266 = tpu.memref_slice %arg3[%dma_wait3A_264, %dma_wait3A_265] : memref<10000x64xf32, #tpu.memory_space<hbm>> -> memref<10000x64xf32, #tpu.memory_space<hbm>>
        tpu.wait_indirect_dma semaphore(%arg18 : memref<!tpu.dma_semaphore, #tpu.memory_space<semaphore_mem>>) src(%dma_wait3A_266 : memref<10000x64xf32, #tpu.memory_space<hbm>>) dst(%arg12 : memref<125x64xf32, #tpu.memory_space<vmem>>)
        %dma_start3A_267 = arith.constant 0 : i32
        %dma_start3A_268 = tpu.memref_slice %arg11[%add3A_260, %dma_start3A_267] : memref<160x125xi32, #tpu.memory_space<vmem>> -> memref<1x125xi32, #tpu.memory_space<vmem>>
        %dma_start3A_269 = tpu.memref_squeeze %dma_start3A_268 : memref<1x125xi32, #tpu.memory_space<vmem>> -> memref<125xi32, #tpu.memory_space<vmem>>
        %dma_start3A_270 = arith.constant 0 : i32
        %dma_start3A_271 = arith.constant 0 : i32
        %dma_start3A_272 = tpu.memref_slice %arg17[%dma_start3A_270, %dma_start3A_271] : memref<10000x64xf32, #tpu.memory_space<vmem_shared>> -> memref<10000x64xf32, #tpu.memory_space<vmem_shared>>
        tpu.enqueue_indirect_dma source(%arg12 : memref<125x64xf32, #tpu.memory_space<vmem>>) target(%dma_start3A_272 : memref<10000x64xf32, #tpu.memory_space<vmem_shared>>) offsets(%dma_start3A_269 : memref<125xi32, #tpu.memory_space<vmem>>) semaphore(%arg22 : memref<!tpu.dma_semaphore, #tpu.memory_space<semaphore_mem>>) {add = true}
        %sub3A = arith.constant 2 : i32
        %sub3A_273 = arith.subi %add3A_260, %sub3A : i32
        %max3A = arith.constant 0 : i32
        %max3A_274 = arith.maxsi %sub3A_273, %max3A : i32
        %dma_wait3A_275 = arith.constant 0 : i32
        %dma_wait3A_276 = tpu.memref_slice %arg11[%max3A_274, %dma_wait3A_275] : memref<160x125xi32, #tpu.memory_space<vmem>> -> memref<1x125xi32, #tpu.memory_space<vmem>>
        %dma_wait3A_277 = tpu.memref_squeeze %dma_wait3A_276 : memref<1x125xi32, #tpu.memory_space<vmem>> -> memref<125xi32, #tpu.memory_space<vmem>>
        %dma_wait3A_278 = arith.constant 0 : i32
        %dma_wait3A_279 = arith.constant 0 : i32
        %dma_wait3A_280 = tpu.memref_slice %arg17[%dma_wait3A_278, %dma_wait3A_279] : memref<10000x64xf32, #tpu.memory_space<vmem_shared>> -> memref<10000x64xf32, #tpu.memory_space<vmem_shared>>
        tpu.wait_indirect_dma semaphore(%arg24 : memref<!tpu.dma_semaphore, #tpu.memory_space<semaphore_mem>>) src(%arg14 : memref<125x64xf32, #tpu.memory_space<vmem>>) dst(%dma_wait3A_280 : memref<10000x64xf32, #tpu.memory_space<vmem_shared>>)
        %add3A_281 = arith.constant 2 : i32
        %add3A_282 = arith.addi %add3A_260, %add3A_281 : i32
        %min3A = arith.constant 159 : i32
        %min3A_283 = arith.minsi %add3A_282, %min3A : i32
        %dma_start3A_284 = arith.constant 0 : i32
        %dma_start3A_285 = tpu.memref_slice %arg10[%min3A_283, %dma_start3A_284] : memref<160x125xi32, #tpu.memory_space<vmem>> -> memref<1x125xi32, #tpu.memory_space<vmem>>
        %dma_start3A_286 = tpu.memref_squeeze %dma_start3A_285 : memref<1x125xi32, #tpu.memory_space<vmem>> -> memref<125xi32, #tpu.memory_space<vmem>>
        %dma_start3A_287 = arith.constant 0 : i32
        %dma_start3A_288 = arith.constant 0 : i32
        %dma_start3A_289 = tpu.memref_slice %arg3[%dma_start3A_287, %dma_start3A_288] : memref<10000x64xf32, #tpu.memory_space<hbm>> -> memref<10000x64xf32, #tpu.memory_space<hbm>>
        tpu.enqueue_indirect_dma source(%dma_start3A_289 : memref<10000x64xf32, #tpu.memory_space<hbm>>) target(%arg14 : memref<125x64xf32, #tpu.memory_space<vmem>>) offsets(%dma_start3A_286 : memref<125xi32, #tpu.memory_space<vmem>>) semaphore(%arg20 : memref<!tpu.dma_semaphore, #tpu.memory_space<semaphore_mem>>)
        %add3A_290 = arith.constant 1 : i32
        %add3A_291 = arith.addi %mul3A_258, %add3A_290 : i32
        %dma_wait3A_292 = arith.constant 0 : i32
        %dma_wait3A_293 = tpu.memref_slice %arg10[%add3A_291, %dma_wait3A_292] : memref<160x125xi32, #tpu.memory_space<vmem>> -> memref<1x125xi32, #tpu.memory_space<vmem>>
        %dma_wait3A_294 = tpu.memref_squeeze %dma_wait3A_293 : memref<1x125xi32, #tpu.memory_space<vmem>> -> memref<125xi32, #tpu.memory_space<vmem>>
        %dma_wait3A_295 = arith.constant 0 : i32
        %dma_wait3A_296 = arith.constant 0 : i32
        %dma_wait3A_297 = tpu.memref_slice %arg3[%dma_wait3A_295, %dma_wait3A_296] : memref<10000x64xf32, #tpu.memory_space<hbm>> -> memref<10000x64xf32, #tpu.memory_space<hbm>>
        tpu.wait_indirect_dma semaphore(%arg19 : memref<!tpu.dma_semaphore, #tpu.memory_space<semaphore_mem>>) src(%dma_wait3A_297 : memref<10000x64xf32, #tpu.memory_space<hbm>>) dst(%arg13 : memref<125x64xf32, #tpu.memory_space<vmem>>)
        %dma_start3A_298 = arith.constant 0 : i32
        %dma_start3A_299 = tpu.memref_slice %arg11[%add3A_291, %dma_start3A_298] : memref<160x125xi32, #tpu.memory_space<vmem>> -> memref<1x125xi32, #tpu.memory_space<vmem>>
        %dma_start3A_300 = tpu.memref_squeeze %dma_start3A_299 : memref<1x125xi32, #tpu.memory_space<vmem>> -> memref<125xi32, #tpu.memory_space<vmem>>
        %dma_start3A_301 = arith.constant 0 : i32
        %dma_start3A_302 = arith.constant 0 : i32
        %dma_start3A_303 = tpu.memref_slice %arg17[%dma_start3A_301, %dma_start3A_302] : memref<10000x64xf32, #tpu.memory_space<vmem_shared>> -> memref<10000x64xf32, #tpu.memory_space<vmem_shared>>
        tpu.enqueue_indirect_dma source(%arg13 : memref<125x64xf32, #tpu.memory_space<vmem>>) target(%dma_start3A_303 : memref<10000x64xf32, #tpu.memory_space<vmem_shared>>) offsets(%dma_start3A_300 : memref<125xi32, #tpu.memory_space<vmem>>) semaphore(%arg23 : memref<!tpu.dma_semaphore, #tpu.memory_space<semaphore_mem>>) {add = true}
        %sub3A_304 = arith.constant 2 : i32
        %sub3A_305 = arith.subi %add3A_291, %sub3A_304 : i32
        %max3A_306 = arith.constant 0 : i32
        %max3A_307 = arith.maxsi %sub3A_305, %max3A_306 : i32
        %dma_wait3A_308 = arith.constant 0 : i32
        %dma_wait3A_309 = tpu.memref_slice %arg11[%max3A_307, %dma_wait3A_308] : memref<160x125xi32, #tpu.memory_space<vmem>> -> memref<1x125xi32, #tpu.memory_space<vmem>>
        %dma_wait3A_310 = tpu.memref_squeeze %dma_wait3A_309 : memref<1x125xi32, #tpu.memory_space<vmem>> -> memref<125xi32, #tpu.memory_space<vmem>>
        %dma_wait3A_311 = arith.constant 0 : i32
        %dma_wait3A_312 = arith.constant 0 : i32
        %dma_wait3A_313 = tpu.memref_slice %arg17[%dma_wait3A_311, %dma_wait3A_312] : memref<10000x64xf32, #tpu.memory_space<vmem_shared>> -> memref<10000x64xf32, #tpu.memory_space<vmem_shared>>
        tpu.wait_indirect_dma semaphore(%arg25 : memref<!tpu.dma_semaphore, #tpu.memory_space<semaphore_mem>>) src(%arg15 : memref<125x64xf32, #tpu.memory_space<vmem>>) dst(%dma_wait3A_313 : memref<10000x64xf32, #tpu.memory_space<vmem_shared>>)
        %add3A_314 = arith.constant 2 : i32
        %add3A_315 = arith.addi %add3A_291, %add3A_314 : i32
        %min3A_316 = arith.constant 159 : i32
        %min3A_317 = arith.minsi %add3A_315, %min3A_316 : i32
        %dma_start3A_318 = arith.constant 0 : i32
        %dma_start3A_319 = tpu.memref_slice %arg10[%min3A_317, %dma_start3A_318] : memref<160x125xi32, #tpu.memory_space<vmem>> -> memref<1x125xi32, #tpu.memory_space<vmem>>
        %dma_start3A_320 = tpu.memref_squeeze %dma_start3A_319 : memref<1x125xi32, #tpu.memory_space<vmem>> -> memref<125xi32, #tpu.memory_space<vmem>>
        %dma_start3A_321 = arith.constant 0 : i32
        %dma_start3A_322 = arith.constant 0 : i32
        %dma_start3A_323 = tpu.memref_slice %arg3[%dma_start3A_321, %dma_start3A_322] : memref<10000x64xf32, #tpu.memory_space<hbm>> -> memref<10000x64xf32, #tpu.memory_space<hbm>>
        tpu.enqueue_indirect_dma source(%dma_start3A_323 : memref<10000x64xf32, #tpu.memory_space<hbm>>) target(%arg15 : memref<125x64xf32, #tpu.memory_space<vmem>>) offsets(%dma_start3A_320 : memref<125xi32, #tpu.memory_space<vmem>>) semaphore(%arg21 : memref<!tpu.dma_semaphore, #tpu.memory_space<semaphore_mem>>)
        %add3A_324 = arith.constant 2 : i32
        %add3A_325 = arith.addi %mul3A_258, %add3A_324 : i32
        %dma_wait3A_326 = arith.constant 0 : i32
        %dma_wait3A_327 = tpu.memref_slice %arg10[%add3A_325, %dma_wait3A_326] : memref<160x125xi32, #tpu.memory_space<vmem>> -> memref<1x125xi32, #tpu.memory_space<vmem>>
        %dma_wait3A_328 = tpu.memref_squeeze %dma_wait3A_327 : memref<1x125xi32, #tpu.memory_space<vmem>> -> memref<125xi32, #tpu.memory_space<vmem>>
        %dma_wait3A_329 = arith.constant 0 : i32
        %dma_wait3A_330 = arith.constant 0 : i32
        %dma_wait3A_331 = tpu.memref_slice %arg3[%dma_wait3A_329, %dma_wait3A_330] : memref<10000x64xf32, #tpu.memory_space<hbm>> -> memref<10000x64xf32, #tpu.memory_space<hbm>>
        tpu.wait_indirect_dma semaphore(%arg20 : memref<!tpu.dma_semaphore, #tpu.memory_space<semaphore_mem>>) src(%dma_wait3A_331 : memref<10000x64xf32, #tpu.memory_space<hbm>>) dst(%arg14 : memref<125x64xf32, #tpu.memory_space<vmem>>)
        %dma_start3A_332 = arith.constant 0 : i32
        %dma_start3A_333 = tpu.memref_slice %arg11[%add3A_325, %dma_start3A_332] : memref<160x125xi32, #tpu.memory_space<vmem>> -> memref<1x125xi32, #tpu.memory_space<vmem>>
        %dma_start3A_334 = tpu.memref_squeeze %dma_start3A_333 : memref<1x125xi32, #tpu.memory_space<vmem>> -> memref<125xi32, #tpu.memory_space<vmem>>
        %dma_start3A_335 = arith.constant 0 : i32
        %dma_start3A_336 = arith.constant 0 : i32
        %dma_start3A_337 = tpu.memref_slice %arg17[%dma_start3A_335, %dma_start3A_336] : memref<10000x64xf32, #tpu.memory_space<vmem_shared>> -> memref<10000x64xf32, #tpu.memory_space<vmem_shared>>
        tpu.enqueue_indirect_dma source(%arg14 : memref<125x64xf32, #tpu.memory_space<vmem>>) target(%dma_start3A_337 : memref<10000x64xf32, #tpu.memory_space<vmem_shared>>) offsets(%dma_start3A_334 : memref<125xi32, #tpu.memory_space<vmem>>) semaphore(%arg24 : memref<!tpu.dma_semaphore, #tpu.memory_space<semaphore_mem>>) {add = true}
        %sub3A_338 = arith.constant 2 : i32
        %sub3A_339 = arith.subi %add3A_325, %sub3A_338 : i32
        %max3A_340 = arith.constant 0 : i32
        %max3A_341 = arith.maxsi %sub3A_339, %max3A_340 : i32
        %dma_wait3A_342 = arith.constant 0 : i32
        %dma_wait3A_343 = tpu.memref_slice %arg11[%max3A_341, %dma_wait3A_342] : memref<160x125xi32, #tpu.memory_space<vmem>> -> memref<1x125xi32, #tpu.memory_space<vmem>>
        %dma_wait3A_344 = tpu.memref_squeeze %dma_wait3A_343 : memref<1x125xi32, #tpu.memory_space<vmem>> -> memref<125xi32, #tpu.memory_space<vmem>>
        %dma_wait3A_345 = arith.constant 0 : i32
        %dma_wait3A_346 = arith.constant 0 : i32
        %dma_wait3A_347 = tpu.memref_slice %arg17[%dma_wait3A_345, %dma_wait3A_346] : memref<10000x64xf32, #tpu.memory_space<vmem_shared>> -> memref<10000x64xf32, #tpu.memory_space<vmem_shared>>
        tpu.wait_indirect_dma semaphore(%arg22 : memref<!tpu.dma_semaphore, #tpu.memory_space<semaphore_mem>>) src(%arg12 : memref<125x64xf32, #tpu.memory_space<vmem>>) dst(%dma_wait3A_347 : memref<10000x64xf32, #tpu.memory_space<vmem_shared>>)
        %add3A_348 = arith.constant 2 : i32
        %add3A_349 = arith.addi %add3A_325, %add3A_348 : i32
        %min3A_350 = arith.constant 159 : i32
        %min3A_351 = arith.minsi %add3A_349, %min3A_350 : i32
        %dma_start3A_352 = arith.constant 0 : i32
        %dma_start3A_353 = tpu.memref_slice %arg10[%min3A_351, %dma_start3A_352] : memref<160x125xi32, #tpu.memory_space<vmem>> -> memref<1x125xi32, #tpu.memory_space<vmem>>
        %dma_start3A_354 = tpu.memref_squeeze %dma_start3A_353 : memref<1x125xi32, #tpu.memory_space<vmem>> -> memref<125xi32, #tpu.memory_space<vmem>>
        %dma_start3A_355 = arith.constant 0 : i32
        %dma_start3A_356 = arith.constant 0 : i32
        %dma_start3A_357 = tpu.memref_slice %arg3[%dma_start3A_355, %dma_start3A_356] : memref<10000x64xf32, #tpu.memory_space<hbm>> -> memref<10000x64xf32, #tpu.memory_space<hbm>>
        tpu.enqueue_indirect_dma source(%dma_start3A_357 : memref<10000x64xf32, #tpu.memory_space<hbm>>) target(%arg12 : memref<125x64xf32, #tpu.memory_space<vmem>>) offsets(%dma_start3A_354 : memref<125xi32, #tpu.memory_space<vmem>>) semaphore(%arg18 : memref<!tpu.dma_semaphore, #tpu.memory_space<semaphore_mem>>)
        %add3A_358 = arith.constant 3 : i32
        %add3A_359 = arith.addi %mul3A_258, %add3A_358 : i32
        %dma_wait3A_360 = arith.constant 0 : i32
        %dma_wait3A_361 = tpu.memref_slice %arg10[%add3A_359, %dma_wait3A_360] : memref<160x125xi32, #tpu.memory_space<vmem>> -> memref<1x125xi32, #tpu.memory_space<vmem>>
        %dma_wait3A_362 = tpu.memref_squeeze %dma_wait3A_361 : memref<1x125xi32, #tpu.memory_space<vmem>> -> memref<125xi32, #tpu.memory_space<vmem>>
        %dma_wait3A_363 = arith.constant 0 : i32
        %dma_wait3A_364 = arith.constant 0 : i32
        %dma_wait3A_365 = tpu.memref_slice %arg3[%dma_wait3A_363, %dma_wait3A_364] : memref<10000x64xf32, #tpu.memory_space<hbm>> -> memref<10000x64xf32, #tpu.memory_space<hbm>>
        tpu.wait_indirect_dma semaphore(%arg21 : memref<!tpu.dma_semaphore, #tpu.memory_space<semaphore_mem>>) src(%dma_wait3A_365 : memref<10000x64xf32, #tpu.memory_space<hbm>>) dst(%arg15 : memref<125x64xf32, #tpu.memory_space<vmem>>)
        %dma_start3A_366 = arith.constant 0 : i32
        %dma_start3A_367 = tpu.memref_slice %arg11[%add3A_359, %dma_start3A_366] : memref<160x125xi32, #tpu.memory_space<vmem>> -> memref<1x125xi32, #tpu.memory_space<vmem>>
        %dma_start3A_368 = tpu.memref_squeeze %dma_start3A_367 : memref<1x125xi32, #tpu.memory_space<vmem>> -> memref<125xi32, #tpu.memory_space<vmem>>
        %dma_start3A_369 = arith.constant 0 : i32
        %dma_start3A_370 = arith.constant 0 : i32
        %dma_start3A_371 = tpu.memref_slice %arg17[%dma_start3A_369, %dma_start3A_370] : memref<10000x64xf32, #tpu.memory_space<vmem_shared>> -> memref<10000x64xf32, #tpu.memory_space<vmem_shared>>
        tpu.enqueue_indirect_dma source(%arg15 : memref<125x64xf32, #tpu.memory_space<vmem>>) target(%dma_start3A_371 : memref<10000x64xf32, #tpu.memory_space<vmem_shared>>) offsets(%dma_start3A_368 : memref<125xi32, #tpu.memory_space<vmem>>) semaphore(%arg25 : memref<!tpu.dma_semaphore, #tpu.memory_space<semaphore_mem>>) {add = true}
        %sub3A_372 = arith.constant 2 : i32
        %sub3A_373 = arith.subi %add3A_359, %sub3A_372 : i32
        %max3A_374 = arith.constant 0 : i32
        %max3A_375 = arith.maxsi %sub3A_373, %max3A_374 : i32
        %dma_wait3A_376 = arith.constant 0 : i32
        %dma_wait3A_377 = tpu.memref_slice %arg11[%max3A_375, %dma_wait3A_376] : memref<160x125xi32, #tpu.memory_space<vmem>> -> memref<1x125xi32, #tpu.memory_space<vmem>>
        %dma_wait3A_378 = tpu.memref_squeeze %dma_wait3A_377 : memref<1x125xi32, #tpu.memory_space<vmem>> -> memref<125xi32, #tpu.memory_space<vmem>>
        %dma_wait3A_379 = arith.constant 0 : i32
        %dma_wait3A_380 = arith.constant 0 : i32
        %dma_wait3A_381 = tpu.memref_slice %arg17[%dma_wait3A_379, %dma_wait3A_380] : memref<10000x64xf32, #tpu.memory_space<vmem_shared>> -> memref<10000x64xf32, #tpu.memory_space<vmem_shared>>
        tpu.wait_indirect_dma semaphore(%arg23 : memref<!tpu.dma_semaphore, #tpu.memory_space<semaphore_mem>>) src(%arg13 : memref<125x64xf32, #tpu.memory_space<vmem>>) dst(%dma_wait3A_381 : memref<10000x64xf32, #tpu.memory_space<vmem_shared>>)
        %add3A_382 = arith.constant 2 : i32
        %add3A_383 = arith.addi %add3A_359, %add3A_382 : i32
        %min3A_384 = arith.constant 159 : i32
        %min3A_385 = arith.minsi %add3A_383, %min3A_384 : i32
        %dma_start3A_386 = arith.constant 0 : i32
        %dma_start3A_387 = tpu.memref_slice %arg10[%min3A_385, %dma_start3A_386] : memref<160x125xi32, #tpu.memory_space<vmem>> -> memref<1x125xi32, #tpu.memory_space<vmem>>
        %dma_start3A_388 = tpu.memref_squeeze %dma_start3A_387 : memref<1x125xi32, #tpu.memory_space<vmem>> -> memref<125xi32, #tpu.memory_space<vmem>>
        %dma_start3A_389 = arith.constant 0 : i32
        %dma_start3A_390 = arith.constant 0 : i32
        %dma_start3A_391 = tpu.memref_slice %arg3[%dma_start3A_389, %dma_start3A_390] : memref<10000x64xf32, #tpu.memory_space<hbm>> -> memref<10000x64xf32, #tpu.memory_space<hbm>>
        tpu.enqueue_indirect_dma source(%dma_start3A_391 : memref<10000x64xf32, #tpu.memory_space<hbm>>) target(%arg13 : memref<125x64xf32, #tpu.memory_space<vmem>>) offsets(%dma_start3A_388 : memref<125xi32, #tpu.memory_space<vmem>>) semaphore(%arg19 : memref<!tpu.dma_semaphore, #tpu.memory_space<semaphore_mem>>)
      }
      %scan3A_218 = arith.constant 40 : i32
      %dma_wait3A_219 = arith.constant 159 : i32
      %dma_wait3A_220 = arith.constant 0 : i32
      %dma_wait3A_221 = tpu.memref_slice %arg10[%dma_wait3A_219, %dma_wait3A_220] : memref<160x125xi32, #tpu.memory_space<vmem>> -> memref<1x125xi32, #tpu.memory_space<vmem>>
      %dma_wait3A_222 = tpu.memref_squeeze %dma_wait3A_221 : memref<1x125xi32, #tpu.memory_space<vmem>> -> memref<125xi32, #tpu.memory_space<vmem>>
      %dma_wait3A_223 = arith.constant 0 : i32
      %dma_wait3A_224 = arith.constant 0 : i32
      %dma_wait3A_225 = tpu.memref_slice %arg3[%dma_wait3A_223, %dma_wait3A_224] : memref<10000x64xf32, #tpu.memory_space<hbm>> -> memref<10000x64xf32, #tpu.memory_space<hbm>>
      tpu.wait_indirect_dma semaphore(%arg18 : memref<!tpu.dma_semaphore, #tpu.memory_space<semaphore_mem>>) src(%dma_wait3A_225 : memref<10000x64xf32, #tpu.memory_space<hbm>>) dst(%arg12 : memref<125x64xf32, #tpu.memory_space<vmem>>)
      %dma_wait3A_226 = arith.constant 159 : i32
      %dma_wait3A_227 = arith.constant 0 : i32
      %dma_wait3A_228 = tpu.memref_slice %arg10[%dma_wait3A_226, %dma_wait3A_227] : memref<160x125xi32, #tpu.memory_space<vmem>> -> memref<1x125xi32, #tpu.memory_space<vmem>>
      %dma_wait3A_229 = tpu.memref_squeeze %dma_wait3A_228 : memref<1x125xi32, #tpu.memory_space<vmem>> -> memref<125xi32, #tpu.memory_space<vmem>>
      %dma_wait3A_230 = arith.constant 0 : i32
      %dma_wait3A_231 = arith.constant 0 : i32
      %dma_wait3A_232 = tpu.memref_slice %arg3[%dma_wait3A_230, %dma_wait3A_231] : memref<10000x64xf32, #tpu.memory_space<hbm>> -> memref<10000x64xf32, #tpu.memory_space<hbm>>
      tpu.wait_indirect_dma semaphore(%arg19 : memref<!tpu.dma_semaphore, #tpu.memory_space<semaphore_mem>>) src(%dma_wait3A_232 : memref<10000x64xf32, #tpu.memory_space<hbm>>) dst(%arg13 : memref<125x64xf32, #tpu.memory_space<vmem>>)
      %dma_wait3A_233 = arith.constant 158 : i32
      %dma_wait3A_234 = arith.constant 0 : i32
      %dma_wait3A_235 = tpu.memref_slice %arg11[%dma_wait3A_233, %dma_wait3A_234] : memref<160x125xi32, #tpu.memory_space<vmem>> -> memref<1x125xi32, #tpu.memory_space<vmem>>
      %dma_wait3A_236 = tpu.memref_squeeze %dma_wait3A_235 : memref<1x125xi32, #tpu.memory_space<vmem>> -> memref<125xi32, #tpu.memory_space<vmem>>
      %dma_wait3A_237 = arith.constant 0 : i32
      %dma_wait3A_238 = arith.constant 0 : i32
      %dma_wait3A_239 = tpu.memref_slice %arg17[%dma_wait3A_237, %dma_wait3A_238] : memref<10000x64xf32, #tpu.memory_space<vmem_shared>> -> memref<10000x64xf32, #tpu.memory_space<vmem_shared>>
      tpu.wait_indirect_dma semaphore(%arg24 : memref<!tpu.dma_semaphore, #tpu.memory_space<semaphore_mem>>) src(%arg14 : memref<125x64xf32, #tpu.memory_space<vmem>>) dst(%dma_wait3A_239 : memref<10000x64xf32, #tpu.memory_space<vmem_shared>>)
      %dma_wait3A_240 = arith.constant 159 : i32
      %dma_wait3A_241 = arith.constant 0 : i32
      %dma_wait3A_242 = tpu.memref_slice %arg11[%dma_wait3A_240, %dma_wait3A_241] : memref<160x125xi32, #tpu.memory_space<vmem>> -> memref<1x125xi32, #tpu.memory_space<vmem>>
      %dma_wait3A_243 = tpu.memref_squeeze %dma_wait3A_242 : memref<1x125xi32, #tpu.memory_space<vmem>> -> memref<125xi32, #tpu.memory_space<vmem>>
      %dma_wait3A_244 = arith.constant 0 : i32
      %dma_wait3A_245 = arith.constant 0 : i32
      %dma_wait3A_246 = tpu.memref_slice %arg17[%dma_wait3A_244, %dma_wait3A_245] : memref<10000x64xf32, #tpu.memory_space<vmem_shared>> -> memref<10000x64xf32, #tpu.memory_space<vmem_shared>>
      tpu.wait_indirect_dma semaphore(%arg25 : memref<!tpu.dma_semaphore, #tpu.memory_space<semaphore_mem>>) src(%arg15 : memref<125x64xf32, #tpu.memory_space<vmem>>) dst(%dma_wait3A_246 : memref<10000x64xf32, #tpu.memory_space<vmem_shared>>)
      %barrier3A_247 = arith.constant 0 : index
      tpu.barrier barrier_id(%barrier3A_247)
      %mul3A_248 = arith.constant 624 : i32
      %mul3A_249 = arith.muli %arg1, %mul3A_248 : i32
      "tpu.region"() ({
        %run_scoped3A = tpu.sem_alloc : memref<!tpu.dma_semaphore, #tpu.memory_space<semaphore_mem>>
        %dma_start3A_256 = arith.constant 0 : i32
        %dma_start3A_257 = tpu.memref_slice %arg9[%arg0, %mul3A_249, %dma_start3A_256] : memref<2x10000x64xf32, #tpu.memory_space<hbm>> -> memref<1x624x64xf32, #tpu.memory_space<hbm>>
        %dma_start3A_258 = tpu.memref_squeeze %dma_start3A_257 : memref<1x624x64xf32, #tpu.memory_space<hbm>> -> memref<624x64xf32, #tpu.memory_space<hbm>>
        %dma_start3A_259 = arith.constant 0 : i32
        %dma_start3A_260 = tpu.memref_slice %arg17[%mul3A_249, %dma_start3A_259] : memref<10000x64xf32, #tpu.memory_space<vmem_shared>> -> memref<624x64xf32, #tpu.memory_space<vmem_shared>>
        tpu.enqueue_dma source(%dma_start3A_260 : memref<624x64xf32, #tpu.memory_space<vmem_shared>>) target(%dma_start3A_258 : memref<624x64xf32, #tpu.memory_space<hbm>>) target_semaphore(%run_scoped3A : memref<!tpu.dma_semaphore, #tpu.memory_space<semaphore_mem>>)
        %dma_wait3A_261 = arith.constant 0 : i32
        %dma_wait3A_262 = tpu.memref_slice %arg9[%arg0, %mul3A_249, %dma_wait3A_261] : memref<2x10000x64xf32, #tpu.memory_space<hbm>> -> memref<1x624x64xf32, #tpu.memory_space<hbm>>
        %dma_wait3A_263 = tpu.memref_squeeze %dma_wait3A_262 : memref<1x624x64xf32, #tpu.memory_space<hbm>> -> memref<624x64xf32, #tpu.memory_space<hbm>>
        %dma_wait3A_264 = arith.constant 0 : i32
        %dma_wait3A_265 = tpu.memref_slice %arg17[%mul3A_249, %dma_wait3A_264] : memref<10000x64xf32, #tpu.memory_space<vmem_shared>> -> memref<624x64xf32, #tpu.memory_space<vmem_shared>>
        tpu.wait_dma2 semaphore(%run_scoped3A : memref<!tpu.dma_semaphore, #tpu.memory_space<semaphore_mem>>) src(%dma_wait3A_265 : memref<624x64xf32, #tpu.memory_space<vmem_shared>>) dst(%dma_wait3A_263 : memref<624x64xf32, #tpu.memory_space<hbm>>)
        tpu.yield
      }) : () -> ()
      %eq3A_250 = arith.constant 15 : i32
      %eq3A_251 = arith.cmpi eq, %arg1, %eq3A_250 : i32
      %convert_element_type3A_252 = arith.extui %eq3A_251 : i1 to i32
      %cond3A_253 = arith.constant 0 : i32
      %cond3A_254 = arith.cmpi ne, %convert_element_type3A_252, %cond3A_253 : i32
      scf.if %cond3A_254 {
        "tpu.region"() ({
          %run_scoped3A = tpu.sem_alloc : memref<!tpu.dma_semaphore, #tpu.memory_space<semaphore_mem>>
          %dma_start3A_256 = arith.constant 9984 : i32
          %dma_start3A_257 = arith.constant 0 : i32
          %dma_start3A_258 = tpu.memref_slice %arg9[%arg0, %dma_start3A_256, %dma_start3A_257] : memref<2x10000x64xf32, #tpu.memory_space<hbm>> -> memref<1x16x64xf32, #tpu.memory_space<hbm>>
          %dma_start3A_259 = tpu.memref_squeeze %dma_start3A_258 : memref<1x16x64xf32, #tpu.memory_space<hbm>> -> memref<16x64xf32, #tpu.memory_space<hbm>>
          %dma_start3A_260 = arith.constant 9984 : i32
          %dma_start3A_261 = arith.constant 0 : i32
          %dma_start3A_262 = tpu.memref_slice %arg17[%dma_start3A_260, %dma_start3A_261] : memref<10000x64xf32, #tpu.memory_space<vmem_shared>> -> memref<16x64xf32, #tpu.memory_space<vmem_shared>>
          tpu.enqueue_dma source(%dma_start3A_262 : memref<16x64xf32, #tpu.memory_space<vmem_shared>>) target(%dma_start3A_259 : memref<16x64xf32, #tpu.memory_space<hbm>>) target_semaphore(%run_scoped3A : memref<!tpu.dma_semaphore, #tpu.memory_space<semaphore_mem>>)
          %dma_wait3A_263 = arith.constant 9984 : i32
          %dma_wait3A_264 = arith.constant 0 : i32
          %dma_wait3A_265 = tpu.memref_slice %arg9[%arg0, %dma_wait3A_263, %dma_wait3A_264] : memref<2x10000x64xf32, #tpu.memory_space<hbm>> -> memref<1x16x64xf32, #tpu.memory_space<hbm>>
          %dma_wait3A_266 = tpu.memref_squeeze %dma_wait3A_265 : memref<1x16x64xf32, #tpu.memory_space<hbm>> -> memref<16x64xf32, #tpu.memory_space<hbm>>
          %dma_wait3A_267 = arith.constant 9984 : i32
          %dma_wait3A_268 = arith.constant 0 : i32
          %dma_wait3A_269 = tpu.memref_slice %arg17[%dma_wait3A_267, %dma_wait3A_268] : memref<10000x64xf32, #tpu.memory_space<vmem_shared>> -> memref<16x64xf32, #tpu.memory_space<vmem_shared>>
          tpu.wait_dma2 semaphore(%run_scoped3A : memref<!tpu.dma_semaphore, #tpu.memory_space<semaphore_mem>>) src(%dma_wait3A_269 : memref<16x64xf32, #tpu.memory_space<vmem_shared>>) dst(%dma_wait3A_266 : memref<16x64xf32, #tpu.memory_space<hbm>>)
          tpu.yield
        }) : () -> ()
      } else {
      }
      %barrier3A_255 = arith.constant 0 : index
      tpu.barrier barrier_id(%barrier3A_255)
    } else {
    }
    %eq3A_8 = arith.constant 1 : i32
    %eq3A_9 = arith.cmpi eq, %arg0, %eq3A_8 : i32
    %convert_element_type3A_10 = arith.extui %eq3A_9 : i1 to i32
    %cond3A_11 = arith.constant 0 : i32
    %cond3A_12 = arith.cmpi ne, %convert_element_type3A_10, %cond3A_11 : i32
    scf.if %cond3A_12 {
      %mul3A = arith.constant 625 : i32
      %mul3A_13 = arith.muli %arg1, %mul3A : i32
      %add3A = arith.constant 0 : i32
      %add3A_14 = arith.addi %mul3A_13, %add3A : i32
      %dma_start3A = arith.constant 0 : i32
      %dma_start3A_15 = tpu.memref_slice %arg17[%add3A_14, %dma_start3A] : memref<10000x64xf32, #tpu.memory_space<vmem_shared>> -> memref<125x64xf32, #tpu.memory_space<vmem_shared>>
      %dma_start3A_16 = arith.constant 0 : i32
      %dma_start3A_17 = tpu.memref_slice %arg17[%add3A_14, %dma_start3A_16] : memref<10000x64xf32, #tpu.memory_space<vmem_shared>> -> memref<125x64xf32, #tpu.memory_space<vmem_shared>>
      tpu.enqueue_dma source(%arg16 : memref<125x64xf32, #tpu.memory_space<vmem>>) target(%dma_start3A_17 : memref<125x64xf32, #tpu.memory_space<vmem_shared>>) target_semaphore(%arg18 : memref<!tpu.dma_semaphore, #tpu.memory_space<semaphore_mem>>)
      %add3A_18 = arith.constant 125 : i32
      %add3A_19 = arith.addi %mul3A_13, %add3A_18 : i32
      %dma_start3A_20 = arith.constant 0 : i32
      %dma_start3A_21 = tpu.memref_slice %arg17[%add3A_19, %dma_start3A_20] : memref<10000x64xf32, #tpu.memory_space<vmem_shared>> -> memref<125x64xf32, #tpu.memory_space<vmem_shared>>
      %dma_start3A_22 = arith.constant 0 : i32
      %dma_start3A_23 = tpu.memref_slice %arg17[%add3A_19, %dma_start3A_22] : memref<10000x64xf32, #tpu.memory_space<vmem_shared>> -> memref<125x64xf32, #tpu.memory_space<vmem_shared>>
      tpu.enqueue_dma source(%arg16 : memref<125x64xf32, #tpu.memory_space<vmem>>) target(%dma_start3A_23 : memref<125x64xf32, #tpu.memory_space<vmem_shared>>) target_semaphore(%arg18 : memref<!tpu.dma_semaphore, #tpu.memory_space<semaphore_mem>>)
      %add3A_24 = arith.constant 250 : i32
      %add3A_25 = arith.addi %mul3A_13, %add3A_24 : i32
      %dma_start3A_26 = arith.constant 0 : i32
      %dma_start3A_27 = tpu.memref_slice %arg17[%add3A_25, %dma_start3A_26] : memref<10000x64xf32, #tpu.memory_space<vmem_shared>> -> memref<125x64xf32, #tpu.memory_space<vmem_shared>>
      %dma_start3A_28 = arith.constant 0 : i32
      %dma_start3A_29 = tpu.memref_slice %arg17[%add3A_25, %dma_start3A_28] : memref<10000x64xf32, #tpu.memory_space<vmem_shared>> -> memref<125x64xf32, #tpu.memory_space<vmem_shared>>
      tpu.enqueue_dma source(%arg16 : memref<125x64xf32, #tpu.memory_space<vmem>>) target(%dma_start3A_29 : memref<125x64xf32, #tpu.memory_space<vmem_shared>>) target_semaphore(%arg18 : memref<!tpu.dma_semaphore, #tpu.memory_space<semaphore_mem>>)
      %add3A_30 = arith.constant 375 : i32
      %add3A_31 = arith.addi %mul3A_13, %add3A_30 : i32
      %dma_start3A_32 = arith.constant 0 : i32
      %dma_start3A_33 = tpu.memref_slice %arg17[%add3A_31, %dma_start3A_32] : memref<10000x64xf32, #tpu.memory_space<vmem_shared>> -> memref<125x64xf32, #tpu.memory_space<vmem_shared>>
      %dma_start3A_34 = arith.constant 0 : i32
      %dma_start3A_35 = tpu.memref_slice %arg17[%add3A_31, %dma_start3A_34] : memref<10000x64xf32, #tpu.memory_space<vmem_shared>> -> memref<125x64xf32, #tpu.memory_space<vmem_shared>>
      tpu.enqueue_dma source(%arg16 : memref<125x64xf32, #tpu.memory_space<vmem>>) target(%dma_start3A_35 : memref<125x64xf32, #tpu.memory_space<vmem_shared>>) target_semaphore(%arg18 : memref<!tpu.dma_semaphore, #tpu.memory_space<semaphore_mem>>)
      %add3A_36 = arith.constant 500 : i32
      %add3A_37 = arith.addi %mul3A_13, %add3A_36 : i32
      %dma_start3A_38 = arith.constant 0 : i32
      %dma_start3A_39 = tpu.memref_slice %arg17[%add3A_37, %dma_start3A_38] : memref<10000x64xf32, #tpu.memory_space<vmem_shared>> -> memref<125x64xf32, #tpu.memory_space<vmem_shared>>
      %dma_start3A_40 = arith.constant 0 : i32
      %dma_start3A_41 = tpu.memref_slice %arg17[%add3A_37, %dma_start3A_40] : memref<10000x64xf32, #tpu.memory_space<vmem_shared>> -> memref<125x64xf32, #tpu.memory_space<vmem_shared>>
      tpu.enqueue_dma source(%arg16 : memref<125x64xf32, #tpu.memory_space<vmem>>) target(%dma_start3A_41 : memref<125x64xf32, #tpu.memory_space<vmem_shared>>) target_semaphore(%arg18 : memref<!tpu.dma_semaphore, #tpu.memory_space<semaphore_mem>>)
      %dma_wait3A = arith.constant 0 : i32
      %dma_wait3A_42 = tpu.memref_slice %arg17[%mul3A_13, %dma_wait3A] : memref<10000x64xf32, #tpu.memory_space<vmem_shared>> -> memref<125x64xf32, #tpu.memory_space<vmem_shared>>
      %dma_wait3A_43 = arith.constant 0 : i32
      %dma_wait3A_44 = tpu.memref_slice %arg17[%mul3A_13, %dma_wait3A_43] : memref<10000x64xf32, #tpu.memory_space<vmem_shared>> -> memref<125x64xf32, #tpu.memory_space<vmem_shared>>
      tpu.wait_dma2 semaphore(%arg18 : memref<!tpu.dma_semaphore, #tpu.memory_space<semaphore_mem>>) src(%arg16 : memref<125x64xf32, #tpu.memory_space<vmem>>) dst(%dma_wait3A_44 : memref<125x64xf32, #tpu.memory_space<vmem_shared>>)
      %dma_wait3A_45 = arith.constant 0 : i32
      %dma_wait3A_46 = tpu.memref_slice %arg17[%mul3A_13, %dma_wait3A_45] : memref<10000x64xf32, #tpu.memory_space<vmem_shared>> -> memref<125x64xf32, #tpu.memory_space<vmem_shared>>
      %dma_wait3A_47 = arith.constant 0 : i32
      %dma_wait3A_48 = tpu.memref_slice %arg17[%mul3A_13, %dma_wait3A_47] : memref<10000x64xf32, #tpu.memory_space<vmem_shared>> -> memref<125x64xf32, #tpu.memory_space<vmem_shared>>
      tpu.wait_dma2 semaphore(%arg18 : memref<!tpu.dma_semaphore, #tpu.memory_space<semaphore_mem>>) src(%arg16 : memref<125x64xf32, #tpu.memory_space<vmem>>) dst(%dma_wait3A_48 : memref<125x64xf32, #tpu.memory_space<vmem_shared>>)
      %dma_wait3A_49 = arith.constant 0 : i32
      %dma_wait3A_50 = tpu.memref_slice %arg17[%mul3A_13, %dma_wait3A_49] : memref<10000x64xf32, #tpu.memory_space<vmem_shared>> -> memref<125x64xf32, #tpu.memory_space<vmem_shared>>
      %dma_wait3A_51 = arith.constant 0 : i32
      %dma_wait3A_52 = tpu.memref_slice %arg17[%mul3A_13, %dma_wait3A_51] : memref<10000x64xf32, #tpu.memory_space<vmem_shared>> -> memref<125x64xf32, #tpu.memory_space<vmem_shared>>
      tpu.wait_dma2 semaphore(%arg18 : memref<!tpu.dma_semaphore, #tpu.memory_space<semaphore_mem>>) src(%arg16 : memref<125x64xf32, #tpu.memory_space<vmem>>) dst(%dma_wait3A_52 : memref<125x64xf32, #tpu.memory_space<vmem_shared>>)
      %dma_wait3A_53 = arith.constant 0 : i32
      %dma_wait3A_54 = tpu.memref_slice %arg17[%mul3A_13, %dma_wait3A_53] : memref<10000x64xf32, #tpu.memory_space<vmem_shared>> -> memref<125x64xf32, #tpu.memory_space<vmem_shared>>
      %dma_wait3A_55 = arith.constant 0 : i32
      %dma_wait3A_56 = tpu.memref_slice %arg17[%mul3A_13, %dma_wait3A_55] : memref<10000x64xf32, #tpu.memory_space<vmem_shared>> -> memref<125x64xf32, #tpu.memory_space<vmem_shared>>
      tpu.wait_dma2 semaphore(%arg18 : memref<!tpu.dma_semaphore, #tpu.memory_space<semaphore_mem>>) src(%arg16 : memref<125x64xf32, #tpu.memory_space<vmem>>) dst(%dma_wait3A_56 : memref<125x64xf32, #tpu.memory_space<vmem_shared>>)
      %dma_wait3A_57 = arith.constant 0 : i32
      %dma_wait3A_58 = tpu.memref_slice %arg17[%mul3A_13, %dma_wait3A_57] : memref<10000x64xf32, #tpu.memory_space<vmem_shared>> -> memref<125x64xf32, #tpu.memory_space<vmem_shared>>
      %dma_wait3A_59 = arith.constant 0 : i32
      %dma_wait3A_60 = tpu.memref_slice %arg17[%mul3A_13, %dma_wait3A_59] : memref<10000x64xf32, #tpu.memory_space<vmem_shared>> -> memref<125x64xf32, #tpu.memory_space<vmem_shared>>
      tpu.wait_dma2 semaphore(%arg18 : memref<!tpu.dma_semaphore, #tpu.memory_space<semaphore_mem>>) src(%arg16 : memref<125x64xf32, #tpu.memory_space<vmem>>) dst(%dma_wait3A_60 : memref<125x64xf32, #tpu.memory_space<vmem_shared>>)
      %barrier3A = arith.constant 0 : index
      tpu.barrier barrier_id(%barrier3A)
      %dma_start3A_61 = arith.constant 0 : i32
      %dma_start3A_62 = arith.constant 0 : i32
      %dma_start3A_63 = tpu.memref_slice %arg10[%dma_start3A_61, %dma_start3A_62] : memref<160x125xi32, #tpu.memory_space<vmem>> -> memref<1x125xi32, #tpu.memory_space<vmem>>
      %dma_start3A_64 = tpu.memref_squeeze %dma_start3A_63 : memref<1x125xi32, #tpu.memory_space<vmem>> -> memref<125xi32, #tpu.memory_space<vmem>>
      %dma_start3A_65 = arith.constant 0 : i32
      %dma_start3A_66 = arith.constant 0 : i32
      %dma_start3A_67 = tpu.memref_slice %arg4[%dma_start3A_65, %dma_start3A_66] : memref<10000x64xf32, #tpu.memory_space<hbm>> -> memref<10000x64xf32, #tpu.memory_space<hbm>>
      tpu.enqueue_indirect_dma source(%dma_start3A_67 : memref<10000x64xf32, #tpu.memory_space<hbm>>) target(%arg12 : memref<125x64xf32, #tpu.memory_space<vmem>>) offsets(%dma_start3A_64 : memref<125xi32, #tpu.memory_space<vmem>>) semaphore(%arg18 : memref<!tpu.dma_semaphore, #tpu.memory_space<semaphore_mem>>)
      %dma_start3A_68 = arith.constant 1 : i32
      %dma_start3A_69 = arith.constant 0 : i32
      %dma_start3A_70 = tpu.memref_slice %arg10[%dma_start3A_68, %dma_start3A_69] : memref<160x125xi32, #tpu.memory_space<vmem>> -> memref<1x125xi32, #tpu.memory_space<vmem>>
      %dma_start3A_71 = tpu.memref_squeeze %dma_start3A_70 : memref<1x125xi32, #tpu.memory_space<vmem>> -> memref<125xi32, #tpu.memory_space<vmem>>
      %dma_start3A_72 = arith.constant 0 : i32
      %dma_start3A_73 = arith.constant 0 : i32
      %dma_start3A_74 = tpu.memref_slice %arg4[%dma_start3A_72, %dma_start3A_73] : memref<10000x64xf32, #tpu.memory_space<hbm>> -> memref<10000x64xf32, #tpu.memory_space<hbm>>
      tpu.enqueue_indirect_dma source(%dma_start3A_74 : memref<10000x64xf32, #tpu.memory_space<hbm>>) target(%arg13 : memref<125x64xf32, #tpu.memory_space<vmem>>) offsets(%dma_start3A_71 : memref<125xi32, #tpu.memory_space<vmem>>) semaphore(%arg19 : memref<!tpu.dma_semaphore, #tpu.memory_space<semaphore_mem>>)
      %dma_start3A_75 = arith.constant 0 : i32
      %dma_start3A_76 = arith.constant 0 : i32
      %dma_start3A_77 = tpu.memref_slice %arg11[%dma_start3A_75, %dma_start3A_76] : memref<160x125xi32, #tpu.memory_space<vmem>> -> memref<1x125xi32, #tpu.memory_space<vmem>>
      %dma_start3A_78 = tpu.memref_squeeze %dma_start3A_77 : memref<1x125xi32, #tpu.memory_space<vmem>> -> memref<125xi32, #tpu.memory_space<vmem>>
      %dma_start3A_79 = arith.constant 0 : i32
      %dma_start3A_80 = arith.constant 0 : i32
      %dma_start3A_81 = tpu.memref_slice %arg17[%dma_start3A_79, %dma_start3A_80] : memref<10000x64xf32, #tpu.memory_space<vmem_shared>> -> memref<10000x64xf32, #tpu.memory_space<vmem_shared>>
      tpu.enqueue_indirect_dma source(%arg16 : memref<125x64xf32, #tpu.memory_space<vmem>>) target(%dma_start3A_81 : memref<10000x64xf32, #tpu.memory_space<vmem_shared>>) offsets(%dma_start3A_78 : memref<125xi32, #tpu.memory_space<vmem>>) semaphore(%arg24 : memref<!tpu.dma_semaphore, #tpu.memory_space<semaphore_mem>>) {add = true}
      %dma_start3A_82 = arith.constant 0 : i32
      %dma_start3A_83 = arith.constant 0 : i32
      %dma_start3A_84 = tpu.memref_slice %arg11[%dma_start3A_82, %dma_start3A_83] : memref<160x125xi32, #tpu.memory_space<vmem>> -> memref<1x125xi32, #tpu.memory_space<vmem>>
      %dma_start3A_85 = tpu.memref_squeeze %dma_start3A_84 : memref<1x125xi32, #tpu.memory_space<vmem>> -> memref<125xi32, #tpu.memory_space<vmem>>
      %dma_start3A_86 = arith.constant 0 : i32
      %dma_start3A_87 = arith.constant 0 : i32
      %dma_start3A_88 = tpu.memref_slice %arg17[%dma_start3A_86, %dma_start3A_87] : memref<10000x64xf32, #tpu.memory_space<vmem_shared>> -> memref<10000x64xf32, #tpu.memory_space<vmem_shared>>
      tpu.enqueue_indirect_dma source(%arg16 : memref<125x64xf32, #tpu.memory_space<vmem>>) target(%dma_start3A_88 : memref<10000x64xf32, #tpu.memory_space<vmem_shared>>) offsets(%dma_start3A_85 : memref<125xi32, #tpu.memory_space<vmem>>) semaphore(%arg25 : memref<!tpu.dma_semaphore, #tpu.memory_space<semaphore_mem>>) {add = true}
      %scan3A_89 = arith.constant 0 : i32
      %scan3A_90 = arith.constant 0 : i32
      %scan3A_91 = arith.constant 40 : i32
      %scan3A_92 = arith.addi %scan3A_90, %scan3A_91 : i32
      %scan3A_93 = arith.constant 1 : i32
      scf.for %scan3A_256 = %scan3A_90 to %scan3A_92 step %scan3A_93  : i32 {
        %mul3A_257 = arith.constant 4 : i32
        %mul3A_258 = arith.muli %mul3A_257, %scan3A_256 : i32
        %add3A_259 = arith.constant 0 : i32
        %add3A_260 = arith.addi %mul3A_258, %add3A_259 : i32
        %dma_wait3A_261 = arith.constant 0 : i32
        %dma_wait3A_262 = tpu.memref_slice %arg10[%add3A_260, %dma_wait3A_261] : memref<160x125xi32, #tpu.memory_space<vmem>> -> memref<1x125xi32, #tpu.memory_space<vmem>>
        %dma_wait3A_263 = tpu.memref_squeeze %dma_wait3A_262 : memref<1x125xi32, #tpu.memory_space<vmem>> -> memref<125xi32, #tpu.memory_space<vmem>>
        %dma_wait3A_264 = arith.constant 0 : i32
        %dma_wait3A_265 = arith.constant 0 : i32
        %dma_wait3A_266 = tpu.memref_slice %arg4[%dma_wait3A_264, %dma_wait3A_265] : memref<10000x64xf32, #tpu.memory_space<hbm>> -> memref<10000x64xf32, #tpu.memory_space<hbm>>
        tpu.wait_indirect_dma semaphore(%arg18 : memref<!tpu.dma_semaphore, #tpu.memory_space<semaphore_mem>>) src(%dma_wait3A_266 : memref<10000x64xf32, #tpu.memory_space<hbm>>) dst(%arg12 : memref<125x64xf32, #tpu.memory_space<vmem>>)
        %dma_start3A_267 = arith.constant 0 : i32
        %dma_start3A_268 = tpu.memref_slice %arg11[%add3A_260, %dma_start3A_267] : memref<160x125xi32, #tpu.memory_space<vmem>> -> memref<1x125xi32, #tpu.memory_space<vmem>>
        %dma_start3A_269 = tpu.memref_squeeze %dma_start3A_268 : memref<1x125xi32, #tpu.memory_space<vmem>> -> memref<125xi32, #tpu.memory_space<vmem>>
        %dma_start3A_270 = arith.constant 0 : i32
        %dma_start3A_271 = arith.constant 0 : i32
        %dma_start3A_272 = tpu.memref_slice %arg17[%dma_start3A_270, %dma_start3A_271] : memref<10000x64xf32, #tpu.memory_space<vmem_shared>> -> memref<10000x64xf32, #tpu.memory_space<vmem_shared>>
        tpu.enqueue_indirect_dma source(%arg12 : memref<125x64xf32, #tpu.memory_space<vmem>>) target(%dma_start3A_272 : memref<10000x64xf32, #tpu.memory_space<vmem_shared>>) offsets(%dma_start3A_269 : memref<125xi32, #tpu.memory_space<vmem>>) semaphore(%arg22 : memref<!tpu.dma_semaphore, #tpu.memory_space<semaphore_mem>>) {add = true}
        %sub3A = arith.constant 2 : i32
        %sub3A_273 = arith.subi %add3A_260, %sub3A : i32
        %max3A = arith.constant 0 : i32
        %max3A_274 = arith.maxsi %sub3A_273, %max3A : i32
        %dma_wait3A_275 = arith.constant 0 : i32
        %dma_wait3A_276 = tpu.memref_slice %arg11[%max3A_274, %dma_wait3A_275] : memref<160x125xi32, #tpu.memory_space<vmem>> -> memref<1x125xi32, #tpu.memory_space<vmem>>
        %dma_wait3A_277 = tpu.memref_squeeze %dma_wait3A_276 : memref<1x125xi32, #tpu.memory_space<vmem>> -> memref<125xi32, #tpu.memory_space<vmem>>
        %dma_wait3A_278 = arith.constant 0 : i32
        %dma_wait3A_279 = arith.constant 0 : i32
        %dma_wait3A_280 = tpu.memref_slice %arg17[%dma_wait3A_278, %dma_wait3A_279] : memref<10000x64xf32, #tpu.memory_space<vmem_shared>> -> memref<10000x64xf32, #tpu.memory_space<vmem_shared>>
        tpu.wait_indirect_dma semaphore(%arg24 : memref<!tpu.dma_semaphore, #tpu.memory_space<semaphore_mem>>) src(%arg14 : memref<125x64xf32, #tpu.memory_space<vmem>>) dst(%dma_wait3A_280 : memref<10000x64xf32, #tpu.memory_space<vmem_shared>>)
        %add3A_281 = arith.constant 2 : i32
        %add3A_282 = arith.addi %add3A_260, %add3A_281 : i32
        %min3A = arith.constant 159 : i32
        %min3A_283 = arith.minsi %add3A_282, %min3A : i32
        %dma_start3A_284 = arith.constant 0 : i32
        %dma_start3A_285 = tpu.memref_slice %arg10[%min3A_283, %dma_start3A_284] : memref<160x125xi32, #tpu.memory_space<vmem>> -> memref<1x125xi32, #tpu.memory_space<vmem>>
        %dma_start3A_286 = tpu.memref_squeeze %dma_start3A_285 : memref<1x125xi32, #tpu.memory_space<vmem>> -> memref<125xi32, #tpu.memory_space<vmem>>
        %dma_start3A_287 = arith.constant 0 : i32
        %dma_start3A_288 = arith.constant 0 : i32
        %dma_start3A_289 = tpu.memref_slice %arg4[%dma_start3A_287, %dma_start3A_288] : memref<10000x64xf32, #tpu.memory_space<hbm>> -> memref<10000x64xf32, #tpu.memory_space<hbm>>
        tpu.enqueue_indirect_dma source(%dma_start3A_289 : memref<10000x64xf32, #tpu.memory_space<hbm>>) target(%arg14 : memref<125x64xf32, #tpu.memory_space<vmem>>) offsets(%dma_start3A_286 : memref<125xi32, #tpu.memory_space<vmem>>) semaphore(%arg20 : memref<!tpu.dma_semaphore, #tpu.memory_space<semaphore_mem>>)
        %add3A_290 = arith.constant 1 : i32
        %add3A_291 = arith.addi %mul3A_258, %add3A_290 : i32
        %dma_wait3A_292 = arith.constant 0 : i32
        %dma_wait3A_293 = tpu.memref_slice %arg10[%add3A_291, %dma_wait3A_292] : memref<160x125xi32, #tpu.memory_space<vmem>> -> memref<1x125xi32, #tpu.memory_space<vmem>>
        %dma_wait3A_294 = tpu.memref_squeeze %dma_wait3A_293 : memref<1x125xi32, #tpu.memory_space<vmem>> -> memref<125xi32, #tpu.memory_space<vmem>>
        %dma_wait3A_295 = arith.constant 0 : i32
        %dma_wait3A_296 = arith.constant 0 : i32
        %dma_wait3A_297 = tpu.memref_slice %arg4[%dma_wait3A_295, %dma_wait3A_296] : memref<10000x64xf32, #tpu.memory_space<hbm>> -> memref<10000x64xf32, #tpu.memory_space<hbm>>
        tpu.wait_indirect_dma semaphore(%arg19 : memref<!tpu.dma_semaphore, #tpu.memory_space<semaphore_mem>>) src(%dma_wait3A_297 : memref<10000x64xf32, #tpu.memory_space<hbm>>) dst(%arg13 : memref<125x64xf32, #tpu.memory_space<vmem>>)
        %dma_start3A_298 = arith.constant 0 : i32
        %dma_start3A_299 = tpu.memref_slice %arg11[%add3A_291, %dma_start3A_298] : memref<160x125xi32, #tpu.memory_space<vmem>> -> memref<1x125xi32, #tpu.memory_space<vmem>>
        %dma_start3A_300 = tpu.memref_squeeze %dma_start3A_299 : memref<1x125xi32, #tpu.memory_space<vmem>> -> memref<125xi32, #tpu.memory_space<vmem>>
        %dma_start3A_301 = arith.constant 0 : i32
        %dma_start3A_302 = arith.constant 0 : i32
        %dma_start3A_303 = tpu.memref_slice %arg17[%dma_start3A_301, %dma_start3A_302] : memref<10000x64xf32, #tpu.memory_space<vmem_shared>> -> memref<10000x64xf32, #tpu.memory_space<vmem_shared>>
        tpu.enqueue_indirect_dma source(%arg13 : memref<125x64xf32, #tpu.memory_space<vmem>>) target(%dma_start3A_303 : memref<10000x64xf32, #tpu.memory_space<vmem_shared>>) offsets(%dma_start3A_300 : memref<125xi32, #tpu.memory_space<vmem>>) semaphore(%arg23 : memref<!tpu.dma_semaphore, #tpu.memory_space<semaphore_mem>>) {add = true}
        %sub3A_304 = arith.constant 2 : i32
        %sub3A_305 = arith.subi %add3A_291, %sub3A_304 : i32
        %max3A_306 = arith.constant 0 : i32
        %max3A_307 = arith.maxsi %sub3A_305, %max3A_306 : i32
        %dma_wait3A_308 = arith.constant 0 : i32
        %dma_wait3A_309 = tpu.memref_slice %arg11[%max3A_307, %dma_wait3A_308] : memref<160x125xi32, #tpu.memory_space<vmem>> -> memref<1x125xi32, #tpu.memory_space<vmem>>
        %dma_wait3A_310 = tpu.memref_squeeze %dma_wait3A_309 : memref<1x125xi32, #tpu.memory_space<vmem>> -> memref<125xi32, #tpu.memory_space<vmem>>
        %dma_wait3A_311 = arith.constant 0 : i32
        %dma_wait3A_312 = arith.constant 0 : i32
        %dma_wait3A_313 = tpu.memref_slice %arg17[%dma_wait3A_311, %dma_wait3A_312] : memref<10000x64xf32, #tpu.memory_space<vmem_shared>> -> memref<10000x64xf32, #tpu.memory_space<vmem_shared>>
        tpu.wait_indirect_dma semaphore(%arg25 : memref<!tpu.dma_semaphore, #tpu.memory_space<semaphore_mem>>) src(%arg15 : memref<125x64xf32, #tpu.memory_space<vmem>>) dst(%dma_wait3A_313 : memref<10000x64xf32, #tpu.memory_space<vmem_shared>>)
        %add3A_314 = arith.constant 2 : i32
        %add3A_315 = arith.addi %add3A_291, %add3A_314 : i32
        %min3A_316 = arith.constant 159 : i32
        %min3A_317 = arith.minsi %add3A_315, %min3A_316 : i32
        %dma_start3A_318 = arith.constant 0 : i32
        %dma_start3A_319 = tpu.memref_slice %arg10[%min3A_317, %dma_start3A_318] : memref<160x125xi32, #tpu.memory_space<vmem>> -> memref<1x125xi32, #tpu.memory_space<vmem>>
        %dma_start3A_320 = tpu.memref_squeeze %dma_start3A_319 : memref<1x125xi32, #tpu.memory_space<vmem>> -> memref<125xi32, #tpu.memory_space<vmem>>
        %dma_start3A_321 = arith.constant 0 : i32
        %dma_start3A_322 = arith.constant 0 : i32
        %dma_start3A_323 = tpu.memref_slice %arg4[%dma_start3A_321, %dma_start3A_322] : memref<10000x64xf32, #tpu.memory_space<hbm>> -> memref<10000x64xf32, #tpu.memory_space<hbm>>
        tpu.enqueue_indirect_dma source(%dma_start3A_323 : memref<10000x64xf32, #tpu.memory_space<hbm>>) target(%arg15 : memref<125x64xf32, #tpu.memory_space<vmem>>) offsets(%dma_start3A_320 : memref<125xi32, #tpu.memory_space<vmem>>) semaphore(%arg21 : memref<!tpu.dma_semaphore, #tpu.memory_space<semaphore_mem>>)
        %add3A_324 = arith.constant 2 : i32
        %add3A_325 = arith.addi %mul3A_258, %add3A_324 : i32
        %dma_wait3A_326 = arith.constant 0 : i32
        %dma_wait3A_327 = tpu.memref_slice %arg10[%add3A_325, %dma_wait3A_326] : memref<160x125xi32, #tpu.memory_space<vmem>> -> memref<1x125xi32, #tpu.memory_space<vmem>>
        %dma_wait3A_328 = tpu.memref_squeeze %dma_wait3A_327 : memref<1x125xi32, #tpu.memory_space<vmem>> -> memref<125xi32, #tpu.memory_space<vmem>>
        %dma_wait3A_329 = arith.constant 0 : i32
        %dma_wait3A_330 = arith.constant 0 : i32
        %dma_wait3A_331 = tpu.memref_slice %arg4[%dma_wait3A_329, %dma_wait3A_330] : memref<10000x64xf32, #tpu.memory_space<hbm>> -> memref<10000x64xf32, #tpu.memory_space<hbm>>
        tpu.wait_indirect_dma semaphore(%arg20 : memref<!tpu.dma_semaphore, #tpu.memory_space<semaphore_mem>>) src(%dma_wait3A_331 : memref<10000x64xf32, #tpu.memory_space<hbm>>) dst(%arg14 : memref<125x64xf32, #tpu.memory_space<vmem>>)
        %dma_start3A_332 = arith.constant 0 : i32
        %dma_start3A_333 = tpu.memref_slice %arg11[%add3A_325, %dma_start3A_332] : memref<160x125xi32, #tpu.memory_space<vmem>> -> memref<1x125xi32, #tpu.memory_space<vmem>>
        %dma_start3A_334 = tpu.memref_squeeze %dma_start3A_333 : memref<1x125xi32, #tpu.memory_space<vmem>> -> memref<125xi32, #tpu.memory_space<vmem>>
        %dma_start3A_335 = arith.constant 0 : i32
        %dma_start3A_336 = arith.constant 0 : i32
        %dma_start3A_337 = tpu.memref_slice %arg17[%dma_start3A_335, %dma_start3A_336] : memref<10000x64xf32, #tpu.memory_space<vmem_shared>> -> memref<10000x64xf32, #tpu.memory_space<vmem_shared>>
        tpu.enqueue_indirect_dma source(%arg14 : memref<125x64xf32, #tpu.memory_space<vmem>>) target(%dma_start3A_337 : memref<10000x64xf32, #tpu.memory_space<vmem_shared>>) offsets(%dma_start3A_334 : memref<125xi32, #tpu.memory_space<vmem>>) semaphore(%arg24 : memref<!tpu.dma_semaphore, #tpu.memory_space<semaphore_mem>>) {add = true}
        %sub3A_338 = arith.constant 2 : i32
        %sub3A_339 = arith.subi %add3A_325, %sub3A_338 : i32
        %max3A_340 = arith.constant 0 : i32
        %max3A_341 = arith.maxsi %sub3A_339, %max3A_340 : i32
        %dma_wait3A_342 = arith.constant 0 : i32
        %dma_wait3A_343 = tpu.memref_slice %arg11[%max3A_341, %dma_wait3A_342] : memref<160x125xi32, #tpu.memory_space<vmem>> -> memref<1x125xi32, #tpu.memory_space<vmem>>
        %dma_wait3A_344 = tpu.memref_squeeze %dma_wait3A_343 : memref<1x125xi32, #tpu.memory_space<vmem>> -> memref<125xi32, #tpu.memory_space<vmem>>
        %dma_wait3A_345 = arith.constant 0 : i32
        %dma_wait3A_346 = arith.constant 0 : i32
        %dma_wait3A_347 = tpu.memref_slice %arg17[%dma_wait3A_345, %dma_wait3A_346] : memref<10000x64xf32, #tpu.memory_space<vmem_shared>> -> memref<10000x64xf32, #tpu.memory_space<vmem_shared>>
        tpu.wait_indirect_dma semaphore(%arg22 : memref<!tpu.dma_semaphore, #tpu.memory_space<semaphore_mem>>) src(%arg12 : memref<125x64xf32, #tpu.memory_space<vmem>>) dst(%dma_wait3A_347 : memref<10000x64xf32, #tpu.memory_space<vmem_shared>>)
        %add3A_348 = arith.constant 2 : i32
        %add3A_349 = arith.addi %add3A_325, %add3A_348 : i32
        %min3A_350 = arith.constant 159 : i32
        %min3A_351 = arith.minsi %add3A_349, %min3A_350 : i32
        %dma_start3A_352 = arith.constant 0 : i32
        %dma_start3A_353 = tpu.memref_slice %arg10[%min3A_351, %dma_start3A_352] : memref<160x125xi32, #tpu.memory_space<vmem>> -> memref<1x125xi32, #tpu.memory_space<vmem>>
        %dma_start3A_354 = tpu.memref_squeeze %dma_start3A_353 : memref<1x125xi32, #tpu.memory_space<vmem>> -> memref<125xi32, #tpu.memory_space<vmem>>
        %dma_start3A_355 = arith.constant 0 : i32
        %dma_start3A_356 = arith.constant 0 : i32
        %dma_start3A_357 = tpu.memref_slice %arg4[%dma_start3A_355, %dma_start3A_356] : memref<10000x64xf32, #tpu.memory_space<hbm>> -> memref<10000x64xf32, #tpu.memory_space<hbm>>
        tpu.enqueue_indirect_dma source(%dma_start3A_357 : memref<10000x64xf32, #tpu.memory_space<hbm>>) target(%arg12 : memref<125x64xf32, #tpu.memory_space<vmem>>) offsets(%dma_start3A_354 : memref<125xi32, #tpu.memory_space<vmem>>) semaphore(%arg18 : memref<!tpu.dma_semaphore, #tpu.memory_space<semaphore_mem>>)
        %add3A_358 = arith.constant 3 : i32
        %add3A_359 = arith.addi %mul3A_258, %add3A_358 : i32
        %dma_wait3A_360 = arith.constant 0 : i32
        %dma_wait3A_361 = tpu.memref_slice %arg10[%add3A_359, %dma_wait3A_360] : memref<160x125xi32, #tpu.memory_space<vmem>> -> memref<1x125xi32, #tpu.memory_space<vmem>>
        %dma_wait3A_362 = tpu.memref_squeeze %dma_wait3A_361 : memref<1x125xi32, #tpu.memory_space<vmem>> -> memref<125xi32, #tpu.memory_space<vmem>>
        %dma_wait3A_363 = arith.constant 0 : i32
        %dma_wait3A_364 = arith.constant 0 : i32
        %dma_wait3A_365 = tpu.memref_slice %arg4[%dma_wait3A_363, %dma_wait3A_364] : memref<10000x64xf32, #tpu.memory_space<hbm>> -> memref<10000x64xf32, #tpu.memory_space<hbm>>
        tpu.wait_indirect_dma semaphore(%arg21 : memref<!tpu.dma_semaphore, #tpu.memory_space<semaphore_mem>>) src(%dma_wait3A_365 : memref<10000x64xf32, #tpu.memory_space<hbm>>) dst(%arg15 : memref<125x64xf32, #tpu.memory_space<vmem>>)
        %dma_start3A_366 = arith.constant 0 : i32
        %dma_start3A_367 = tpu.memref_slice %arg11[%add3A_359, %dma_start3A_366] : memref<160x125xi32, #tpu.memory_space<vmem>> -> memref<1x125xi32, #tpu.memory_space<vmem>>
        %dma_start3A_368 = tpu.memref_squeeze %dma_start3A_367 : memref<1x125xi32, #tpu.memory_space<vmem>> -> memref<125xi32, #tpu.memory_space<vmem>>
        %dma_start3A_369 = arith.constant 0 : i32
        %dma_start3A_370 = arith.constant 0 : i32
        %dma_start3A_371 = tpu.memref_slice %arg17[%dma_start3A_369, %dma_start3A_370] : memref<10000x64xf32, #tpu.memory_space<vmem_shared>> -> memref<10000x64xf32, #tpu.memory_space<vmem_shared>>
        tpu.enqueue_indirect_dma source(%arg15 : memref<125x64xf32, #tpu.memory_space<vmem>>) target(%dma_start3A_371 : memref<10000x64xf32, #tpu.memory_space<vmem_shared>>) offsets(%dma_start3A_368 : memref<125xi32, #tpu.memory_space<vmem>>) semaphore(%arg25 : memref<!tpu.dma_semaphore, #tpu.memory_space<semaphore_mem>>) {add = true}
        %sub3A_372 = arith.constant 2 : i32
        %sub3A_373 = arith.subi %add3A_359, %sub3A_372 : i32
        %max3A_374 = arith.constant 0 : i32
        %max3A_375 = arith.maxsi %sub3A_373, %max3A_374 : i32
        %dma_wait3A_376 = arith.constant 0 : i32
        %dma_wait3A_377 = tpu.memref_slice %arg11[%max3A_375, %dma_wait3A_376] : memref<160x125xi32, #tpu.memory_space<vmem>> -> memref<1x125xi32, #tpu.memory_space<vmem>>
        %dma_wait3A_378 = tpu.memref_squeeze %dma_wait3A_377 : memref<1x125xi32, #tpu.memory_space<vmem>> -> memref<125xi32, #tpu.memory_space<vmem>>
        %dma_wait3A_379 = arith.constant 0 : i32
        %dma_wait3A_380 = arith.constant 0 : i32
        %dma_wait3A_381 = tpu.memref_slice %arg17[%dma_wait3A_379, %dma_wait3A_380] : memref<10000x64xf32, #tpu.memory_space<vmem_shared>> -> memref<10000x64xf32, #tpu.memory_space<vmem_shared>>
        tpu.wait_indirect_dma semaphore(%arg23 : memref<!tpu.dma_semaphore, #tpu.memory_space<semaphore_mem>>) src(%arg13 : memref<125x64xf32, #tpu.memory_space<vmem>>) dst(%dma_wait3A_381 : memref<10000x64xf32, #tpu.memory_space<vmem_shared>>)
        %add3A_382 = arith.constant 2 : i32
        %add3A_383 = arith.addi %add3A_359, %add3A_382 : i32
        %min3A_384 = arith.constant 159 : i32
        %min3A_385 = arith.minsi %add3A_383, %min3A_384 : i32
        %dma_start3A_386 = arith.constant 0 : i32
        %dma_start3A_387 = tpu.memref_slice %arg10[%min3A_385, %dma_start3A_386] : memref<160x125xi32, #tpu.memory_space<vmem>> -> memref<1x125xi32, #tpu.memory_space<vmem>>
        %dma_start3A_388 = tpu.memref_squeeze %dma_start3A_387 : memref<1x125xi32, #tpu.memory_space<vmem>> -> memref<125xi32, #tpu.memory_space<vmem>>
        %dma_start3A_389 = arith.constant 0 : i32
        %dma_start3A_390 = arith.constant 0 : i32
        %dma_start3A_391 = tpu.memref_slice %arg4[%dma_start3A_389, %dma_start3A_390] : memref<10000x64xf32, #tpu.memory_space<hbm>> -> memref<10000x64xf32, #tpu.memory_space<hbm>>
        tpu.enqueue_indirect_dma source(%dma_start3A_391 : memref<10000x64xf32, #tpu.memory_space<hbm>>) target(%arg13 : memref<125x64xf32, #tpu.memory_space<vmem>>) offsets(%dma_start3A_388 : memref<125xi32, #tpu.memory_space<vmem>>) semaphore(%arg19 : memref<!tpu.dma_semaphore, #tpu.memory_space<semaphore_mem>>)
      }
      %scan3A_94 = arith.constant 40 : i32
      %dma_wait3A_95 = arith.constant 159 : i32
      %dma_wait3A_96 = arith.constant 0 : i32
      %dma_wait3A_97 = tpu.memref_slice %arg10[%dma_wait3A_95, %dma_wait3A_96] : memref<160x125xi32, #tpu.memory_space<vmem>> -> memref<1x125xi32, #tpu.memory_space<vmem>>
      %dma_wait3A_98 = tpu.memref_squeeze %dma_wait3A_97 : memref<1x125xi32, #tpu.memory_space<vmem>> -> memref<125xi32, #tpu.memory_space<vmem>>
      %dma_wait3A_99 = arith.constant 0 : i32
      %dma_wait3A_100 = arith.constant 0 : i32
      %dma_wait3A_101 = tpu.memref_slice %arg4[%dma_wait3A_99, %dma_wait3A_100] : memref<10000x64xf32, #tpu.memory_space<hbm>> -> memref<10000x64xf32, #tpu.memory_space<hbm>>
      tpu.wait_indirect_dma semaphore(%arg18 : memref<!tpu.dma_semaphore, #tpu.memory_space<semaphore_mem>>) src(%dma_wait3A_101 : memref<10000x64xf32, #tpu.memory_space<hbm>>) dst(%arg12 : memref<125x64xf32, #tpu.memory_space<vmem>>)
      %dma_wait3A_102 = arith.constant 159 : i32
      %dma_wait3A_103 = arith.constant 0 : i32
      %dma_wait3A_104 = tpu.memref_slice %arg10[%dma_wait3A_102, %dma_wait3A_103] : memref<160x125xi32, #tpu.memory_space<vmem>> -> memref<1x125xi32, #tpu.memory_space<vmem>>
      %dma_wait3A_105 = tpu.memref_squeeze %dma_wait3A_104 : memref<1x125xi32, #tpu.memory_space<vmem>> -> memref<125xi32, #tpu.memory_space<vmem>>
      %dma_wait3A_106 = arith.constant 0 : i32
      %dma_wait3A_107 = arith.constant 0 : i32
      %dma_wait3A_108 = tpu.memref_slice %arg4[%dma_wait3A_106, %dma_wait3A_107] : memref<10000x64xf32, #tpu.memory_space<hbm>> -> memref<10000x64xf32, #tpu.memory_space<hbm>>
      tpu.wait_indirect_dma semaphore(%arg19 : memref<!tpu.dma_semaphore, #tpu.memory_space<semaphore_mem>>) src(%dma_wait3A_108 : memref<10000x64xf32, #tpu.memory_space<hbm>>) dst(%arg13 : memref<125x64xf32, #tpu.memory_space<vmem>>)
      %dma_wait3A_109 = arith.constant 158 : i32
      %dma_wait3A_110 = arith.constant 0 : i32
      %dma_wait3A_111 = tpu.memref_slice %arg11[%dma_wait3A_109, %dma_wait3A_110] : memref<160x125xi32, #tpu.memory_space<vmem>> -> memref<1x125xi32, #tpu.memory_space<vmem>>
      %dma_wait3A_112 = tpu.memref_squeeze %dma_wait3A_111 : memref<1x125xi32, #tpu.memory_space<vmem>> -> memref<125xi32, #tpu.memory_space<vmem>>
      %dma_wait3A_113 = arith.constant 0 : i32
      %dma_wait3A_114 = arith.constant 0 : i32
      %dma_wait3A_115 = tpu.memref_slice %arg17[%dma_wait3A_113, %dma_wait3A_114] : memref<10000x64xf32, #tpu.memory_space<vmem_shared>> -> memref<10000x64xf32, #tpu.memory_space<vmem_shared>>
      tpu.wait_indirect_dma semaphore(%arg24 : memref<!tpu.dma_semaphore, #tpu.memory_space<semaphore_mem>>) src(%arg14 : memref<125x64xf32, #tpu.memory_space<vmem>>) dst(%dma_wait3A_115 : memref<10000x64xf32, #tpu.memory_space<vmem_shared>>)
      %dma_wait3A_116 = arith.constant 159 : i32
      %dma_wait3A_117 = arith.constant 0 : i32
      %dma_wait3A_118 = tpu.memref_slice %arg11[%dma_wait3A_116, %dma_wait3A_117] : memref<160x125xi32, #tpu.memory_space<vmem>> -> memref<1x125xi32, #tpu.memory_space<vmem>>
      %dma_wait3A_119 = tpu.memref_squeeze %dma_wait3A_118 : memref<1x125xi32, #tpu.memory_space<vmem>> -> memref<125xi32, #tpu.memory_space<vmem>>
      %dma_wait3A_120 = arith.constant 0 : i32
      %dma_wait3A_121 = arith.constant 0 : i32
      %dma_wait3A_122 = tpu.memref_slice %arg17[%dma_wait3A_120, %dma_wait3A_121] : memref<10000x64xf32, #tpu.memory_space<vmem_shared>> -> memref<10000x64xf32, #tpu.memory_space<vmem_shared>>
      tpu.wait_indirect_dma semaphore(%arg25 : memref<!tpu.dma_semaphore, #tpu.memory_space<semaphore_mem>>) src(%arg15 : memref<125x64xf32, #tpu.memory_space<vmem>>) dst(%dma_wait3A_122 : memref<10000x64xf32, #tpu.memory_space<vmem_shared>>)
      %barrier3A_123 = arith.constant 0 : index
      tpu.barrier barrier_id(%barrier3A_123)
      %mul3A_124 = arith.constant 624 : i32
      %mul3A_125 = arith.muli %arg1, %mul3A_124 : i32
      "tpu.region"() ({
        %run_scoped3A = tpu.sem_alloc : memref<!tpu.dma_semaphore, #tpu.memory_space<semaphore_mem>>
        %dma_start3A_256 = arith.constant 0 : i32
        %dma_start3A_257 = tpu.memref_slice %arg8[%arg0, %mul3A_125, %dma_start3A_256] : memref<2x10000x64xf32, #tpu.memory_space<hbm>> -> memref<1x624x64xf32, #tpu.memory_space<hbm>>
        %dma_start3A_258 = tpu.memref_squeeze %dma_start3A_257 : memref<1x624x64xf32, #tpu.memory_space<hbm>> -> memref<624x64xf32, #tpu.memory_space<hbm>>
        %dma_start3A_259 = arith.constant 0 : i32
        %dma_start3A_260 = tpu.memref_slice %arg17[%mul3A_125, %dma_start3A_259] : memref<10000x64xf32, #tpu.memory_space<vmem_shared>> -> memref<624x64xf32, #tpu.memory_space<vmem_shared>>
        tpu.enqueue_dma source(%dma_start3A_260 : memref<624x64xf32, #tpu.memory_space<vmem_shared>>) target(%dma_start3A_258 : memref<624x64xf32, #tpu.memory_space<hbm>>) target_semaphore(%run_scoped3A : memref<!tpu.dma_semaphore, #tpu.memory_space<semaphore_mem>>)
        %dma_wait3A_261 = arith.constant 0 : i32
        %dma_wait3A_262 = tpu.memref_slice %arg8[%arg0, %mul3A_125, %dma_wait3A_261] : memref<2x10000x64xf32, #tpu.memory_space<hbm>> -> memref<1x624x64xf32, #tpu.memory_space<hbm>>
        %dma_wait3A_263 = tpu.memref_squeeze %dma_wait3A_262 : memref<1x624x64xf32, #tpu.memory_space<hbm>> -> memref<624x64xf32, #tpu.memory_space<hbm>>
        %dma_wait3A_264 = arith.constant 0 : i32
        %dma_wait3A_265 = tpu.memref_slice %arg17[%mul3A_125, %dma_wait3A_264] : memref<10000x64xf32, #tpu.memory_space<vmem_shared>> -> memref<624x64xf32, #tpu.memory_space<vmem_shared>>
        tpu.wait_dma2 semaphore(%run_scoped3A : memref<!tpu.dma_semaphore, #tpu.memory_space<semaphore_mem>>) src(%dma_wait3A_265 : memref<624x64xf32, #tpu.memory_space<vmem_shared>>) dst(%dma_wait3A_263 : memref<624x64xf32, #tpu.memory_space<hbm>>)
        tpu.yield
      }) : () -> ()
      %eq3A_126 = arith.constant 15 : i32
      %eq3A_127 = arith.cmpi eq, %arg1, %eq3A_126 : i32
      %convert_element_type3A_128 = arith.extui %eq3A_127 : i1 to i32
      %cond3A_129 = arith.constant 0 : i32
      %cond3A_130 = arith.cmpi ne, %convert_element_type3A_128, %cond3A_129 : i32
      scf.if %cond3A_130 {
        "tpu.region"() ({
          %run_scoped3A = tpu.sem_alloc : memref<!tpu.dma_semaphore, #tpu.memory_space<semaphore_mem>>
          %dma_start3A_256 = arith.constant 9984 : i32
          %dma_start3A_257 = arith.constant 0 : i32
          %dma_start3A_258 = tpu.memref_slice %arg8[%arg0, %dma_start3A_256, %dma_start3A_257] : memref<2x10000x64xf32, #tpu.memory_space<hbm>> -> memref<1x16x64xf32, #tpu.memory_space<hbm>>
          %dma_start3A_259 = tpu.memref_squeeze %dma_start3A_258 : memref<1x16x64xf32, #tpu.memory_space<hbm>> -> memref<16x64xf32, #tpu.memory_space<hbm>>
          %dma_start3A_260 = arith.constant 9984 : i32
          %dma_start3A_261 = arith.constant 0 : i32
          %dma_start3A_262 = tpu.memref_slice %arg17[%dma_start3A_260, %dma_start3A_261] : memref<10000x64xf32, #tpu.memory_space<vmem_shared>> -> memref<16x64xf32, #tpu.memory_space<vmem_shared>>
          tpu.enqueue_dma source(%dma_start3A_262 : memref<16x64xf32, #tpu.memory_space<vmem_shared>>) target(%dma_start3A_259 : memref<16x64xf32, #tpu.memory_space<hbm>>) target_semaphore(%run_scoped3A : memref<!tpu.dma_semaphore, #tpu.memory_space<semaphore_mem>>)
          %dma_wait3A_263 = arith.constant 9984 : i32
          %dma_wait3A_264 = arith.constant 0 : i32
          %dma_wait3A_265 = tpu.memref_slice %arg8[%arg0, %dma_wait3A_263, %dma_wait3A_264] : memref<2x10000x64xf32, #tpu.memory_space<hbm>> -> memref<1x16x64xf32, #tpu.memory_space<hbm>>
          %dma_wait3A_266 = tpu.memref_squeeze %dma_wait3A_265 : memref<1x16x64xf32, #tpu.memory_space<hbm>> -> memref<16x64xf32, #tpu.memory_space<hbm>>
          %dma_wait3A_267 = arith.constant 9984 : i32
          %dma_wait3A_268 = arith.constant 0 : i32
          %dma_wait3A_269 = tpu.memref_slice %arg17[%dma_wait3A_267, %dma_wait3A_268] : memref<10000x64xf32, #tpu.memory_space<vmem_shared>> -> memref<16x64xf32, #tpu.memory_space<vmem_shared>>
          tpu.wait_dma2 semaphore(%run_scoped3A : memref<!tpu.dma_semaphore, #tpu.memory_space<semaphore_mem>>) src(%dma_wait3A_269 : memref<16x64xf32, #tpu.memory_space<vmem_shared>>) dst(%dma_wait3A_266 : memref<16x64xf32, #tpu.memory_space<hbm>>)
          tpu.yield
        }) : () -> ()
      } else {
      }
      %barrier3A_131 = arith.constant 0 : index
      tpu.barrier barrier_id(%barrier3A_131)
      %mul3A_132 = arith.constant 625 : i32
      %mul3A_133 = arith.muli %arg1, %mul3A_132 : i32
      %add3A_134 = arith.constant 0 : i32
      %add3A_135 = arith.addi %mul3A_133, %add3A_134 : i32
      %dma_start3A_136 = arith.constant 0 : i32
      %dma_start3A_137 = tpu.memref_slice %arg17[%add3A_135, %dma_start3A_136] : memref<10000x64xf32, #tpu.memory_space<vmem_shared>> -> memref<125x64xf32, #tpu.memory_space<vmem_shared>>
      %dma_start3A_138 = arith.constant 0 : i32
      %dma_start3A_139 = tpu.memref_slice %arg17[%add3A_135, %dma_start3A_138] : memref<10000x64xf32, #tpu.memory_space<vmem_shared>> -> memref<125x64xf32, #tpu.memory_space<vmem_shared>>
      tpu.enqueue_dma source(%arg16 : memref<125x64xf32, #tpu.memory_space<vmem>>) target(%dma_start3A_139 : memref<125x64xf32, #tpu.memory_space<vmem_shared>>) target_semaphore(%arg18 : memref<!tpu.dma_semaphore, #tpu.memory_space<semaphore_mem>>)
      %add3A_140 = arith.constant 125 : i32
      %add3A_141 = arith.addi %mul3A_133, %add3A_140 : i32
      %dma_start3A_142 = arith.constant 0 : i32
      %dma_start3A_143 = tpu.memref_slice %arg17[%add3A_141, %dma_start3A_142] : memref<10000x64xf32, #tpu.memory_space<vmem_shared>> -> memref<125x64xf32, #tpu.memory_space<vmem_shared>>
      %dma_start3A_144 = arith.constant 0 : i32
      %dma_start3A_145 = tpu.memref_slice %arg17[%add3A_141, %dma_start3A_144] : memref<10000x64xf32, #tpu.memory_space<vmem_shared>> -> memref<125x64xf32, #tpu.memory_space<vmem_shared>>
      tpu.enqueue_dma source(%arg16 : memref<125x64xf32, #tpu.memory_space<vmem>>) target(%dma_start3A_145 : memref<125x64xf32, #tpu.memory_space<vmem_shared>>) target_semaphore(%arg18 : memref<!tpu.dma_semaphore, #tpu.memory_space<semaphore_mem>>)
      %add3A_146 = arith.constant 250 : i32
      %add3A_147 = arith.addi %mul3A_133, %add3A_146 : i32
      %dma_start3A_148 = arith.constant 0 : i32
      %dma_start3A_149 = tpu.memref_slice %arg17[%add3A_147, %dma_start3A_148] : memref<10000x64xf32, #tpu.memory_space<vmem_shared>> -> memref<125x64xf32, #tpu.memory_space<vmem_shared>>
      %dma_start3A_150 = arith.constant 0 : i32
      %dma_start3A_151 = tpu.memref_slice %arg17[%add3A_147, %dma_start3A_150] : memref<10000x64xf32, #tpu.memory_space<vmem_shared>> -> memref<125x64xf32, #tpu.memory_space<vmem_shared>>
      tpu.enqueue_dma source(%arg16 : memref<125x64xf32, #tpu.memory_space<vmem>>) target(%dma_start3A_151 : memref<125x64xf32, #tpu.memory_space<vmem_shared>>) target_semaphore(%arg18 : memref<!tpu.dma_semaphore, #tpu.memory_space<semaphore_mem>>)
      %add3A_152 = arith.constant 375 : i32
      %add3A_153 = arith.addi %mul3A_133, %add3A_152 : i32
      %dma_start3A_154 = arith.constant 0 : i32
      %dma_start3A_155 = tpu.memref_slice %arg17[%add3A_153, %dma_start3A_154] : memref<10000x64xf32, #tpu.memory_space<vmem_shared>> -> memref<125x64xf32, #tpu.memory_space<vmem_shared>>
      %dma_start3A_156 = arith.constant 0 : i32
      %dma_start3A_157 = tpu.memref_slice %arg17[%add3A_153, %dma_start3A_156] : memref<10000x64xf32, #tpu.memory_space<vmem_shared>> -> memref<125x64xf32, #tpu.memory_space<vmem_shared>>
      tpu.enqueue_dma source(%arg16 : memref<125x64xf32, #tpu.memory_space<vmem>>) target(%dma_start3A_157 : memref<125x64xf32, #tpu.memory_space<vmem_shared>>) target_semaphore(%arg18 : memref<!tpu.dma_semaphore, #tpu.memory_space<semaphore_mem>>)
      %add3A_158 = arith.constant 500 : i32
      %add3A_159 = arith.addi %mul3A_133, %add3A_158 : i32
      %dma_start3A_160 = arith.constant 0 : i32
      %dma_start3A_161 = tpu.memref_slice %arg17[%add3A_159, %dma_start3A_160] : memref<10000x64xf32, #tpu.memory_space<vmem_shared>> -> memref<125x64xf32, #tpu.memory_space<vmem_shared>>
      %dma_start3A_162 = arith.constant 0 : i32
      %dma_start3A_163 = tpu.memref_slice %arg17[%add3A_159, %dma_start3A_162] : memref<10000x64xf32, #tpu.memory_space<vmem_shared>> -> memref<125x64xf32, #tpu.memory_space<vmem_shared>>
      tpu.enqueue_dma source(%arg16 : memref<125x64xf32, #tpu.memory_space<vmem>>) target(%dma_start3A_163 : memref<125x64xf32, #tpu.memory_space<vmem_shared>>) target_semaphore(%arg18 : memref<!tpu.dma_semaphore, #tpu.memory_space<semaphore_mem>>)
      %dma_wait3A_164 = arith.constant 0 : i32
      %dma_wait3A_165 = tpu.memref_slice %arg17[%mul3A_133, %dma_wait3A_164] : memref<10000x64xf32, #tpu.memory_space<vmem_shared>> -> memref<125x64xf32, #tpu.memory_space<vmem_shared>>
      %dma_wait3A_166 = arith.constant 0 : i32
      %dma_wait3A_167 = tpu.memref_slice %arg17[%mul3A_133, %dma_wait3A_166] : memref<10000x64xf32, #tpu.memory_space<vmem_shared>> -> memref<125x64xf32, #tpu.memory_space<vmem_shared>>
      tpu.wait_dma2 semaphore(%arg18 : memref<!tpu.dma_semaphore, #tpu.memory_space<semaphore_mem>>) src(%arg16 : memref<125x64xf32, #tpu.memory_space<vmem>>) dst(%dma_wait3A_167 : memref<125x64xf32, #tpu.memory_space<vmem_shared>>)
      %dma_wait3A_168 = arith.constant 0 : i32
      %dma_wait3A_169 = tpu.memref_slice %arg17[%mul3A_133, %dma_wait3A_168] : memref<10000x64xf32, #tpu.memory_space<vmem_shared>> -> memref<125x64xf32, #tpu.memory_space<vmem_shared>>
      %dma_wait3A_170 = arith.constant 0 : i32
      %dma_wait3A_171 = tpu.memref_slice %arg17[%mul3A_133, %dma_wait3A_170] : memref<10000x64xf32, #tpu.memory_space<vmem_shared>> -> memref<125x64xf32, #tpu.memory_space<vmem_shared>>
      tpu.wait_dma2 semaphore(%arg18 : memref<!tpu.dma_semaphore, #tpu.memory_space<semaphore_mem>>) src(%arg16 : memref<125x64xf32, #tpu.memory_space<vmem>>) dst(%dma_wait3A_171 : memref<125x64xf32, #tpu.memory_space<vmem_shared>>)
      %dma_wait3A_172 = arith.constant 0 : i32
      %dma_wait3A_173 = tpu.memref_slice %arg17[%mul3A_133, %dma_wait3A_172] : memref<10000x64xf32, #tpu.memory_space<vmem_shared>> -> memref<125x64xf32, #tpu.memory_space<vmem_shared>>
      %dma_wait3A_174 = arith.constant 0 : i32
      %dma_wait3A_175 = tpu.memref_slice %arg17[%mul3A_133, %dma_wait3A_174] : memref<10000x64xf32, #tpu.memory_space<vmem_shared>> -> memref<125x64xf32, #tpu.memory_space<vmem_shared>>
      tpu.wait_dma2 semaphore(%arg18 : memref<!tpu.dma_semaphore, #tpu.memory_space<semaphore_mem>>) src(%arg16 : memref<125x64xf32, #tpu.memory_space<vmem>>) dst(%dma_wait3A_175 : memref<125x64xf32, #tpu.memory_space<vmem_shared>>)
      %dma_wait3A_176 = arith.constant 0 : i32
      %dma_wait3A_177 = tpu.memref_slice %arg17[%mul3A_133, %dma_wait3A_176] : memref<10000x64xf32, #tpu.memory_space<vmem_shared>> -> memref<125x64xf32, #tpu.memory_space<vmem_shared>>
      %dma_wait3A_178 = arith.constant 0 : i32
      %dma_wait3A_179 = tpu.memref_slice %arg17[%mul3A_133, %dma_wait3A_178] : memref<10000x64xf32, #tpu.memory_space<vmem_shared>> -> memref<125x64xf32, #tpu.memory_space<vmem_shared>>
      tpu.wait_dma2 semaphore(%arg18 : memref<!tpu.dma_semaphore, #tpu.memory_space<semaphore_mem>>) src(%arg16 : memref<125x64xf32, #tpu.memory_space<vmem>>) dst(%dma_wait3A_179 : memref<125x64xf32, #tpu.memory_space<vmem_shared>>)
      %dma_wait3A_180 = arith.constant 0 : i32
      %dma_wait3A_181 = tpu.memref_slice %arg17[%mul3A_133, %dma_wait3A_180] : memref<10000x64xf32, #tpu.memory_space<vmem_shared>> -> memref<125x64xf32, #tpu.memory_space<vmem_shared>>
      %dma_wait3A_182 = arith.constant 0 : i32
      %dma_wait3A_183 = tpu.memref_slice %arg17[%mul3A_133, %dma_wait3A_182] : memref<10000x64xf32, #tpu.memory_space<vmem_shared>> -> memref<125x64xf32, #tpu.memory_space<vmem_shared>>
      tpu.wait_dma2 semaphore(%arg18 : memref<!tpu.dma_semaphore, #tpu.memory_space<semaphore_mem>>) src(%arg16 : memref<125x64xf32, #tpu.memory_space<vmem>>) dst(%dma_wait3A_183 : memref<125x64xf32, #tpu.memory_space<vmem_shared>>)
      %barrier3A_184 = arith.constant 0 : index
      tpu.barrier barrier_id(%barrier3A_184)
      %dma_start3A_185 = arith.constant 0 : i32
      %dma_start3A_186 = arith.constant 0 : i32
      %dma_start3A_187 = tpu.memref_slice %arg10[%dma_start3A_185, %dma_start3A_186] : memref<160x125xi32, #tpu.memory_space<vmem>> -> memref<1x125xi32, #tpu.memory_space<vmem>>
      %dma_start3A_188 = tpu.memref_squeeze %dma_start3A_187 : memref<1x125xi32, #tpu.memory_space<vmem>> -> memref<125xi32, #tpu.memory_space<vmem>>
      %dma_start3A_189 = arith.constant 0 : i32
      %dma_start3A_190 = arith.constant 0 : i32
      %dma_start3A_191 = tpu.memref_slice %arg5[%dma_start3A_189, %dma_start3A_190] : memref<10000x64xf32, #tpu.memory_space<hbm>> -> memref<10000x64xf32, #tpu.memory_space<hbm>>
      tpu.enqueue_indirect_dma source(%dma_start3A_191 : memref<10000x64xf32, #tpu.memory_space<hbm>>) target(%arg12 : memref<125x64xf32, #tpu.memory_space<vmem>>) offsets(%dma_start3A_188 : memref<125xi32, #tpu.memory_space<vmem>>) semaphore(%arg18 : memref<!tpu.dma_semaphore, #tpu.memory_space<semaphore_mem>>)
      %dma_start3A_192 = arith.constant 1 : i32
      %dma_start3A_193 = arith.constant 0 : i32
      %dma_start3A_194 = tpu.memref_slice %arg10[%dma_start3A_192, %dma_start3A_193] : memref<160x125xi32, #tpu.memory_space<vmem>> -> memref<1x125xi32, #tpu.memory_space<vmem>>
      %dma_start3A_195 = tpu.memref_squeeze %dma_start3A_194 : memref<1x125xi32, #tpu.memory_space<vmem>> -> memref<125xi32, #tpu.memory_space<vmem>>
      %dma_start3A_196 = arith.constant 0 : i32
      %dma_start3A_197 = arith.constant 0 : i32
      %dma_start3A_198 = tpu.memref_slice %arg5[%dma_start3A_196, %dma_start3A_197] : memref<10000x64xf32, #tpu.memory_space<hbm>> -> memref<10000x64xf32, #tpu.memory_space<hbm>>
      tpu.enqueue_indirect_dma source(%dma_start3A_198 : memref<10000x64xf32, #tpu.memory_space<hbm>>) target(%arg13 : memref<125x64xf32, #tpu.memory_space<vmem>>) offsets(%dma_start3A_195 : memref<125xi32, #tpu.memory_space<vmem>>) semaphore(%arg19 : memref<!tpu.dma_semaphore, #tpu.memory_space<semaphore_mem>>)
      %dma_start3A_199 = arith.constant 0 : i32
      %dma_start3A_200 = arith.constant 0 : i32
      %dma_start3A_201 = tpu.memref_slice %arg11[%dma_start3A_199, %dma_start3A_200] : memref<160x125xi32, #tpu.memory_space<vmem>> -> memref<1x125xi32, #tpu.memory_space<vmem>>
      %dma_start3A_202 = tpu.memref_squeeze %dma_start3A_201 : memref<1x125xi32, #tpu.memory_space<vmem>> -> memref<125xi32, #tpu.memory_space<vmem>>
      %dma_start3A_203 = arith.constant 0 : i32
      %dma_start3A_204 = arith.constant 0 : i32
      %dma_start3A_205 = tpu.memref_slice %arg17[%dma_start3A_203, %dma_start3A_204] : memref<10000x64xf32, #tpu.memory_space<vmem_shared>> -> memref<10000x64xf32, #tpu.memory_space<vmem_shared>>
      tpu.enqueue_indirect_dma source(%arg16 : memref<125x64xf32, #tpu.memory_space<vmem>>) target(%dma_start3A_205 : memref<10000x64xf32, #tpu.memory_space<vmem_shared>>) offsets(%dma_start3A_202 : memref<125xi32, #tpu.memory_space<vmem>>) semaphore(%arg24 : memref<!tpu.dma_semaphore, #tpu.memory_space<semaphore_mem>>) {add = true}
      %dma_start3A_206 = arith.constant 0 : i32
      %dma_start3A_207 = arith.constant 0 : i32
      %dma_start3A_208 = tpu.memref_slice %arg11[%dma_start3A_206, %dma_start3A_207] : memref<160x125xi32, #tpu.memory_space<vmem>> -> memref<1x125xi32, #tpu.memory_space<vmem>>
      %dma_start3A_209 = tpu.memref_squeeze %dma_start3A_208 : memref<1x125xi32, #tpu.memory_space<vmem>> -> memref<125xi32, #tpu.memory_space<vmem>>
      %dma_start3A_210 = arith.constant 0 : i32
      %dma_start3A_211 = arith.constant 0 : i32
      %dma_start3A_212 = tpu.memref_slice %arg17[%dma_start3A_210, %dma_start3A_211] : memref<10000x64xf32, #tpu.memory_space<vmem_shared>> -> memref<10000x64xf32, #tpu.memory_space<vmem_shared>>
      tpu.enqueue_indirect_dma source(%arg16 : memref<125x64xf32, #tpu.memory_space<vmem>>) target(%dma_start3A_212 : memref<10000x64xf32, #tpu.memory_space<vmem_shared>>) offsets(%dma_start3A_209 : memref<125xi32, #tpu.memory_space<vmem>>) semaphore(%arg25 : memref<!tpu.dma_semaphore, #tpu.memory_space<semaphore_mem>>) {add = true}
      %scan3A_213 = arith.constant 0 : i32
      %scan3A_214 = arith.constant 0 : i32
      %scan3A_215 = arith.constant 40 : i32
      %scan3A_216 = arith.addi %scan3A_214, %scan3A_215 : i32
      %scan3A_217 = arith.constant 1 : i32
      scf.for %scan3A_256 = %scan3A_214 to %scan3A_216 step %scan3A_217  : i32 {
        %mul3A_257 = arith.constant 4 : i32
        %mul3A_258 = arith.muli %mul3A_257, %scan3A_256 : i32
        %add3A_259 = arith.constant 0 : i32
        %add3A_260 = arith.addi %mul3A_258, %add3A_259 : i32
        %dma_wait3A_261 = arith.constant 0 : i32
        %dma_wait3A_262 = tpu.memref_slice %arg10[%add3A_260, %dma_wait3A_261] : memref<160x125xi32, #tpu.memory_space<vmem>> -> memref<1x125xi32, #tpu.memory_space<vmem>>
        %dma_wait3A_263 = tpu.memref_squeeze %dma_wait3A_262 : memref<1x125xi32, #tpu.memory_space<vmem>> -> memref<125xi32, #tpu.memory_space<vmem>>
        %dma_wait3A_264 = arith.constant 0 : i32
        %dma_wait3A_265 = arith.constant 0 : i32
        %dma_wait3A_266 = tpu.memref_slice %arg5[%dma_wait3A_264, %dma_wait3A_265] : memref<10000x64xf32, #tpu.memory_space<hbm>> -> memref<10000x64xf32, #tpu.memory_space<hbm>>
        tpu.wait_indirect_dma semaphore(%arg18 : memref<!tpu.dma_semaphore, #tpu.memory_space<semaphore_mem>>) src(%dma_wait3A_266 : memref<10000x64xf32, #tpu.memory_space<hbm>>) dst(%arg12 : memref<125x64xf32, #tpu.memory_space<vmem>>)
        %dma_start3A_267 = arith.constant 0 : i32
        %dma_start3A_268 = tpu.memref_slice %arg11[%add3A_260, %dma_start3A_267] : memref<160x125xi32, #tpu.memory_space<vmem>> -> memref<1x125xi32, #tpu.memory_space<vmem>>
        %dma_start3A_269 = tpu.memref_squeeze %dma_start3A_268 : memref<1x125xi32, #tpu.memory_space<vmem>> -> memref<125xi32, #tpu.memory_space<vmem>>
        %dma_start3A_270 = arith.constant 0 : i32
        %dma_start3A_271 = arith.constant 0 : i32
        %dma_start3A_272 = tpu.memref_slice %arg17[%dma_start3A_270, %dma_start3A_271] : memref<10000x64xf32, #tpu.memory_space<vmem_shared>> -> memref<10000x64xf32, #tpu.memory_space<vmem_shared>>
        tpu.enqueue_indirect_dma source(%arg12 : memref<125x64xf32, #tpu.memory_space<vmem>>) target(%dma_start3A_272 : memref<10000x64xf32, #tpu.memory_space<vmem_shared>>) offsets(%dma_start3A_269 : memref<125xi32, #tpu.memory_space<vmem>>) semaphore(%arg22 : memref<!tpu.dma_semaphore, #tpu.memory_space<semaphore_mem>>) {add = true}
        %sub3A = arith.constant 2 : i32
        %sub3A_273 = arith.subi %add3A_260, %sub3A : i32
        %max3A = arith.constant 0 : i32
        %max3A_274 = arith.maxsi %sub3A_273, %max3A : i32
        %dma_wait3A_275 = arith.constant 0 : i32
        %dma_wait3A_276 = tpu.memref_slice %arg11[%max3A_274, %dma_wait3A_275] : memref<160x125xi32, #tpu.memory_space<vmem>> -> memref<1x125xi32, #tpu.memory_space<vmem>>
        %dma_wait3A_277 = tpu.memref_squeeze %dma_wait3A_276 : memref<1x125xi32, #tpu.memory_space<vmem>> -> memref<125xi32, #tpu.memory_space<vmem>>
        %dma_wait3A_278 = arith.constant 0 : i32
        %dma_wait3A_279 = arith.constant 0 : i32
        %dma_wait3A_280 = tpu.memref_slice %arg17[%dma_wait3A_278, %dma_wait3A_279] : memref<10000x64xf32, #tpu.memory_space<vmem_shared>> -> memref<10000x64xf32, #tpu.memory_space<vmem_shared>>
        tpu.wait_indirect_dma semaphore(%arg24 : memref<!tpu.dma_semaphore, #tpu.memory_space<semaphore_mem>>) src(%arg14 : memref<125x64xf32, #tpu.memory_space<vmem>>) dst(%dma_wait3A_280 : memref<10000x64xf32, #tpu.memory_space<vmem_shared>>)
        %add3A_281 = arith.constant 2 : i32
        %add3A_282 = arith.addi %add3A_260, %add3A_281 : i32
        %min3A = arith.constant 159 : i32
        %min3A_283 = arith.minsi %add3A_282, %min3A : i32
        %dma_start3A_284 = arith.constant 0 : i32
        %dma_start3A_285 = tpu.memref_slice %arg10[%min3A_283, %dma_start3A_284] : memref<160x125xi32, #tpu.memory_space<vmem>> -> memref<1x125xi32, #tpu.memory_space<vmem>>
        %dma_start3A_286 = tpu.memref_squeeze %dma_start3A_285 : memref<1x125xi32, #tpu.memory_space<vmem>> -> memref<125xi32, #tpu.memory_space<vmem>>
        %dma_start3A_287 = arith.constant 0 : i32
        %dma_start3A_288 = arith.constant 0 : i32
        %dma_start3A_289 = tpu.memref_slice %arg5[%dma_start3A_287, %dma_start3A_288] : memref<10000x64xf32, #tpu.memory_space<hbm>> -> memref<10000x64xf32, #tpu.memory_space<hbm>>
        tpu.enqueue_indirect_dma source(%dma_start3A_289 : memref<10000x64xf32, #tpu.memory_space<hbm>>) target(%arg14 : memref<125x64xf32, #tpu.memory_space<vmem>>) offsets(%dma_start3A_286 : memref<125xi32, #tpu.memory_space<vmem>>) semaphore(%arg20 : memref<!tpu.dma_semaphore, #tpu.memory_space<semaphore_mem>>)
        %add3A_290 = arith.constant 1 : i32
        %add3A_291 = arith.addi %mul3A_258, %add3A_290 : i32
        %dma_wait3A_292 = arith.constant 0 : i32
        %dma_wait3A_293 = tpu.memref_slice %arg10[%add3A_291, %dma_wait3A_292] : memref<160x125xi32, #tpu.memory_space<vmem>> -> memref<1x125xi32, #tpu.memory_space<vmem>>
        %dma_wait3A_294 = tpu.memref_squeeze %dma_wait3A_293 : memref<1x125xi32, #tpu.memory_space<vmem>> -> memref<125xi32, #tpu.memory_space<vmem>>
        %dma_wait3A_295 = arith.constant 0 : i32
        %dma_wait3A_296 = arith.constant 0 : i32
        %dma_wait3A_297 = tpu.memref_slice %arg5[%dma_wait3A_295, %dma_wait3A_296] : memref<10000x64xf32, #tpu.memory_space<hbm>> -> memref<10000x64xf32, #tpu.memory_space<hbm>>
        tpu.wait_indirect_dma semaphore(%arg19 : memref<!tpu.dma_semaphore, #tpu.memory_space<semaphore_mem>>) src(%dma_wait3A_297 : memref<10000x64xf32, #tpu.memory_space<hbm>>) dst(%arg13 : memref<125x64xf32, #tpu.memory_space<vmem>>)
        %dma_start3A_298 = arith.constant 0 : i32
        %dma_start3A_299 = tpu.memref_slice %arg11[%add3A_291, %dma_start3A_298] : memref<160x125xi32, #tpu.memory_space<vmem>> -> memref<1x125xi32, #tpu.memory_space<vmem>>
        %dma_start3A_300 = tpu.memref_squeeze %dma_start3A_299 : memref<1x125xi32, #tpu.memory_space<vmem>> -> memref<125xi32, #tpu.memory_space<vmem>>
        %dma_start3A_301 = arith.constant 0 : i32
        %dma_start3A_302 = arith.constant 0 : i32
        %dma_start3A_303 = tpu.memref_slice %arg17[%dma_start3A_301, %dma_start3A_302] : memref<10000x64xf32, #tpu.memory_space<vmem_shared>> -> memref<10000x64xf32, #tpu.memory_space<vmem_shared>>
        tpu.enqueue_indirect_dma source(%arg13 : memref<125x64xf32, #tpu.memory_space<vmem>>) target(%dma_start3A_303 : memref<10000x64xf32, #tpu.memory_space<vmem_shared>>) offsets(%dma_start3A_300 : memref<125xi32, #tpu.memory_space<vmem>>) semaphore(%arg23 : memref<!tpu.dma_semaphore, #tpu.memory_space<semaphore_mem>>) {add = true}
        %sub3A_304 = arith.constant 2 : i32
        %sub3A_305 = arith.subi %add3A_291, %sub3A_304 : i32
        %max3A_306 = arith.constant 0 : i32
        %max3A_307 = arith.maxsi %sub3A_305, %max3A_306 : i32
        %dma_wait3A_308 = arith.constant 0 : i32
        %dma_wait3A_309 = tpu.memref_slice %arg11[%max3A_307, %dma_wait3A_308] : memref<160x125xi32, #tpu.memory_space<vmem>> -> memref<1x125xi32, #tpu.memory_space<vmem>>
        %dma_wait3A_310 = tpu.memref_squeeze %dma_wait3A_309 : memref<1x125xi32, #tpu.memory_space<vmem>> -> memref<125xi32, #tpu.memory_space<vmem>>
        %dma_wait3A_311 = arith.constant 0 : i32
        %dma_wait3A_312 = arith.constant 0 : i32
        %dma_wait3A_313 = tpu.memref_slice %arg17[%dma_wait3A_311, %dma_wait3A_312] : memref<10000x64xf32, #tpu.memory_space<vmem_shared>> -> memref<10000x64xf32, #tpu.memory_space<vmem_shared>>
        tpu.wait_indirect_dma semaphore(%arg25 : memref<!tpu.dma_semaphore, #tpu.memory_space<semaphore_mem>>) src(%arg15 : memref<125x64xf32, #tpu.memory_space<vmem>>) dst(%dma_wait3A_313 : memref<10000x64xf32, #tpu.memory_space<vmem_shared>>)
        %add3A_314 = arith.constant 2 : i32
        %add3A_315 = arith.addi %add3A_291, %add3A_314 : i32
        %min3A_316 = arith.constant 159 : i32
        %min3A_317 = arith.minsi %add3A_315, %min3A_316 : i32
        %dma_start3A_318 = arith.constant 0 : i32
        %dma_start3A_319 = tpu.memref_slice %arg10[%min3A_317, %dma_start3A_318] : memref<160x125xi32, #tpu.memory_space<vmem>> -> memref<1x125xi32, #tpu.memory_space<vmem>>
        %dma_start3A_320 = tpu.memref_squeeze %dma_start3A_319 : memref<1x125xi32, #tpu.memory_space<vmem>> -> memref<125xi32, #tpu.memory_space<vmem>>
        %dma_start3A_321 = arith.constant 0 : i32
        %dma_start3A_322 = arith.constant 0 : i32
        %dma_start3A_323 = tpu.memref_slice %arg5[%dma_start3A_321, %dma_start3A_322] : memref<10000x64xf32, #tpu.memory_space<hbm>> -> memref<10000x64xf32, #tpu.memory_space<hbm>>
        tpu.enqueue_indirect_dma source(%dma_start3A_323 : memref<10000x64xf32, #tpu.memory_space<hbm>>) target(%arg15 : memref<125x64xf32, #tpu.memory_space<vmem>>) offsets(%dma_start3A_320 : memref<125xi32, #tpu.memory_space<vmem>>) semaphore(%arg21 : memref<!tpu.dma_semaphore, #tpu.memory_space<semaphore_mem>>)
        %add3A_324 = arith.constant 2 : i32
        %add3A_325 = arith.addi %mul3A_258, %add3A_324 : i32
        %dma_wait3A_326 = arith.constant 0 : i32
        %dma_wait3A_327 = tpu.memref_slice %arg10[%add3A_325, %dma_wait3A_326] : memref<160x125xi32, #tpu.memory_space<vmem>> -> memref<1x125xi32, #tpu.memory_space<vmem>>
        %dma_wait3A_328 = tpu.memref_squeeze %dma_wait3A_327 : memref<1x125xi32, #tpu.memory_space<vmem>> -> memref<125xi32, #tpu.memory_space<vmem>>
        %dma_wait3A_329 = arith.constant 0 : i32
        %dma_wait3A_330 = arith.constant 0 : i32
        %dma_wait3A_331 = tpu.memref_slice %arg5[%dma_wait3A_329, %dma_wait3A_330] : memref<10000x64xf32, #tpu.memory_space<hbm>> -> memref<10000x64xf32, #tpu.memory_space<hbm>>
        tpu.wait_indirect_dma semaphore(%arg20 : memref<!tpu.dma_semaphore, #tpu.memory_space<semaphore_mem>>) src(%dma_wait3A_331 : memref<10000x64xf32, #tpu.memory_space<hbm>>) dst(%arg14 : memref<125x64xf32, #tpu.memory_space<vmem>>)
        %dma_start3A_332 = arith.constant 0 : i32
        %dma_start3A_333 = tpu.memref_slice %arg11[%add3A_325, %dma_start3A_332] : memref<160x125xi32, #tpu.memory_space<vmem>> -> memref<1x125xi32, #tpu.memory_space<vmem>>
        %dma_start3A_334 = tpu.memref_squeeze %dma_start3A_333 : memref<1x125xi32, #tpu.memory_space<vmem>> -> memref<125xi32, #tpu.memory_space<vmem>>
        %dma_start3A_335 = arith.constant 0 : i32
        %dma_start3A_336 = arith.constant 0 : i32
        %dma_start3A_337 = tpu.memref_slice %arg17[%dma_start3A_335, %dma_start3A_336] : memref<10000x64xf32, #tpu.memory_space<vmem_shared>> -> memref<10000x64xf32, #tpu.memory_space<vmem_shared>>
        tpu.enqueue_indirect_dma source(%arg14 : memref<125x64xf32, #tpu.memory_space<vmem>>) target(%dma_start3A_337 : memref<10000x64xf32, #tpu.memory_space<vmem_shared>>) offsets(%dma_start3A_334 : memref<125xi32, #tpu.memory_space<vmem>>) semaphore(%arg24 : memref<!tpu.dma_semaphore, #tpu.memory_space<semaphore_mem>>) {add = true}
        %sub3A_338 = arith.constant 2 : i32
        %sub3A_339 = arith.subi %add3A_325, %sub3A_338 : i32
        %max3A_340 = arith.constant 0 : i32
        %max3A_341 = arith.maxsi %sub3A_339, %max3A_340 : i32
        %dma_wait3A_342 = arith.constant 0 : i32
        %dma_wait3A_343 = tpu.memref_slice %arg11[%max3A_341, %dma_wait3A_342] : memref<160x125xi32, #tpu.memory_space<vmem>> -> memref<1x125xi32, #tpu.memory_space<vmem>>
        %dma_wait3A_344 = tpu.memref_squeeze %dma_wait3A_343 : memref<1x125xi32, #tpu.memory_space<vmem>> -> memref<125xi32, #tpu.memory_space<vmem>>
        %dma_wait3A_345 = arith.constant 0 : i32
        %dma_wait3A_346 = arith.constant 0 : i32
        %dma_wait3A_347 = tpu.memref_slice %arg17[%dma_wait3A_345, %dma_wait3A_346] : memref<10000x64xf32, #tpu.memory_space<vmem_shared>> -> memref<10000x64xf32, #tpu.memory_space<vmem_shared>>
        tpu.wait_indirect_dma semaphore(%arg22 : memref<!tpu.dma_semaphore, #tpu.memory_space<semaphore_mem>>) src(%arg12 : memref<125x64xf32, #tpu.memory_space<vmem>>) dst(%dma_wait3A_347 : memref<10000x64xf32, #tpu.memory_space<vmem_shared>>)
        %add3A_348 = arith.constant 2 : i32
        %add3A_349 = arith.addi %add3A_325, %add3A_348 : i32
        %min3A_350 = arith.constant 159 : i32
        %min3A_351 = arith.minsi %add3A_349, %min3A_350 : i32
        %dma_start3A_352 = arith.constant 0 : i32
        %dma_start3A_353 = tpu.memref_slice %arg10[%min3A_351, %dma_start3A_352] : memref<160x125xi32, #tpu.memory_space<vmem>> -> memref<1x125xi32, #tpu.memory_space<vmem>>
        %dma_start3A_354 = tpu.memref_squeeze %dma_start3A_353 : memref<1x125xi32, #tpu.memory_space<vmem>> -> memref<125xi32, #tpu.memory_space<vmem>>
        %dma_start3A_355 = arith.constant 0 : i32
        %dma_start3A_356 = arith.constant 0 : i32
        %dma_start3A_357 = tpu.memref_slice %arg5[%dma_start3A_355, %dma_start3A_356] : memref<10000x64xf32, #tpu.memory_space<hbm>> -> memref<10000x64xf32, #tpu.memory_space<hbm>>
        tpu.enqueue_indirect_dma source(%dma_start3A_357 : memref<10000x64xf32, #tpu.memory_space<hbm>>) target(%arg12 : memref<125x64xf32, #tpu.memory_space<vmem>>) offsets(%dma_start3A_354 : memref<125xi32, #tpu.memory_space<vmem>>) semaphore(%arg18 : memref<!tpu.dma_semaphore, #tpu.memory_space<semaphore_mem>>)
        %add3A_358 = arith.constant 3 : i32
        %add3A_359 = arith.addi %mul3A_258, %add3A_358 : i32
        %dma_wait3A_360 = arith.constant 0 : i32
        %dma_wait3A_361 = tpu.memref_slice %arg10[%add3A_359, %dma_wait3A_360] : memref<160x125xi32, #tpu.memory_space<vmem>> -> memref<1x125xi32, #tpu.memory_space<vmem>>
        %dma_wait3A_362 = tpu.memref_squeeze %dma_wait3A_361 : memref<1x125xi32, #tpu.memory_space<vmem>> -> memref<125xi32, #tpu.memory_space<vmem>>
        %dma_wait3A_363 = arith.constant 0 : i32
        %dma_wait3A_364 = arith.constant 0 : i32
        %dma_wait3A_365 = tpu.memref_slice %arg5[%dma_wait3A_363, %dma_wait3A_364] : memref<10000x64xf32, #tpu.memory_space<hbm>> -> memref<10000x64xf32, #tpu.memory_space<hbm>>
        tpu.wait_indirect_dma semaphore(%arg21 : memref<!tpu.dma_semaphore, #tpu.memory_space<semaphore_mem>>) src(%dma_wait3A_365 : memref<10000x64xf32, #tpu.memory_space<hbm>>) dst(%arg15 : memref<125x64xf32, #tpu.memory_space<vmem>>)
        %dma_start3A_366 = arith.constant 0 : i32
        %dma_start3A_367 = tpu.memref_slice %arg11[%add3A_359, %dma_start3A_366] : memref<160x125xi32, #tpu.memory_space<vmem>> -> memref<1x125xi32, #tpu.memory_space<vmem>>
        %dma_start3A_368 = tpu.memref_squeeze %dma_start3A_367 : memref<1x125xi32, #tpu.memory_space<vmem>> -> memref<125xi32, #tpu.memory_space<vmem>>
        %dma_start3A_369 = arith.constant 0 : i32
        %dma_start3A_370 = arith.constant 0 : i32
        %dma_start3A_371 = tpu.memref_slice %arg17[%dma_start3A_369, %dma_start3A_370] : memref<10000x64xf32, #tpu.memory_space<vmem_shared>> -> memref<10000x64xf32, #tpu.memory_space<vmem_shared>>
        tpu.enqueue_indirect_dma source(%arg15 : memref<125x64xf32, #tpu.memory_space<vmem>>) target(%dma_start3A_371 : memref<10000x64xf32, #tpu.memory_space<vmem_shared>>) offsets(%dma_start3A_368 : memref<125xi32, #tpu.memory_space<vmem>>) semaphore(%arg25 : memref<!tpu.dma_semaphore, #tpu.memory_space<semaphore_mem>>) {add = true}
        %sub3A_372 = arith.constant 2 : i32
        %sub3A_373 = arith.subi %add3A_359, %sub3A_372 : i32
        %max3A_374 = arith.constant 0 : i32
        %max3A_375 = arith.maxsi %sub3A_373, %max3A_374 : i32
        %dma_wait3A_376 = arith.constant 0 : i32
        %dma_wait3A_377 = tpu.memref_slice %arg11[%max3A_375, %dma_wait3A_376] : memref<160x125xi32, #tpu.memory_space<vmem>> -> memref<1x125xi32, #tpu.memory_space<vmem>>
        %dma_wait3A_378 = tpu.memref_squeeze %dma_wait3A_377 : memref<1x125xi32, #tpu.memory_space<vmem>> -> memref<125xi32, #tpu.memory_space<vmem>>
        %dma_wait3A_379 = arith.constant 0 : i32
        %dma_wait3A_380 = arith.constant 0 : i32
        %dma_wait3A_381 = tpu.memref_slice %arg17[%dma_wait3A_379, %dma_wait3A_380] : memref<10000x64xf32, #tpu.memory_space<vmem_shared>> -> memref<10000x64xf32, #tpu.memory_space<vmem_shared>>
        tpu.wait_indirect_dma semaphore(%arg23 : memref<!tpu.dma_semaphore, #tpu.memory_space<semaphore_mem>>) src(%arg13 : memref<125x64xf32, #tpu.memory_space<vmem>>) dst(%dma_wait3A_381 : memref<10000x64xf32, #tpu.memory_space<vmem_shared>>)
        %add3A_382 = arith.constant 2 : i32
        %add3A_383 = arith.addi %add3A_359, %add3A_382 : i32
        %min3A_384 = arith.constant 159 : i32
        %min3A_385 = arith.minsi %add3A_383, %min3A_384 : i32
        %dma_start3A_386 = arith.constant 0 : i32
        %dma_start3A_387 = tpu.memref_slice %arg10[%min3A_385, %dma_start3A_386] : memref<160x125xi32, #tpu.memory_space<vmem>> -> memref<1x125xi32, #tpu.memory_space<vmem>>
        %dma_start3A_388 = tpu.memref_squeeze %dma_start3A_387 : memref<1x125xi32, #tpu.memory_space<vmem>> -> memref<125xi32, #tpu.memory_space<vmem>>
        %dma_start3A_389 = arith.constant 0 : i32
        %dma_start3A_390 = arith.constant 0 : i32
        %dma_start3A_391 = tpu.memref_slice %arg5[%dma_start3A_389, %dma_start3A_390] : memref<10000x64xf32, #tpu.memory_space<hbm>> -> memref<10000x64xf32, #tpu.memory_space<hbm>>
        tpu.enqueue_indirect_dma source(%dma_start3A_391 : memref<10000x64xf32, #tpu.memory_space<hbm>>) target(%arg13 : memref<125x64xf32, #tpu.memory_space<vmem>>) offsets(%dma_start3A_388 : memref<125xi32, #tpu.memory_space<vmem>>) semaphore(%arg19 : memref<!tpu.dma_semaphore, #tpu.memory_space<semaphore_mem>>)
      }
      %scan3A_218 = arith.constant 40 : i32
      %dma_wait3A_219 = arith.constant 159 : i32
      %dma_wait3A_220 = arith.constant 0 : i32
      %dma_wait3A_221 = tpu.memref_slice %arg10[%dma_wait3A_219, %dma_wait3A_220] : memref<160x125xi32, #tpu.memory_space<vmem>> -> memref<1x125xi32, #tpu.memory_space<vmem>>
      %dma_wait3A_222 = tpu.memref_squeeze %dma_wait3A_221 : memref<1x125xi32, #tpu.memory_space<vmem>> -> memref<125xi32, #tpu.memory_space<vmem>>
      %dma_wait3A_223 = arith.constant 0 : i32
      %dma_wait3A_224 = arith.constant 0 : i32
      %dma_wait3A_225 = tpu.memref_slice %arg5[%dma_wait3A_223, %dma_wait3A_224] : memref<10000x64xf32, #tpu.memory_space<hbm>> -> memref<10000x64xf32, #tpu.memory_space<hbm>>
      tpu.wait_indirect_dma semaphore(%arg18 : memref<!tpu.dma_semaphore, #tpu.memory_space<semaphore_mem>>) src(%dma_wait3A_225 : memref<10000x64xf32, #tpu.memory_space<hbm>>) dst(%arg12 : memref<125x64xf32, #tpu.memory_space<vmem>>)
      %dma_wait3A_226 = arith.constant 159 : i32
      %dma_wait3A_227 = arith.constant 0 : i32
      %dma_wait3A_228 = tpu.memref_slice %arg10[%dma_wait3A_226, %dma_wait3A_227] : memref<160x125xi32, #tpu.memory_space<vmem>> -> memref<1x125xi32, #tpu.memory_space<vmem>>
      %dma_wait3A_229 = tpu.memref_squeeze %dma_wait3A_228 : memref<1x125xi32, #tpu.memory_space<vmem>> -> memref<125xi32, #tpu.memory_space<vmem>>
      %dma_wait3A_230 = arith.constant 0 : i32
      %dma_wait3A_231 = arith.constant 0 : i32
      %dma_wait3A_232 = tpu.memref_slice %arg5[%dma_wait3A_230, %dma_wait3A_231] : memref<10000x64xf32, #tpu.memory_space<hbm>> -> memref<10000x64xf32, #tpu.memory_space<hbm>>
      tpu.wait_indirect_dma semaphore(%arg19 : memref<!tpu.dma_semaphore, #tpu.memory_space<semaphore_mem>>) src(%dma_wait3A_232 : memref<10000x64xf32, #tpu.memory_space<hbm>>) dst(%arg13 : memref<125x64xf32, #tpu.memory_space<vmem>>)
      %dma_wait3A_233 = arith.constant 158 : i32
      %dma_wait3A_234 = arith.constant 0 : i32
      %dma_wait3A_235 = tpu.memref_slice %arg11[%dma_wait3A_233, %dma_wait3A_234] : memref<160x125xi32, #tpu.memory_space<vmem>> -> memref<1x125xi32, #tpu.memory_space<vmem>>
      %dma_wait3A_236 = tpu.memref_squeeze %dma_wait3A_235 : memref<1x125xi32, #tpu.memory_space<vmem>> -> memref<125xi32, #tpu.memory_space<vmem>>
      %dma_wait3A_237 = arith.constant 0 : i32
      %dma_wait3A_238 = arith.constant 0 : i32
      %dma_wait3A_239 = tpu.memref_slice %arg17[%dma_wait3A_237, %dma_wait3A_238] : memref<10000x64xf32, #tpu.memory_space<vmem_shared>> -> memref<10000x64xf32, #tpu.memory_space<vmem_shared>>
      tpu.wait_indirect_dma semaphore(%arg24 : memref<!tpu.dma_semaphore, #tpu.memory_space<semaphore_mem>>) src(%arg14 : memref<125x64xf32, #tpu.memory_space<vmem>>) dst(%dma_wait3A_239 : memref<10000x64xf32, #tpu.memory_space<vmem_shared>>)
      %dma_wait3A_240 = arith.constant 159 : i32
      %dma_wait3A_241 = arith.constant 0 : i32
      %dma_wait3A_242 = tpu.memref_slice %arg11[%dma_wait3A_240, %dma_wait3A_241] : memref<160x125xi32, #tpu.memory_space<vmem>> -> memref<1x125xi32, #tpu.memory_space<vmem>>
      %dma_wait3A_243 = tpu.memref_squeeze %dma_wait3A_242 : memref<1x125xi32, #tpu.memory_space<vmem>> -> memref<125xi32, #tpu.memory_space<vmem>>
      %dma_wait3A_244 = arith.constant 0 : i32
      %dma_wait3A_245 = arith.constant 0 : i32
      %dma_wait3A_246 = tpu.memref_slice %arg17[%dma_wait3A_244, %dma_wait3A_245] : memref<10000x64xf32, #tpu.memory_space<vmem_shared>> -> memref<10000x64xf32, #tpu.memory_space<vmem_shared>>
      tpu.wait_indirect_dma semaphore(%arg25 : memref<!tpu.dma_semaphore, #tpu.memory_space<semaphore_mem>>) src(%arg15 : memref<125x64xf32, #tpu.memory_space<vmem>>) dst(%dma_wait3A_246 : memref<10000x64xf32, #tpu.memory_space<vmem_shared>>)
      %barrier3A_247 = arith.constant 0 : index
      tpu.barrier barrier_id(%barrier3A_247)
      %mul3A_248 = arith.constant 624 : i32
      %mul3A_249 = arith.muli %arg1, %mul3A_248 : i32
      "tpu.region"() ({
        %run_scoped3A = tpu.sem_alloc : memref<!tpu.dma_semaphore, #tpu.memory_space<semaphore_mem>>
        %dma_start3A_256 = arith.constant 0 : i32
        %dma_start3A_257 = tpu.memref_slice %arg9[%arg0, %mul3A_249, %dma_start3A_256] : memref<2x10000x64xf32, #tpu.memory_space<hbm>> -> memref<1x624x64xf32, #tpu.memory_space<hbm>>
        %dma_start3A_258 = tpu.memref_squeeze %dma_start3A_257 : memref<1x624x64xf32, #tpu.memory_space<hbm>> -> memref<624x64xf32, #tpu.memory_space<hbm>>
        %dma_start3A_259 = arith.constant 0 : i32
        %dma_start3A_260 = tpu.memref_slice %arg17[%mul3A_249, %dma_start3A_259] : memref<10000x64xf32, #tpu.memory_space<vmem_shared>> -> memref<624x64xf32, #tpu.memory_space<vmem_shared>>
        tpu.enqueue_dma source(%dma_start3A_260 : memref<624x64xf32, #tpu.memory_space<vmem_shared>>) target(%dma_start3A_258 : memref<624x64xf32, #tpu.memory_space<hbm>>) target_semaphore(%run_scoped3A : memref<!tpu.dma_semaphore, #tpu.memory_space<semaphore_mem>>)
        %dma_wait3A_261 = arith.constant 0 : i32
        %dma_wait3A_262 = tpu.memref_slice %arg9[%arg0, %mul3A_249, %dma_wait3A_261] : memref<2x10000x64xf32, #tpu.memory_space<hbm>> -> memref<1x624x64xf32, #tpu.memory_space<hbm>>
        %dma_wait3A_263 = tpu.memref_squeeze %dma_wait3A_262 : memref<1x624x64xf32, #tpu.memory_space<hbm>> -> memref<624x64xf32, #tpu.memory_space<hbm>>
        %dma_wait3A_264 = arith.constant 0 : i32
        %dma_wait3A_265 = tpu.memref_slice %arg17[%mul3A_249, %dma_wait3A_264] : memref<10000x64xf32, #tpu.memory_space<vmem_shared>> -> memref<624x64xf32, #tpu.memory_space<vmem_shared>>
        tpu.wait_dma2 semaphore(%run_scoped3A : memref<!tpu.dma_semaphore, #tpu.memory_space<semaphore_mem>>) src(%dma_wait3A_265 : memref<624x64xf32, #tpu.memory_space<vmem_shared>>) dst(%dma_wait3A_263 : memref<624x64xf32, #tpu.memory_space<hbm>>)
        tpu.yield
      }) : () -> ()
      %eq3A_250 = arith.constant 15 : i32
      %eq3A_251 = arith.cmpi eq, %arg1, %eq3A_250 : i32
      %convert_element_type3A_252 = arith.extui %eq3A_251 : i1 to i32
      %cond3A_253 = arith.constant 0 : i32
      %cond3A_254 = arith.cmpi ne, %convert_element_type3A_252, %cond3A_253 : i32
      scf.if %cond3A_254 {
        "tpu.region"() ({
          %run_scoped3A = tpu.sem_alloc : memref<!tpu.dma_semaphore, #tpu.memory_space<semaphore_mem>>
          %dma_start3A_256 = arith.constant 9984 : i32
          %dma_start3A_257 = arith.constant 0 : i32
          %dma_start3A_258 = tpu.memref_slice %arg9[%arg0, %dma_start3A_256, %dma_start3A_257] : memref<2x10000x64xf32, #tpu.memory_space<hbm>> -> memref<1x16x64xf32, #tpu.memory_space<hbm>>
          %dma_start3A_259 = tpu.memref_squeeze %dma_start3A_258 : memref<1x16x64xf32, #tpu.memory_space<hbm>> -> memref<16x64xf32, #tpu.memory_space<hbm>>
          %dma_start3A_260 = arith.constant 9984 : i32
          %dma_start3A_261 = arith.constant 0 : i32
          %dma_start3A_262 = tpu.memref_slice %arg17[%dma_start3A_260, %dma_start3A_261] : memref<10000x64xf32, #tpu.memory_space<vmem_shared>> -> memref<16x64xf32, #tpu.memory_space<vmem_shared>>
          tpu.enqueue_dma source(%dma_start3A_262 : memref<16x64xf32, #tpu.memory_space<vmem_shared>>) target(%dma_start3A_259 : memref<16x64xf32, #tpu.memory_space<hbm>>) target_semaphore(%run_scoped3A : memref<!tpu.dma_semaphore, #tpu.memory_space<semaphore_mem>>)
          %dma_wait3A_263 = arith.constant 9984 : i32
          %dma_wait3A_264 = arith.constant 0 : i32
          %dma_wait3A_265 = tpu.memref_slice %arg9[%arg0, %dma_wait3A_263, %dma_wait3A_264] : memref<2x10000x64xf32, #tpu.memory_space<hbm>> -> memref<1x16x64xf32, #tpu.memory_space<hbm>>
          %dma_wait3A_266 = tpu.memref_squeeze %dma_wait3A_265 : memref<1x16x64xf32, #tpu.memory_space<hbm>> -> memref<16x64xf32, #tpu.memory_space<hbm>>
          %dma_wait3A_267 = arith.constant 9984 : i32
          %dma_wait3A_268 = arith.constant 0 : i32
          %dma_wait3A_269 = tpu.memref_slice %arg17[%dma_wait3A_267, %dma_wait3A_268] : memref<10000x64xf32, #tpu.memory_space<vmem_shared>> -> memref<16x64xf32, #tpu.memory_space<vmem_shared>>
          tpu.wait_dma2 semaphore(%run_scoped3A : memref<!tpu.dma_semaphore, #tpu.memory_space<semaphore_mem>>) src(%dma_wait3A_269 : memref<16x64xf32, #tpu.memory_space<vmem_shared>>) dst(%dma_wait3A_266 : memref<16x64xf32, #tpu.memory_space<hbm>>)
          tpu.yield
        }) : () -> ()
      } else {
      }
      %barrier3A_255 = arith.constant 0 : index
      tpu.barrier barrier_id(%barrier3A_255)
    } else {
    }
    return
  }
}

module attributes {stable_mosaic.version = 14 : i64} {
  func.func @_encode_body(%arg0: i32, %arg1: memref<2000x58xf32, #tpu.memory_space<vmem>>, %arg2: memref<2000x256xf32, #tpu.memory_space<vmem>>, %arg3: memref<58x128xf32, #tpu.memory_space<vmem>>, %arg4: memref<256x128xf32, #tpu.memory_space<vmem>>, %arg5: memref<1x128xf32, #tpu.memory_space<vmem>>, %arg6: memref<1x128xf32, #tpu.memory_space<vmem>>, %arg7: memref<2000x128xf32, #tpu.memory_space<vmem>>, %arg8: memref<2000x128xf32, #tpu.memory_space<vmem>>, %arg9: memref<2000x64xf32, #tpu.memory_space<vmem>>, %arg10: memref<2000x64xf32, #tpu.memory_space<vmem>>, %arg11: memref<2000x64xf32, #tpu.memory_space<vmem>>, %arg12: memref<2000x64xf32, #tpu.memory_space<vmem>>) attributes {dimension_semantics = [#tpu.dimension_semantics<arbitrary>], iteration_bounds = array<i64: 5>, scalar_prefetch = 0 : i64, scratch_operands = 0 : i64, tpu.core_type = #tpu.core_type<tc>, window_params = [{transform_indices = @transform_0, window_bounds = array<i64: 2000, 58>}, {transform_indices = @transform_1, window_bounds = array<i64: 2000, 256>}, {pipeline_mode = #tpu.pipeline_mode<synchronous>, transform_indices = @transform_2, window_bounds = array<i64: 58, 128>}, {pipeline_mode = #tpu.pipeline_mode<synchronous>, transform_indices = @transform_3, window_bounds = array<i64: 256, 128>}, {pipeline_mode = #tpu.pipeline_mode<synchronous>, transform_indices = @transform_4, window_bounds = array<i64: 1, 128>}, {pipeline_mode = #tpu.pipeline_mode<synchronous>, transform_indices = @transform_5, window_bounds = array<i64: 1, 128>}, {transform_indices = @transform_6, window_bounds = array<i64: 2000, 128>}, {transform_indices = @transform_7, window_bounds = array<i64: 2000, 128>}, {transform_indices = @transform_8, window_bounds = array<i64: 2000, 64>}, {transform_indices = @transform_9, window_bounds = array<i64: 2000, 64>}, {transform_indices = @transform_10, window_bounds = array<i64: 2000, 64>}, {transform_indices = @transform_11, window_bounds = array<i64: 2000, 64>}]} {
    %get3A = arith.constant 0 : index
    %get3A_0 = arith.constant 0 : index
    %get3A_1 = vector.load %arg1[%get3A, %get3A_0] : memref<2000x58xf32, #tpu.memory_space<vmem>>, vector<2000x58xf32>
    %get3A_2 = arith.constant 0 : index
    %get3A_3 = arith.constant 0 : index
    %get3A_4 = vector.load %arg3[%get3A_2, %get3A_3] : memref<58x128xf32, #tpu.memory_space<vmem>>, vector<58x128xf32>
    %dot_general3A = arith.constant dense<0.000000e+00> : vector<2000x128xf32>
    %dot_general3A_5 = tpu.matmul %get3A_1, %get3A_4, %dot_general3A {dimension_numbers = #tpu.dot_dimension_numbers<[1], [0], [0], [1], [0, 0, 1, 1], [], []>, transpose_lhs_hint = false} : vector<2000x58xf32>, vector<58x128xf32>, vector<2000x128xf32> -> vector<2000x128xf32>
    %get3A_6 = arith.constant 0 : index
    %get3A_7 = arith.constant 0 : index
    %get3A_8 = vector.load %arg5[%get3A_6, %get3A_7] : memref<1x128xf32, #tpu.memory_space<vmem>>, vector<1x128xf32>
    %add3A = vector.broadcast %get3A_8 : vector<1x128xf32> to vector<2000x128xf32>
    %add3A_9 = arith.addf %dot_general3A_5, %add3A : vector<2000x128xf32>
    %get3A_10 = arith.constant 0 : index
    %get3A_11 = arith.constant 0 : index
    %get3A_12 = vector.load %arg7[%get3A_10, %get3A_11] : memref<2000x128xf32, #tpu.memory_space<vmem>>, vector<2000x128xf32>
    %add3A_13 = arith.addf %add3A_9, %get3A_12 : vector<2000x128xf32>
    %get3A_14 = arith.constant 0 : index
    %get3A_15 = arith.constant 0 : index
    %get3A_16 = vector.load %arg2[%get3A_14, %get3A_15] : memref<2000x256xf32, #tpu.memory_space<vmem>>, vector<2000x256xf32>
    %get3A_17 = arith.constant 0 : index
    %get3A_18 = arith.constant 0 : index
    %get3A_19 = vector.load %arg4[%get3A_17, %get3A_18] : memref<256x128xf32, #tpu.memory_space<vmem>>, vector<256x128xf32>
    %dot_general3A_20 = arith.constant dense<0.000000e+00> : vector<2000x128xf32>
    %dot_general3A_21 = tpu.matmul %get3A_16, %get3A_19, %dot_general3A_20 {dimension_numbers = #tpu.dot_dimension_numbers<[1], [0], [0], [1], [0, 0, 1, 1], [], []>, transpose_lhs_hint = false} : vector<2000x256xf32>, vector<256x128xf32>, vector<2000x128xf32> -> vector<2000x128xf32>
    %get3A_22 = arith.constant 0 : index
    %get3A_23 = arith.constant 0 : index
    %get3A_24 = vector.load %arg6[%get3A_22, %get3A_23] : memref<1x128xf32, #tpu.memory_space<vmem>>, vector<1x128xf32>
    %add3A_25 = vector.broadcast %get3A_24 : vector<1x128xf32> to vector<2000x128xf32>
    %add3A_26 = arith.addf %dot_general3A_21, %add3A_25 : vector<2000x128xf32>
    %get3A_27 = arith.constant 0 : index
    %get3A_28 = arith.constant 0 : index
    %get3A_29 = vector.load %arg8[%get3A_27, %get3A_28] : memref<2000x128xf32, #tpu.memory_space<vmem>>, vector<2000x128xf32>
    %add3A_30 = arith.addf %add3A_26, %get3A_29 : vector<2000x128xf32>
    %slice3A = vector.extract_strided_slice %add3A_13 {offsets = [0, 0], sizes = [2000, 64], strides = [1, 1]} : vector<2000x128xf32> to vector<2000x64xf32>
    %swap3A = arith.constant 0 : index
    %swap3A_31 = arith.constant 0 : index
    %swap3A_32 = vector.load %arg9[%swap3A, %swap3A_31] : memref<2000x64xf32, #tpu.memory_space<vmem>>, vector<2000x64xf32>
    tpu.vector_store %arg9[%swap3A, %swap3A_31], %slice3A {strides = array<i32>} : memref<2000x64xf32, #tpu.memory_space<vmem>>, vector<2000x64xf32>,
    %slice3A_33 = vector.extract_strided_slice %add3A_13 {offsets = [0, 64], sizes = [2000, 64], strides = [1, 1]} : vector<2000x128xf32> to vector<2000x64xf32>
    %swap3A_34 = arith.constant 0 : index
    %swap3A_35 = arith.constant 0 : index
    %swap3A_36 = vector.load %arg10[%swap3A_34, %swap3A_35] : memref<2000x64xf32, #tpu.memory_space<vmem>>, vector<2000x64xf32>
    tpu.vector_store %arg10[%swap3A_34, %swap3A_35], %slice3A_33 {strides = array<i32>} : memref<2000x64xf32, #tpu.memory_space<vmem>>, vector<2000x64xf32>,
    %slice3A_37 = vector.extract_strided_slice %add3A_30 {offsets = [0, 0], sizes = [2000, 64], strides = [1, 1]} : vector<2000x128xf32> to vector<2000x64xf32>
    %swap3A_38 = arith.constant 0 : index
    %swap3A_39 = arith.constant 0 : index
    %swap3A_40 = vector.load %arg11[%swap3A_38, %swap3A_39] : memref<2000x64xf32, #tpu.memory_space<vmem>>, vector<2000x64xf32>
    tpu.vector_store %arg11[%swap3A_38, %swap3A_39], %slice3A_37 {strides = array<i32>} : memref<2000x64xf32, #tpu.memory_space<vmem>>, vector<2000x64xf32>,
    %slice3A_41 = vector.extract_strided_slice %add3A_30 {offsets = [0, 64], sizes = [2000, 64], strides = [1, 1]} : vector<2000x128xf32> to vector<2000x64xf32>
    %swap3A_42 = arith.constant 0 : index
    %swap3A_43 = arith.constant 0 : index
    %swap3A_44 = vector.load %arg12[%swap3A_42, %swap3A_43] : memref<2000x64xf32, #tpu.memory_space<vmem>>, vector<2000x64xf32>
    tpu.vector_store %arg12[%swap3A_42, %swap3A_43], %slice3A_41 {strides = array<i32>} : memref<2000x64xf32, #tpu.memory_space<vmem>>, vector<2000x64xf32>,
    return
  }
  func.func @transform_0(%arg0: i32) -> (i32, i32) {
    %c0_i32 = arith.constant 0 : i32
    %c0_i32_0 = arith.constant 0 : i32
    return %arg0, %c0_i32 : i32, i32
  }
  func.func @transform_1(%arg0: i32) -> (i32, i32) {
    %c0_i32 = arith.constant 0 : i32
    %c0_i32_0 = arith.constant 0 : i32
    return %arg0, %c0_i32 : i32, i32
  }
  func.func @transform_2(%arg0: i32) -> (i32, i32) {
    %c0_i32 = arith.constant 0 : i32
    %c0_i32_0 = arith.constant 0 : i32
    %c0_i32_1 = arith.constant 0 : i32
    return %c0_i32, %c0_i32_0 : i32, i32
  }
  func.func @transform_3(%arg0: i32) -> (i32, i32) {
    %c0_i32 = arith.constant 0 : i32
    %c0_i32_0 = arith.constant 0 : i32
    %c0_i32_1 = arith.constant 0 : i32
    return %c0_i32, %c0_i32_0 : i32, i32
  }
  func.func @transform_4(%arg0: i32) -> (i32, i32) {
    %c0_i32 = arith.constant 0 : i32
    %c0_i32_0 = arith.constant 0 : i32
    %c0_i32_1 = arith.constant 0 : i32
    return %c0_i32, %c0_i32_0 : i32, i32
  }
  func.func @transform_5(%arg0: i32) -> (i32, i32) {
    %c0_i32 = arith.constant 0 : i32
    %c0_i32_0 = arith.constant 0 : i32
    %c0_i32_1 = arith.constant 0 : i32
    return %c0_i32, %c0_i32_0 : i32, i32
  }
  func.func @transform_6(%arg0: i32) -> (i32, i32) {
    %c0_i32 = arith.constant 0 : i32
    %c0_i32_0 = arith.constant 0 : i32
    return %arg0, %c0_i32 : i32, i32
  }
  func.func @transform_7(%arg0: i32) -> (i32, i32) {
    %c0_i32 = arith.constant 0 : i32
    %c0_i32_0 = arith.constant 0 : i32
    return %arg0, %c0_i32 : i32, i32
  }
  func.func @transform_8(%arg0: i32) -> (i32, i32) {
    %c0_i32 = arith.constant 0 : i32
    %c0_i32_0 = arith.constant 0 : i32
    return %arg0, %c0_i32 : i32, i32
  }
  func.func @transform_9(%arg0: i32) -> (i32, i32) {
    %c0_i32 = arith.constant 0 : i32
    %c0_i32_0 = arith.constant 0 : i32
    return %arg0, %c0_i32 : i32, i32
  }
  func.func @transform_10(%arg0: i32) -> (i32, i32) {
    %c0_i32 = arith.constant 0 : i32
    %c0_i32_0 = arith.constant 0 : i32
    return %arg0, %c0_i32 : i32, i32
  }
  func.func @transform_11(%arg0: i32) -> (i32, i32) {
    %c0_i32 = arith.constant 0 : i32
    %c0_i32_0 = arith.constant 0 : i32
    return %arg0, %c0_i32 : i32, i32
  }
}

module attributes {stable_mosaic.version = 14 : i64} {
  func.func @body(%arg0: i32, %arg1: memref<2x2000x64xf32, #tpu.memory_space<vmem>>, %arg2: memref<2x2000x64xf32, #tpu.memory_space<vmem>>, %arg3: memref<2x1x16x2000xf32, #tpu.memory_space<vmem>>, %arg4: memref<2000x64xf32, #tpu.memory_space<vmem>>, %arg5: memref<2000x64xf32, #tpu.memory_space<vmem>>, %arg6: memref<2000x64xf32, #tpu.memory_space<vmem>>, %arg7: memref<2000x64xf32, #tpu.memory_space<vmem>>, %arg8: memref<128x128xf32, #tpu.memory_space<vmem>>, %arg9: memref<128x128xf32, #tpu.memory_space<vmem>>, %arg10: memref<128x128xf32, #tpu.memory_space<vmem>>, %arg11: memref<128x128xf32, #tpu.memory_space<vmem>>, %arg12: memref<1x128xf32, #tpu.memory_space<vmem>>, %arg13: memref<1x128xf32, #tpu.memory_space<vmem>>, %arg14: memref<2000x64xf32, #tpu.memory_space<vmem>>, %arg15: memref<2000x64xf32, #tpu.memory_space<vmem>>, %arg16: memref<2000x64xf32, #tpu.memory_space<vmem>>, %arg17: memref<2000x64xf32, #tpu.memory_space<vmem>>) attributes {dimension_semantics = [#tpu.dimension_semantics<arbitrary>], iteration_bounds = array<i64: 5>, scalar_prefetch = 0 : i64, scratch_operands = 0 : i64, tpu.core_type = #tpu.core_type<tc>, window_params = [{transform_indices = @transform_0, window_bounds = array<i64: 2, 2000, 64>}, {transform_indices = @transform_1, window_bounds = array<i64: 2, 2000, 64>}, {transform_indices = @transform_2, window_bounds = array<i64: 2, 1, 16, 2000>}, {transform_indices = @transform_3, window_bounds = array<i64: 2000, 64>}, {transform_indices = @transform_4, window_bounds = array<i64: 2000, 64>}, {transform_indices = @transform_5, window_bounds = array<i64: 2000, 64>}, {transform_indices = @transform_6, window_bounds = array<i64: 2000, 64>}, {pipeline_mode = #tpu.pipeline_mode<synchronous>, transform_indices = @transform_7, window_bounds = array<i64: 128, 128>}, {pipeline_mode = #tpu.pipeline_mode<synchronous>, transform_indices = @transform_8, window_bounds = array<i64: 128, 128>}, {pipeline_mode = #tpu.pipeline_mode<synchronous>, transform_indices = @transform_9, window_bounds = array<i64: 128, 128>}, {pipeline_mode = #tpu.pipeline_mode<synchronous>, transform_indices = @transform_10, window_bounds = array<i64: 128, 128>}, {pipeline_mode = #tpu.pipeline_mode<synchronous>, transform_indices = @transform_11, window_bounds = array<i64: 1, 128>}, {pipeline_mode = #tpu.pipeline_mode<synchronous>, transform_indices = @transform_12, window_bounds = array<i64: 1, 128>}, {transform_indices = @transform_13, window_bounds = array<i64: 2000, 64>}, {transform_indices = @transform_14, window_bounds = array<i64: 2000, 64>}, {transform_indices = @transform_15, window_bounds = array<i64: 2000, 64>}, {transform_indices = @transform_16, window_bounds = array<i64: 2000, 64>}]} {
    %get3A = arith.constant 0 : index
    %get3A_0 = arith.constant 0 : index
    %get3A_1 = arith.constant 0 : index
    %get3A_2 = vector.load %arg1[%get3A, %get3A_0, %get3A_1] : memref<2x2000x64xf32, #tpu.memory_space<vmem>>, vector<1x2000x64xf32>
    %get3A_3 = vector.shape_cast %get3A_2 : vector<1x2000x64xf32> to vector<2000x64xf32>
    %get3A_4 = arith.constant 0 : index
    %get3A_5 = arith.constant 0 : index
    %get3A_6 = arith.constant 0 : index
    %get3A_7 = vector.load %arg2[%get3A_4, %get3A_5, %get3A_6] : memref<2x2000x64xf32, #tpu.memory_space<vmem>>, vector<1x2000x64xf32>
    %get3A_8 = vector.shape_cast %get3A_7 : vector<1x2000x64xf32> to vector<2000x64xf32>
    %concatenate3A = tpu.concatenate %get3A_3, %get3A_8 in 1 : vector<2000x64xf32>, vector<2000x64xf32> -> vector<2000x128xf32>
    %get3A_9 = arith.constant 1 : index
    %get3A_10 = arith.constant 0 : index
    %get3A_11 = arith.constant 0 : index
    %get3A_12 = vector.load %arg1[%get3A_9, %get3A_10, %get3A_11] : memref<2x2000x64xf32, #tpu.memory_space<vmem>>, vector<1x2000x64xf32>
    %get3A_13 = vector.shape_cast %get3A_12 : vector<1x2000x64xf32> to vector<2000x64xf32>
    %get3A_14 = arith.constant 1 : index
    %get3A_15 = arith.constant 0 : index
    %get3A_16 = arith.constant 0 : index
    %get3A_17 = vector.load %arg2[%get3A_14, %get3A_15, %get3A_16] : memref<2x2000x64xf32, #tpu.memory_space<vmem>>, vector<1x2000x64xf32>
    %get3A_18 = vector.shape_cast %get3A_17 : vector<1x2000x64xf32> to vector<2000x64xf32>
    %concatenate3A_19 = tpu.concatenate %get3A_13, %get3A_18 in 1 : vector<2000x64xf32>, vector<2000x64xf32> -> vector<2000x128xf32>
    %get3A_20 = arith.constant 0 : index
    %get3A_21 = arith.constant 0 : index
    %get3A_22 = arith.constant 0 : index
    %get3A_23 = arith.constant 0 : index
    %get3A_24 = vector.load %arg3[%get3A_20, %get3A_21, %get3A_22, %get3A_23] : memref<2x1x16x2000xf32, #tpu.memory_space<vmem>>, vector<1x1x16x2000xf32>
    %get3A_25 = vector.shape_cast %get3A_24 : vector<1x1x16x2000xf32> to vector<16x2000xf32>
    %reduce_sum3A = arith.constant dense<0.000000e+00> : vector<2000xf32>
    %reduce_sum3A_26 = vector.multi_reduction <add>, %get3A_25, %reduce_sum3A [0] : vector<16x2000xf32> to vector<2000xf32>
    %broadcast_in_dim3A = vector.shape_cast %reduce_sum3A_26 : vector<2000xf32> to vector<2000x1xf32>
    %get3A_27 = arith.constant 1 : index
    %get3A_28 = arith.constant 0 : index
    %get3A_29 = arith.constant 0 : index
    %get3A_30 = arith.constant 0 : index
    %get3A_31 = vector.load %arg3[%get3A_27, %get3A_28, %get3A_29, %get3A_30] : memref<2x1x16x2000xf32, #tpu.memory_space<vmem>>, vector<1x1x16x2000xf32>
    %get3A_32 = vector.shape_cast %get3A_31 : vector<1x1x16x2000xf32> to vector<16x2000xf32>
    %reduce_sum3A_33 = arith.constant dense<0.000000e+00> : vector<2000xf32>
    %reduce_sum3A_34 = vector.multi_reduction <add>, %get3A_32, %reduce_sum3A_33 [0] : vector<16x2000xf32> to vector<2000xf32>
    %broadcast_in_dim3A_35 = vector.shape_cast %reduce_sum3A_34 : vector<2000xf32> to vector<2000x1xf32>
    %max3A = arith.constant 1.000000e+00 : f32
    %max3A_36 = vector.broadcast %max3A : f32 to vector<2000x1xf32>
    %max3A_37 = arith.maximumf %broadcast_in_dim3A, %max3A_36 : vector<2000x1xf32>
    %div3A = vector.broadcast %max3A_37 : vector<2000x1xf32> to vector<2000x128xf32>
    %div3A_38 = arith.divf %concatenate3A, %div3A : vector<2000x128xf32>
    %max3A_39 = arith.constant 1.000000e+00 : f32
    %max3A_40 = vector.broadcast %max3A_39 : f32 to vector<2000x1xf32>
    %max3A_41 = arith.maximumf %broadcast_in_dim3A_35, %max3A_40 : vector<2000x1xf32>
    %div3A_42 = vector.broadcast %max3A_41 : vector<2000x1xf32> to vector<2000x128xf32>
    %div3A_43 = arith.divf %concatenate3A_19, %div3A_42 : vector<2000x128xf32>
    %get3A_44 = arith.constant 0 : index
    %get3A_45 = arith.constant 0 : index
    %get3A_46 = vector.load %arg4[%get3A_44, %get3A_45] : memref<2000x64xf32, #tpu.memory_space<vmem>>, vector<2000x64xf32>
    %get3A_47 = arith.constant 0 : index
    %get3A_48 = arith.constant 0 : index
    %get3A_49 = vector.load %arg5[%get3A_47, %get3A_48] : memref<2000x64xf32, #tpu.memory_space<vmem>>, vector<2000x64xf32>
    %concatenate3A_50 = tpu.concatenate %get3A_46, %get3A_49 in 1 : vector<2000x64xf32>, vector<2000x64xf32> -> vector<2000x128xf32>
    %get3A_51 = arith.constant 0 : index
    %get3A_52 = arith.constant 0 : index
    %get3A_53 = vector.load %arg6[%get3A_51, %get3A_52] : memref<2000x64xf32, #tpu.memory_space<vmem>>, vector<2000x64xf32>
    %get3A_54 = arith.constant 0 : index
    %get3A_55 = arith.constant 0 : index
    %get3A_56 = vector.load %arg7[%get3A_54, %get3A_55] : memref<2000x64xf32, #tpu.memory_space<vmem>>, vector<2000x64xf32>
    %concatenate3A_57 = tpu.concatenate %get3A_53, %get3A_56 in 1 : vector<2000x64xf32>, vector<2000x64xf32> -> vector<2000x128xf32>
    %get3A_58 = arith.constant 0 : index
    %get3A_59 = arith.constant 0 : index
    %get3A_60 = vector.load %arg8[%get3A_58, %get3A_59] : memref<128x128xf32, #tpu.memory_space<vmem>>, vector<128x128xf32>
    %dot_general3A = arith.constant dense<0.000000e+00> : vector<2000x128xf32>
    %dot_general3A_61 = tpu.matmul %div3A_38, %get3A_60, %dot_general3A {dimension_numbers = #tpu.dot_dimension_numbers<[1], [0], [0], [1], [0, 0, 1, 1], [], []>, transpose_lhs_hint = false} : vector<2000x128xf32>, vector<128x128xf32>, vector<2000x128xf32> -> vector<2000x128xf32>
    %get3A_62 = arith.constant 0 : index
    %get3A_63 = arith.constant 0 : index
    %get3A_64 = vector.load %arg12[%get3A_62, %get3A_63] : memref<1x128xf32, #tpu.memory_space<vmem>>, vector<1x128xf32>
    %add3A = vector.broadcast %get3A_64 : vector<1x128xf32> to vector<2000x128xf32>
    %add3A_65 = arith.addf %dot_general3A_61, %add3A : vector<2000x128xf32>
    %get3A_66 = arith.constant 0 : index
    %get3A_67 = arith.constant 0 : index
    %get3A_68 = vector.load %arg9[%get3A_66, %get3A_67] : memref<128x128xf32, #tpu.memory_space<vmem>>, vector<128x128xf32>
    %dot_general3A_69 = arith.constant dense<0.000000e+00> : vector<2000x128xf32>
    %dot_general3A_70 = tpu.matmul %concatenate3A_50, %get3A_68, %dot_general3A_69 {dimension_numbers = #tpu.dot_dimension_numbers<[1], [0], [0], [1], [0, 0, 1, 1], [], []>, transpose_lhs_hint = false} : vector<2000x128xf32>, vector<128x128xf32>, vector<2000x128xf32> -> vector<2000x128xf32>
    %add3A_71 = arith.addf %add3A_65, %dot_general3A_70 : vector<2000x128xf32>
    %get3A_72 = arith.constant 0 : index
    %get3A_73 = arith.constant 0 : index
    %get3A_74 = vector.load %arg10[%get3A_72, %get3A_73] : memref<128x128xf32, #tpu.memory_space<vmem>>, vector<128x128xf32>
    %dot_general3A_75 = arith.constant dense<0.000000e+00> : vector<2000x128xf32>
    %dot_general3A_76 = tpu.matmul %div3A_43, %get3A_74, %dot_general3A_75 {dimension_numbers = #tpu.dot_dimension_numbers<[1], [0], [0], [1], [0, 0, 1, 1], [], []>, transpose_lhs_hint = false} : vector<2000x128xf32>, vector<128x128xf32>, vector<2000x128xf32> -> vector<2000x128xf32>
    %get3A_77 = arith.constant 0 : index
    %get3A_78 = arith.constant 0 : index
    %get3A_79 = vector.load %arg13[%get3A_77, %get3A_78] : memref<1x128xf32, #tpu.memory_space<vmem>>, vector<1x128xf32>
    %add3A_80 = vector.broadcast %get3A_79 : vector<1x128xf32> to vector<2000x128xf32>
    %add3A_81 = arith.addf %dot_general3A_76, %add3A_80 : vector<2000x128xf32>
    %get3A_82 = arith.constant 0 : index
    %get3A_83 = arith.constant 0 : index
    %get3A_84 = vector.load %arg11[%get3A_82, %get3A_83] : memref<128x128xf32, #tpu.memory_space<vmem>>, vector<128x128xf32>
    %dot_general3A_85 = arith.constant dense<0.000000e+00> : vector<2000x128xf32>
    %dot_general3A_86 = tpu.matmul %concatenate3A_57, %get3A_84, %dot_general3A_85 {dimension_numbers = #tpu.dot_dimension_numbers<[1], [0], [0], [1], [0, 0, 1, 1], [], []>, transpose_lhs_hint = false} : vector<2000x128xf32>, vector<128x128xf32>, vector<2000x128xf32> -> vector<2000x128xf32>
    %add3A_87 = arith.addf %add3A_81, %dot_general3A_86 : vector<2000x128xf32>
    %max3A_88 = arith.constant 0.000000e+00 : f32
    %max3A_89 = vector.broadcast %max3A_88 : f32 to vector<2000x128xf32>
    %max3A_90 = arith.maximumf %add3A_71, %max3A_89 : vector<2000x128xf32>
    %max3A_91 = arith.constant 0.000000e+00 : f32
    %max3A_92 = vector.broadcast %max3A_91 : f32 to vector<2000x128xf32>
    %max3A_93 = arith.maximumf %add3A_87, %max3A_92 : vector<2000x128xf32>
    %slice3A = vector.extract_strided_slice %max3A_90 {offsets = [0, 0], sizes = [2000, 64], strides = [1, 1]} : vector<2000x128xf32> to vector<2000x64xf32>
    %swap3A = arith.constant 0 : index
    %swap3A_94 = arith.constant 0 : index
    %swap3A_95 = vector.load %arg14[%swap3A, %swap3A_94] : memref<2000x64xf32, #tpu.memory_space<vmem>>, vector<2000x64xf32>
    tpu.vector_store %arg14[%swap3A, %swap3A_94], %slice3A {strides = array<i32>} : memref<2000x64xf32, #tpu.memory_space<vmem>>, vector<2000x64xf32>,
    %slice3A_96 = vector.extract_strided_slice %max3A_90 {offsets = [0, 64], sizes = [2000, 64], strides = [1, 1]} : vector<2000x128xf32> to vector<2000x64xf32>
    %swap3A_97 = arith.constant 0 : index
    %swap3A_98 = arith.constant 0 : index
    %swap3A_99 = vector.load %arg15[%swap3A_97, %swap3A_98] : memref<2000x64xf32, #tpu.memory_space<vmem>>, vector<2000x64xf32>
    tpu.vector_store %arg15[%swap3A_97, %swap3A_98], %slice3A_96 {strides = array<i32>} : memref<2000x64xf32, #tpu.memory_space<vmem>>, vector<2000x64xf32>,
    %slice3A_100 = vector.extract_strided_slice %max3A_93 {offsets = [0, 0], sizes = [2000, 64], strides = [1, 1]} : vector<2000x128xf32> to vector<2000x64xf32>
    %swap3A_101 = arith.constant 0 : index
    %swap3A_102 = arith.constant 0 : index
    %swap3A_103 = vector.load %arg16[%swap3A_101, %swap3A_102] : memref<2000x64xf32, #tpu.memory_space<vmem>>, vector<2000x64xf32>
    tpu.vector_store %arg16[%swap3A_101, %swap3A_102], %slice3A_100 {strides = array<i32>} : memref<2000x64xf32, #tpu.memory_space<vmem>>, vector<2000x64xf32>,
    %slice3A_104 = vector.extract_strided_slice %max3A_93 {offsets = [0, 64], sizes = [2000, 64], strides = [1, 1]} : vector<2000x128xf32> to vector<2000x64xf32>
    %swap3A_105 = arith.constant 0 : index
    %swap3A_106 = arith.constant 0 : index
    %swap3A_107 = vector.load %arg17[%swap3A_105, %swap3A_106] : memref<2000x64xf32, #tpu.memory_space<vmem>>, vector<2000x64xf32>
    tpu.vector_store %arg17[%swap3A_105, %swap3A_106], %slice3A_104 {strides = array<i32>} : memref<2000x64xf32, #tpu.memory_space<vmem>>, vector<2000x64xf32>,
    return
  }
  func.func @transform_0(%arg0: i32) -> (i32, i32, i32) {
    %c0_i32 = arith.constant 0 : i32
    %c0_i32_0 = arith.constant 0 : i32
    %c0_i32_1 = arith.constant 0 : i32
    return %c0_i32, %arg0, %c0_i32_0 : i32, i32, i32
  }
  func.func @transform_1(%arg0: i32) -> (i32, i32, i32) {
    %c0_i32 = arith.constant 0 : i32
    %c0_i32_0 = arith.constant 0 : i32
    %c0_i32_1 = arith.constant 0 : i32
    return %c0_i32, %arg0, %c0_i32_0 : i32, i32, i32
  }
  func.func @transform_2(%arg0: i32) -> (i32, i32, i32, i32) {
    %c0_i32 = arith.constant 0 : i32
    %c0_i32_0 = arith.constant 0 : i32
    %c0_i32_1 = arith.constant 0 : i32
    %c0_i32_2 = arith.constant 0 : i32
    return %c0_i32, %arg0, %c0_i32_0, %c0_i32_1 : i32, i32, i32, i32
  }
  func.func @transform_3(%arg0: i32) -> (i32, i32) {
    %c0_i32 = arith.constant 0 : i32
    %c0_i32_0 = arith.constant 0 : i32
    return %arg0, %c0_i32 : i32, i32
  }
  func.func @transform_4(%arg0: i32) -> (i32, i32) {
    %c0_i32 = arith.constant 0 : i32
    %c0_i32_0 = arith.constant 0 : i32
    return %arg0, %c0_i32 : i32, i32
  }
  func.func @transform_5(%arg0: i32) -> (i32, i32) {
    %c0_i32 = arith.constant 0 : i32
    %c0_i32_0 = arith.constant 0 : i32
    return %arg0, %c0_i32 : i32, i32
  }
  func.func @transform_6(%arg0: i32) -> (i32, i32) {
    %c0_i32 = arith.constant 0 : i32
    %c0_i32_0 = arith.constant 0 : i32
    return %arg0, %c0_i32 : i32, i32
  }
  func.func @transform_7(%arg0: i32) -> (i32, i32) {
    %c0_i32 = arith.constant 0 : i32
    %c0_i32_0 = arith.constant 0 : i32
    %c0_i32_1 = arith.constant 0 : i32
    return %c0_i32, %c0_i32_0 : i32, i32
  }
  func.func @transform_8(%arg0: i32) -> (i32, i32) {
    %c0_i32 = arith.constant 0 : i32
    %c0_i32_0 = arith.constant 0 : i32
    %c0_i32_1 = arith.constant 0 : i32
    return %c0_i32, %c0_i32_0 : i32, i32
  }
  func.func @transform_9(%arg0: i32) -> (i32, i32) {
    %c0_i32 = arith.constant 0 : i32
    %c0_i32_0 = arith.constant 0 : i32
    %c0_i32_1 = arith.constant 0 : i32
    return %c0_i32, %c0_i32_0 : i32, i32
  }
  func.func @transform_10(%arg0: i32) -> (i32, i32) {
    %c0_i32 = arith.constant 0 : i32
    %c0_i32_0 = arith.constant 0 : i32
    %c0_i32_1 = arith.constant 0 : i32
    return %c0_i32, %c0_i32_0 : i32, i32
  }
  func.func @transform_11(%arg0: i32) -> (i32, i32) {
    %c0_i32 = arith.constant 0 : i32
    %c0_i32_0 = arith.constant 0 : i32
    %c0_i32_1 = arith.constant 0 : i32
    return %c0_i32, %c0_i32_0 : i32, i32
  }
  func.func @transform_12(%arg0: i32) -> (i32, i32) {
    %c0_i32 = arith.constant 0 : i32
    %c0_i32_0 = arith.constant 0 : i32
    %c0_i32_1 = arith.constant 0 : i32
    return %c0_i32, %c0_i32_0 : i32, i32
  }
  func.func @transform_13(%arg0: i32) -> (i32, i32) {
    %c0_i32 = arith.constant 0 : i32
    %c0_i32_0 = arith.constant 0 : i32
    return %arg0, %c0_i32 : i32, i32
  }
  func.func @transform_14(%arg0: i32) -> (i32, i32) {
    %c0_i32 = arith.constant 0 : i32
    %c0_i32_0 = arith.constant 0 : i32
    return %arg0, %c0_i32 : i32, i32
  }
  func.func @transform_15(%arg0: i32) -> (i32, i32) {
    %c0_i32 = arith.constant 0 : i32
    %c0_i32_0 = arith.constant 0 : i32
    return %arg0, %c0_i32 : i32, i32
  }
  func.func @transform_16(%arg0: i32) -> (i32, i32) {
    %c0_i32 = arith.constant 0 : i32
    %c0_i32_0 = arith.constant 0 : i32
    return %arg0, %c0_i32 : i32, i32
  }
}

module attributes {stable_mosaic.version = 14 : i64} {
  func.func @body(%arg0: i32, %arg1: memref<2x2000x64xf32, #tpu.memory_space<vmem>>, %arg2: memref<2x2000x64xf32, #tpu.memory_space<vmem>>, %arg3: memref<2x1x16x2000xf32, #tpu.memory_space<vmem>>, %arg4: memref<2000x64xf32, #tpu.memory_space<vmem>>, %arg5: memref<2000x64xf32, #tpu.memory_space<vmem>>, %arg6: memref<2000x64xf32, #tpu.memory_space<vmem>>, %arg7: memref<2000x64xf32, #tpu.memory_space<vmem>>, %arg8: memref<128x128xf32, #tpu.memory_space<vmem>>, %arg9: memref<128x128xf32, #tpu.memory_space<vmem>>, %arg10: memref<128x128xf32, #tpu.memory_space<vmem>>, %arg11: memref<128x128xf32, #tpu.memory_space<vmem>>, %arg12: memref<1x128xf32, #tpu.memory_space<vmem>>, %arg13: memref<1x128xf32, #tpu.memory_space<vmem>>, %arg14: memref<2000x128xf32, #tpu.memory_space<vmem>>, %arg15: memref<2000x128xf32, #tpu.memory_space<vmem>>) attributes {dimension_semantics = [#tpu.dimension_semantics<arbitrary>], iteration_bounds = array<i64: 5>, scalar_prefetch = 0 : i64, scratch_operands = 0 : i64, tpu.core_type = #tpu.core_type<tc>, window_params = [{transform_indices = @transform_0, window_bounds = array<i64: 2, 2000, 64>}, {transform_indices = @transform_1, window_bounds = array<i64: 2, 2000, 64>}, {transform_indices = @transform_2, window_bounds = array<i64: 2, 1, 16, 2000>}, {transform_indices = @transform_3, window_bounds = array<i64: 2000, 64>}, {transform_indices = @transform_4, window_bounds = array<i64: 2000, 64>}, {transform_indices = @transform_5, window_bounds = array<i64: 2000, 64>}, {transform_indices = @transform_6, window_bounds = array<i64: 2000, 64>}, {pipeline_mode = #tpu.pipeline_mode<synchronous>, transform_indices = @transform_7, window_bounds = array<i64: 128, 128>}, {pipeline_mode = #tpu.pipeline_mode<synchronous>, transform_indices = @transform_8, window_bounds = array<i64: 128, 128>}, {pipeline_mode = #tpu.pipeline_mode<synchronous>, transform_indices = @transform_9, window_bounds = array<i64: 128, 128>}, {pipeline_mode = #tpu.pipeline_mode<synchronous>, transform_indices = @transform_10, window_bounds = array<i64: 128, 128>}, {pipeline_mode = #tpu.pipeline_mode<synchronous>, transform_indices = @transform_11, window_bounds = array<i64: 1, 128>}, {pipeline_mode = #tpu.pipeline_mode<synchronous>, transform_indices = @transform_12, window_bounds = array<i64: 1, 128>}, {transform_indices = @transform_13, window_bounds = array<i64: 2000, 128>}, {transform_indices = @transform_14, window_bounds = array<i64: 2000, 128>}]} {
    %get3A = arith.constant 0 : index
    %get3A_0 = arith.constant 0 : index
    %get3A_1 = arith.constant 0 : index
    %get3A_2 = vector.load %arg1[%get3A, %get3A_0, %get3A_1] : memref<2x2000x64xf32, #tpu.memory_space<vmem>>, vector<1x2000x64xf32>
    %get3A_3 = vector.shape_cast %get3A_2 : vector<1x2000x64xf32> to vector<2000x64xf32>
    %get3A_4 = arith.constant 0 : index
    %get3A_5 = arith.constant 0 : index
    %get3A_6 = arith.constant 0 : index
    %get3A_7 = vector.load %arg2[%get3A_4, %get3A_5, %get3A_6] : memref<2x2000x64xf32, #tpu.memory_space<vmem>>, vector<1x2000x64xf32>
    %get3A_8 = vector.shape_cast %get3A_7 : vector<1x2000x64xf32> to vector<2000x64xf32>
    %concatenate3A = tpu.concatenate %get3A_3, %get3A_8 in 1 : vector<2000x64xf32>, vector<2000x64xf32> -> vector<2000x128xf32>
    %get3A_9 = arith.constant 1 : index
    %get3A_10 = arith.constant 0 : index
    %get3A_11 = arith.constant 0 : index
    %get3A_12 = vector.load %arg1[%get3A_9, %get3A_10, %get3A_11] : memref<2x2000x64xf32, #tpu.memory_space<vmem>>, vector<1x2000x64xf32>
    %get3A_13 = vector.shape_cast %get3A_12 : vector<1x2000x64xf32> to vector<2000x64xf32>
    %get3A_14 = arith.constant 1 : index
    %get3A_15 = arith.constant 0 : index
    %get3A_16 = arith.constant 0 : index
    %get3A_17 = vector.load %arg2[%get3A_14, %get3A_15, %get3A_16] : memref<2x2000x64xf32, #tpu.memory_space<vmem>>, vector<1x2000x64xf32>
    %get3A_18 = vector.shape_cast %get3A_17 : vector<1x2000x64xf32> to vector<2000x64xf32>
    %concatenate3A_19 = tpu.concatenate %get3A_13, %get3A_18 in 1 : vector<2000x64xf32>, vector<2000x64xf32> -> vector<2000x128xf32>
    %get3A_20 = arith.constant 0 : index
    %get3A_21 = arith.constant 0 : index
    %get3A_22 = arith.constant 0 : index
    %get3A_23 = arith.constant 0 : index
    %get3A_24 = vector.load %arg3[%get3A_20, %get3A_21, %get3A_22, %get3A_23] : memref<2x1x16x2000xf32, #tpu.memory_space<vmem>>, vector<1x1x16x2000xf32>
    %get3A_25 = vector.shape_cast %get3A_24 : vector<1x1x16x2000xf32> to vector<16x2000xf32>
    %reduce_sum3A = arith.constant dense<0.000000e+00> : vector<2000xf32>
    %reduce_sum3A_26 = vector.multi_reduction <add>, %get3A_25, %reduce_sum3A [0] : vector<16x2000xf32> to vector<2000xf32>
    %broadcast_in_dim3A = vector.shape_cast %reduce_sum3A_26 : vector<2000xf32> to vector<2000x1xf32>
    %get3A_27 = arith.constant 1 : index
    %get3A_28 = arith.constant 0 : index
    %get3A_29 = arith.constant 0 : index
    %get3A_30 = arith.constant 0 : index
    %get3A_31 = vector.load %arg3[%get3A_27, %get3A_28, %get3A_29, %get3A_30] : memref<2x1x16x2000xf32, #tpu.memory_space<vmem>>, vector<1x1x16x2000xf32>
    %get3A_32 = vector.shape_cast %get3A_31 : vector<1x1x16x2000xf32> to vector<16x2000xf32>
    %reduce_sum3A_33 = arith.constant dense<0.000000e+00> : vector<2000xf32>
    %reduce_sum3A_34 = vector.multi_reduction <add>, %get3A_32, %reduce_sum3A_33 [0] : vector<16x2000xf32> to vector<2000xf32>
    %broadcast_in_dim3A_35 = vector.shape_cast %reduce_sum3A_34 : vector<2000xf32> to vector<2000x1xf32>
    %max3A = arith.constant 1.000000e+00 : f32
    %max3A_36 = vector.broadcast %max3A : f32 to vector<2000x1xf32>
    %max3A_37 = arith.maximumf %broadcast_in_dim3A, %max3A_36 : vector<2000x1xf32>
    %div3A = vector.broadcast %max3A_37 : vector<2000x1xf32> to vector<2000x128xf32>
    %div3A_38 = arith.divf %concatenate3A, %div3A : vector<2000x128xf32>
    %max3A_39 = arith.constant 1.000000e+00 : f32
    %max3A_40 = vector.broadcast %max3A_39 : f32 to vector<2000x1xf32>
    %max3A_41 = arith.maximumf %broadcast_in_dim3A_35, %max3A_40 : vector<2000x1xf32>
    %div3A_42 = vector.broadcast %max3A_41 : vector<2000x1xf32> to vector<2000x128xf32>
    %div3A_43 = arith.divf %concatenate3A_19, %div3A_42 : vector<2000x128xf32>
    %get3A_44 = arith.constant 0 : index
    %get3A_45 = arith.constant 0 : index
    %get3A_46 = vector.load %arg4[%get3A_44, %get3A_45] : memref<2000x64xf32, #tpu.memory_space<vmem>>, vector<2000x64xf32>
    %get3A_47 = arith.constant 0 : index
    %get3A_48 = arith.constant 0 : index
    %get3A_49 = vector.load %arg5[%get3A_47, %get3A_48] : memref<2000x64xf32, #tpu.memory_space<vmem>>, vector<2000x64xf32>
    %concatenate3A_50 = tpu.concatenate %get3A_46, %get3A_49 in 1 : vector<2000x64xf32>, vector<2000x64xf32> -> vector<2000x128xf32>
    %get3A_51 = arith.constant 0 : index
    %get3A_52 = arith.constant 0 : index
    %get3A_53 = vector.load %arg6[%get3A_51, %get3A_52] : memref<2000x64xf32, #tpu.memory_space<vmem>>, vector<2000x64xf32>
    %get3A_54 = arith.constant 0 : index
    %get3A_55 = arith.constant 0 : index
    %get3A_56 = vector.load %arg7[%get3A_54, %get3A_55] : memref<2000x64xf32, #tpu.memory_space<vmem>>, vector<2000x64xf32>
    %concatenate3A_57 = tpu.concatenate %get3A_53, %get3A_56 in 1 : vector<2000x64xf32>, vector<2000x64xf32> -> vector<2000x128xf32>
    %get3A_58 = arith.constant 0 : index
    %get3A_59 = arith.constant 0 : index
    %get3A_60 = vector.load %arg8[%get3A_58, %get3A_59] : memref<128x128xf32, #tpu.memory_space<vmem>>, vector<128x128xf32>
    %dot_general3A = arith.constant dense<0.000000e+00> : vector<2000x128xf32>
    %dot_general3A_61 = tpu.matmul %div3A_38, %get3A_60, %dot_general3A {dimension_numbers = #tpu.dot_dimension_numbers<[1], [0], [0], [1], [0, 0, 1, 1], [], []>, transpose_lhs_hint = false} : vector<2000x128xf32>, vector<128x128xf32>, vector<2000x128xf32> -> vector<2000x128xf32>
    %get3A_62 = arith.constant 0 : index
    %get3A_63 = arith.constant 0 : index
    %get3A_64 = vector.load %arg12[%get3A_62, %get3A_63] : memref<1x128xf32, #tpu.memory_space<vmem>>, vector<1x128xf32>
    %add3A = vector.broadcast %get3A_64 : vector<1x128xf32> to vector<2000x128xf32>
    %add3A_65 = arith.addf %dot_general3A_61, %add3A : vector<2000x128xf32>
    %get3A_66 = arith.constant 0 : index
    %get3A_67 = arith.constant 0 : index
    %get3A_68 = vector.load %arg9[%get3A_66, %get3A_67] : memref<128x128xf32, #tpu.memory_space<vmem>>, vector<128x128xf32>
    %dot_general3A_69 = arith.constant dense<0.000000e+00> : vector<2000x128xf32>
    %dot_general3A_70 = tpu.matmul %concatenate3A_50, %get3A_68, %dot_general3A_69 {dimension_numbers = #tpu.dot_dimension_numbers<[1], [0], [0], [1], [0, 0, 1, 1], [], []>, transpose_lhs_hint = false} : vector<2000x128xf32>, vector<128x128xf32>, vector<2000x128xf32> -> vector<2000x128xf32>
    %add3A_71 = arith.addf %add3A_65, %dot_general3A_70 : vector<2000x128xf32>
    %get3A_72 = arith.constant 0 : index
    %get3A_73 = arith.constant 0 : index
    %get3A_74 = vector.load %arg10[%get3A_72, %get3A_73] : memref<128x128xf32, #tpu.memory_space<vmem>>, vector<128x128xf32>
    %dot_general3A_75 = arith.constant dense<0.000000e+00> : vector<2000x128xf32>
    %dot_general3A_76 = tpu.matmul %div3A_43, %get3A_74, %dot_general3A_75 {dimension_numbers = #tpu.dot_dimension_numbers<[1], [0], [0], [1], [0, 0, 1, 1], [], []>, transpose_lhs_hint = false} : vector<2000x128xf32>, vector<128x128xf32>, vector<2000x128xf32> -> vector<2000x128xf32>
    %get3A_77 = arith.constant 0 : index
    %get3A_78 = arith.constant 0 : index
    %get3A_79 = vector.load %arg13[%get3A_77, %get3A_78] : memref<1x128xf32, #tpu.memory_space<vmem>>, vector<1x128xf32>
    %add3A_80 = vector.broadcast %get3A_79 : vector<1x128xf32> to vector<2000x128xf32>
    %add3A_81 = arith.addf %dot_general3A_76, %add3A_80 : vector<2000x128xf32>
    %get3A_82 = arith.constant 0 : index
    %get3A_83 = arith.constant 0 : index
    %get3A_84 = vector.load %arg11[%get3A_82, %get3A_83] : memref<128x128xf32, #tpu.memory_space<vmem>>, vector<128x128xf32>
    %dot_general3A_85 = arith.constant dense<0.000000e+00> : vector<2000x128xf32>
    %dot_general3A_86 = tpu.matmul %concatenate3A_57, %get3A_84, %dot_general3A_85 {dimension_numbers = #tpu.dot_dimension_numbers<[1], [0], [0], [1], [0, 0, 1, 1], [], []>, transpose_lhs_hint = false} : vector<2000x128xf32>, vector<128x128xf32>, vector<2000x128xf32> -> vector<2000x128xf32>
    %add3A_87 = arith.addf %add3A_81, %dot_general3A_86 : vector<2000x128xf32>
    %swap3A = arith.constant 0 : index
    %swap3A_88 = arith.constant 0 : index
    %swap3A_89 = vector.load %arg14[%swap3A, %swap3A_88] : memref<2000x128xf32, #tpu.memory_space<vmem>>, vector<2000x128xf32>
    tpu.vector_store %arg14[%swap3A, %swap3A_88], %add3A_71 {strides = array<i32>} : memref<2000x128xf32, #tpu.memory_space<vmem>>, vector<2000x128xf32>,
    %swap3A_90 = arith.constant 0 : index
    %swap3A_91 = arith.constant 0 : index
    %swap3A_92 = vector.load %arg15[%swap3A_90, %swap3A_91] : memref<2000x128xf32, #tpu.memory_space<vmem>>, vector<2000x128xf32>
    tpu.vector_store %arg15[%swap3A_90, %swap3A_91], %add3A_87 {strides = array<i32>} : memref<2000x128xf32, #tpu.memory_space<vmem>>, vector<2000x128xf32>,
    return
  }
  func.func @transform_0(%arg0: i32) -> (i32, i32, i32) {
    %c0_i32 = arith.constant 0 : i32
    %c0_i32_0 = arith.constant 0 : i32
    %c0_i32_1 = arith.constant 0 : i32
    return %c0_i32, %arg0, %c0_i32_0 : i32, i32, i32
  }
  func.func @transform_1(%arg0: i32) -> (i32, i32, i32) {
    %c0_i32 = arith.constant 0 : i32
    %c0_i32_0 = arith.constant 0 : i32
    %c0_i32_1 = arith.constant 0 : i32
    return %c0_i32, %arg0, %c0_i32_0 : i32, i32, i32
  }
  func.func @transform_2(%arg0: i32) -> (i32, i32, i32, i32) {
    %c0_i32 = arith.constant 0 : i32
    %c0_i32_0 = arith.constant 0 : i32
    %c0_i32_1 = arith.constant 0 : i32
    %c0_i32_2 = arith.constant 0 : i32
    return %c0_i32, %arg0, %c0_i32_0, %c0_i32_1 : i32, i32, i32, i32
  }
  func.func @transform_3(%arg0: i32) -> (i32, i32) {
    %c0_i32 = arith.constant 0 : i32
    %c0_i32_0 = arith.constant 0 : i32
    return %arg0, %c0_i32 : i32, i32
  }
  func.func @transform_4(%arg0: i32) -> (i32, i32) {
    %c0_i32 = arith.constant 0 : i32
    %c0_i32_0 = arith.constant 0 : i32
    return %arg0, %c0_i32 : i32, i32
  }
  func.func @transform_5(%arg0: i32) -> (i32, i32) {
    %c0_i32 = arith.constant 0 : i32
    %c0_i32_0 = arith.constant 0 : i32
    return %arg0, %c0_i32 : i32, i32
  }
  func.func @transform_6(%arg0: i32) -> (i32, i32) {
    %c0_i32 = arith.constant 0 : i32
    %c0_i32_0 = arith.constant 0 : i32
    return %arg0, %c0_i32 : i32, i32
  }
  func.func @transform_7(%arg0: i32) -> (i32, i32) {
    %c0_i32 = arith.constant 0 : i32
    %c0_i32_0 = arith.constant 0 : i32
    %c0_i32_1 = arith.constant 0 : i32
    return %c0_i32, %c0_i32_0 : i32, i32
  }
  func.func @transform_8(%arg0: i32) -> (i32, i32) {
    %c0_i32 = arith.constant 0 : i32
    %c0_i32_0 = arith.constant 0 : i32
    %c0_i32_1 = arith.constant 0 : i32
    return %c0_i32, %c0_i32_0 : i32, i32
  }
  func.func @transform_9(%arg0: i32) -> (i32, i32) {
    %c0_i32 = arith.constant 0 : i32
    %c0_i32_0 = arith.constant 0 : i32
    %c0_i32_1 = arith.constant 0 : i32
    return %c0_i32, %c0_i32_0 : i32, i32
  }
  func.func @transform_10(%arg0: i32) -> (i32, i32) {
    %c0_i32 = arith.constant 0 : i32
    %c0_i32_0 = arith.constant 0 : i32
    %c0_i32_1 = arith.constant 0 : i32
    return %c0_i32, %c0_i32_0 : i32, i32
  }
  func.func @transform_11(%arg0: i32) -> (i32, i32) {
    %c0_i32 = arith.constant 0 : i32
    %c0_i32_0 = arith.constant 0 : i32
    %c0_i32_1 = arith.constant 0 : i32
    return %c0_i32, %c0_i32_0 : i32, i32
  }
  func.func @transform_12(%arg0: i32) -> (i32, i32) {
    %c0_i32 = arith.constant 0 : i32
    %c0_i32_0 = arith.constant 0 : i32
    %c0_i32_1 = arith.constant 0 : i32
    return %c0_i32, %c0_i32_0 : i32, i32
  }
  func.func @transform_13(%arg0: i32) -> (i32, i32) {
    %c0_i32 = arith.constant 0 : i32
    %c0_i32_0 = arith.constant 0 : i32
    return %arg0, %c0_i32 : i32, i32
  }
  func.func @transform_14(%arg0: i32) -> (i32, i32) {
    %c0_i32 = arith.constant 0 : i32
    %c0_i32_0 = arith.constant 0 : i32
    return %arg0, %c0_i32 : i32, i32
  }
}

</mosaic_0001>

<sc_bundles>
// kernel: kernel.10.cloned.1.call-start
scs
__scs_entry_jumppad:
0x0: {  	(pc) =	sbr.rel $0x88, $3  }
0x1: {  	(tag) =	ssettag $0x0;
	lr =	simm.s32 $0x1  }
0x2: {  	[smem:$0x3F8B] =	sst lr;
	_ =	strace $0xD0000000  }
0x3: {  	_ = 	snop  }
0x4: {  	_ = 	snop  }
0x5: {  	_ = 	snop  }
0x6: {  	_ = 	snop  }
0x7: {  	_ = 	snop  }
__scs_overlays_trampoline_lowered:
0x8: {  	[smem:$0x3F9A] =	sst s0  }
0x9: {  	[smem:$0x3F9B] =	sst s1  }
0xa: {  	[smem:$0x3F9C] =	sst s2  }
0xb: {  	[smem:$0x3F9D] =	sst s3  }
0xc: {  	[smem:$0x3F9E] =	sst s4  }
0xd: {  	[smem:$0x3F9F] =	sst s5  }
0xe: {  	[smem:$0x3FA0] =	sst s6  }
0xf: {  	[smem:$0x3FA1] =	sst s7  }
0x10: {  	[smem:$0x3FA2] =	sst s8  }
0x11: {  	[smem:$0x3FA3] =	sst s9;
	s0 =	simm.s32 @!p0 $0x0  }
0x12: {  	s1 =	sld [smem:$0x3F89];
	s0 =	simm.s32 @p0 $0x1  }
0x13: {  	[smem:$0x3FA4] =	sst s0;
	s0 =	simm.s32 @!p1 $0x0  }
0x14: {  	s2 =	sld [smem:$0x3F88];
	s0 =	simm.s32 @p1 $0x1  }
0x15: {  	[smem:$0x3FA5] =	sst s0;
	s0 =	simm.s32 @!p2 $0x0  }
0x16: {  	s3 =	sld [smem:$0x3FDB];
	s0 =	simm.s32 @p2 $0x1  }
0x17: {  	s4 =	simm.s32 $0x1BF5;
	[smem:$0x3FA7] =	sst s0  }
0x18: {  	s0 =	sld [smem:$0x3F8A];
	_ =	swait.ge [sflag:s4], $0x0  }
0x19: {  	s7 =	sld [smem:$0x3F8B]  }
0x1a: {  	s8 =	sadd.s32 $0xFFFFE003, lr  }
0x1b: {  	s9 =	sadd.s32 $0xFFFFFEF7, lr;
	s5 =	simm.s32 $0xFFFFFFFF;
	p2 =	slt.u32 s8, $0xFFFFF086  }
0x1c: {  	p1 =	slt.u32 s9, $0xF7A;
	s5 =	simm.s32 @!p2 $0x0  }
0x1d: {  	s5 =	simm.s32 @p1 $0x1;
	p0 =	seq.s32 s7, s2  }
0x1e: {  	s7 =	smul.u32 @!p0 $0xF7A, s2;
	p2 =	seq.s32 @!p0 s5, $0x0  }
0x1f: {  	s9 =	smul.u32 $0xF7A, s1;
	s8 =	simm.s32 @!p0 $0x1BF5;
	p2 =	por !p2, p0  }
0x20: {  	[sflag:s8] =	ssyncset.s32 @!p0 $0xFFFFF086;
	s6 =	sadd.s32 @!p0 s3, s7;
	s7 =	simm.s32 @!p0 $0x108  }
0x21: {  	s3 =	sadd.s32 s3, s9;
	s6 =	sadd.s32 @!p0 $0x88, s6;
	s7 =	simm.s32 @p2 $0x1082  }
0x22: {  	[simem:s7], [sflag:s8] =	dma.local @!p0 [hbm:s6], $0xF7A  }
0x23: {  	s9 =	sor.u32 $0xD0000000, s2;
	s6 =	simm.s32 $0x108;
	_ =	swait.ge @!p0 [sflag:s8], $0x0  }
0x24: {  	s3 =	sadd.s32 $0x88, s3;
	s6 =	simm.s32 @!p1 $0x1082;
	[sflag:s4] =	ssyncset.s32 $0xFFFFF086  }
0x25: {  	[simem:s6], [sflag:s4] =	dma.local [hbm:s3], $0xF7A  }
0x26: {  	[smem:$0x3F8B] =	sst s1;
	(tag) =	ssettag s2;
	_ =	strace s9  }
0x27: {  	s1 =	sld [smem:$0x3F9B]  }
0x28: {  	s2 =	sld [smem:$0x3F9C]  }
0x29: {  	s4 =	sld [smem:$0x3F9E]  }
0x2a: {  	p0 =	seq.s32 s5, $0x0;
	s5 =	sld [smem:$0x3F9F]  }
0x2b: {  	s6 =	sld [smem:$0x3FA0]  }
0x2c: {  	s7 =	sld [smem:$0x3FA1]  }
0x2d: {  	s3 =	simm.s32 $0x108;
	s8 =	sld [smem:$0x3FA2]  }
0x2e: {  	s3 =	simm.s32 @!p0 $0x1082;
	s9 =	sld [smem:$0x3FA3]  }
0x2f: {  	lr =	sadd.s32 s0, s3;
	s0 =	sld [smem:$0x3F9A]  }
0x30: {  	s3 =	sld [smem:$0x3F9D]  }
0x31: {  	[smem:$0x3FA6] =	sst s10  }
0x32: {  	s10 =	sld [smem:$0x3FA4];
	_ =	sdelay $0x3  }
0x33: {  	p0 =	seq.s32 s10, $0x1;
	s10 =	sld [smem:$0x3FA6];
	_ =	sdelay $0x3  }
0x34: {  	[smem:$0x3FA6] =	sst s10  }
0x35: {  	s10 =	sld [smem:$0x3FA5];
	_ =	sdelay $0x3  }
0x36: {  	p1 =	seq.s32 s10, $0x1;
	s10 =	sld [smem:$0x3FA6];
	_ =	sdelay $0x3  }
0x37: {  	[smem:$0x3FA6] =	sst s10  }
0x38: {  	s10 =	sld [smem:$0x3FA7]  }
0x39: {  	_ = 	snop;
	(pc) =	sbr.ind lr, $3  }
0x3a: {  	_ = 	snop  }
0x3b: {  	_ = 	snop  }
0x3c: {  	p2 =	seq.s32 s10, $0x1;
	s10 =	sld [smem:$0x3FA6]  }
0x3d: {  	_ =	shalt  }
0x3e: {  	_ =	shalt  }
0x3f: {  	_ =	shalt  }
0x40: {  	_ =	shalt  }
0x41: {  	_ =	shalt  }
0x42: {  	_ =	shalt  }
0x43: {  	_ =	shalt  }
0x44: {  	_ =	shalt  }
0x45: {  	_ =	shalt  }
0x46: {  	_ =	shalt  }
0x47: {  	_ =	shalt  }
0x48: {  	_ =	shalt  }
0x49: {  	_ =	shalt  }
0x4a: {  	_ =	shalt  }
0x4b: {  	_ =	shalt  }
0x4c: {  	_ =	shalt  }
0x4d: {  	_ =	shalt  }
0x4e: {  	_ =	shalt  }
0x4f: {  	_ =	shalt  }
0x50: {  	_ =	shalt  }
0x51: {  	_ =	shalt  }
0x52: {  	_ =	shalt  }
0x53: {  	_ =	shalt  }
0x54: {  	_ =	shalt  }
0x55: {  	_ =	shalt  }
0x56: {  	_ =	shalt  }
0x57: {  	_ =	shalt  }
0x58: {  	_ =	shalt  }
0x59: {  	_ =	shalt  }
0x5a: {  	_ =	shalt  }
0x5b: {  	_ =	shalt  }
0x5c: {  	_ =	shalt  }
0x5d: {  	_ =	shalt  }
0x5e: {  	_ =	shalt  }
0x5f: {  	_ =	shalt  }
0x60: {  	_ =	shalt  }
0x61: {  	_ =	shalt  }
0x62: {  	_ =	shalt  }
0x63: {  	_ =	shalt  }
0x64: {  	_ =	shalt  }
0x65: {  	_ =	shalt  }
0x66: {  	_ =	shalt  }
0x67: {  	_ =	shalt  }
0x68: {  	_ =	shalt  }
0x69: {  	_ =	shalt  }
0x6a: {  	_ =	shalt  }
0x6b: {  	_ =	shalt  }
0x6c: {  	_ =	shalt  }
0x6d: {  	_ =	shalt  }
0x6e: {  	_ =	shalt  }
0x6f: {  	_ =	shalt  }
0x70: {  	_ =	shalt  }
0x71: {  	_ =	shalt  }
0x72: {  	_ =	shalt  }
0x73: {  	_ =	shalt  }
0x74: {  	_ =	shalt  }
0x75: {  	_ =	shalt  }
0x76: {  	_ =	shalt  }
0x77: {  	_ =	shalt  }
0x78: {  	_ =	shalt  }
0x79: {  	_ =	shalt  }
0x7a: {  	_ =	shalt  }
0x7b: {  	_ =	shalt  }
0x7c: {  	_ =	shalt  }
0x7d: {  	_ =	shalt  }
0x7e: {  	_ =	shalt  }
0x7f: {  	_ =	shalt  }
0x80: {  	_ =	shalt  }
0x81: {  	_ =	shalt  }
0x82: {  	_ =	shalt  }
0x83: {  	_ =	shalt  }
0x84: {  	_ =	shalt  }
0x85: {  	_ =	shalt  }
0x86: {  	_ =	shalt  }
0x87: {  	_ =	shalt  }
.Lfunc_end0:
.L_simem_size_0:
called_computation.1_lowered:
.L_overlay_start_0:
0x88: {  	s2 =	sld [smem:$0x3FD9]  }
0x89: {  	s3 =	sld [smem:$0x3FFE];
	_ =	sdelay $0x1  }
0x8a: {  	s1 =	srdreg.scid  }
0x8b: {  	s0 =	sand.u32 $0x1, s1  }
0x8c: {  	s14 =	sshll.u32 s0, $0xA;
	s2 =	sadd.s32 s3, s2  }
0x8d: {  	s2 =	sadd.s32 s2, s14  }
0x8e: {  	[smem:$0x3FB2] =	sst s2  }
0x8f: {  	_ = 	snop  }
0x90: {  	s2 =	sld [smem:$0x3FD0];
	_ =	sdelay $0x2  }
0x91: {  	s15 =	simm.s32 $0xA;
	s4 =	simm.s32 $0x10  }
0x92: {  	[smem:s4], [sflag:s15] =	dma.local [hbm:s2], $0x1  }
0x93: {  	_ =	swait.eq [sflag:s15], $0x1  }
0x94: {  	[sflag:s15] =	ssyncset.done $0x0  }
0x95: {  	s16 =	sld [smem:$0x10];
	[sflag:s15] =	ssyncadd.s32 $0xFFFFFFFF  }
0x96: {  	s17 =	sld [smem:$0x11];
	(tm) =	ssettm $0x1  }
0x97: {  	s18 =	sld [smem:$0x3FFB];
	_ =	sdelay $0x3  }
0x98: {  	_ =	strace s18  }
0x99: {  	s4 =	sld [smem:$0x3FFC];
	_ =	sdelay $0x3  }
0x9a: {  	_ =	strace s4  }
0x9b: {  	s4 =	sld [smem:$0x3FFD];
	_ =	sdelay $0x3  }
0x9c: {  	_ =	strace s4  }
0x9d: {  	_ =	strace $0x8FFFFFFF  }
0x9e: {  	s19 =	sld [smem:$0x3FDB];
	_ =	sdelay $0x1  }
0x9f: {  	s5 =	simm.s32 $_scs_section_size  }
0xa0: {  	s6 =	simm.s32 $_size__tile_overlayer_lowered;
	s7 =	simm.s32 $_tile_overlayer_lowered  }
0xa1: {  	s22 =	simm.s32 $0x1BFF;
	s21 =	sshll.u32 s7, $0x1;
	s4 =	sadd.s32 s5, s19  }
0xa2: {  	s8 =	simm.s32 $0x0;
	s20 =	sshll.u32 s6, $0x1;
	s6 =	sadd.s32 s21, s4  }
0xa3: {  	[timem:s8], [sflag:s22] =	dma.local [hbm:s6], s20  }
0xa4: {  	_ =	swait.ge [sflag:s22], s20  }
0xa5: {  	s5 =	ssub.s32 $0x0, s20;
	[sflag:s22] =	ssyncset.done $0x0  }
0xa6: {  	[sflag:s22] =	ssyncadd.s32 s5;
	_ =	sdelay $0x1  }
0xa7: {  	s23 =	simm.s32 $0x1B8B  }
0xa8: {  	_ =	swait.ge [sflag:s23], $0x1  }
0xa9: {  	[sflag:s23] =	ssyncset.done $0x0  }
0xaa: {  	s25 =	simm.s32 $0x1B8E;
	s24 =	sld [smem:$0x3FFE];
	[sflag:s23] =	ssyncadd.s32 $0xFFFFFFFF  }
0xab: {  	s26 =	simm.s32 $execute0_lowered;
	[smem:$0x3FD2] =	sst s25  }
0xac: {  	s6 =	sshll.u32 s26, $0x1;
	_ =	strace $0x80000049;
	[dreg:$0x1] =	wrdreg $0xFFFFFFFF  }
0xad: {  	s28 =	simm.s32 $_size_execute0_lowered;
	s4 =	sadd.s32 s4, s6;
	[dreg:$0x0] =	wrdreg $0x0  }
0xae: {  	s6 =	sshll.u32 s28, $0x1;
	[dreg:$0x2] =	wrdreg s4  }
0xaf: {  	[dreg:$0x3] =	wrdreg s6  }
0xb0: {  	[dreg:$0x4] =	wrdreg $0xC0  }
0xb1: {  	_ =	task [dreg:s8], $0x5FFFF  }
0xb2: {  	[dreg:$0x1] =	wrdreg $0xFFFFFFFF  }
0xb3: {  	[dreg:$0x0] =	wrdreg $0x60  }
0xb4: {  	[dreg:$0x2] =	wrdreg s24  }
0xb5: {  	[dreg:$0x3] =	wrdreg s17  }
0xb6: {  	[dreg:$0x4] =	wrdreg s16  }
0xb7: {  	[dreg:$0x5] =	wrdreg $0x13C400  }
0xb8: {  	[dreg:$0x6] =	wrdreg $0x9  }
0xb9: {  	_ =	task.clear_ibuf [dreg:s8], $0x7FFFF;
	_ =	strace $0x90000049  }
0xba: {  	s29 =	simm.s32 $0x9;
	_ =	strace $0x8000004B  }
0xbb: {  	_ =	swait.ge [sflag:s29], $0x1  }
0xbc: {  	[sflag:s29] =	ssyncadd.s32 $0xFFFFFFFF  }
0xbd: {  	_ =	strace $0x9000004B  }
0xbe: {  	_ =	sfence  }
0xbf: {  	s30 =	sld [smem:$0x0];
	_ =	sdelay $0x2  }
0xc0: {  	s31 =	sshll.u32 s1, $0xD;
	s1 =	sshrl.u32 s1, $0x2  }
0xc1: {  	s3 =	sand.u32 $0x4000, s31;
	s1 =	sadd.s32 s1, s30  }
0xc2: {  	s0 =	sor.u32 s3, s0;
	s1 =	sshll.u32 s1, $0x11  }
0xc3: {  	s0 =	sor.u32 s1, s0  }
0xc4: {  	s0 =	sadd.s32 $0x8F2B, s0  }
0xc5: {  	[sflag:s0] =	ssyncadd.remote.s32 $0x1  }
0xc6: {  	_ =	sfence.sel $0xFFFF  }
0xc7: {  	[dreg:$0x0] =	wrdreg $0xFFFFFFFF;
	(pc) =	sbr.abs _section_cstart, $3  }
0xc8: {  	[dreg:$0x1] =	wrdreg $0xFFFFFFFF  }
0xc9: {  	_ =	task.clear_ibuf [dreg:s8], $0x2FFFF;
	_ =	strace $0x9FFFFFFF  }
0xca: {  	(tm) =	ssettm $0x7FFFFFFF  }
0xcb: {  	_ =	shalt  }
tec
execute0_lowered:
.L_overlay_start_1:
0x0: {  	(tag) =	ssettag $0x1  }
0x1: {  	s0 =	rddreg [dreg:$0x0]  }
0x2: {  	s2 =	rddreg [dreg:$0x1]  }
0x3: {  	s3 =	rddreg [dreg:$0x2]  }
0x4: {  	s1 =	rddreg [dreg:$0x3]  }
0x5: {  	s5 =	simm.s32 $0x0;
	s4 =	srdreg.scid;
	s15 =	stileid.u32  }
0x6: {  	s28 =	simm.s32 $0x5000;
	s29 =	simm.s32 $0x11D00;
	s30 =	simm.s32 $0x1  }
0x7: {  	s31 =	simm.s32 $0x7D;
	[smem:$0x7FF] =	sst s5;
	s9 =	smul.u32 $0x5000, s15  }
0x8: {  	s8 =	sand.u32 $0x1, s4;
	s4 =	sadd.s32 $0x2CC00, s0;
	s11 =	smul.u32 $0x27100, s15  }
0x9: {  	s5 =	sadd.s32 $0x40600, s0;
	s6 =	sadd.s32 $0x54000, s0;
	s25 =	smul.u32 $0x9C00, s15  }
0xa: {  	s18 =	sadd.s32 $0x13800, s2;
	s19 =	sadd.s32 $0x9C000, s1;
	s21 =	sadd.s32 $0x13800, s3  }
0xb: {  	p1 =	sne.s32 s15, $0xF;
	p2 =	seq.s32 s15, $0xF;
	s15 =	simm.s32 $0x0  }
0xc: {  	s7 =	smul.u32 $0x50000, s8;
	_ =	strace $0x8000004A;
	[dreg:$0xb] =	wrdreg s18  }
0xd: {  	s10 =	ssub.s32 $0x2, s8;
	p0 =	seq.s32 s8, $0x1;
	[dreg:$0xc] =	wrdreg s19  }
0xe: {  	[dreg:$0xe] =	wrdreg s21;
	s19 =	simm.s32 $0x7;
	s21 =	simm.s32 $0xDE80  }
0xf: {  	s12 =	sshrl.u32 s10, $0x1;
	s23 =	sshrl.u32 s11, $0x2;
	s17 =	sadd.s32 s25, s1  }
0x10: {  	s9 =	sadd.s32 s9, s7;
	s7 =	sadd.s32 $0x67A00, s0;
	s10 =	ssub.s32 s10, s12  }
0x11: {  	s12 =	sshrl.u32 s25, $0x3;
	[dreg:$0xa] =	wrdreg s17;
	s25 =	sadd.s32 $0x27080, s3  }
0x12: {  	s17 =	simm.s32 $0xBF40;
	s9 =	sshrl.u32 s9, $0x3;
	s16 =	sadd.s32 s2, s12  }
0x13: {  	s20 =	sadd.s32 $0x13880, s12;
	[dreg:$0x12] =	wrdreg s25;
	s25 =	simm.s32 $0x4F80  }
0x14: {  	s0 =	sadd.s32 s9, s0;
	[dreg:$0x9] =	wrdreg s16;
	s22 =	sadd.s32 s2, s20  }
0x15: {  	s9 =	sadd.s32 s23, s1;
	s23 =	sadd.s32 $0x27080, s2;
	[dreg:$0xf] =	wrdreg s22  }
0x16: {  	s2 =	simm.s32 $0x5;
	s24 =	sadd.s32 $0x4C00, s0;
	[dreg:$0x10] =	wrdreg s23  }
0x17: {  	s0 =	sadd.s32 $0x18C00, s0;
	s26 =	sadd.s32 $0x1F40, s9;
	[dreg:$0x5] =	wrdreg s24  }
0x18: {  	s8 =	sadd.s32 $0x3E80, s9;
	s13 =	sadd.s32 $0x5DC0, s9;
	[dreg:$0x6] =	wrdreg s0  }
0x19: {  	s14 =	sadd.s32 $0x7D00, s9;
	s22 =	simm.s32 $0x2;
	[dreg:$0x7] =	wrdreg s26  }
.Ltmp0:
0x1a: {  	[dreg:$0x8] =	wrdreg s8;
	s0 =	sadd.s32 s3, s12;
	(pc) =	sbr.rel .LBB2_1-.Ltmp0, $4  }
0x1b: {  	s23 =	simm.s32 $0x8;
	s24 =	sadd.s32 s3, s20;
	[dreg:$0xd] =	wrdreg s0  }
0x1c: {  	s26 =	smax.u32 s10, $0x1;
	s20 =	simm.s32 $0xFDC0;
	[dreg:$0x11] =	wrdreg s24  }
0x1d: {  	s3 =	simm.s32 $0x4;
	s8 =	simm.s32 $0x6;
	[dreg:$0x13] =	wrdreg s26  }
0x1e: {  	v0 =	vimm.f32 $0.0e+00;
	s26 =	simm.s32 $0x9;
	s0 =	simm.s32 $0xA000;
	s24 =	simm.s32 $0x3  }
.LBB2_14:
0x1f: {  	s12 =	rddreg [dreg:$0xc]  }
0x20: {  	s12 =	sshrl.u32 s12, $0x3  }
0x21: {  	[hbm:s11], [sflag:s10] =	dma.local [spmem:s12], $0x80  }
0x22: {  	_ =	swait.ge [sflag:s26], $0x80  }
0x23: {  	[sflag:s26] =	ssyncset.done $0x0  }
0x24: {  	[sflag:s26] =	ssyncadd.s32 $0xFFFFFF80  }
.LBB2_15:
0x25: {  	s15 =	sadd.s32 $0x1, s15;
	s10 =	rddreg [dreg:$0x13]  }
0x26: {  	p3 =	sne.s32 s15, s10  }
.Ltmp1:
0x27: {  	_ = 	snop;
	(pc) =	sbr.rel @!p3 .LBB2_16-.Ltmp1, $2  }
0x28: {  	_ =	sdelay $0x1  }
0x29: {  	[bflag:$0x0] =	sbarrier.arrive $0xFFFF;
	_ =	sdelay $0x1  }
.LBB2_1:
0x2a: {  	s11 =	simm.s32 $0x100;
	s10 =	simm.s32 $0x0  }
.LBB2_2:
0x2b: {  	p3 =	sne.s32 s11, $0x7C00;
	[tilespmem:s10+$0x11D30] =	vst v0;
	s16 =	smov.u32 s11;
	s11 =	sadd.s32 $0x100, s11  }
.Ltmp2:
0x2c: {  	[tilespmem:s10+$0x11D20] =	vst v0;
	(pc) =	sbr.rel @p3 .LBB2_2-.Ltmp2, $3  }
0x2d: {  	[tilespmem:s10+$0x11D00] =	vst v0  }
0x2e: {  	[tilespmem:s10+$0x11D10] =	vst v0;
	_ =	sdelay $0x1  }
0x2f: {  	s10 =	sshra.s32 s16, $0x2  }
0x30: {  	[tilespmem:s10+$0x11D30] =	vst v0  }
0x31: {  	[tilespmem:s10+$0x11D20] =	vst v0  }
0x32: {  	[tilespmem:s10+$0x11D00] =	vst v0  }
0x33: {  	[tilespmem:s10+$0x11D10] =	vst v0;
	s18 =	simm.s32 $0x0;
	s11 =	rddreg [dreg:$0x5]  }
0x34: {  	[tilespmem:s18], [sflag:$0x9] =	stream.linear.gather [hbm4b:s11+s18], $0x5000, $0x38;
	[tilespmem:$0x1D880] =	vst v63  }
0x35: {  	_ =	swait.ge [sflag:s26], $0x5000  }
0x36: {  	[sflag:s26] =	ssyncset.done $0x0  }
0x37: {  	s12 =	rddreg [dreg:$0x6];
	[sflag:s26] =	ssyncadd.s32 $0xFFFFB000  }
0x38: {  	[tilespmem:s28], [sflag:$0x9] =	stream.linear.gather [hbm4b:s12+s18], $0x5000, $0x38;
	[tilespmem:$0x1D880] =	vst v63  }
0x39: {  	_ =	swait.ge [sflag:s26], $0x5000  }
0x3a: {  	[sflag:s26] =	ssyncset.done $0x0  }
0x3b: {  	[sflag:s26] =	ssyncadd.s32 $0xFFFFB000  }
0x3c: {  	[spmem:s9] =	stream.linear.scatter [tilespmem:s29], [sflag:$0x1], $0x1F40, $0x38;
	[tilespmem:$0x1D880] =	vst v63  }
0x3d: {  	s16 =	rddreg [dreg:$0x7]  }
0x3e: {  	[spmem:s16] =	stream.linear.scatter [tilespmem:s29], [sflag:$0x1], $0x1F40, $0x38;
	[tilespmem:$0x1D880] =	vst v63  }
0x3f: {  	s18 =	rddreg [dreg:$0x8]  }
0x40: {  	[spmem:s18] =	stream.linear.scatter [tilespmem:s29], [sflag:$0x1], $0x1F40, $0x38;
	[tilespmem:$0x1D880] =	vst v63  }
0x41: {  	_ = 	snop  }
0x42: {  	[spmem:s13] =	stream.linear.scatter [tilespmem:s29], [sflag:$0x1], $0x1F40, $0x38;
	[tilespmem:$0x1D880] =	vst v63  }
0x43: {  	_ = 	snop  }
0x44: {  	[spmem:s14] =	stream.linear.scatter [tilespmem:s29], [sflag:$0x1], $0x1F40, $0x38;
	[tilespmem:$0x1D880] =	vst v63  }
0x45: {  	_ =	swait.ge [sflag:s30], $0x1F40  }
0x46: {  	[sflag:s30] =	ssyncset.done $0x0  }
0x47: {  	[sflag:s30] =	ssyncadd.s32 $0xFFFFE0C0  }
0x48: {  	_ =	swait.ge [sflag:s30], $0x1F40  }
0x49: {  	[sflag:s30] =	ssyncset.done $0x0  }
0x4a: {  	[sflag:s30] =	ssyncadd.s32 $0xFFFFE0C0  }
0x4b: {  	_ =	swait.ge [sflag:s30], $0x1F40  }
0x4c: {  	[sflag:s30] =	ssyncset.done $0x0  }
0x4d: {  	[sflag:s30] =	ssyncadd.s32 $0xFFFFE0C0  }
0x4e: {  	_ =	swait.ge [sflag:s30], $0x1F40  }
0x4f: {  	[sflag:s30] =	ssyncset.done $0x0  }
0x50: {  	[sflag:s30] =	ssyncadd.s32 $0xFFFFE0C0  }
0x51: {  	_ =	swait.ge [sflag:s30], $0x1F40  }
.Ltmp3:
0x52: {  	[sflag:s30] =	ssyncset.done $0x0;
	(pc) =	sbr.rel @!p0 .LBB2_4-.Ltmp3, $4  }
0x53: {  	[sflag:s30] =	ssyncadd.s32 $0xFFFFE0C0  }
0x54: {  	[bflag:$0x0] =	sbarrier.arrive $0xFFFF  }
0x55: {  	s10 =	rddreg [dreg:$0xc]  }
0x56: {  	s16 =	sshrl.u32 @!p1 s10, $0x3;
	s10 =	simm.s32 $0x0  }
0x57: {  	[tilespmem:s0], [sflag:$0x1] =	stream.indirect.gather [hbm4b:s6+s31], $0x40, s10, s31, $0xb8;
	[tilespmem:$0x1D880] =	vst v63  }
0x58: {  	s12 =	simm.s32 $0x80  }
0x59: {  	[tilespmem:s17], [sflag:$0x2] =	stream.indirect.gather [hbm4b:s6+s31], $0x40, s12, s31, $0xb8;
	[tilespmem:$0x1D880] =	vst v63  }
0x5a: {  	_ = 	snop  }
0x5b: {  	[spmem:s1] =	stream.indirect.scatter.add.f32 [tilespmem:s29], [sflag:$0x7], $0x40, s28, s31, $0xb8;
	[tilespmem:$0x1D880] =	vst v63  }
0x5c: {  	_ = 	snop  }
0x5d: {  	[spmem:s1] =	stream.indirect.scatter.add.f32 [tilespmem:s29], [sflag:$0x8], $0x40, s28, s31, $0xb8;
	[tilespmem:$0x1D880] =	vst v63  }
0x5e: {  	_ =	swait.ge [sflag:s30], $0x1F40  }
0x5f: {  	[sflag:s30] =	ssyncset.done $0x0  }
0x60: {  	s18 =	simm.s32 $0x5000;
	[sflag:s30] =	ssyncadd.s32 $0xFFFFE0C0  }
0x61: {  	[spmem:s1] =	stream.indirect.scatter.add.f32 [tilespmem:s0], [sflag:$0x5], $0x40, s18, s31, $0xb8;
	[tilespmem:$0x1D880] =	vst v63  }
0x62: {  	_ =	swait.ge [sflag:s19], $0x1F40  }
0x63: {  	[sflag:s19] =	ssyncset.done $0x0  }
0x64: {  	s11 =	simm.s32 $0x100;
	[sflag:s19] =	ssyncadd.s32 $0xFFFFE0C0  }
0x65: {  	[tilespmem:s21], [sflag:$0x3] =	stream.indirect.gather [hbm4b:s6+s31], $0x40, s11, s31, $0xb8;
	[tilespmem:$0x1D880] =	vst v63  }
0x66: {  	_ =	swait.ge [sflag:s22], $0x1F40  }
0x67: {  	[sflag:s22] =	ssyncset.done $0x0  }
0x68: {  	s12 =	simm.s32 $0x5080;
	[sflag:s22] =	ssyncadd.s32 $0xFFFFE0C0  }
0x69: {  	[spmem:s1] =	stream.indirect.scatter.add.f32 [tilespmem:s17], [sflag:$0x6], $0x40, s12, s31, $0xb8;
	[tilespmem:$0x1D880] =	vst v63  }
0x6a: {  	_ =	swait.ge [sflag:s23], $0x1F40  }
0x6b: {  	[sflag:s23] =	ssyncset.done $0x0  }
0x6c: {  	s18 =	simm.s32 $0x180;
	[sflag:s23] =	ssyncadd.s32 $0xFFFFE0C0  }
0x6d: {  	[tilespmem:s20], [sflag:$0x4] =	stream.indirect.gather [hbm4b:s6+s31], $0x40, s18, s31, $0xb8;
	[tilespmem:$0x1D880] =	vst v63  }
0x6e: {  	_ =	swait.ge [sflag:s24], $0x1F40  }
0x6f: {  	[sflag:s24] =	ssyncset.done $0x0  }
0x70: {  	s11 =	simm.s32 $0x5100;
	[sflag:s24] =	ssyncadd.s32 $0xFFFFE0C0  }
0x71: {  	[spmem:s1] =	stream.indirect.scatter.add.f32 [tilespmem:s21], [sflag:$0x7], $0x40, s11, s31, $0xb8;
	[tilespmem:$0x1D880] =	vst v63  }
0x72: {  	_ =	swait.ge [sflag:s2], $0x1F40  }
0x73: {  	[sflag:s2] =	ssyncset.done $0x0  }
0x74: {  	s12 =	simm.s32 $0x200;
	[sflag:s2] =	ssyncadd.s32 $0xFFFFE0C0  }
0x75: {  	[tilespmem:s0], [sflag:$0x1] =	stream.indirect.gather [hbm4b:s6+s31], $0x40, s12, s31, $0xb8;
	[tilespmem:$0x1D880] =	vst v63  }
0x76: {  	_ =	swait.ge [sflag:s3], $0x1F40  }
0x77: {  	[sflag:s3] =	ssyncset.done $0x0  }
0x78: {  	s18 =	simm.s32 $0x5180;
	[sflag:s3] =	ssyncadd.s32 $0xFFFFE0C0  }
0x79: {  	[spmem:s1] =	stream.indirect.scatter.add.f32 [tilespmem:s20], [sflag:$0x8], $0x40, s18, s31, $0xb8;
	[tilespmem:$0x1D880] =	vst v63  }
0x7a: {  	_ =	swait.ge [sflag:s8], $0x1F40  }
0x7b: {  	[sflag:s8] =	ssyncset.done $0x0  }
0x7c: {  	s10 =	simm.s32 $0x800;
	s11 =	simm.s32 $0x280;
	[sflag:s8] =	ssyncadd.s32 $0xFFFFE0C0  }
.LBB2_10:
0x7d: {  	[tilespmem:s17], [sflag:$0x2] =	stream.indirect.gather [hbm4b:s6+s31], $0x40, s11, s31, $0xb8;
	[tilespmem:$0x1D880] =	vst v63  }
0x7e: {  	s11 =	smov.u32 s10  }
0x7f: {  	p3 =	sne.s32 s10, $0x13000;
	s10 =	sadd.s32 $0x800, s10;
	_ =	swait.ge [sflag:s30], $0x1F40  }
0x80: {  	s11 =	sshra.s32 s11, $0x2;
	[sflag:s30] =	ssyncset.done $0x0  }
0x81: {  	s12 =	sadd.s32 $0x5000, s11;
	[sflag:s30] =	ssyncadd.s32 $0xFFFFE0C0  }
0x82: {  	[spmem:s1] =	stream.indirect.scatter.add.f32 [tilespmem:s0], [sflag:$0x5], $0x40, s12, s31, $0xb8;
	[tilespmem:$0x1D880] =	vst v63  }
0x83: {  	_ =	swait.ge [sflag:s19], $0x1F40  }
0x84: {  	[sflag:s19] =	ssyncset.done $0x0  }
0x85: {  	s12 =	sadd.s32 $0x100, s11;
	[sflag:s19] =	ssyncadd.s32 $0xFFFFE0C0  }
0x86: {  	[tilespmem:s21], [sflag:$0x3] =	stream.indirect.gather [hbm4b:s6+s31], $0x40, s12, s31, $0xb8;
	[tilespmem:$0x1D880] =	vst v63  }
0x87: {  	_ =	swait.ge [sflag:s22], $0x1F40  }
0x88: {  	[sflag:s22] =	ssyncset.done $0x0  }
0x89: {  	s12 =	sadd.s32 $0x5080, s11;
	[sflag:s22] =	ssyncadd.s32 $0xFFFFE0C0  }
0x8a: {  	[spmem:s1] =	stream.indirect.scatter.add.f32 [tilespmem:s17], [sflag:$0x6], $0x40, s12, s31, $0xb8;
	[tilespmem:$0x1D880] =	vst v63  }
0x8b: {  	_ =	swait.ge [sflag:s23], $0x1F40  }
0x8c: {  	[sflag:s23] =	ssyncset.done $0x0  }
0x8d: {  	s12 =	sadd.s32 $0x180, s11;
	[sflag:s23] =	ssyncadd.s32 $0xFFFFE0C0  }
0x8e: {  	[tilespmem:s20], [sflag:$0x4] =	stream.indirect.gather [hbm4b:s6+s31], $0x40, s12, s31, $0xb8;
	[tilespmem:$0x1D880] =	vst v63  }
0x8f: {  	_ =	swait.ge [sflag:s24], $0x1F40  }
0x90: {  	[sflag:s24] =	ssyncset.done $0x0  }
0x91: {  	s12 =	sadd.s32 $0x5100, s11;
	[sflag:s24] =	ssyncadd.s32 $0xFFFFE0C0  }
0x92: {  	[spmem:s1] =	stream.indirect.scatter.add.f32 [tilespmem:s21], [sflag:$0x7], $0x40, s12, s31, $0xb8;
	[tilespmem:$0x1D880] =	vst v63  }
0x93: {  	_ =	swait.ge [sflag:s2], $0x1F40  }
0x94: {  	[sflag:s2] =	ssyncset.done $0x0  }
0x95: {  	s12 =	sadd.s32 $0x200, s11;
	[sflag:s2] =	ssyncadd.s32 $0xFFFFE0C0  }
0x96: {  	[tilespmem:s0], [sflag:$0x1] =	stream.indirect.gather [hbm4b:s6+s31], $0x40, s12, s31, $0xb8;
	[tilespmem:$0x1D880] =	vst v63  }
0x97: {  	_ =	swait.ge [sflag:s3], $0x1F40  }
0x98: {  	[sflag:s3] =	ssyncset.done $0x0  }
.Ltmp4:
0x99: {  	s12 =	sadd.s32 $0x5180, s11;
	[sflag:s3] =	ssyncadd.s32 $0xFFFFE0C0;
	(pc) =	sbr.rel @p3 .LBB2_10-.Ltmp4, $4  }
0x9a: {  	[spmem:s1] =	stream.indirect.scatter.add.f32 [tilespmem:s20], [sflag:$0x8], $0x40, s12, s31, $0xb8;
	[tilespmem:$0x1D880] =	vst v63  }
0x9b: {  	_ =	swait.ge [sflag:s8], $0x1F40  }
0x9c: {  	[sflag:s8] =	ssyncset.done $0x0  }
0x9d: {  	s11 =	sadd.s32 $0x280, s11;
	[sflag:s8] =	ssyncadd.s32 $0xFFFFE0C0  }
0x9e: {  	[tilespmem:s17], [sflag:$0x2] =	stream.indirect.gather [hbm4b:s6+s31], $0x40, s11, s31, $0xb8;
	[tilespmem:$0x1D880] =	vst v63  }
0x9f: {  	_ =	swait.ge [sflag:s30], $0x1F40  }
0xa0: {  	[sflag:s30] =	ssyncset.done $0x0  }
0xa1: {  	s10 =	simm.s32 $0x9E00;
	[sflag:s30] =	ssyncadd.s32 $0xFFFFE0C0  }
0xa2: {  	[spmem:s1] =	stream.indirect.scatter.add.f32 [tilespmem:s0], [sflag:$0x5], $0x40, s10, s31, $0xb8;
	[tilespmem:$0x1D880] =	vst v63  }
0xa3: {  	_ =	swait.ge [sflag:s19], $0x1F40  }
0xa4: {  	[sflag:s19] =	ssyncset.done $0x0  }
0xa5: {  	s11 =	simm.s32 $0x4F00;
	[sflag:s19] =	ssyncadd.s32 $0xFFFFE0C0  }
0xa6: {  	[tilespmem:s21], [sflag:$0x3] =	stream.indirect.gather [hbm4b:s6+s31], $0x40, s11, s31, $0xb8;
	[tilespmem:$0x1D880] =	vst v63  }
0xa7: {  	_ =	swait.ge [sflag:s22], $0x1F40  }
0xa8: {  	[sflag:s22] =	ssyncset.done $0x0  }
0xa9: {  	s12 =	simm.s32 $0x9E80;
	[sflag:s22] =	ssyncadd.s32 $0xFFFFE0C0  }
0xaa: {  	[spmem:s1] =	stream.indirect.scatter.add.f32 [tilespmem:s17], [sflag:$0x6], $0x40, s12, s31, $0xb8;
	[tilespmem:$0x1D880] =	vst v63  }
0xab: {  	_ =	swait.ge [sflag:s23], $0x1F40  }
0xac: {  	[sflag:s23] =	ssyncset.done $0x0  }
0xad: {  	[sflag:s23] =	ssyncadd.s32 $0xFFFFE0C0  }
0xae: {  	[tilespmem:s20], [sflag:$0x4] =	stream.indirect.gather [hbm4b:s6+s31], $0x40, s25, s31, $0xb8;
	[tilespmem:$0x1D880] =	vst v63  }
0xaf: {  	_ =	swait.ge [sflag:s24], $0x1F40  }
0xb0: {  	[sflag:s24] =	ssyncset.done $0x0  }
0xb1: {  	s18 =	simm.s32 $0x9F00;
	[sflag:s24] =	ssyncadd.s32 $0xFFFFE0C0  }
0xb2: {  	[spmem:s1] =	stream.indirect.scatter.add.f32 [tilespmem:s21], [sflag:$0x7], $0x40, s18, s31, $0xb8;
	[tilespmem:$0x1D880] =	vst v63  }
0xb3: {  	_ =	swait.ge [sflag:s2], $0x1F40  }
0xb4: {  	[sflag:s2] =	ssyncset.done $0x0  }
0xb5: {  	[sflag:s2] =	ssyncadd.s32 $0xFFFFE0C0  }
0xb6: {  	[tilespmem:s0], [sflag:$0x1] =	stream.indirect.gather [hbm4b:s6+s31], $0x40, s25, s31, $0xb8;
	[tilespmem:$0x1D880] =	vst v63  }
0xb7: {  	_ =	swait.ge [sflag:s3], $0x1F40  }
0xb8: {  	[sflag:s3] =	ssyncset.done $0x0  }
0xb9: {  	s11 =	simm.s32 $0x9F80;
	[sflag:s3] =	ssyncadd.s32 $0xFFFFE0C0  }
0xba: {  	[spmem:s1] =	stream.indirect.scatter.add.f32 [tilespmem:s20], [sflag:$0x8], $0x40, s11, s31, $0xb8;
	[tilespmem:$0x1D880] =	vst v63  }
0xbb: {  	_ =	swait.ge [sflag:s8], $0x1F40  }
0xbc: {  	[sflag:s8] =	ssyncset.done $0x0  }
0xbd: {  	[sflag:s8] =	ssyncadd.s32 $0xFFFFE0C0  }
0xbe: {  	[tilespmem:s17], [sflag:$0x2] =	stream.indirect.gather [hbm4b:s6+s31], $0x40, s25, s31, $0xb8;
	[tilespmem:$0x1D880] =	vst v63  }
0xbf: {  	_ =	swait.ge [sflag:s30], $0x1F40  }
0xc0: {  	[sflag:s30] =	ssyncset.done $0x0  }
0xc1: {  	[sflag:s30] =	ssyncadd.s32 $0xFFFFE0C0  }
0xc2: {  	_ =	swait.ge [sflag:s22], $0x1F40  }
0xc3: {  	[sflag:s22] =	ssyncset.done $0x0  }
0xc4: {  	[sflag:s22] =	ssyncadd.s32 $0xFFFFE0C0  }
0xc5: {  	_ =	swait.ge [sflag:s19], $0x1F40  }
0xc6: {  	[sflag:s19] =	ssyncset.done $0x0  }
0xc7: {  	[sflag:s19] =	ssyncadd.s32 $0xFFFFE0C0  }
0xc8: {  	_ =	swait.ge [sflag:s23], $0x1F40  }
0xc9: {  	[sflag:s23] =	ssyncset.done $0x0  }
0xca: {  	[sflag:s23] =	ssyncadd.s32 $0xFFFFE0C0  }
0xcb: {  	s12 =	stileid.u32;
	[bflag:$0x0] =	sbarrier.arrive $0xFFFF  }
0xcc: {  	s10 =	sshll.u32 s12, $0x6;
	s18 =	rddreg [dreg:$0xa]  }
0xcd: {  	s10 =	sor.u32 $0x1C09, s10;
	s12 =	rddreg [dreg:$0xf];
	s18 =	sshrl.u32 s18, $0x3  }
0xce: {  	[hbm:s12], [sflag:s10] =	dma.local [spmem:s18], $0x1380  }
0xcf: {  	_ =	swait.ge [sflag:s26], $0x1380  }
0xd0: {  	[sflag:s26] =	ssyncset.done $0x0  }
0xd1: {  	s11 =	rddreg [dreg:$0x10];
	[sflag:s26] =	ssyncadd.s32 $0xFFFFEC80  }
0xd2: {  	[hbm:s11], [sflag:s10] =	dma.local @!p1 [spmem:s16], $0x80  }
0xd3: {  	s11 =	simm.s32 @!p1 $0x9  }
0xd4: {  	_ =	swait.ge @!p1 [sflag:s11], $0x80  }
0xd5: {  	[sflag:s11] =	ssyncset.done @!p1 $0x0  }
0xd6: {  	[sflag:s11] =	ssyncadd.s32 @!p1 $0xFFFFFF80  }
0xd7: {  	[bflag:$0x0] =	sbarrier.arrive $0xFFFF  }
0xd8: {  	[spmem:s9] =	stream.linear.scatter [tilespmem:s29], [sflag:$0x1], $0x1F40, $0x38;
	[tilespmem:$0x1D880] =	vst v63  }
0xd9: {  	s16 =	rddreg [dreg:$0x7]  }
0xda: {  	[spmem:s16] =	stream.linear.scatter [tilespmem:s29], [sflag:$0x1], $0x1F40, $0x38;
	[tilespmem:$0x1D880] =	vst v63  }
0xdb: {  	s12 =	rddreg [dreg:$0x8]  }
0xdc: {  	[spmem:s12] =	stream.linear.scatter [tilespmem:s29], [sflag:$0x1], $0x1F40, $0x38;
	[tilespmem:$0x1D880] =	vst v63  }
0xdd: {  	_ = 	snop  }
0xde: {  	[spmem:s13] =	stream.linear.scatter [tilespmem:s29], [sflag:$0x1], $0x1F40, $0x38;
	[tilespmem:$0x1D880] =	vst v63  }
0xdf: {  	_ = 	snop  }
0xe0: {  	[spmem:s14] =	stream.linear.scatter [tilespmem:s29], [sflag:$0x1], $0x1F40, $0x38;
	[tilespmem:$0x1D880] =	vst v63  }
0xe1: {  	_ =	swait.ge [sflag:s30], $0x1F40  }
0xe2: {  	[sflag:s30] =	ssyncset.done $0x0  }
0xe3: {  	[sflag:s30] =	ssyncadd.s32 $0xFFFFE0C0  }
0xe4: {  	_ =	swait.ge [sflag:s30], $0x1F40  }
0xe5: {  	[sflag:s30] =	ssyncset.done $0x0  }
0xe6: {  	[sflag:s30] =	ssyncadd.s32 $0xFFFFE0C0  }
0xe7: {  	_ =	swait.ge [sflag:s30], $0x1F40  }
0xe8: {  	[sflag:s30] =	ssyncset.done $0x0  }
0xe9: {  	[sflag:s30] =	ssyncadd.s32 $0xFFFFE0C0  }
0xea: {  	_ =	swait.ge [sflag:s30], $0x1F40  }
0xeb: {  	[sflag:s30] =	ssyncset.done $0x0  }
0xec: {  	[sflag:s30] =	ssyncadd.s32 $0xFFFFE0C0  }
0xed: {  	_ =	swait.ge [sflag:s30], $0x1F40  }
0xee: {  	[sflag:s30] =	ssyncset.done $0x0  }
0xef: {  	[sflag:s30] =	ssyncadd.s32 $0xFFFFE0C0  }
0xf0: {  	s16 =	simm.s32 $0x0;
	[bflag:$0x0] =	sbarrier.arrive $0xFFFF  }
0xf1: {  	[tilespmem:s0], [sflag:$0x1] =	stream.indirect.gather [hbm4b:s7+s31], $0x40, s16, s31, $0xb8;
	[tilespmem:$0x1D880] =	vst v63  }
0xf2: {  	s12 =	simm.s32 $0x80  }
0xf3: {  	[tilespmem:s17], [sflag:$0x2] =	stream.indirect.gather [hbm4b:s7+s31], $0x40, s12, s31, $0xb8;
	[tilespmem:$0x1D880] =	vst v63  }
0xf4: {  	_ = 	snop  }
0xf5: {  	[spmem:s1] =	stream.indirect.scatter.add.f32 [tilespmem:s29], [sflag:$0x7], $0x40, s28, s31, $0xb8;
	[tilespmem:$0x1D880] =	vst v63  }
0xf6: {  	_ = 	snop  }
0xf7: {  	[spmem:s1] =	stream.indirect.scatter.add.f32 [tilespmem:s29], [sflag:$0x8], $0x40, s28, s31, $0xb8;
	[tilespmem:$0x1D880] =	vst v63  }
0xf8: {  	_ =	swait.ge [sflag:s30], $0x1F40  }
0xf9: {  	[sflag:s30] =	ssyncset.done $0x0  }
0xfa: {  	s16 =	simm.s32 $0x5000;
	[sflag:s30] =	ssyncadd.s32 $0xFFFFE0C0  }
0xfb: {  	[spmem:s1] =	stream.indirect.scatter.add.f32 [tilespmem:s0], [sflag:$0x5], $0x40, s16, s31, $0xb8;
	[tilespmem:$0x1D880] =	vst v63  }
0xfc: {  	_ =	swait.ge [sflag:s19], $0x1F40  }
0xfd: {  	[sflag:s19] =	ssyncset.done $0x0  }
0xfe: {  	s12 =	simm.s32 $0x100;
	[sflag:s19] =	ssyncadd.s32 $0xFFFFE0C0  }
0xff: {  	[tilespmem:s21], [sflag:$0x3] =	stream.indirect.gather [hbm4b:s7+s31], $0x40, s12, s31, $0xb8;
	[tilespmem:$0x1D880] =	vst v63  }
0x100: {  	_ =	swait.ge [sflag:s22], $0x1F40  }
0x101: {  	[sflag:s22] =	ssyncset.done $0x0  }
0x102: {  	s16 =	simm.s32 $0x5080;
	[sflag:s22] =	ssyncadd.s32 $0xFFFFE0C0  }
0x103: {  	[spmem:s1] =	stream.indirect.scatter.add.f32 [tilespmem:s17], [sflag:$0x6], $0x40, s16, s31, $0xb8;
	[tilespmem:$0x1D880] =	vst v63  }
0x104: {  	_ =	swait.ge [sflag:s23], $0x1F40  }
0x105: {  	[sflag:s23] =	ssyncset.done $0x0  }
0x106: {  	s12 =	simm.s32 $0x180;
	[sflag:s23] =	ssyncadd.s32 $0xFFFFE0C0  }
0x107: {  	[tilespmem:s20], [sflag:$0x4] =	stream.indirect.gather [hbm4b:s7+s31], $0x40, s12, s31, $0xb8;
	[tilespmem:$0x1D880] =	vst v63  }
0x108: {  	_ =	swait.ge [sflag:s24], $0x1F40  }
0x109: {  	[sflag:s24] =	ssyncset.done $0x0  }
0x10a: {  	s16 =	simm.s32 $0x5100;
	[sflag:s24] =	ssyncadd.s32 $0xFFFFE0C0  }
0x10b: {  	[spmem:s1] =	stream.indirect.scatter.add.f32 [tilespmem:s21], [sflag:$0x7], $0x40, s16, s31, $0xb8;
	[tilespmem:$0x1D880] =	vst v63  }
0x10c: {  	_ =	swait.ge [sflag:s2], $0x1F40  }
0x10d: {  	[sflag:s2] =	ssyncset.done $0x0  }
0x10e: {  	s12 =	simm.s32 $0x200;
	[sflag:s2] =	ssyncadd.s32 $0xFFFFE0C0  }
0x10f: {  	[tilespmem:s0], [sflag:$0x1] =	stream.indirect.gather [hbm4b:s7+s31], $0x40, s12, s31, $0xb8;
	[tilespmem:$0x1D880] =	vst v63  }
0x110: {  	_ =	swait.ge [sflag:s3], $0x1F40  }
0x111: {  	[sflag:s3] =	ssyncset.done $0x0  }
0x112: {  	s16 =	simm.s32 $0x5180;
	[sflag:s3] =	ssyncadd.s32 $0xFFFFE0C0  }
0x113: {  	[spmem:s1] =	stream.indirect.scatter.add.f32 [tilespmem:s20], [sflag:$0x8], $0x40, s16, s31, $0xb8;
	[tilespmem:$0x1D880] =	vst v63  }
0x114: {  	_ =	swait.ge [sflag:s8], $0x1F40  }
0x115: {  	[sflag:s8] =	ssyncset.done $0x0  }
0x116: {  	s11 =	simm.s32 $0x280;
	s16 =	simm.s32 $0x800;
	[sflag:s8] =	ssyncadd.s32 $0xFFFFE0C0  }
.LBB2_12:
0x117: {  	[tilespmem:s17], [sflag:$0x2] =	stream.indirect.gather [hbm4b:s7+s31], $0x40, s11, s31, $0xb8;
	[tilespmem:$0x1D880] =	vst v63  }
0x118: {  	s11 =	smov.u32 s16  }
0x119: {  	p3 =	sne.s32 s16, $0x13000;
	s16 =	sadd.s32 $0x800, s16;
	_ =	swait.ge [sflag:s30], $0x1F40  }
0x11a: {  	s11 =	sshra.s32 s11, $0x2;
	[sflag:s30] =	ssyncset.done $0x0  }
0x11b: {  	s12 =	sadd.s32 $0x5000, s11;
	[sflag:s30] =	ssyncadd.s32 $0xFFFFE0C0  }
0x11c: {  	[spmem:s1] =	stream.indirect.scatter.add.f32 [tilespmem:s0], [sflag:$0x5], $0x40, s12, s31, $0xb8;
	[tilespmem:$0x1D880] =	vst v63  }
0x11d: {  	_ =	swait.ge [sflag:s19], $0x1F40  }
0x11e: {  	[sflag:s19] =	ssyncset.done $0x0  }
0x11f: {  	s12 =	sadd.s32 $0x100, s11;
	[sflag:s19] =	ssyncadd.s32 $0xFFFFE0C0  }
0x120: {  	[tilespmem:s21], [sflag:$0x3] =	stream.indirect.gather [hbm4b:s7+s31], $0x40, s12, s31, $0xb8;
	[tilespmem:$0x1D880] =	vst v63  }
0x121: {  	_ =	swait.ge [sflag:s22], $0x1F40  }
0x122: {  	[sflag:s22] =	ssyncset.done $0x0  }
0x123: {  	s12 =	sadd.s32 $0x5080, s11;
	[sflag:s22] =	ssyncadd.s32 $0xFFFFE0C0  }
0x124: {  	[spmem:s1] =	stream.indirect.scatter.add.f32 [tilespmem:s17], [sflag:$0x6], $0x40, s12, s31, $0xb8;
	[tilespmem:$0x1D880] =	vst v63  }
0x125: {  	_ =	swait.ge [sflag:s23], $0x1F40  }
0x126: {  	[sflag:s23] =	ssyncset.done $0x0  }
0x127: {  	s12 =	sadd.s32 $0x180, s11;
	[sflag:s23] =	ssyncadd.s32 $0xFFFFE0C0  }
0x128: {  	[tilespmem:s20], [sflag:$0x4] =	stream.indirect.gather [hbm4b:s7+s31], $0x40, s12, s31, $0xb8;
	[tilespmem:$0x1D880] =	vst v63  }
0x129: {  	_ =	swait.ge [sflag:s24], $0x1F40  }
0x12a: {  	[sflag:s24] =	ssyncset.done $0x0  }
0x12b: {  	s12 =	sadd.s32 $0x5100, s11;
	[sflag:s24] =	ssyncadd.s32 $0xFFFFE0C0  }
0x12c: {  	[spmem:s1] =	stream.indirect.scatter.add.f32 [tilespmem:s21], [sflag:$0x7], $0x40, s12, s31, $0xb8;
	[tilespmem:$0x1D880] =	vst v63  }
0x12d: {  	_ =	swait.ge [sflag:s2], $0x1F40  }
0x12e: {  	[sflag:s2] =	ssyncset.done $0x0  }
0x12f: {  	s12 =	sadd.s32 $0x200, s11;
	[sflag:s2] =	ssyncadd.s32 $0xFFFFE0C0  }
0x130: {  	[tilespmem:s0], [sflag:$0x1] =	stream.indirect.gather [hbm4b:s7+s31], $0x40, s12, s31, $0xb8;
	[tilespmem:$0x1D880] =	vst v63  }
0x131: {  	_ =	swait.ge [sflag:s3], $0x1F40  }
0x132: {  	[sflag:s3] =	ssyncset.done $0x0  }
.Ltmp5:
0x133: {  	s12 =	sadd.s32 $0x5180, s11;
	[sflag:s3] =	ssyncadd.s32 $0xFFFFE0C0;
	(pc) =	sbr.rel @p3 .LBB2_12-.Ltmp5, $4  }
0x134: {  	[spmem:s1] =	stream.indirect.scatter.add.f32 [tilespmem:s20], [sflag:$0x8], $0x40, s12, s31, $0xb8;
	[tilespmem:$0x1D880] =	vst v63  }
0x135: {  	_ =	swait.ge [sflag:s8], $0x1F40  }
0x136: {  	[sflag:s8] =	ssyncset.done $0x0  }
0x137: {  	s11 =	sadd.s32 $0x280, s11;
	[sflag:s8] =	ssyncadd.s32 $0xFFFFE0C0  }
0x138: {  	[tilespmem:s17], [sflag:$0x2] =	stream.indirect.gather [hbm4b:s7+s31], $0x40, s11, s31, $0xb8;
	[tilespmem:$0x1D880] =	vst v63  }
0x139: {  	_ =	swait.ge [sflag:s30], $0x1F40  }
0x13a: {  	[sflag:s30] =	ssyncset.done $0x0  }
0x13b: {  	s12 =	simm.s32 $0x9E00;
	[sflag:s30] =	ssyncadd.s32 $0xFFFFE0C0  }
0x13c: {  	[spmem:s1] =	stream.indirect.scatter.add.f32 [tilespmem:s0], [sflag:$0x5], $0x40, s12, s31, $0xb8;
	[tilespmem:$0x1D880] =	vst v63  }
0x13d: {  	_ =	swait.ge [sflag:s19], $0x1F40  }
0x13e: {  	[sflag:s19] =	ssyncset.done $0x0  }
0x13f: {  	s16 =	simm.s32 $0x4F00;
	[sflag:s19] =	ssyncadd.s32 $0xFFFFE0C0  }
0x140: {  	[tilespmem:s21], [sflag:$0x3] =	stream.indirect.gather [hbm4b:s7+s31], $0x40, s16, s31, $0xb8;
	[tilespmem:$0x1D880] =	vst v63  }
0x141: {  	_ =	swait.ge [sflag:s22], $0x1F40  }
0x142: {  	[sflag:s22] =	ssyncset.done $0x0  }
0x143: {  	s12 =	simm.s32 $0x9E80;
	[sflag:s22] =	ssyncadd.s32 $0xFFFFE0C0  }
0x144: {  	[spmem:s1] =	stream.indirect.scatter.add.f32 [tilespmem:s17], [sflag:$0x6], $0x40, s12, s31, $0xb8;
	[tilespmem:$0x1D880] =	vst v63  }
0x145: {  	_ =	swait.ge [sflag:s23], $0x1F40  }
0x146: {  	[sflag:s23] =	ssyncset.done $0x0  }
0x147: {  	[sflag:s23] =	ssyncadd.s32 $0xFFFFE0C0  }
0x148: {  	[tilespmem:s20], [sflag:$0x4] =	stream.indirect.gather [hbm4b:s7+s31], $0x40, s25, s31, $0xb8;
	[tilespmem:$0x1D880] =	vst v63  }
0x149: {  	_ =	swait.ge [sflag:s24], $0x1F40  }
0x14a: {  	[sflag:s24] =	ssyncset.done $0x0  }
0x14b: {  	s16 =	simm.s32 $0x9F00;
	[sflag:s24] =	ssyncadd.s32 $0xFFFFE0C0  }
0x14c: {  	[spmem:s1] =	stream.indirect.scatter.add.f32 [tilespmem:s21], [sflag:$0x7], $0x40, s16, s31, $0xb8;
	[tilespmem:$0x1D880] =	vst v63  }
0x14d: {  	_ =	swait.ge [sflag:s2], $0x1F40  }
0x14e: {  	[sflag:s2] =	ssyncset.done $0x0  }
0x14f: {  	[sflag:s2] =	ssyncadd.s32 $0xFFFFE0C0  }
0x150: {  	[tilespmem:s0], [sflag:$0x1] =	stream.indirect.gather [hbm4b:s7+s31], $0x40, s25, s31, $0xb8;
	[tilespmem:$0x1D880] =	vst v63  }
0x151: {  	_ =	swait.ge [sflag:s3], $0x1F40  }
0x152: {  	[sflag:s3] =	ssyncset.done $0x0  }
0x153: {  	s12 =	simm.s32 $0x9F80;
	[sflag:s3] =	ssyncadd.s32 $0xFFFFE0C0  }
0x154: {  	[spmem:s1] =	stream.indirect.scatter.add.f32 [tilespmem:s20], [sflag:$0x8], $0x40, s12, s31, $0xb8;
	[tilespmem:$0x1D880] =	vst v63  }
0x155: {  	_ =	swait.ge [sflag:s8], $0x1F40  }
0x156: {  	[sflag:s8] =	ssyncset.done $0x0  }
0x157: {  	[sflag:s8] =	ssyncadd.s32 $0xFFFFE0C0  }
0x158: {  	[tilespmem:s17], [sflag:$0x2] =	stream.indirect.gather [hbm4b:s7+s31], $0x40, s25, s31, $0xb8;
	[tilespmem:$0x1D880] =	vst v63  }
0x159: {  	_ =	swait.ge [sflag:s30], $0x1F40  }
0x15a: {  	[sflag:s30] =	ssyncset.done $0x0  }
0x15b: {  	[sflag:s30] =	ssyncadd.s32 $0xFFFFE0C0  }
0x15c: {  	_ =	swait.ge [sflag:s22], $0x1F40  }
0x15d: {  	[sflag:s22] =	ssyncset.done $0x0  }
0x15e: {  	[sflag:s22] =	ssyncadd.s32 $0xFFFFE0C0  }
0x15f: {  	_ =	swait.ge [sflag:s19], $0x1F40  }
0x160: {  	[sflag:s19] =	ssyncset.done $0x0  }
0x161: {  	[sflag:s19] =	ssyncadd.s32 $0xFFFFE0C0  }
0x162: {  	_ =	swait.ge [sflag:s23], $0x1F40  }
0x163: {  	[sflag:s23] =	ssyncset.done $0x0  }
0x164: {  	[sflag:s23] =	ssyncadd.s32 $0xFFFFE0C0  }
0x165: {  	[bflag:$0x0] =	sbarrier.arrive $0xFFFF  }
0x166: {  	s16 =	rddreg [dreg:$0x11]  }
0x167: {  	[hbm:s16], [sflag:s10] =	dma.local [spmem:s18], $0x1380  }
.Ltmp6:
0x168: {  	_ = 	snop;
	(pc) =	sbr.rel @p1 .LBB2_15-.Ltmp6, $4  }
.Ltmp7:
0x169: {  	_ = 	snop;
	(pc) =	sbr.rel @!p1 .LBB2_14-.Ltmp7, $4  }
0x16a: {  	_ =	swait.ge [sflag:s26], $0x1380  }
0x16b: {  	[sflag:s26] =	ssyncset.done $0x0  }
0x16c: {  	s11 =	rddreg [dreg:$0x12];
	[sflag:s26] =	ssyncadd.s32 $0xFFFFEC80  }
0x16d: {  	_ = 	snop  }
.LBB2_4:
0x16e: {  	[tilespmem:s0], [sflag:$0x1] =	stream.indirect.gather [hbm4b:s4+s31], $0x40, s10, s31, $0xb8;
	[tilespmem:$0x1D880] =	vst v63  }
0x16f: {  	s12 =	simm.s32 $0x80  }
0x170: {  	[tilespmem:s17], [sflag:$0x2] =	stream.indirect.gather [hbm4b:s4+s31], $0x40, s12, s31, $0xb8;
	[tilespmem:$0x1D880] =	vst v63  }
0x171: {  	_ = 	snop  }
0x172: {  	[spmem:s1] =	stream.indirect.scatter.add.f32 [tilespmem:s29], [sflag:$0x7], $0x40, s28, s31, $0xb8;
	[tilespmem:$0x1D880] =	vst v63  }
0x173: {  	_ = 	snop  }
0x174: {  	[spmem:s1] =	stream.indirect.scatter.add.f32 [tilespmem:s29], [sflag:$0x8], $0x40, s28, s31, $0xb8;
	[tilespmem:$0x1D880] =	vst v63  }
0x175: {  	_ =	swait.ge [sflag:s30], $0x1F40  }
0x176: {  	[sflag:s30] =	ssyncset.done $0x0  }
0x177: {  	s18 =	simm.s32 $0x5000;
	[sflag:s30] =	ssyncadd.s32 $0xFFFFE0C0  }
0x178: {  	[spmem:s1] =	stream.indirect.scatter.add.f32 [tilespmem:s0], [sflag:$0x5], $0x40, s18, s31, $0xb8;
	[tilespmem:$0x1D880] =	vst v63  }
0x179: {  	_ =	swait.ge [sflag:s19], $0x1F40  }
0x17a: {  	[sflag:s19] =	ssyncset.done $0x0  }
0x17b: {  	s11 =	simm.s32 $0x100;
	[sflag:s19] =	ssyncadd.s32 $0xFFFFE0C0  }
0x17c: {  	[tilespmem:s21], [sflag:$0x3] =	stream.indirect.gather [hbm4b:s4+s31], $0x40, s11, s31, $0xb8;
	[tilespmem:$0x1D880] =	vst v63  }
0x17d: {  	_ =	swait.ge [sflag:s22], $0x1F40  }
0x17e: {  	[sflag:s22] =	ssyncset.done $0x0  }
0x17f: {  	s12 =	simm.s32 $0x5080;
	[sflag:s22] =	ssyncadd.s32 $0xFFFFE0C0  }
0x180: {  	[spmem:s1] =	stream.indirect.scatter.add.f32 [tilespmem:s17], [sflag:$0x6], $0x40, s12, s31, $0xb8;
	[tilespmem:$0x1D880] =	vst v63  }
0x181: {  	_ =	swait.ge [sflag:s23], $0x1F40  }
0x182: {  	[sflag:s23] =	ssyncset.done $0x0  }
0x183: {  	s18 =	simm.s32 $0x180;
	[sflag:s23] =	ssyncadd.s32 $0xFFFFE0C0  }
0x184: {  	[tilespmem:s20], [sflag:$0x4] =	stream.indirect.gather [hbm4b:s4+s31], $0x40, s18, s31, $0xb8;
	[tilespmem:$0x1D880] =	vst v63  }
0x185: {  	_ =	swait.ge [sflag:s24], $0x1F40  }
0x186: {  	[sflag:s24] =	ssyncset.done $0x0  }
0x187: {  	s11 =	simm.s32 $0x5100;
	[sflag:s24] =	ssyncadd.s32 $0xFFFFE0C0  }
0x188: {  	[spmem:s1] =	stream.indirect.scatter.add.f32 [tilespmem:s21], [sflag:$0x7], $0x40, s11, s31, $0xb8;
	[tilespmem:$0x1D880] =	vst v63  }
0x189: {  	_ =	swait.ge [sflag:s2], $0x1F40  }
0x18a: {  	[sflag:s2] =	ssyncset.done $0x0  }
0x18b: {  	s12 =	simm.s32 $0x200;
	[sflag:s2] =	ssyncadd.s32 $0xFFFFE0C0  }
0x18c: {  	[tilespmem:s0], [sflag:$0x1] =	stream.indirect.gather [hbm4b:s4+s31], $0x40, s12, s31, $0xb8;
	[tilespmem:$0x1D880] =	vst v63  }
0x18d: {  	_ =	swait.ge [sflag:s3], $0x1F40  }
0x18e: {  	[sflag:s3] =	ssyncset.done $0x0  }
0x18f: {  	s18 =	simm.s32 $0x5180;
	[sflag:s3] =	ssyncadd.s32 $0xFFFFE0C0  }
0x190: {  	[spmem:s1] =	stream.indirect.scatter.add.f32 [tilespmem:s20], [sflag:$0x8], $0x40, s18, s31, $0xb8;
	[tilespmem:$0x1D880] =	vst v63  }
0x191: {  	_ =	swait.ge [sflag:s8], $0x1F40  }
0x192: {  	[sflag:s8] =	ssyncset.done $0x0  }
0x193: {  	s10 =	simm.s32 $0x800;
	s11 =	simm.s32 $0x280;
	[sflag:s8] =	ssyncadd.s32 $0xFFFFE0C0  }
.LBB2_5:
0x194: {  	[tilespmem:s17], [sflag:$0x2] =	stream.indirect.gather [hbm4b:s4+s31], $0x40, s11, s31, $0xb8;
	[tilespmem:$0x1D880] =	vst v63  }
0x195: {  	s11 =	smov.u32 s10  }
0x196: {  	p3 =	sne.s32 s10, $0x13000;
	s10 =	sadd.s32 $0x800, s10;
	_ =	swait.ge [sflag:s30], $0x1F40  }
0x197: {  	s18 =	sshra.s32 s11, $0x2;
	[sflag:s30] =	ssyncset.done $0x0  }
0x198: {  	s11 =	sadd.s32 $0x5000, s18;
	[sflag:s30] =	ssyncadd.s32 $0xFFFFE0C0  }
0x199: {  	[spmem:s1] =	stream.indirect.scatter.add.f32 [tilespmem:s0], [sflag:$0x5], $0x40, s11, s31, $0xb8;
	[tilespmem:$0x1D880] =	vst v63  }
0x19a: {  	_ =	swait.ge [sflag:s19], $0x1F40  }
0x19b: {  	[sflag:s19] =	ssyncset.done $0x0  }
0x19c: {  	s11 =	sadd.s32 $0x100, s18;
	[sflag:s19] =	ssyncadd.s32 $0xFFFFE0C0  }
0x19d: {  	[tilespmem:s21], [sflag:$0x3] =	stream.indirect.gather [hbm4b:s4+s31], $0x40, s11, s31, $0xb8;
	[tilespmem:$0x1D880] =	vst v63  }
0x19e: {  	_ =	swait.ge [sflag:s22], $0x1F40  }
0x19f: {  	[sflag:s22] =	ssyncset.done $0x0  }
0x1a0: {  	s11 =	sadd.s32 $0x5080, s18;
	[sflag:s22] =	ssyncadd.s32 $0xFFFFE0C0  }
0x1a1: {  	[spmem:s1] =	stream.indirect.scatter.add.f32 [tilespmem:s17], [sflag:$0x6], $0x40, s11, s31, $0xb8;
	[tilespmem:$0x1D880] =	vst v63  }
0x1a2: {  	_ =	swait.ge [sflag:s23], $0x1F40  }
0x1a3: {  	[sflag:s23] =	ssyncset.done $0x0  }
0x1a4: {  	s11 =	sadd.s32 $0x180, s18;
	[sflag:s23] =	ssyncadd.s32 $0xFFFFE0C0  }
0x1a5: {  	[tilespmem:s20], [sflag:$0x4] =	stream.indirect.gather [hbm4b:s4+s31], $0x40, s11, s31, $0xb8;
	[tilespmem:$0x1D880] =	vst v63  }
0x1a6: {  	_ =	swait.ge [sflag:s24], $0x1F40  }
0x1a7: {  	[sflag:s24] =	ssyncset.done $0x0  }
0x1a8: {  	s11 =	sadd.s32 $0x5100, s18;
	[sflag:s24] =	ssyncadd.s32 $0xFFFFE0C0  }
0x1a9: {  	[spmem:s1] =	stream.indirect.scatter.add.f32 [tilespmem:s21], [sflag:$0x7], $0x40, s11, s31, $0xb8;
	[tilespmem:$0x1D880] =	vst v63  }
0x1aa: {  	_ =	swait.ge [sflag:s2], $0x1F40  }
0x1ab: {  	[sflag:s2] =	ssyncset.done $0x0  }
0x1ac: {  	s11 =	sadd.s32 $0x200, s18;
	[sflag:s2] =	ssyncadd.s32 $0xFFFFE0C0  }
0x1ad: {  	[tilespmem:s0], [sflag:$0x1] =	stream.indirect.gather [hbm4b:s4+s31], $0x40, s11, s31, $0xb8;
	[tilespmem:$0x1D880] =	vst v63  }
0x1ae: {  	_ =	swait.ge [sflag:s3], $0x1F40  }
0x1af: {  	[sflag:s3] =	ssyncset.done $0x0  }
.Ltmp8:
0x1b0: {  	s11 =	sadd.s32 $0x5180, s18;
	[sflag:s3] =	ssyncadd.s32 $0xFFFFE0C0;
	(pc) =	sbr.rel @p3 .LBB2_5-.Ltmp8, $4  }
0x1b1: {  	[spmem:s1] =	stream.indirect.scatter.add.f32 [tilespmem:s20], [sflag:$0x8], $0x40, s11, s31, $0xb8;
	[tilespmem:$0x1D880] =	vst v63  }
0x1b2: {  	_ =	swait.ge [sflag:s8], $0x1F40  }
0x1b3: {  	[sflag:s8] =	ssyncset.done $0x0  }
0x1b4: {  	s11 =	sadd.s32 $0x280, s18;
	[sflag:s8] =	ssyncadd.s32 $0xFFFFE0C0  }
0x1b5: {  	[tilespmem:s17], [sflag:$0x2] =	stream.indirect.gather [hbm4b:s4+s31], $0x40, s11, s31, $0xb8;
	[tilespmem:$0x1D880] =	vst v63  }
0x1b6: {  	_ =	swait.ge [sflag:s30], $0x1F40  }
0x1b7: {  	[sflag:s30] =	ssyncset.done $0x0  }
0x1b8: {  	s10 =	simm.s32 $0x9E00;
	[sflag:s30] =	ssyncadd.s32 $0xFFFFE0C0  }
0x1b9: {  	[spmem:s1] =	stream.indirect.scatter.add.f32 [tilespmem:s0], [sflag:$0x5], $0x40, s10, s31, $0xb8;
	[tilespmem:$0x1D880] =	vst v63  }
0x1ba: {  	_ =	swait.ge [sflag:s19], $0x1F40  }
0x1bb: {  	[sflag:s19] =	ssyncset.done $0x0  }
0x1bc: {  	s11 =	simm.s32 $0x4F00;
	[sflag:s19] =	ssyncadd.s32 $0xFFFFE0C0  }
0x1bd: {  	[tilespmem:s21], [sflag:$0x3] =	stream.indirect.gather [hbm4b:s4+s31], $0x40, s11, s31, $0xb8;
	[tilespmem:$0x1D880] =	vst v63  }
0x1be: {  	_ =	swait.ge [sflag:s22], $0x1F40  }
0x1bf: {  	[sflag:s22] =	ssyncset.done $0x0  }
0x1c0: {  	s12 =	simm.s32 $0x9E80;
	[sflag:s22] =	ssyncadd.s32 $0xFFFFE0C0  }
0x1c1: {  	[spmem:s1] =	stream.indirect.scatter.add.f32 [tilespmem:s17], [sflag:$0x6], $0x40, s12, s31, $0xb8;
	[tilespmem:$0x1D880] =	vst v63  }
0x1c2: {  	_ =	swait.ge [sflag:s23], $0x1F40  }
0x1c3: {  	[sflag:s23] =	ssyncset.done $0x0  }
0x1c4: {  	[sflag:s23] =	ssyncadd.s32 $0xFFFFE0C0  }
0x1c5: {  	[tilespmem:s20], [sflag:$0x4] =	stream.indirect.gather [hbm4b:s4+s31], $0x40, s25, s31, $0xb8;
	[tilespmem:$0x1D880] =	vst v63  }
0x1c6: {  	_ =	swait.ge [sflag:s24], $0x1F40  }
0x1c7: {  	[sflag:s24] =	ssyncset.done $0x0  }
0x1c8: {  	s18 =	simm.s32 $0x9F00;
	[sflag:s24] =	ssyncadd.s32 $0xFFFFE0C0  }
0x1c9: {  	[spmem:s1] =	stream.indirect.scatter.add.f32 [tilespmem:s21], [sflag:$0x7], $0x40, s18, s31, $0xb8;
	[tilespmem:$0x1D880] =	vst v63  }
0x1ca: {  	_ =	swait.ge [sflag:s2], $0x1F40  }
0x1cb: {  	[sflag:s2] =	ssyncset.done $0x0  }
0x1cc: {  	[sflag:s2] =	ssyncadd.s32 $0xFFFFE0C0  }
0x1cd: {  	[tilespmem:s0], [sflag:$0x1] =	stream.indirect.gather [hbm4b:s4+s31], $0x40, s25, s31, $0xb8;
	[tilespmem:$0x1D880] =	vst v63  }
0x1ce: {  	_ =	swait.ge [sflag:s3], $0x1F40  }
0x1cf: {  	[sflag:s3] =	ssyncset.done $0x0  }
0x1d0: {  	s11 =	simm.s32 $0x9F80;
	[sflag:s3] =	ssyncadd.s32 $0xFFFFE0C0  }
0x1d1: {  	[spmem:s1] =	stream.indirect.scatter.add.f32 [tilespmem:s20], [sflag:$0x8], $0x40, s11, s31, $0xb8;
	[tilespmem:$0x1D880] =	vst v63  }
0x1d2: {  	_ =	swait.ge [sflag:s8], $0x1F40  }
0x1d3: {  	[sflag:s8] =	ssyncset.done $0x0  }
0x1d4: {  	[sflag:s8] =	ssyncadd.s32 $0xFFFFE0C0  }
0x1d5: {  	[tilespmem:s17], [sflag:$0x2] =	stream.indirect.gather [hbm4b:s4+s31], $0x40, s25, s31, $0xb8;
	[tilespmem:$0x1D880] =	vst v63  }
0x1d6: {  	_ =	swait.ge [sflag:s30], $0x1F40  }
0x1d7: {  	[sflag:s30] =	ssyncset.done $0x0  }
0x1d8: {  	[sflag:s30] =	ssyncadd.s32 $0xFFFFE0C0  }
0x1d9: {  	_ =	swait.ge [sflag:s22], $0x1F40  }
0x1da: {  	[sflag:s22] =	ssyncset.done $0x0  }
0x1db: {  	[sflag:s22] =	ssyncadd.s32 $0xFFFFE0C0  }
0x1dc: {  	_ =	swait.ge [sflag:s19], $0x1F40  }
0x1dd: {  	[sflag:s19] =	ssyncset.done $0x0  }
0x1de: {  	[sflag:s19] =	ssyncadd.s32 $0xFFFFE0C0  }
0x1df: {  	_ =	swait.ge [sflag:s23], $0x1F40  }
0x1e0: {  	[sflag:s23] =	ssyncset.done $0x0  }
0x1e1: {  	[sflag:s23] =	ssyncadd.s32 $0xFFFFE0C0  }
0x1e2: {  	s12 =	stileid.u32;
	[bflag:$0x0] =	sbarrier.arrive $0xFFFF  }
0x1e3: {  	s10 =	sshll.u32 s12, $0x6;
	s18 =	rddreg [dreg:$0xa]  }
0x1e4: {  	s10 =	sor.u32 $0x1C09, s10;
	s12 =	rddreg [dreg:$0x9];
	s18 =	sshrl.u32 s18, $0x3  }
0x1e5: {  	[hbm:s12], [sflag:s10] =	dma.local [spmem:s18], $0x1380  }
0x1e6: {  	_ =	swait.ge [sflag:s26], $0x1380  }
0x1e7: {  	[sflag:s26] =	ssyncset.done $0x0  }
0x1e8: {  	s11 =	rddreg [dreg:$0xb];
	[sflag:s26] =	ssyncadd.s32 $0xFFFFEC80  }
0x1e9: {  	[hbm:s11], [sflag:s10] =	dma.local @!p1 [spmem:s16], $0x80  }
0x1ea: {  	s11 =	simm.s32 @!p1 $0x9  }
0x1eb: {  	_ =	swait.ge @!p1 [sflag:s11], $0x80  }
0x1ec: {  	[sflag:s11] =	ssyncset.done @!p1 $0x0  }
0x1ed: {  	[sflag:s11] =	ssyncadd.s32 @!p1 $0xFFFFFF80  }
0x1ee: {  	[bflag:$0x0] =	sbarrier.arrive $0xFFFF  }
0x1ef: {  	[spmem:s9] =	stream.linear.scatter [tilespmem:s29], [sflag:$0x1], $0x1F40, $0x38;
	[tilespmem:$0x1D880] =	vst v63  }
0x1f0: {  	s16 =	rddreg [dreg:$0x7]  }
0x1f1: {  	[spmem:s16] =	stream.linear.scatter [tilespmem:s29], [sflag:$0x1], $0x1F40, $0x38;
	[tilespmem:$0x1D880] =	vst v63  }
0x1f2: {  	s12 =	rddreg [dreg:$0x8]  }
0x1f3: {  	[spmem:s12] =	stream.linear.scatter [tilespmem:s29], [sflag:$0x1], $0x1F40, $0x38;
	[tilespmem:$0x1D880] =	vst v63  }
0x1f4: {  	_ = 	snop  }
0x1f5: {  	[spmem:s13] =	stream.linear.scatter [tilespmem:s29], [sflag:$0x1], $0x1F40, $0x38;
	[tilespmem:$0x1D880] =	vst v63  }
0x1f6: {  	_ = 	snop  }
0x1f7: {  	[spmem:s14] =	stream.linear.scatter [tilespmem:s29], [sflag:$0x1], $0x1F40, $0x38;
	[tilespmem:$0x1D880] =	vst v63  }
0x1f8: {  	_ =	swait.ge [sflag:s30], $0x1F40  }
0x1f9: {  	[sflag:s30] =	ssyncset.done $0x0  }
0x1fa: {  	[sflag:s30] =	ssyncadd.s32 $0xFFFFE0C0  }
0x1fb: {  	_ =	swait.ge [sflag:s30], $0x1F40  }
0x1fc: {  	[sflag:s30] =	ssyncset.done $0x0  }
0x1fd: {  	[sflag:s30] =	ssyncadd.s32 $0xFFFFE0C0  }
0x1fe: {  	_ =	swait.ge [sflag:s30], $0x1F40  }
0x1ff: {  	[sflag:s30] =	ssyncset.done $0x0  }
0x200: {  	[sflag:s30] =	ssyncadd.s32 $0xFFFFE0C0  }
0x201: {  	_ =	swait.ge [sflag:s30], $0x1F40  }
0x202: {  	[sflag:s30] =	ssyncset.done $0x0  }
0x203: {  	[sflag:s30] =	ssyncadd.s32 $0xFFFFE0C0  }
0x204: {  	_ =	swait.ge [sflag:s30], $0x1F40  }
0x205: {  	[sflag:s30] =	ssyncset.done $0x0  }
0x206: {  	[sflag:s30] =	ssyncadd.s32 $0xFFFFE0C0  }
0x207: {  	s16 =	simm.s32 $0x0;
	[bflag:$0x0] =	sbarrier.arrive $0xFFFF  }
0x208: {  	[tilespmem:s0], [sflag:$0x1] =	stream.indirect.gather [hbm4b:s5+s31], $0x40, s16, s31, $0xb8;
	[tilespmem:$0x1D880] =	vst v63  }
0x209: {  	s12 =	simm.s32 $0x80  }
0x20a: {  	[tilespmem:s17], [sflag:$0x2] =	stream.indirect.gather [hbm4b:s5+s31], $0x40, s12, s31, $0xb8;
	[tilespmem:$0x1D880] =	vst v63  }
0x20b: {  	_ = 	snop  }
0x20c: {  	[spmem:s1] =	stream.indirect.scatter.add.f32 [tilespmem:s29], [sflag:$0x7], $0x40, s28, s31, $0xb8;
	[tilespmem:$0x1D880] =	vst v63  }
0x20d: {  	_ = 	snop  }
0x20e: {  	[spmem:s1] =	stream.indirect.scatter.add.f32 [tilespmem:s29], [sflag:$0x8], $0x40, s28, s31, $0xb8;
	[tilespmem:$0x1D880] =	vst v63  }
0x20f: {  	_ =	swait.ge [sflag:s30], $0x1F40  }
0x210: {  	[sflag:s30] =	ssyncset.done $0x0  }
0x211: {  	s16 =	simm.s32 $0x5000;
	[sflag:s30] =	ssyncadd.s32 $0xFFFFE0C0  }
0x212: {  	[spmem:s1] =	stream.indirect.scatter.add.f32 [tilespmem:s0], [sflag:$0x5], $0x40, s16, s31, $0xb8;
	[tilespmem:$0x1D880] =	vst v63  }
0x213: {  	_ =	swait.ge [sflag:s19], $0x1F40  }
0x214: {  	[sflag:s19] =	ssyncset.done $0x0  }
0x215: {  	s12 =	simm.s32 $0x100;
	[sflag:s19] =	ssyncadd.s32 $0xFFFFE0C0  }
0x216: {  	[tilespmem:s21], [sflag:$0x3] =	stream.indirect.gather [hbm4b:s5+s31], $0x40, s12, s31, $0xb8;
	[tilespmem:$0x1D880] =	vst v63  }
0x217: {  	_ =	swait.ge [sflag:s22], $0x1F40  }
0x218: {  	[sflag:s22] =	ssyncset.done $0x0  }
0x219: {  	s16 =	simm.s32 $0x5080;
	[sflag:s22] =	ssyncadd.s32 $0xFFFFE0C0  }
0x21a: {  	[spmem:s1] =	stream.indirect.scatter.add.f32 [tilespmem:s17], [sflag:$0x6], $0x40, s16, s31, $0xb8;
	[tilespmem:$0x1D880] =	vst v63  }
0x21b: {  	_ =	swait.ge [sflag:s23], $0x1F40  }
0x21c: {  	[sflag:s23] =	ssyncset.done $0x0  }
0x21d: {  	s12 =	simm.s32 $0x180;
	[sflag:s23] =	ssyncadd.s32 $0xFFFFE0C0  }
0x21e: {  	[tilespmem:s20], [sflag:$0x4] =	stream.indirect.gather [hbm4b:s5+s31], $0x40, s12, s31, $0xb8;
	[tilespmem:$0x1D880] =	vst v63  }
0x21f: {  	_ =	swait.ge [sflag:s24], $0x1F40  }
0x220: {  	[sflag:s24] =	ssyncset.done $0x0  }
0x221: {  	s16 =	simm.s32 $0x5100;
	[sflag:s24] =	ssyncadd.s32 $0xFFFFE0C0  }
0x222: {  	[spmem:s1] =	stream.indirect.scatter.add.f32 [tilespmem:s21], [sflag:$0x7], $0x40, s16, s31, $0xb8;
	[tilespmem:$0x1D880] =	vst v63  }
0x223: {  	_ =	swait.ge [sflag:s2], $0x1F40  }
0x224: {  	[sflag:s2] =	ssyncset.done $0x0  }
0x225: {  	s12 =	simm.s32 $0x200;
	[sflag:s2] =	ssyncadd.s32 $0xFFFFE0C0  }
0x226: {  	[tilespmem:s0], [sflag:$0x1] =	stream.indirect.gather [hbm4b:s5+s31], $0x40, s12, s31, $0xb8;
	[tilespmem:$0x1D880] =	vst v63  }
0x227: {  	_ =	swait.ge [sflag:s3], $0x1F40  }
0x228: {  	[sflag:s3] =	ssyncset.done $0x0  }
0x229: {  	s16 =	simm.s32 $0x5180;
	[sflag:s3] =	ssyncadd.s32 $0xFFFFE0C0  }
0x22a: {  	[spmem:s1] =	stream.indirect.scatter.add.f32 [tilespmem:s20], [sflag:$0x8], $0x40, s16, s31, $0xb8;
	[tilespmem:$0x1D880] =	vst v63  }
0x22b: {  	_ =	swait.ge [sflag:s8], $0x1F40  }
0x22c: {  	[sflag:s8] =	ssyncset.done $0x0  }
0x22d: {  	s11 =	simm.s32 $0x280;
	s16 =	simm.s32 $0x800;
	[sflag:s8] =	ssyncadd.s32 $0xFFFFE0C0  }
.LBB2_7:
0x22e: {  	[tilespmem:s17], [sflag:$0x2] =	stream.indirect.gather [hbm4b:s5+s31], $0x40, s11, s31, $0xb8;
	[tilespmem:$0x1D880] =	vst v63  }
0x22f: {  	s11 =	smov.u32 s16  }
0x230: {  	p3 =	sne.s32 s16, $0x13000;
	s16 =	sadd.s32 $0x800, s16;
	_ =	swait.ge [sflag:s30], $0x1F40  }
0x231: {  	s11 =	sshra.s32 s11, $0x2;
	[sflag:s30] =	ssyncset.done $0x0  }
0x232: {  	s12 =	sadd.s32 $0x5000, s11;
	[sflag:s30] =	ssyncadd.s32 $0xFFFFE0C0  }
0x233: {  	[spmem:s1] =	stream.indirect.scatter.add.f32 [tilespmem:s0], [sflag:$0x5], $0x40, s12, s31, $0xb8;
	[tilespmem:$0x1D880] =	vst v63  }
0x234: {  	_ =	swait.ge [sflag:s19], $0x1F40  }
0x235: {  	[sflag:s19] =	ssyncset.done $0x0  }
0x236: {  	s12 =	sadd.s32 $0x100, s11;
	[sflag:s19] =	ssyncadd.s32 $0xFFFFE0C0  }
0x237: {  	[tilespmem:s21], [sflag:$0x3] =	stream.indirect.gather [hbm4b:s5+s31], $0x40, s12, s31, $0xb8;
	[tilespmem:$0x1D880] =	vst v63  }
0x238: {  	_ =	swait.ge [sflag:s22], $0x1F40  }
0x239: {  	[sflag:s22] =	ssyncset.done $0x0  }
0x23a: {  	s12 =	sadd.s32 $0x5080, s11;
	[sflag:s22] =	ssyncadd.s32 $0xFFFFE0C0  }
0x23b: {  	[spmem:s1] =	stream.indirect.scatter.add.f32 [tilespmem:s17], [sflag:$0x6], $0x40, s12, s31, $0xb8;
	[tilespmem:$0x1D880] =	vst v63  }
0x23c: {  	_ =	swait.ge [sflag:s23], $0x1F40  }
0x23d: {  	[sflag:s23] =	ssyncset.done $0x0  }
0x23e: {  	s12 =	sadd.s32 $0x180, s11;
	[sflag:s23] =	ssyncadd.s32 $0xFFFFE0C0  }
0x23f: {  	[tilespmem:s20], [sflag:$0x4] =	stream.indirect.gather [hbm4b:s5+s31], $0x40, s12, s31, $0xb8;
	[tilespmem:$0x1D880] =	vst v63  }
0x240: {  	_ =	swait.ge [sflag:s24], $0x1F40  }
0x241: {  	[sflag:s24] =	ssyncset.done $0x0  }
0x242: {  	s12 =	sadd.s32 $0x5100, s11;
	[sflag:s24] =	ssyncadd.s32 $0xFFFFE0C0  }
0x243: {  	[spmem:s1] =	stream.indirect.scatter.add.f32 [tilespmem:s21], [sflag:$0x7], $0x40, s12, s31, $0xb8;
	[tilespmem:$0x1D880] =	vst v63  }
0x244: {  	_ =	swait.ge [sflag:s2], $0x1F40  }
0x245: {  	[sflag:s2] =	ssyncset.done $0x0  }
0x246: {  	s12 =	sadd.s32 $0x200, s11;
	[sflag:s2] =	ssyncadd.s32 $0xFFFFE0C0  }
0x247: {  	[tilespmem:s0], [sflag:$0x1] =	stream.indirect.gather [hbm4b:s5+s31], $0x40, s12, s31, $0xb8;
	[tilespmem:$0x1D880] =	vst v63  }
0x248: {  	_ =	swait.ge [sflag:s3], $0x1F40  }
0x249: {  	[sflag:s3] =	ssyncset.done $0x0  }
.Ltmp9:
0x24a: {  	s12 =	sadd.s32 $0x5180, s11;
	[sflag:s3] =	ssyncadd.s32 $0xFFFFE0C0;
	(pc) =	sbr.rel @p3 .LBB2_7-.Ltmp9, $4  }
0x24b: {  	[spmem:s1] =	stream.indirect.scatter.add.f32 [tilespmem:s20], [sflag:$0x8], $0x40, s12, s31, $0xb8;
	[tilespmem:$0x1D880] =	vst v63  }
0x24c: {  	_ =	swait.ge [sflag:s8], $0x1F40  }
0x24d: {  	[sflag:s8] =	ssyncset.done $0x0  }
0x24e: {  	s11 =	sadd.s32 $0x280, s11;
	[sflag:s8] =	ssyncadd.s32 $0xFFFFE0C0  }
0x24f: {  	[tilespmem:s17], [sflag:$0x2] =	stream.indirect.gather [hbm4b:s5+s31], $0x40, s11, s31, $0xb8;
	[tilespmem:$0x1D880] =	vst v63  }
0x250: {  	_ =	swait.ge [sflag:s30], $0x1F40  }
0x251: {  	[sflag:s30] =	ssyncset.done $0x0  }
0x252: {  	s12 =	simm.s32 $0x9E00;
	[sflag:s30] =	ssyncadd.s32 $0xFFFFE0C0  }
0x253: {  	[spmem:s1] =	stream.indirect.scatter.add.f32 [tilespmem:s0], [sflag:$0x5], $0x40, s12, s31, $0xb8;
	[tilespmem:$0x1D880] =	vst v63  }
0x254: {  	_ =	swait.ge [sflag:s19], $0x1F40  }
0x255: {  	[sflag:s19] =	ssyncset.done $0x0  }
0x256: {  	s16 =	simm.s32 $0x4F00;
	[sflag:s19] =	ssyncadd.s32 $0xFFFFE0C0  }
0x257: {  	[tilespmem:s21], [sflag:$0x3] =	stream.indirect.gather [hbm4b:s5+s31], $0x40, s16, s31, $0xb8;
	[tilespmem:$0x1D880] =	vst v63  }
0x258: {  	_ =	swait.ge [sflag:s22], $0x1F40  }
0x259: {  	[sflag:s22] =	ssyncset.done $0x0  }
0x25a: {  	s12 =	simm.s32 $0x9E80;
	[sflag:s22] =	ssyncadd.s32 $0xFFFFE0C0  }
0x25b: {  	[spmem:s1] =	stream.indirect.scatter.add.f32 [tilespmem:s17], [sflag:$0x6], $0x40, s12, s31, $0xb8;
	[tilespmem:$0x1D880] =	vst v63  }
0x25c: {  	_ =	swait.ge [sflag:s23], $0x1F40  }
0x25d: {  	[sflag:s23] =	ssyncset.done $0x0  }
0x25e: {  	[sflag:s23] =	ssyncadd.s32 $0xFFFFE0C0  }
0x25f: {  	[tilespmem:s20], [sflag:$0x4] =	stream.indirect.gather [hbm4b:s5+s31], $0x40, s25, s31, $0xb8;
	[tilespmem:$0x1D880] =	vst v63  }
0x260: {  	_ =	swait.ge [sflag:s24], $0x1F40  }
0x261: {  	[sflag:s24] =	ssyncset.done $0x0  }
0x262: {  	s16 =	simm.s32 $0x9F00;
	[sflag:s24] =	ssyncadd.s32 $0xFFFFE0C0  }
0x263: {  	[spmem:s1] =	stream.indirect.scatter.add.f32 [tilespmem:s21], [sflag:$0x7], $0x40, s16, s31, $0xb8;
	[tilespmem:$0x1D880] =	vst v63  }
0x264: {  	_ =	swait.ge [sflag:s2], $0x1F40  }
0x265: {  	[sflag:s2] =	ssyncset.done $0x0  }
0x266: {  	[sflag:s2] =	ssyncadd.s32 $0xFFFFE0C0  }
0x267: {  	[tilespmem:s0], [sflag:$0x1] =	stream.indirect.gather [hbm4b:s5+s31], $0x40, s25, s31, $0xb8;
	[tilespmem:$0x1D880] =	vst v63  }
0x268: {  	_ =	swait.ge [sflag:s3], $0x1F40  }
0x269: {  	[sflag:s3] =	ssyncset.done $0x0  }
0x26a: {  	s12 =	simm.s32 $0x9F80;
	[sflag:s3] =	ssyncadd.s32 $0xFFFFE0C0  }
0x26b: {  	[spmem:s1] =	stream.indirect.scatter.add.f32 [tilespmem:s20], [sflag:$0x8], $0x40, s12, s31, $0xb8;
	[tilespmem:$0x1D880] =	vst v63  }
0x26c: {  	_ =	swait.ge [sflag:s8], $0x1F40  }
0x26d: {  	[sflag:s8] =	ssyncset.done $0x0  }
0x26e: {  	[sflag:s8] =	ssyncadd.s32 $0xFFFFE0C0  }
0x26f: {  	[tilespmem:s17], [sflag:$0x2] =	stream.indirect.gather [hbm4b:s5+s31], $0x40, s25, s31, $0xb8;
	[tilespmem:$0x1D880] =	vst v63  }
0x270: {  	_ =	swait.ge [sflag:s30], $0x1F40  }
0x271: {  	[sflag:s30] =	ssyncset.done $0x0  }
0x272: {  	[sflag:s30] =	ssyncadd.s32 $0xFFFFE0C0  }
0x273: {  	_ =	swait.ge [sflag:s22], $0x1F40  }
0x274: {  	[sflag:s22] =	ssyncset.done $0x0  }
0x275: {  	[sflag:s22] =	ssyncadd.s32 $0xFFFFE0C0  }
0x276: {  	_ =	swait.ge [sflag:s19], $0x1F40  }
0x277: {  	[sflag:s19] =	ssyncset.done $0x0  }
0x278: {  	[sflag:s19] =	ssyncadd.s32 $0xFFFFE0C0  }
0x279: {  	_ =	swait.ge [sflag:s23], $0x1F40  }
0x27a: {  	[sflag:s23] =	ssyncset.done $0x0  }
0x27b: {  	[sflag:s23] =	ssyncadd.s32 $0xFFFFE0C0  }
0x27c: {  	[bflag:$0x0] =	sbarrier.arrive $0xFFFF  }
0x27d: {  	s16 =	rddreg [dreg:$0xd]  }
0x27e: {  	[hbm:s16], [sflag:s10] =	dma.local [spmem:s18], $0x1380  }
.Ltmp10:
0x27f: {  	_ = 	snop;
	(pc) =	sbr.rel @p2 .LBB2_14-.Ltmp10, $4  }
.Ltmp11:
0x280: {  	_ = 	snop;
	(pc) =	sbr.rel @!p2 .LBB2_15-.Ltmp11, $4  }
0x281: {  	_ =	swait.ge [sflag:s26], $0x1380  }
0x282: {  	[sflag:s26] =	ssyncset.done $0x0  }
0x283: {  	s11 =	rddreg [dreg:$0xe];
	[sflag:s26] =	ssyncadd.s32 $0xFFFFEC80  }
0x284: {  	_ = 	snop  }
.LBB2_16:
0x285: {  	_ =	sfence.sel $0x180000  }
0x286: {  	[bflag:$0x0] =	sbarrier.arrive $0xFFFF  }
0x287: {  	_ =	strace $0x9000004A  }
0x288: {  	s0 =	stileid.u32;
	[bflag:$0x2] =	sbarrier.arrive $0xFFFF  }
0x289: {  	p0 =	sne.s32 s0, $0x0;
	s0 =	rddreg [dreg:$0x4]  }
0x28a: {  	s0 =	sadd.s32 @!p0 $0x100000, s0  }
0x28b: {  	[sflag:s0] =	ssyncadd.tile.s32 @!p0 $0x1;
	_ =	shalt  }
.Lfunc_end2:
_tile_overlayer_lowered:
.L_overlay_start_2:
0x28c: {  	(tag) =	ssettag $0x2  }
0x28d: {  	s0 =	rddreg [dreg:$0x0];
	s2 =	stileid.u32  }
0x28e: {  	s1 =	rddreg [dreg:$0x1];
	p0 =	sne.s32 s2, $0x0  }
0x28f: {  	s3 =	rddreg [dreg:$0x2];
	[bflag:$0x3] =	sbarrier.arrive $0xFFFF;
	s2 =	simm.s32 @!p0 $0x1C09  }
0x290: {  	[timem:s3], [sflag:s2] =	dma.local @!p0 [hbm:s0], s1  }
0x291: {  	s0 =	simm.s32 @!p0 $0x9  }
0x292: {  	_ =	swait.ge @!p0 [sflag:s0], s1  }
0x293: {  	s1 =	ssub.s32 @!p0 $0x0, s1;
	[sflag:s0] =	ssyncset.done @!p0 $0x0  }
0x294: {  	[sflag:s0] =	ssyncadd.s32 @!p0 s1  }
0x295: {  	[bflag:$0x3] =	sbarrier.arrive $0xFFFF  }
0x296: {  	_ =	shalt  }

// kernel: kernel.7.cloned.1.call-start
scs
__scs_entry_jumppad:
0x0: {  	(pc) =	sbr.rel $0x88, $3  }
0x1: {  	(tag) =	ssettag $0x0;
	lr =	simm.s32 $0x1  }
0x2: {  	[smem:$0x3F8B] =	sst lr;
	_ =	strace $0xD0000000  }
0x3: {  	_ = 	snop  }
0x4: {  	_ = 	snop  }
0x5: {  	_ = 	snop  }
0x6: {  	_ = 	snop  }
0x7: {  	_ = 	snop  }
__scs_overlays_trampoline_lowered:
0x8: {  	[smem:$0x3F9A] =	sst s0  }
0x9: {  	[smem:$0x3F9B] =	sst s1  }
0xa: {  	[smem:$0x3F9C] =	sst s2  }
0xb: {  	[smem:$0x3F9D] =	sst s3  }
0xc: {  	[smem:$0x3F9E] =	sst s4  }
0xd: {  	[smem:$0x3F9F] =	sst s5  }
0xe: {  	[smem:$0x3FA0] =	sst s6  }
0xf: {  	[smem:$0x3FA1] =	sst s7  }
0x10: {  	[smem:$0x3FA2] =	sst s8  }
0x11: {  	[smem:$0x3FA3] =	sst s9;
	s0 =	simm.s32 @!p0 $0x0  }
0x12: {  	s1 =	sld [smem:$0x3F89];
	s0 =	simm.s32 @p0 $0x1  }
0x13: {  	[smem:$0x3FA4] =	sst s0;
	s0 =	simm.s32 @!p1 $0x0  }
0x14: {  	s2 =	sld [smem:$0x3F88];
	s0 =	simm.s32 @p1 $0x1  }
0x15: {  	[smem:$0x3FA5] =	sst s0;
	s0 =	simm.s32 @!p2 $0x0  }
0x16: {  	s3 =	sld [smem:$0x3FDB];
	s0 =	simm.s32 @p2 $0x1  }
0x17: {  	s4 =	simm.s32 $0x1BF5;
	[smem:$0x3FA7] =	sst s0  }
0x18: {  	s0 =	sld [smem:$0x3F8A];
	_ =	swait.ge [sflag:s4], $0x0  }
0x19: {  	s7 =	sld [smem:$0x3F8B]  }
0x1a: {  	s8 =	sadd.s32 $0xFFFFE003, lr  }
0x1b: {  	s9 =	sadd.s32 $0xFFFFFEF7, lr;
	s5 =	simm.s32 $0xFFFFFFFF;
	p2 =	slt.u32 s8, $0xFFFFF086  }
0x1c: {  	p1 =	slt.u32 s9, $0xF7A;
	s5 =	simm.s32 @!p2 $0x0  }
0x1d: {  	s5 =	simm.s32 @p1 $0x1;
	p0 =	seq.s32 s7, s2  }
0x1e: {  	s7 =	smul.u32 @!p0 $0xF7A, s2;
	p2 =	seq.s32 @!p0 s5, $0x0  }
0x1f: {  	s9 =	smul.u32 $0xF7A, s1;
	s8 =	simm.s32 @!p0 $0x1BF5;
	p2 =	por !p2, p0  }
0x20: {  	[sflag:s8] =	ssyncset.s32 @!p0 $0xFFFFF086;
	s6 =	sadd.s32 @!p0 s3, s7;
	s7 =	simm.s32 @!p0 $0x108  }
0x21: {  	s3 =	sadd.s32 s3, s9;
	s6 =	sadd.s32 @!p0 $0x88, s6;
	s7 =	simm.s32 @p2 $0x1082  }
0x22: {  	[simem:s7], [sflag:s8] =	dma.local @!p0 [hbm:s6], $0xF7A  }
0x23: {  	s9 =	sor.u32 $0xD0000000, s2;
	s6 =	simm.s32 $0x108;
	_ =	swait.ge @!p0 [sflag:s8], $0x0  }
0x24: {  	s3 =	sadd.s32 $0x88, s3;
	s6 =	simm.s32 @!p1 $0x1082;
	[sflag:s4] =	ssyncset.s32 $0xFFFFF086  }
0x25: {  	[simem:s6], [sflag:s4] =	dma.local [hbm:s3], $0xF7A  }
0x26: {  	[smem:$0x3F8B] =	sst s1;
	(tag) =	ssettag s2;
	_ =	strace s9  }
0x27: {  	s1 =	sld [smem:$0x3F9B]  }
0x28: {  	s2 =	sld [smem:$0x3F9C]  }
0x29: {  	s4 =	sld [smem:$0x3F9E]  }
0x2a: {  	p0 =	seq.s32 s5, $0x0;
	s5 =	sld [smem:$0x3F9F]  }
0x2b: {  	s6 =	sld [smem:$0x3FA0]  }
0x2c: {  	s7 =	sld [smem:$0x3FA1]  }
0x2d: {  	s3 =	simm.s32 $0x108;
	s8 =	sld [smem:$0x3FA2]  }
0x2e: {  	s3 =	simm.s32 @!p0 $0x1082;
	s9 =	sld [smem:$0x3FA3]  }
0x2f: {  	lr =	sadd.s32 s0, s3;
	s0 =	sld [smem:$0x3F9A]  }
0x30: {  	s3 =	sld [smem:$0x3F9D]  }
0x31: {  	[smem:$0x3FA6] =	sst s10  }
0x32: {  	s10 =	sld [smem:$0x3FA4];
	_ =	sdelay $0x3  }
0x33: {  	p0 =	seq.s32 s10, $0x1;
	s10 =	sld [smem:$0x3FA6];
	_ =	sdelay $0x3  }
0x34: {  	[smem:$0x3FA6] =	sst s10  }
0x35: {  	s10 =	sld [smem:$0x3FA5];
	_ =	sdelay $0x3  }
0x36: {  	p1 =	seq.s32 s10, $0x1;
	s10 =	sld [smem:$0x3FA6];
	_ =	sdelay $0x3  }
0x37: {  	[smem:$0x3FA6] =	sst s10  }
0x38: {  	s10 =	sld [smem:$0x3FA7]  }
0x39: {  	_ = 	snop;
	(pc) =	sbr.ind lr, $3  }
0x3a: {  	_ = 	snop  }
0x3b: {  	_ = 	snop  }
0x3c: {  	p2 =	seq.s32 s10, $0x1;
	s10 =	sld [smem:$0x3FA6]  }
0x3d: {  	_ =	shalt  }
0x3e: {  	_ =	shalt  }
0x3f: {  	_ =	shalt  }
0x40: {  	_ =	shalt  }
0x41: {  	_ =	shalt  }
0x42: {  	_ =	shalt  }
0x43: {  	_ =	shalt  }
0x44: {  	_ =	shalt  }
0x45: {  	_ =	shalt  }
0x46: {  	_ =	shalt  }
0x47: {  	_ =	shalt  }
0x48: {  	_ =	shalt  }
0x49: {  	_ =	shalt  }
0x4a: {  	_ =	shalt  }
0x4b: {  	_ =	shalt  }
0x4c: {  	_ =	shalt  }
0x4d: {  	_ =	shalt  }
0x4e: {  	_ =	shalt  }
0x4f: {  	_ =	shalt  }
0x50: {  	_ =	shalt  }
0x51: {  	_ =	shalt  }
0x52: {  	_ =	shalt  }
0x53: {  	_ =	shalt  }
0x54: {  	_ =	shalt  }
0x55: {  	_ =	shalt  }
0x56: {  	_ =	shalt  }
0x57: {  	_ =	shalt  }
0x58: {  	_ =	shalt  }
0x59: {  	_ =	shalt  }
0x5a: {  	_ =	shalt  }
0x5b: {  	_ =	shalt  }
0x5c: {  	_ =	shalt  }
0x5d: {  	_ =	shalt  }
0x5e: {  	_ =	shalt  }
0x5f: {  	_ =	shalt  }
0x60: {  	_ =	shalt  }
0x61: {  	_ =	shalt  }
0x62: {  	_ =	shalt  }
0x63: {  	_ =	shalt  }
0x64: {  	_ =	shalt  }
0x65: {  	_ =	shalt  }
0x66: {  	_ =	shalt  }
0x67: {  	_ =	shalt  }
0x68: {  	_ =	shalt  }
0x69: {  	_ =	shalt  }
0x6a: {  	_ =	shalt  }
0x6b: {  	_ =	shalt  }
0x6c: {  	_ =	shalt  }
0x6d: {  	_ =	shalt  }
0x6e: {  	_ =	shalt  }
0x6f: {  	_ =	shalt  }
0x70: {  	_ =	shalt  }
0x71: {  	_ =	shalt  }
0x72: {  	_ =	shalt  }
0x73: {  	_ =	shalt  }
0x74: {  	_ =	shalt  }
0x75: {  	_ =	shalt  }
0x76: {  	_ =	shalt  }
0x77: {  	_ =	shalt  }
0x78: {  	_ =	shalt  }
0x79: {  	_ =	shalt  }
0x7a: {  	_ =	shalt  }
0x7b: {  	_ =	shalt  }
0x7c: {  	_ =	shalt  }
0x7d: {  	_ =	shalt  }
0x7e: {  	_ =	shalt  }
0x7f: {  	_ =	shalt  }
0x80: {  	_ =	shalt  }
0x81: {  	_ =	shalt  }
0x82: {  	_ =	shalt  }
0x83: {  	_ =	shalt  }
0x84: {  	_ =	shalt  }
0x85: {  	_ =	shalt  }
0x86: {  	_ =	shalt  }
0x87: {  	_ =	shalt  }
.Lfunc_end0:
.L_simem_size_0:
called_computation_lowered:
.L_overlay_start_0:
0x88: {  	s2 =	sld [smem:$0x3FD9]  }
0x89: {  	s3 =	sld [smem:$0x3FFE];
	_ =	sdelay $0x1  }
0x8a: {  	s1 =	srdreg.scid  }
0x8b: {  	s0 =	sand.u32 $0x1, s1  }
0x8c: {  	s16 =	sshll.u32 s0, $0xA;
	s2 =	sadd.s32 s3, s2  }
0x8d: {  	s2 =	sadd.s32 s2, s16  }
0x8e: {  	[smem:$0x3FB2] =	sst s2  }
0x8f: {  	_ = 	snop  }
0x90: {  	(tm) =	ssettm $0x1  }
0x91: {  	s17 =	sld [smem:$0x3FFB];
	_ =	sdelay $0x3  }
0x92: {  	_ =	strace s17  }
0x93: {  	s2 =	sld [smem:$0x3FFC];
	_ =	sdelay $0x3  }
0x94: {  	_ =	strace s2  }
0x95: {  	s2 =	sld [smem:$0x3FFD];
	_ =	sdelay $0x3  }
0x96: {  	_ =	strace s2  }
0x97: {  	_ =	strace $0x8FFFFFFF  }
0x98: {  	s18 =	sld [smem:$0x3FDB];
	_ =	sdelay $0x1  }
0x99: {  	s19 =	simm.s32 $_scs_section_size  }
0x9a: {  	s4 =	simm.s32 $_size__tile_overlayer_lowered;
	s5 =	simm.s32 $_tile_overlayer_lowered  }
0x9b: {  	s22 =	simm.s32 $0x1BFF;
	s21 =	sshll.u32 s5, $0x1;
	s2 =	sadd.s32 s19, s18  }
0x9c: {  	s6 =	simm.s32 $0x0;
	s20 =	sshll.u32 s4, $0x1;
	s4 =	sadd.s32 s21, s2  }
0x9d: {  	[timem:s6], [sflag:s22] =	dma.local [hbm:s4], s20  }
0x9e: {  	_ =	swait.ge [sflag:s22], s20  }
0x9f: {  	s3 =	ssub.s32 $0x0, s20;
	[sflag:s22] =	ssyncset.done $0x0  }
0xa0: {  	[sflag:s22] =	ssyncadd.s32 s3;
	_ =	sdelay $0x1  }
0xa1: {  	s23 =	simm.s32 $0x1B8B  }
0xa2: {  	_ =	swait.ge [sflag:s23], $0x1  }
0xa3: {  	[sflag:s23] =	ssyncset.done $0x0  }
0xa4: {  	s25 =	simm.s32 $0x1B8E;
	s24 =	sld [smem:$0x3FFE];
	[sflag:s23] =	ssyncadd.s32 $0xFFFFFFFF  }
0xa5: {  	s26 =	simm.s32 $execute0_lowered;
	[smem:$0x3FD2] =	sst s25  }
0xa6: {  	s4 =	sshll.u32 s26, $0x1;
	_ =	strace $0x80000046;
	[dreg:$0x1] =	wrdreg $0xFFFFFFFF  }
0xa7: {  	s28 =	simm.s32 $_size_execute0_lowered;
	s2 =	sadd.s32 s2, s4;
	[dreg:$0x0] =	wrdreg $0x0  }
0xa8: {  	s4 =	sshll.u32 s28, $0x1;
	[dreg:$0x2] =	wrdreg s2  }
0xa9: {  	[dreg:$0x3] =	wrdreg s4  }
0xaa: {  	[dreg:$0x4] =	wrdreg $0xC0  }
0xab: {  	_ =	task [dreg:s6], $0x5FFFF  }
0xac: {  	[dreg:$0x1] =	wrdreg $0xFFFFFFFF  }
0xad: {  	[dreg:$0x0] =	wrdreg $0x60  }
0xae: {  	[dreg:$0x2] =	wrdreg s24  }
0xaf: {  	[dreg:$0x3] =	wrdreg $0x13C400  }
0xb0: {  	[dreg:$0x4] =	wrdreg $0x9  }
0xb1: {  	_ =	task.clear_ibuf [dreg:s6], $0x5FFFF;
	_ =	strace $0x90000046  }
0xb2: {  	s29 =	simm.s32 $0x9;
	_ =	strace $0x80000048  }
0xb3: {  	_ =	swait.ge [sflag:s29], $0x1  }
0xb4: {  	[sflag:s29] =	ssyncadd.s32 $0xFFFFFFFF  }
0xb5: {  	_ =	strace $0x90000048  }
0xb6: {  	_ =	sfence  }
0xb7: {  	s30 =	sld [smem:$0x0];
	_ =	sdelay $0x2  }
0xb8: {  	s31 =	sshll.u32 s1, $0xD;
	s1 =	sshrl.u32 s1, $0x2  }
0xb9: {  	s3 =	sand.u32 $0x4000, s31;
	s1 =	sadd.s32 s1, s30  }
0xba: {  	s0 =	sor.u32 s3, s0;
	s1 =	sshll.u32 s1, $0x11  }
0xbb: {  	s0 =	sor.u32 s1, s0  }
0xbc: {  	s0 =	sadd.s32 $0x8F2B, s0  }
0xbd: {  	[sflag:s0] =	ssyncadd.remote.s32 $0x1  }
0xbe: {  	_ =	sfence.sel $0xFFFF  }
0xbf: {  	[dreg:$0x0] =	wrdreg $0xFFFFFFFF;
	(pc) =	sbr.abs _section_cstart, $3  }
0xc0: {  	[dreg:$0x1] =	wrdreg $0xFFFFFFFF  }
0xc1: {  	_ =	task.clear_ibuf [dreg:s6], $0x2FFFF;
	_ =	strace $0x9FFFFFFF  }
0xc2: {  	(tm) =	ssettm $0x7FFFFFFF  }
0xc3: {  	_ =	shalt  }
tec
execute0_lowered:
.L_overlay_start_1:
0x0: {  	(tag) =	ssettag $0x1  }
0x1: {  	s0 =	rddreg [dreg:$0x0];
	s1 =	srdreg.scid  }
0x2: {  	s2 =	rddreg [dreg:$0x1];
	s17 =	stileid.u32  }
0x3: {  	s5 =	simm.s32 $0x0;
	s29 =	simm.s32 $0x9;
	s30 =	simm.s32 $0x5000  }
0x4: {  	s31 =	simm.s32 $0x11D00;
	s1 =	sand.u32 $0x1, s1;
	s4 =	smul.u32 $0x5000, s17  }
0x5: {  	[smem:$0x7FF] =	sst s5;
	s5 =	sadd.s32 $0x8EA00, s0;
	s10 =	smul.u32 $0x27100, s17  }
0x6: {  	s6 =	sadd.s32 $0xA2400, s0;
	s7 =	sadd.s32 $0xB5E00, s0;
	s23 =	smul.u32 $0x9C00, s17  }
0x7: {  	s8 =	sadd.s32 $0xFA800, s0;
	s11 =	sadd.s32 $0xD3600, s0;
	s25 =	smul.u32 $0x4E2, s17  }
0x8: {  	s14 =	sadd.s32 $0xC9800, s0;
	s16 =	smul.u32 $0x2710, s17;
	s18 =	sadd.s32 $0x10E000, s0  }
0x9: {  	p1 =	sne.s32 s17, $0xF;
	p2 =	seq.s32 s17, $0xF;
	s17 =	simm.s32 $0xBF40  }
0xa: {  	s3 =	smul.u32 $0x50000, s1;
	_ =	strace $0x80000047;
	s9 =	ssub.s32 $0x2, s1  }
0xb: {  	p0 =	seq.s32 s1, $0x1;
	[dreg:$0xa] =	wrdreg s18;
	s18 =	simm.s32 $0x1D880  }
0xc: {  	s12 =	sshrl.u32 s9, $0x1;
	s10 =	sshrl.u32 s10, $0x2;
	s15 =	sshrl.u32 s23, $0x3  }
0xd: {  	s1 =	sadd.s32 s14, s25;
	s19 =	sshrl.u32 s16, $0x3;
	s25 =	sadd.s32 $0x121880, s0  }
0xe: {  	s3 =	sadd.s32 s4, s3;
	s4 =	sadd.s32 $0x7B000, s0;
	s9 =	ssub.s32 s9, s12  }
0xf: {  	s10 =	sadd.s32 s10, s2;
	[dreg:$0x7] =	wrdreg s1;
	s28 =	sadd.s32 s8, s15  }
0x10: {  	s12 =	sadd.s32 s23, s2;
	s20 =	sadd.s32 s11, s15;
	s1 =	sadd.s32 s14, s19  }
0x11: {  	s21 =	sadd.s32 $0x13880, s15;
	[dreg:$0x10] =	wrdreg s25;
	s14 =	simm.s32 $0xA000  }
0x12: {  	s19 =	simm.s32 $0xFDC0;
	s15 =	simm.s32 $0x0;
	[dreg:$0x8] =	wrdreg s28  }
0x13: {  	s3 =	sshrl.u32 s3, $0x3;
	s24 =	sadd.s32 $0x1F40, s10;
	[dreg:$0x9] =	wrdreg s12  }
0x14: {  	s26 =	sadd.s32 $0x3E80, s10;
	s13 =	sadd.s32 $0x5DC0, s10;
	[dreg:$0xb] =	wrdreg s20  }
0x15: {  	s1 =	sadd.s32 $0x4E20, s1;
	s23 =	sadd.s32 s8, s21;
	[dreg:$0x5] =	wrdreg s24  }
0x16: {  	s28 =	sadd.s32 $0x9C000, s2;
	s20 =	simm.s32 $0x7;
	[dreg:$0x6] =	wrdreg s26  }
0x17: {  	s8 =	simm.s32 $0x4;
	s3 =	sadd.s32 s3, s0;
	[dreg:$0xd] =	wrdreg s1  }
0x18: {  	[dreg:$0xe] =	wrdreg s23;
	s24 =	sadd.s32 s11, s21;
	s26 =	smax.u32 s9, $0x1  }
0x19: {  	[dreg:$0x13] =	wrdreg s28;
	s21 =	simm.s32 $0xDE80;
	s23 =	simm.s32 $0x8  }
0x1a: {  	s1 =	simm.s32 $0x5;
	s9 =	simm.s32 $0x6;
	[dreg:$0xf] =	wrdreg s24  }
.Ltmp0:
0x1b: {  	s22 =	sadd.s32 $0x4C00, s3;
	[dreg:$0x12] =	wrdreg s26;
	(pc) =	sbr.rel .LBB2_1-.Ltmp0, $4  }
0x1c: {  	s3 =	sadd.s32 $0x18C00, s3;
	s26 =	sadd.s32 $0x7D00, s10;
	[dreg:$0x3] =	wrdreg s22  }
0x1d: {  	s24 =	simm.s32 $0x3;
	[dreg:$0x4] =	wrdreg s3;
	s22 =	sadd.s32 $0xE6E00, s0  }
0x1e: {  	s0 =	sadd.s32 $0xFA680, s0;
	s3 =	simm.s32 $0x7D;
	[dreg:$0xc] =	wrdreg s22  }
0x1f: {  	v0 =	vimm.f32 $0.0e+00;
	v1 =	vimm.f32 $1.000000000e+00;
	vm0 =	vcmask $0x3F0C;
	[dreg:$0x11] =	wrdreg s0;
	s0 =	simm.s32 $0x1;
	s22 =	simm.s32 $0x2  }
.LBB2_16:
0x20: {  	s12 =	rddreg [dreg:$0x13]  }
0x21: {  	s12 =	sshrl.u32 s12, $0x3  }
0x22: {  	[hbm:s11], [sflag:s25] =	dma.local [spmem:s12], $0x80  }
0x23: {  	_ =	swait.ge [sflag:s29], $0x80  }
0x24: {  	[sflag:s29] =	ssyncset.done $0x0  }
0x25: {  	[sflag:s29] =	ssyncadd.s32 $0xFFFFFF80  }
.LBB2_17:
0x26: {  	s15 =	sadd.s32 $0x1, s15;
	s11 =	rddreg [dreg:$0x12]  }
0x27: {  	p3 =	sne.s32 s15, s11  }
.Ltmp1:
0x28: {  	_ = 	snop;
	(pc) =	sbr.rel @!p3 .LBB2_18-.Ltmp1, $2  }
0x29: {  	_ =	sdelay $0x1  }
0x2a: {  	[bflag:$0x0] =	sbarrier.arrive $0xFFFF;
	_ =	sdelay $0x1  }
.LBB2_1:
0x2b: {  	s16 =	simm.s32 $0x100;
	s11 =	simm.s32 $0x0  }
.LBB2_2:
0x2c: {  	p3 =	sne.s32 s16, $0x7C00;
	[tilespmem:s11+$0x11D30] =	vst v0;
	s25 =	smov.u32 s16;
	s16 =	sadd.s32 $0x100, s16  }
.Ltmp2:
0x2d: {  	[tilespmem:s11+$0x11D20] =	vst v0;
	(pc) =	sbr.rel @p3 .LBB2_2-.Ltmp2, $3  }
0x2e: {  	[tilespmem:s11+$0x11D00] =	vst v0  }
0x2f: {  	[tilespmem:s11+$0x11D10] =	vst v0;
	_ =	sdelay $0x1  }
0x30: {  	s11 =	sshra.s32 s25, $0x2  }
0x31: {  	[tilespmem:s11+$0x11D30] =	vst v0  }
0x32: {  	[tilespmem:s11+$0x11D20] =	vst v0  }
0x33: {  	[tilespmem:s11+$0x11D00] =	vst v0  }
0x34: {  	[tilespmem:s11+$0x11D10] =	vst v0;
	s25 =	simm.s32 $0x0;
	s12 =	rddreg [dreg:$0x3]  }
0x35: {  	[tilespmem:s25], [sflag:$0x9] =	stream.linear.gather [hbm4b:s12+s25], $0x5000, $0x38;
	[tilespmem:$0x1FF90] =	vst v63  }
0x36: {  	_ =	swait.ge [sflag:s29], $0x5000  }
0x37: {  	[sflag:s29] =	ssyncset.done $0x0  }
0x38: {  	s28 =	rddreg [dreg:$0x4];
	[sflag:s29] =	ssyncadd.s32 $0xFFFFB000  }
0x39: {  	[tilespmem:s30], [sflag:$0x9] =	stream.linear.gather [hbm4b:s28+s25], $0x5000, $0x38;
	[tilespmem:$0x1FF90] =	vst v63  }
0x3a: {  	_ =	swait.ge [sflag:s29], $0x5000  }
0x3b: {  	[sflag:s29] =	ssyncset.done $0x0  }
0x3c: {  	s11 =	simm.s32 $0x40;
	s16 =	simm.s32 $0x0;
	[sflag:s29] =	ssyncadd.s32 $0xFFFFB000  }
.LBB2_4:
0x3d: {  	p3 =	sne.s32 s11, $0x9C00;
	[tilespmem:s16+$0x1D880] =	vst v0;
	s16 =	smov.u32 s11;
	s11 =	sadd.s32 $0x40, s11  }
.Ltmp3:
0x3e: {  	(pc) =	sbr.rel @p3 .LBB2_4-.Ltmp3, $2  }
0x3f: {  	_ =	sdelay $0x2  }
0x40: {  	s16 =	sshra.s32 s16, $0x2  }
0x41: {  	[tilespmem:s16+$0x1D880] =	vst v0  }
0x42: {  	[spmem:s10] =	stream.linear.scatter [tilespmem:s31], [sflag:$0x1], $0x1F40, $0x38;
	[tilespmem:$0x1FF90] =	vst v63  }
0x43: {  	s11 =	rddreg [dreg:$0x5]  }
0x44: {  	[spmem:s11] =	stream.linear.scatter [tilespmem:s31], [sflag:$0x1], $0x1F40, $0x38;
	[tilespmem:$0x1FF90] =	vst v63  }
0x45: {  	s25 =	rddreg [dreg:$0x6]  }
0x46: {  	[spmem:s25] =	stream.linear.scatter [tilespmem:s31], [sflag:$0x1], $0x1F40, $0x38;
	[tilespmem:$0x1FF90] =	vst v63  }
0x47: {  	_ = 	snop  }
0x48: {  	[spmem:s13] =	stream.linear.scatter [tilespmem:s31], [sflag:$0x1], $0x1F40, $0x38;
	[tilespmem:$0x1FF90] =	vst v63  }
0x49: {  	_ = 	snop  }
0x4a: {  	[spmem:s26] =	stream.linear.scatter [tilespmem:s31], [sflag:$0x1], $0x1F40, $0x38;
	[tilespmem:$0x1FF90] =	vst v63  }
0x4b: {  	_ =	swait.ge [sflag:s0], $0x1F40  }
0x4c: {  	[sflag:s0] =	ssyncset.done $0x0  }
0x4d: {  	[sflag:s0] =	ssyncadd.s32 $0xFFFFE0C0  }
0x4e: {  	_ =	swait.ge [sflag:s0], $0x1F40  }
0x4f: {  	[sflag:s0] =	ssyncset.done $0x0  }
0x50: {  	[sflag:s0] =	ssyncadd.s32 $0xFFFFE0C0  }
0x51: {  	_ =	swait.ge [sflag:s0], $0x1F40  }
0x52: {  	[sflag:s0] =	ssyncset.done $0x0  }
0x53: {  	[sflag:s0] =	ssyncadd.s32 $0xFFFFE0C0  }
0x54: {  	_ =	swait.ge [sflag:s0], $0x1F40  }
0x55: {  	[sflag:s0] =	ssyncset.done $0x0  }
0x56: {  	[sflag:s0] =	ssyncadd.s32 $0xFFFFE0C0  }
0x57: {  	_ =	swait.ge [sflag:s0], $0x1F40  }
.Ltmp4:
0x58: {  	[sflag:s0] =	ssyncset.done $0x0;
	(pc) =	sbr.rel @!p0 .LBB2_6-.Ltmp4, $4  }
0x59: {  	[sflag:s0] =	ssyncadd.s32 $0xFFFFE0C0  }
0x5a: {  	[bflag:$0x0] =	sbarrier.arrive $0xFFFF  }
0x5b: {  	s11 =	rddreg [dreg:$0x13]  }
0x5c: {  	s16 =	simm.s32 $0x0;
	s28 =	sshrl.u32 @!p1 s11, $0x3  }
0x5d: {  	[tilespmem:s14], [sflag:$0x1] =	stream.indirect.gather [hbm4b:s6+s3], $0x40, s16, s3, $0xb8;
	[tilespmem:$0x1FF90] =	vst v63  }
0x5e: {  	s11 =	simm.s32 $0x80  }
0x5f: {  	[tilespmem:s17], [sflag:$0x2] =	stream.indirect.gather [hbm4b:s6+s3], $0x40, s11, s3, $0xb8;
	[tilespmem:$0x1FF90] =	vst v63  }
0x60: {  	_ = 	snop  }
0x61: {  	[spmem:s2] =	stream.indirect.scatter.add.f32 [tilespmem:s31], [sflag:$0x7], $0x40, s30, s3, $0xb8;
	[tilespmem:$0x1FF90] =	vst v63  }
0x62: {  	s25 =	simm.s32 $0x0  }
0x63: {  	[spmem:s2] =	stream.indirect.scatter.add.f32 [tilespmem:s31], [sflag:$0x8], $0x40, s30, s3, $0xb8;
	[tilespmem:$0x1FF90] =	vst v63  }
.LBB2_12:
0x64: {  	_ =	swait.ge [sflag:s0], $0x1F40  }
0x65: {  	s11 =	sshra.s32 s25, $0x2;
	[sflag:s0] =	ssyncset.done $0x0  }
0x66: {  	s12 =	sadd.s32 $0x5000, s11;
	[sflag:s0] =	ssyncadd.s32 $0xFFFFE0C0  }
0x67: {  	[spmem:s2] =	stream.indirect.scatter.add.f32 [tilespmem:s14], [sflag:$0x5], $0x40, s12, s3, $0xb8;
	[tilespmem:$0x1FF90] =	vst v63  }
0x68: {  	v2 =	vld [tilespmem:s11+$0x5000];
	_ =	sdelay $0x7  }
0x69: {  	[tilespmem:v2+s18+$0x0] =	vst.idx.add.f32.msk $0xffff, v1  }
0x6a: {  	v2 =	vld [tilespmem:s11+$0x5010];
	_ =	sdelay $0x7  }
0x6b: {  	[tilespmem:v2+s18+$0x0] =	vst.idx.add.f32.msk $0xffff, v1  }
0x6c: {  	v2 =	vld [tilespmem:s11+$0x5020];
	_ =	sdelay $0x7  }
0x6d: {  	[tilespmem:v2+s18+$0x0] =	vst.idx.add.f32.msk $0xffff, v1  }
0x6e: {  	v2 =	vld [tilespmem:s11+$0x5030];
	_ =	sdelay $0x7  }
0x6f: {  	[tilespmem:v2+s18+$0x0] =	vst.idx.add.f32.msk $0xffff, v1  }
0x70: {  	v2 =	vld [tilespmem:s11+$0x5040];
	_ =	sdelay $0x7  }
0x71: {  	[tilespmem:v2+s18+$0x0] =	vst.idx.add.f32.msk $0xffff, v1  }
0x72: {  	v2 =	vld [tilespmem:s11+$0x5050];
	_ =	sdelay $0x7  }
0x73: {  	[tilespmem:v2+s18+$0x0] =	vst.idx.add.f32.msk $0xffff, v1  }
0x74: {  	v2 =	vld [tilespmem:s11+$0x5060];
	_ =	sdelay $0x7  }
0x75: {  	[tilespmem:v2+s18+$0x0] =	vst.idx.add.f32.msk $0xffff, v1  }
0x76: {  	v2 =	vld [tilespmem:s11+$0x506D];
	_ =	sdelay $0x7  }
0x77: {  	[tilespmem:v2+s18+$0x0] =	vst.idx.add.f32.msk vm0, v1  }
0x78: {  	_ =	swait.ge [sflag:s20], $0x1F40  }
0x79: {  	[sflag:s20] =	ssyncset.done $0x0  }
0x7a: {  	s12 =	sadd.s32 $0x100, s11;
	[sflag:s20] =	ssyncadd.s32 $0xFFFFE0C0  }
0x7b: {  	[tilespmem:s21], [sflag:$0x3] =	stream.indirect.gather [hbm4b:s6+s3], $0x40, s12, s3, $0xb8;
	[tilespmem:$0x1FF90] =	vst v63  }
0x7c: {  	_ =	swait.ge [sflag:s22], $0x1F40  }
0x7d: {  	[sflag:s22] =	ssyncset.done $0x0  }
0x7e: {  	s12 =	sadd.s32 $0x5080, s11;
	[sflag:s22] =	ssyncadd.s32 $0xFFFFE0C0  }
0x7f: {  	[spmem:s2] =	stream.indirect.scatter.add.f32 [tilespmem:s17], [sflag:$0x6], $0x40, s12, s3, $0xb8;
	[tilespmem:$0x1FF90] =	vst v63  }
0x80: {  	v2 =	vld [tilespmem:s11+$0x5080];
	_ =	sdelay $0x7  }
0x81: {  	[tilespmem:v2+s18+$0x0] =	vst.idx.add.f32.msk $0xffff, v1  }
0x82: {  	v2 =	vld [tilespmem:s11+$0x5090];
	_ =	sdelay $0x7  }
0x83: {  	[tilespmem:v2+s18+$0x0] =	vst.idx.add.f32.msk $0xffff, v1  }
0x84: {  	v2 =	vld [tilespmem:s11+$0x50A0];
	_ =	sdelay $0x7  }
0x85: {  	[tilespmem:v2+s18+$0x0] =	vst.idx.add.f32.msk $0xffff, v1  }
0x86: {  	v2 =	vld [tilespmem:s11+$0x50B0];
	_ =	sdelay $0x7  }
0x87: {  	[tilespmem:v2+s18+$0x0] =	vst.idx.add.f32.msk $0xffff, v1  }
0x88: {  	v2 =	vld [tilespmem:s11+$0x50C0];
	_ =	sdelay $0x7  }
0x89: {  	[tilespmem:v2+s18+$0x0] =	vst.idx.add.f32.msk $0xffff, v1  }
0x8a: {  	v2 =	vld [tilespmem:s11+$0x50D0];
	_ =	sdelay $0x7  }
0x8b: {  	[tilespmem:v2+s18+$0x0] =	vst.idx.add.f32.msk $0xffff, v1  }
0x8c: {  	v2 =	vld [tilespmem:s11+$0x50E0];
	_ =	sdelay $0x7  }
0x8d: {  	[tilespmem:v2+s18+$0x0] =	vst.idx.add.f32.msk $0xffff, v1  }
0x8e: {  	v2 =	vld [tilespmem:s11+$0x50ED];
	_ =	sdelay $0x7  }
0x8f: {  	[tilespmem:v2+s18+$0x0] =	vst.idx.add.f32.msk vm0, v1  }
0x90: {  	_ =	swait.ge [sflag:s23], $0x1F40  }
0x91: {  	[sflag:s23] =	ssyncset.done $0x0  }
0x92: {  	s12 =	sadd.s32 $0x180, s11;
	[sflag:s23] =	ssyncadd.s32 $0xFFFFE0C0  }
0x93: {  	[tilespmem:s19], [sflag:$0x4] =	stream.indirect.gather [hbm4b:s6+s3], $0x40, s12, s3, $0xb8;
	[tilespmem:$0x1FF90] =	vst v63  }
0x94: {  	_ =	swait.ge [sflag:s24], $0x1F40  }
0x95: {  	[sflag:s24] =	ssyncset.done $0x0  }
0x96: {  	s12 =	sadd.s32 $0x5100, s11;
	[sflag:s24] =	ssyncadd.s32 $0xFFFFE0C0  }
0x97: {  	[spmem:s2] =	stream.indirect.scatter.add.f32 [tilespmem:s21], [sflag:$0x7], $0x40, s12, s3, $0xb8;
	[tilespmem:$0x1FF90] =	vst v63  }
0x98: {  	v2 =	vld [tilespmem:s11+$0x5100];
	_ =	sdelay $0x7  }
0x99: {  	[tilespmem:v2+s18+$0x0] =	vst.idx.add.f32.msk $0xffff, v1  }
0x9a: {  	v2 =	vld [tilespmem:s11+$0x5110];
	_ =	sdelay $0x7  }
0x9b: {  	[tilespmem:v2+s18+$0x0] =	vst.idx.add.f32.msk $0xffff, v1  }
0x9c: {  	v2 =	vld [tilespmem:s11+$0x5120];
	_ =	sdelay $0x7  }
0x9d: {  	[tilespmem:v2+s18+$0x0] =	vst.idx.add.f32.msk $0xffff, v1  }
0x9e: {  	v2 =	vld [tilespmem:s11+$0x5130];
	_ =	sdelay $0x7  }
0x9f: {  	[tilespmem:v2+s18+$0x0] =	vst.idx.add.f32.msk $0xffff, v1  }
0xa0: {  	v2 =	vld [tilespmem:s11+$0x5140];
	_ =	sdelay $0x7  }
0xa1: {  	[tilespmem:v2+s18+$0x0] =	vst.idx.add.f32.msk $0xffff, v1  }
0xa2: {  	v2 =	vld [tilespmem:s11+$0x5150];
	_ =	sdelay $0x7  }
0xa3: {  	[tilespmem:v2+s18+$0x0] =	vst.idx.add.f32.msk $0xffff, v1  }
0xa4: {  	v2 =	vld [tilespmem:s11+$0x5160];
	_ =	sdelay $0x7  }
0xa5: {  	[tilespmem:v2+s18+$0x0] =	vst.idx.add.f32.msk $0xffff, v1  }
0xa6: {  	v2 =	vld [tilespmem:s11+$0x516D];
	_ =	sdelay $0x7  }
0xa7: {  	[tilespmem:v2+s18+$0x0] =	vst.idx.add.f32.msk vm0, v1  }
0xa8: {  	s12 =	smin.u32 s16, $0x9B;
	_ =	swait.ge [sflag:s1], $0x1F40  }
0xa9: {  	s12 =	sshll.u32 s12, $0x7;
	[sflag:s1] =	ssyncset.done $0x0  }
0xaa: {  	s12 =	sadd.s32 $0x200, s12;
	[sflag:s1] =	ssyncadd.s32 $0xFFFFE0C0  }
0xab: {  	[tilespmem:s14], [sflag:$0x1] =	stream.indirect.gather [hbm4b:s6+s3], $0x40, s12, s3, $0xb8;
	[tilespmem:$0x1FF90] =	vst v63  }
0xac: {  	_ =	swait.ge [sflag:s8], $0x1F40  }
0xad: {  	[sflag:s8] =	ssyncset.done $0x0  }
0xae: {  	s12 =	sadd.s32 $0x5180, s11;
	[sflag:s8] =	ssyncadd.s32 $0xFFFFE0C0  }
0xaf: {  	[spmem:s2] =	stream.indirect.scatter.add.f32 [tilespmem:s19], [sflag:$0x8], $0x40, s12, s3, $0xb8;
	[tilespmem:$0x1FF90] =	vst v63  }
0xb0: {  	v2 =	vld [tilespmem:s11+$0x5180];
	_ =	sdelay $0x7  }
0xb1: {  	[tilespmem:v2+s18+$0x0] =	vst.idx.add.f32.msk $0xffff, v1  }
0xb2: {  	v2 =	vld [tilespmem:s11+$0x5190];
	_ =	sdelay $0x7  }
0xb3: {  	[tilespmem:v2+s18+$0x0] =	vst.idx.add.f32.msk $0xffff, v1  }
0xb4: {  	v2 =	vld [tilespmem:s11+$0x51A0];
	_ =	sdelay $0x7  }
0xb5: {  	[tilespmem:v2+s18+$0x0] =	vst.idx.add.f32.msk $0xffff, v1  }
0xb6: {  	v2 =	vld [tilespmem:s11+$0x51B0];
	_ =	sdelay $0x7  }
0xb7: {  	[tilespmem:v2+s18+$0x0] =	vst.idx.add.f32.msk $0xffff, v1  }
0xb8: {  	v2 =	vld [tilespmem:s11+$0x51C0];
	_ =	sdelay $0x7  }
0xb9: {  	[tilespmem:v2+s18+$0x0] =	vst.idx.add.f32.msk $0xffff, v1  }
0xba: {  	v2 =	vld [tilespmem:s11+$0x51D0];
	_ =	sdelay $0x7  }
0xbb: {  	[tilespmem:v2+s18+$0x0] =	vst.idx.add.f32.msk $0xffff, v1  }
0xbc: {  	v2 =	vld [tilespmem:s11+$0x51E0];
	_ =	sdelay $0x7  }
0xbd: {  	[tilespmem:v2+s18+$0x0] =	vst.idx.add.f32.msk $0xffff, v1  }
0xbe: {  	v2 =	vld [tilespmem:s11+$0x51ED];
	_ =	sdelay $0x6  }
0xbf: {  	p3 =	sne.s32 s25, $0x13800  }
.Ltmp5:
0xc0: {  	[tilespmem:v2+s18+$0x0] =	vst.idx.add.f32.msk vm0, v1;
	(pc) =	sbr.rel @p3 .LBB2_12-.Ltmp5, $4  }
0xc1: {  	s12 =	smin.u32 s16, $0x9A;
	_ =	swait.ge [sflag:s9], $0x1F40  }
0xc2: {  	s25 =	sadd.s32 $0x800, s25;
	s11 =	sshll.u32 s12, $0x7;
	[sflag:s9] =	ssyncset.done $0x0  }
0xc3: {  	s16 =	sadd.s32 $0x4, s16;
	s11 =	sadd.s32 $0x280, s11;
	[sflag:s9] =	ssyncadd.s32 $0xFFFFE0C0  }
0xc4: {  	[tilespmem:s17], [sflag:$0x2] =	stream.indirect.gather [hbm4b:s6+s3], $0x40, s11, s3, $0xb8;
	[tilespmem:$0x1FF90] =	vst v63  }
0xc5: {  	_ =	swait.ge [sflag:s0], $0x1F40  }
0xc6: {  	[sflag:s0] =	ssyncset.done $0x0  }
0xc7: {  	[sflag:s0] =	ssyncadd.s32 $0xFFFFE0C0  }
0xc8: {  	_ =	swait.ge [sflag:s22], $0x1F40  }
0xc9: {  	[sflag:s22] =	ssyncset.done $0x0  }
0xca: {  	[sflag:s22] =	ssyncadd.s32 $0xFFFFE0C0  }
0xcb: {  	_ =	swait.ge [sflag:s20], $0x1F40  }
0xcc: {  	[sflag:s20] =	ssyncset.done $0x0  }
0xcd: {  	[sflag:s20] =	ssyncadd.s32 $0xFFFFE0C0  }
0xce: {  	_ =	swait.ge [sflag:s23], $0x1F40  }
0xcf: {  	[sflag:s23] =	ssyncset.done $0x0  }
0xd0: {  	s11 =	simm.s32 $0x0;
	s12 =	rddreg [dreg:$0xd];
	[sflag:s23] =	ssyncadd.s32 $0xFFFFE0C0  }
0xd1: {  	[hbm4b:s12+s11] =	stream.linear.scatter [tilespmem:s18], [sflag:$0x9], $0x2710, $0x38;
	[tilespmem:$0x1FF90] =	vst v63  }
0xd2: {  	_ =	swait.ge [sflag:s29], $0x2710  }
0xd3: {  	[sflag:s29] =	ssyncset.done $0x0  }
0xd4: {  	[sflag:s29] =	ssyncadd.s32 $0xFFFFD8F0  }
0xd5: {  	s12 =	stileid.u32;
	[bflag:$0x0] =	sbarrier.arrive $0xFFFF  }
0xd6: {  	s11 =	sshll.u32 s12, $0x6;
	s16 =	rddreg [dreg:$0x9]  }
0xd7: {  	s25 =	sor.u32 $0x1C09, s11;
	s12 =	rddreg [dreg:$0xe];
	s16 =	sshrl.u32 s16, $0x3  }
0xd8: {  	[hbm:s12], [sflag:s25] =	dma.local [spmem:s16], $0x1380  }
0xd9: {  	_ =	swait.ge [sflag:s29], $0x1380  }
0xda: {  	[sflag:s29] =	ssyncset.done $0x0  }
0xdb: {  	s11 =	rddreg [dreg:$0x10];
	[sflag:s29] =	ssyncadd.s32 $0xFFFFEC80  }
0xdc: {  	[hbm:s11], [sflag:s25] =	dma.local @!p1 [spmem:s28], $0x80  }
0xdd: {  	s11 =	simm.s32 @!p1 $0x9  }
0xde: {  	_ =	swait.ge @!p1 [sflag:s11], $0x80  }
0xdf: {  	[sflag:s11] =	ssyncset.done @!p1 $0x0  }
0xe0: {  	[sflag:s11] =	ssyncadd.s32 @!p1 $0xFFFFFF80  }
0xe1: {  	[bflag:$0x0] =	sbarrier.arrive $0xFFFF  }
0xe2: {  	[spmem:s10] =	stream.linear.scatter [tilespmem:s31], [sflag:$0x1], $0x1F40, $0x38;
	[tilespmem:$0x1FF90] =	vst v63  }
0xe3: {  	s12 =	rddreg [dreg:$0x5]  }
0xe4: {  	[spmem:s12] =	stream.linear.scatter [tilespmem:s31], [sflag:$0x1], $0x1F40, $0x38;
	[tilespmem:$0x1FF90] =	vst v63  }
0xe5: {  	s12 =	rddreg [dreg:$0x6]  }
0xe6: {  	[spmem:s12] =	stream.linear.scatter [tilespmem:s31], [sflag:$0x1], $0x1F40, $0x38;
	[tilespmem:$0x1FF90] =	vst v63  }
0xe7: {  	_ = 	snop  }
0xe8: {  	[spmem:s13] =	stream.linear.scatter [tilespmem:s31], [sflag:$0x1], $0x1F40, $0x38;
	[tilespmem:$0x1FF90] =	vst v63  }
0xe9: {  	_ = 	snop  }
0xea: {  	[spmem:s26] =	stream.linear.scatter [tilespmem:s31], [sflag:$0x1], $0x1F40, $0x38;
	[tilespmem:$0x1FF90] =	vst v63  }
0xeb: {  	_ =	swait.ge [sflag:s0], $0x1F40  }
0xec: {  	[sflag:s0] =	ssyncset.done $0x0  }
0xed: {  	[sflag:s0] =	ssyncadd.s32 $0xFFFFE0C0  }
0xee: {  	_ =	swait.ge [sflag:s0], $0x1F40  }
0xef: {  	[sflag:s0] =	ssyncset.done $0x0  }
0xf0: {  	[sflag:s0] =	ssyncadd.s32 $0xFFFFE0C0  }
0xf1: {  	_ =	swait.ge [sflag:s0], $0x1F40  }
0xf2: {  	[sflag:s0] =	ssyncset.done $0x0  }
0xf3: {  	[sflag:s0] =	ssyncadd.s32 $0xFFFFE0C0  }
0xf4: {  	_ =	swait.ge [sflag:s0], $0x1F40  }
0xf5: {  	[sflag:s0] =	ssyncset.done $0x0  }
0xf6: {  	[sflag:s0] =	ssyncadd.s32 $0xFFFFE0C0  }
0xf7: {  	_ =	swait.ge [sflag:s0], $0x1F40  }
0xf8: {  	[sflag:s0] =	ssyncset.done $0x0  }
0xf9: {  	[sflag:s0] =	ssyncadd.s32 $0xFFFFE0C0  }
0xfa: {  	s12 =	simm.s32 $0x0;
	[bflag:$0x0] =	sbarrier.arrive $0xFFFF  }
0xfb: {  	[tilespmem:s14], [sflag:$0x1] =	stream.indirect.gather [hbm4b:s7+s3], $0x40, s12, s3, $0xb8;
	[tilespmem:$0x1FF90] =	vst v63  }
0xfc: {  	s12 =	simm.s32 $0x80  }
0xfd: {  	[tilespmem:s17], [sflag:$0x2] =	stream.indirect.gather [hbm4b:s7+s3], $0x40, s12, s3, $0xb8;
	[tilespmem:$0x1FF90] =	vst v63  }
0xfe: {  	_ = 	snop  }
0xff: {  	[spmem:s2] =	stream.indirect.scatter.add.f32 [tilespmem:s31], [sflag:$0x7], $0x40, s30, s3, $0xb8;
	[tilespmem:$0x1FF90] =	vst v63  }
0x100: {  	_ = 	snop  }
0x101: {  	[spmem:s2] =	stream.indirect.scatter.add.f32 [tilespmem:s31], [sflag:$0x8], $0x40, s30, s3, $0xb8;
	[tilespmem:$0x1FF90] =	vst v63  }
0x102: {  	_ =	swait.ge [sflag:s0], $0x1F40  }
0x103: {  	[sflag:s0] =	ssyncset.done $0x0  }
0x104: {  	s12 =	simm.s32 $0x5000;
	[sflag:s0] =	ssyncadd.s32 $0xFFFFE0C0  }
0x105: {  	[spmem:s2] =	stream.indirect.scatter.add.f32 [tilespmem:s14], [sflag:$0x5], $0x40, s12, s3, $0xb8;
	[tilespmem:$0x1FF90] =	vst v63  }
0x106: {  	_ =	swait.ge [sflag:s20], $0x1F40  }
0x107: {  	[sflag:s20] =	ssyncset.done $0x0  }
0x108: {  	s12 =	simm.s32 $0x100;
	[sflag:s20] =	ssyncadd.s32 $0xFFFFE0C0  }
0x109: {  	[tilespmem:s21], [sflag:$0x3] =	stream.indirect.gather [hbm4b:s7+s3], $0x40, s12, s3, $0xb8;
	[tilespmem:$0x1FF90] =	vst v63  }
0x10a: {  	_ =	swait.ge [sflag:s22], $0x1F40  }
0x10b: {  	[sflag:s22] =	ssyncset.done $0x0  }
0x10c: {  	s12 =	simm.s32 $0x5080;
	[sflag:s22] =	ssyncadd.s32 $0xFFFFE0C0  }
0x10d: {  	[spmem:s2] =	stream.indirect.scatter.add.f32 [tilespmem:s17], [sflag:$0x6], $0x40, s12, s3, $0xb8;
	[tilespmem:$0x1FF90] =	vst v63  }
0x10e: {  	_ =	swait.ge [sflag:s23], $0x1F40  }
0x10f: {  	[sflag:s23] =	ssyncset.done $0x0  }
0x110: {  	s12 =	simm.s32 $0x180;
	[sflag:s23] =	ssyncadd.s32 $0xFFFFE0C0  }
0x111: {  	[tilespmem:s19], [sflag:$0x4] =	stream.indirect.gather [hbm4b:s7+s3], $0x40, s12, s3, $0xb8;
	[tilespmem:$0x1FF90] =	vst v63  }
0x112: {  	_ =	swait.ge [sflag:s24], $0x1F40  }
0x113: {  	[sflag:s24] =	ssyncset.done $0x0  }
0x114: {  	s12 =	simm.s32 $0x5100;
	[sflag:s24] =	ssyncadd.s32 $0xFFFFE0C0  }
0x115: {  	[spmem:s2] =	stream.indirect.scatter.add.f32 [tilespmem:s21], [sflag:$0x7], $0x40, s12, s3, $0xb8;
	[tilespmem:$0x1FF90] =	vst v63  }
0x116: {  	_ =	swait.ge [sflag:s1], $0x1F40  }
0x117: {  	[sflag:s1] =	ssyncset.done $0x0  }
0x118: {  	s12 =	simm.s32 $0x200;
	[sflag:s1] =	ssyncadd.s32 $0xFFFFE0C0  }
0x119: {  	[tilespmem:s14], [sflag:$0x1] =	stream.indirect.gather [hbm4b:s7+s3], $0x40, s12, s3, $0xb8;
	[tilespmem:$0x1FF90] =	vst v63  }
0x11a: {  	_ =	swait.ge [sflag:s8], $0x1F40  }
0x11b: {  	[sflag:s8] =	ssyncset.done $0x0  }
0x11c: {  	s12 =	simm.s32 $0x5180;
	[sflag:s8] =	ssyncadd.s32 $0xFFFFE0C0  }
0x11d: {  	[spmem:s2] =	stream.indirect.scatter.add.f32 [tilespmem:s19], [sflag:$0x8], $0x40, s12, s3, $0xb8;
	[tilespmem:$0x1FF90] =	vst v63  }
0x11e: {  	_ =	swait.ge [sflag:s9], $0x1F40  }
0x11f: {  	[sflag:s9] =	ssyncset.done $0x0  }
0x120: {  	s28 =	simm.s32 $0x280;
	s11 =	simm.s32 $0x800;
	[sflag:s9] =	ssyncadd.s32 $0xFFFFE0C0  }
.LBB2_14:
0x121: {  	[tilespmem:s17], [sflag:$0x2] =	stream.indirect.gather [hbm4b:s7+s3], $0x40, s28, s3, $0xb8;
	[tilespmem:$0x1FF90] =	vst v63  }
0x122: {  	s12 =	smov.u32 s11  }
0x123: {  	p3 =	sne.s32 s11, $0x13000;
	s11 =	sadd.s32 $0x800, s11;
	_ =	swait.ge [sflag:s0], $0x1F40  }
0x124: {  	s28 =	sshra.s32 s12, $0x2;
	[sflag:s0] =	ssyncset.done $0x0  }
0x125: {  	s12 =	sadd.s32 $0x5000, s28;
	[sflag:s0] =	ssyncadd.s32 $0xFFFFE0C0  }
0x126: {  	[spmem:s2] =	stream.indirect.scatter.add.f32 [tilespmem:s14], [sflag:$0x5], $0x40, s12, s3, $0xb8;
	[tilespmem:$0x1FF90] =	vst v63  }
0x127: {  	_ =	swait.ge [sflag:s20], $0x1F40  }
0x128: {  	[sflag:s20] =	ssyncset.done $0x0  }
0x129: {  	s12 =	sadd.s32 $0x100, s28;
	[sflag:s20] =	ssyncadd.s32 $0xFFFFE0C0  }
0x12a: {  	[tilespmem:s21], [sflag:$0x3] =	stream.indirect.gather [hbm4b:s7+s3], $0x40, s12, s3, $0xb8;
	[tilespmem:$0x1FF90] =	vst v63  }
0x12b: {  	_ =	swait.ge [sflag:s22], $0x1F40  }
0x12c: {  	[sflag:s22] =	ssyncset.done $0x0  }
0x12d: {  	s12 =	sadd.s32 $0x5080, s28;
	[sflag:s22] =	ssyncadd.s32 $0xFFFFE0C0  }
0x12e: {  	[spmem:s2] =	stream.indirect.scatter.add.f32 [tilespmem:s17], [sflag:$0x6], $0x40, s12, s3, $0xb8;
	[tilespmem:$0x1FF90] =	vst v63  }
0x12f: {  	_ =	swait.ge [sflag:s23], $0x1F40  }
0x130: {  	[sflag:s23] =	ssyncset.done $0x0  }
0x131: {  	s12 =	sadd.s32 $0x180, s28;
	[sflag:s23] =	ssyncadd.s32 $0xFFFFE0C0  }
0x132: {  	[tilespmem:s19], [sflag:$0x4] =	stream.indirect.gather [hbm4b:s7+s3], $0x40, s12, s3, $0xb8;
	[tilespmem:$0x1FF90] =	vst v63  }
0x133: {  	_ =	swait.ge [sflag:s24], $0x1F40  }
0x134: {  	[sflag:s24] =	ssyncset.done $0x0  }
0x135: {  	s12 =	sadd.s32 $0x5100, s28;
	[sflag:s24] =	ssyncadd.s32 $0xFFFFE0C0  }
0x136: {  	[spmem:s2] =	stream.indirect.scatter.add.f32 [tilespmem:s21], [sflag:$0x7], $0x40, s12, s3, $0xb8;
	[tilespmem:$0x1FF90] =	vst v63  }
0x137: {  	_ =	swait.ge [sflag:s1], $0x1F40  }
0x138: {  	[sflag:s1] =	ssyncset.done $0x0  }
0x139: {  	s12 =	sadd.s32 $0x200, s28;
	[sflag:s1] =	ssyncadd.s32 $0xFFFFE0C0  }
0x13a: {  	[tilespmem:s14], [sflag:$0x1] =	stream.indirect.gather [hbm4b:s7+s3], $0x40, s12, s3, $0xb8;
	[tilespmem:$0x1FF90] =	vst v63  }
0x13b: {  	_ =	swait.ge [sflag:s8], $0x1F40  }
0x13c: {  	[sflag:s8] =	ssyncset.done $0x0  }
.Ltmp6:
0x13d: {  	s12 =	sadd.s32 $0x5180, s28;
	[sflag:s8] =	ssyncadd.s32 $0xFFFFE0C0;
	(pc) =	sbr.rel @p3 .LBB2_14-.Ltmp6, $4  }
0x13e: {  	[spmem:s2] =	stream.indirect.scatter.add.f32 [tilespmem:s19], [sflag:$0x8], $0x40, s12, s3, $0xb8;
	[tilespmem:$0x1FF90] =	vst v63  }
0x13f: {  	_ =	swait.ge [sflag:s9], $0x1F40  }
0x140: {  	[sflag:s9] =	ssyncset.done $0x0  }
0x141: {  	s28 =	sadd.s32 $0x280, s28;
	[sflag:s9] =	ssyncadd.s32 $0xFFFFE0C0  }
0x142: {  	[tilespmem:s17], [sflag:$0x2] =	stream.indirect.gather [hbm4b:s7+s3], $0x40, s28, s3, $0xb8;
	[tilespmem:$0x1FF90] =	vst v63  }
0x143: {  	_ =	swait.ge [sflag:s0], $0x1F40  }
0x144: {  	[sflag:s0] =	ssyncset.done $0x0  }
0x145: {  	s11 =	simm.s32 $0x9E00;
	[sflag:s0] =	ssyncadd.s32 $0xFFFFE0C0  }
0x146: {  	[spmem:s2] =	stream.indirect.scatter.add.f32 [tilespmem:s14], [sflag:$0x5], $0x40, s11, s3, $0xb8;
	[tilespmem:$0x1FF90] =	vst v63  }
0x147: {  	_ =	swait.ge [sflag:s20], $0x1F40  }
0x148: {  	[sflag:s20] =	ssyncset.done $0x0  }
0x149: {  	s28 =	simm.s32 $0x4F00;
	[sflag:s20] =	ssyncadd.s32 $0xFFFFE0C0  }
0x14a: {  	[tilespmem:s21], [sflag:$0x3] =	stream.indirect.gather [hbm4b:s7+s3], $0x40, s28, s3, $0xb8;
	[tilespmem:$0x1FF90] =	vst v63  }
0x14b: {  	_ =	swait.ge [sflag:s22], $0x1F40  }
0x14c: {  	[sflag:s22] =	ssyncset.done $0x0  }
0x14d: {  	s12 =	simm.s32 $0x9E80;
	[sflag:s22] =	ssyncadd.s32 $0xFFFFE0C0  }
0x14e: {  	[spmem:s2] =	stream.indirect.scatter.add.f32 [tilespmem:s17], [sflag:$0x6], $0x40, s12, s3, $0xb8;
	[tilespmem:$0x1FF90] =	vst v63  }
0x14f: {  	_ =	swait.ge [sflag:s23], $0x1F40  }
0x150: {  	[sflag:s23] =	ssyncset.done $0x0  }
0x151: {  	s11 =	simm.s32 $0x4F80;
	[sflag:s23] =	ssyncadd.s32 $0xFFFFE0C0  }
0x152: {  	[tilespmem:s19], [sflag:$0x4] =	stream.indirect.gather [hbm4b:s7+s3], $0x40, s11, s3, $0xb8;
	[tilespmem:$0x1FF90] =	vst v63  }
0x153: {  	_ =	swait.ge [sflag:s24], $0x1F40  }
0x154: {  	[sflag:s24] =	ssyncset.done $0x0  }
0x155: {  	s12 =	simm.s32 $0x9F00;
	[sflag:s24] =	ssyncadd.s32 $0xFFFFE0C0  }
0x156: {  	[spmem:s2] =	stream.indirect.scatter.add.f32 [tilespmem:s21], [sflag:$0x7], $0x40, s12, s3, $0xb8;
	[tilespmem:$0x1FF90] =	vst v63  }
0x157: {  	_ =	swait.ge [sflag:s1], $0x1F40  }
0x158: {  	[sflag:s1] =	ssyncset.done $0x0  }
0x159: {  	[sflag:s1] =	ssyncadd.s32 $0xFFFFE0C0  }
0x15a: {  	[tilespmem:s14], [sflag:$0x1] =	stream.indirect.gather [hbm4b:s7+s3], $0x40, s11, s3, $0xb8;
	[tilespmem:$0x1FF90] =	vst v63  }
0x15b: {  	_ =	swait.ge [sflag:s8], $0x1F40  }
0x15c: {  	[sflag:s8] =	ssyncset.done $0x0  }
0x15d: {  	s28 =	simm.s32 $0x9F80;
	[sflag:s8] =	ssyncadd.s32 $0xFFFFE0C0  }
0x15e: {  	[spmem:s2] =	stream.indirect.scatter.add.f32 [tilespmem:s19], [sflag:$0x8], $0x40, s28, s3, $0xb8;
	[tilespmem:$0x1FF90] =	vst v63  }
0x15f: {  	_ =	swait.ge [sflag:s9], $0x1F40  }
0x160: {  	[sflag:s9] =	ssyncset.done $0x0  }
0x161: {  	[sflag:s9] =	ssyncadd.s32 $0xFFFFE0C0  }
0x162: {  	[tilespmem:s17], [sflag:$0x2] =	stream.indirect.gather [hbm4b:s7+s3], $0x40, s11, s3, $0xb8;
	[tilespmem:$0x1FF90] =	vst v63  }
0x163: {  	_ =	swait.ge [sflag:s0], $0x1F40  }
0x164: {  	[sflag:s0] =	ssyncset.done $0x0  }
0x165: {  	[sflag:s0] =	ssyncadd.s32 $0xFFFFE0C0  }
0x166: {  	_ =	swait.ge [sflag:s22], $0x1F40  }
0x167: {  	[sflag:s22] =	ssyncset.done $0x0  }
0x168: {  	[sflag:s22] =	ssyncadd.s32 $0xFFFFE0C0  }
0x169: {  	_ =	swait.ge [sflag:s20], $0x1F40  }
0x16a: {  	[sflag:s20] =	ssyncset.done $0x0  }
0x16b: {  	[sflag:s20] =	ssyncadd.s32 $0xFFFFE0C0  }
0x16c: {  	_ =	swait.ge [sflag:s23], $0x1F40  }
0x16d: {  	[sflag:s23] =	ssyncset.done $0x0  }
0x16e: {  	[sflag:s23] =	ssyncadd.s32 $0xFFFFE0C0  }
0x16f: {  	[bflag:$0x0] =	sbarrier.arrive $0xFFFF  }
0x170: {  	s28 =	rddreg [dreg:$0xf]  }
0x171: {  	[hbm:s28], [sflag:s25] =	dma.local [spmem:s16], $0x1380  }
.Ltmp7:
0x172: {  	_ = 	snop;
	(pc) =	sbr.rel @p1 .LBB2_17-.Ltmp7, $4  }
.Ltmp8:
0x173: {  	_ = 	snop;
	(pc) =	sbr.rel @!p1 .LBB2_16-.Ltmp8, $4  }
0x174: {  	_ =	swait.ge [sflag:s29], $0x1380  }
0x175: {  	[sflag:s29] =	ssyncset.done $0x0  }
0x176: {  	s11 =	rddreg [dreg:$0x11];
	[sflag:s29] =	ssyncadd.s32 $0xFFFFEC80  }
0x177: {  	_ = 	snop  }
.LBB2_6:
0x178: {  	[tilespmem:s14], [sflag:$0x1] =	stream.indirect.gather [hbm4b:s4+s3], $0x40, s16, s3, $0xb8;
	[tilespmem:$0x1FF90] =	vst v63  }
0x179: {  	s11 =	simm.s32 $0x80  }
0x17a: {  	[tilespmem:s17], [sflag:$0x2] =	stream.indirect.gather [hbm4b:s4+s3], $0x40, s11, s3, $0xb8;
	[tilespmem:$0x1FF90] =	vst v63  }
0x17b: {  	_ = 	snop  }
0x17c: {  	[spmem:s2] =	stream.indirect.scatter.add.f32 [tilespmem:s31], [sflag:$0x7], $0x40, s30, s3, $0xb8;
	[tilespmem:$0x1FF90] =	vst v63  }
0x17d: {  	s25 =	simm.s32 $0x0  }
0x17e: {  	[spmem:s2] =	stream.indirect.scatter.add.f32 [tilespmem:s31], [sflag:$0x8], $0x40, s30, s3, $0xb8;
	[tilespmem:$0x1FF90] =	vst v63  }
.LBB2_7:
0x17f: {  	_ =	swait.ge [sflag:s0], $0x1F40  }
0x180: {  	s11 =	sshra.s32 s25, $0x2;
	[sflag:s0] =	ssyncset.done $0x0  }
0x181: {  	s12 =	sadd.s32 $0x5000, s11;
	[sflag:s0] =	ssyncadd.s32 $0xFFFFE0C0  }
0x182: {  	[spmem:s2] =	stream.indirect.scatter.add.f32 [tilespmem:s14], [sflag:$0x5], $0x40, s12, s3, $0xb8;
	[tilespmem:$0x1FF90] =	vst v63  }
0x183: {  	v2 =	vld [tilespmem:s11+$0x5000];
	_ =	sdelay $0x7  }
0x184: {  	[tilespmem:v2+s18+$0x0] =	vst.idx.add.f32.msk $0xffff, v1  }
0x185: {  	v2 =	vld [tilespmem:s11+$0x5010];
	_ =	sdelay $0x7  }
0x186: {  	[tilespmem:v2+s18+$0x0] =	vst.idx.add.f32.msk $0xffff, v1  }
0x187: {  	v2 =	vld [tilespmem:s11+$0x5020];
	_ =	sdelay $0x7  }
0x188: {  	[tilespmem:v2+s18+$0x0] =	vst.idx.add.f32.msk $0xffff, v1  }
0x189: {  	v2 =	vld [tilespmem:s11+$0x5030];
	_ =	sdelay $0x7  }
0x18a: {  	[tilespmem:v2+s18+$0x0] =	vst.idx.add.f32.msk $0xffff, v1  }
0x18b: {  	v2 =	vld [tilespmem:s11+$0x5040];
	_ =	sdelay $0x7  }
0x18c: {  	[tilespmem:v2+s18+$0x0] =	vst.idx.add.f32.msk $0xffff, v1  }
0x18d: {  	v2 =	vld [tilespmem:s11+$0x5050];
	_ =	sdelay $0x7  }
0x18e: {  	[tilespmem:v2+s18+$0x0] =	vst.idx.add.f32.msk $0xffff, v1  }
0x18f: {  	v2 =	vld [tilespmem:s11+$0x5060];
	_ =	sdelay $0x7  }
0x190: {  	[tilespmem:v2+s18+$0x0] =	vst.idx.add.f32.msk $0xffff, v1  }
0x191: {  	v2 =	vld [tilespmem:s11+$0x506D];
	_ =	sdelay $0x7  }
0x192: {  	[tilespmem:v2+s18+$0x0] =	vst.idx.add.f32.msk vm0, v1  }
0x193: {  	_ =	swait.ge [sflag:s20], $0x1F40  }
0x194: {  	[sflag:s20] =	ssyncset.done $0x0  }
0x195: {  	s12 =	sadd.s32 $0x100, s11;
	[sflag:s20] =	ssyncadd.s32 $0xFFFFE0C0  }
0x196: {  	[tilespmem:s21], [sflag:$0x3] =	stream.indirect.gather [hbm4b:s4+s3], $0x40, s12, s3, $0xb8;
	[tilespmem:$0x1FF90] =	vst v63  }
0x197: {  	_ =	swait.ge [sflag:s22], $0x1F40  }
0x198: {  	[sflag:s22] =	ssyncset.done $0x0  }
0x199: {  	s12 =	sadd.s32 $0x5080, s11;
	[sflag:s22] =	ssyncadd.s32 $0xFFFFE0C0  }
0x19a: {  	[spmem:s2] =	stream.indirect.scatter.add.f32 [tilespmem:s17], [sflag:$0x6], $0x40, s12, s3, $0xb8;
	[tilespmem:$0x1FF90] =	vst v63  }
0x19b: {  	v2 =	vld [tilespmem:s11+$0x5080];
	_ =	sdelay $0x7  }
0x19c: {  	[tilespmem:v2+s18+$0x0] =	vst.idx.add.f32.msk $0xffff, v1  }
0x19d: {  	v2 =	vld [tilespmem:s11+$0x5090];
	_ =	sdelay $0x7  }
0x19e: {  	[tilespmem:v2+s18+$0x0] =	vst.idx.add.f32.msk $0xffff, v1  }
0x19f: {  	v2 =	vld [tilespmem:s11+$0x50A0];
	_ =	sdelay $0x7  }
0x1a0: {  	[tilespmem:v2+s18+$0x0] =	vst.idx.add.f32.msk $0xffff, v1  }
0x1a1: {  	v2 =	vld [tilespmem:s11+$0x50B0];
	_ =	sdelay $0x7  }
0x1a2: {  	[tilespmem:v2+s18+$0x0] =	vst.idx.add.f32.msk $0xffff, v1  }
0x1a3: {  	v2 =	vld [tilespmem:s11+$0x50C0];
	_ =	sdelay $0x7  }
0x1a4: {  	[tilespmem:v2+s18+$0x0] =	vst.idx.add.f32.msk $0xffff, v1  }
0x1a5: {  	v2 =	vld [tilespmem:s11+$0x50D0];
	_ =	sdelay $0x7  }
0x1a6: {  	[tilespmem:v2+s18+$0x0] =	vst.idx.add.f32.msk $0xffff, v1  }
0x1a7: {  	v2 =	vld [tilespmem:s11+$0x50E0];
	_ =	sdelay $0x7  }
0x1a8: {  	[tilespmem:v2+s18+$0x0] =	vst.idx.add.f32.msk $0xffff, v1  }
0x1a9: {  	v2 =	vld [tilespmem:s11+$0x50ED];
	_ =	sdelay $0x7  }
0x1aa: {  	[tilespmem:v2+s18+$0x0] =	vst.idx.add.f32.msk vm0, v1  }
0x1ab: {  	_ =	swait.ge [sflag:s23], $0x1F40  }
0x1ac: {  	[sflag:s23] =	ssyncset.done $0x0  }
0x1ad: {  	s12 =	sadd.s32 $0x180, s11;
	[sflag:s23] =	ssyncadd.s32 $0xFFFFE0C0  }
0x1ae: {  	[tilespmem:s19], [sflag:$0x4] =	stream.indirect.gather [hbm4b:s4+s3], $0x40, s12, s3, $0xb8;
	[tilespmem:$0x1FF90] =	vst v63  }
0x1af: {  	_ =	swait.ge [sflag:s24], $0x1F40  }
0x1b0: {  	[sflag:s24] =	ssyncset.done $0x0  }
0x1b1: {  	s12 =	sadd.s32 $0x5100, s11;
	[sflag:s24] =	ssyncadd.s32 $0xFFFFE0C0  }
0x1b2: {  	[spmem:s2] =	stream.indirect.scatter.add.f32 [tilespmem:s21], [sflag:$0x7], $0x40, s12, s3, $0xb8;
	[tilespmem:$0x1FF90] =	vst v63  }
0x1b3: {  	v2 =	vld [tilespmem:s11+$0x5100];
	_ =	sdelay $0x7  }
0x1b4: {  	[tilespmem:v2+s18+$0x0] =	vst.idx.add.f32.msk $0xffff, v1  }
0x1b5: {  	v2 =	vld [tilespmem:s11+$0x5110];
	_ =	sdelay $0x7  }
0x1b6: {  	[tilespmem:v2+s18+$0x0] =	vst.idx.add.f32.msk $0xffff, v1  }
0x1b7: {  	v2 =	vld [tilespmem:s11+$0x5120];
	_ =	sdelay $0x7  }
0x1b8: {  	[tilespmem:v2+s18+$0x0] =	vst.idx.add.f32.msk $0xffff, v1  }
0x1b9: {  	v2 =	vld [tilespmem:s11+$0x5130];
	_ =	sdelay $0x7  }
0x1ba: {  	[tilespmem:v2+s18+$0x0] =	vst.idx.add.f32.msk $0xffff, v1  }
0x1bb: {  	v2 =	vld [tilespmem:s11+$0x5140];
	_ =	sdelay $0x7  }
0x1bc: {  	[tilespmem:v2+s18+$0x0] =	vst.idx.add.f32.msk $0xffff, v1  }
0x1bd: {  	v2 =	vld [tilespmem:s11+$0x5150];
	_ =	sdelay $0x7  }
0x1be: {  	[tilespmem:v2+s18+$0x0] =	vst.idx.add.f32.msk $0xffff, v1  }
0x1bf: {  	v2 =	vld [tilespmem:s11+$0x5160];
	_ =	sdelay $0x7  }
0x1c0: {  	[tilespmem:v2+s18+$0x0] =	vst.idx.add.f32.msk $0xffff, v1  }
0x1c1: {  	v2 =	vld [tilespmem:s11+$0x516D];
	_ =	sdelay $0x7  }
0x1c2: {  	[tilespmem:v2+s18+$0x0] =	vst.idx.add.f32.msk vm0, v1  }
0x1c3: {  	s12 =	smin.u32 s16, $0x9B;
	_ =	swait.ge [sflag:s1], $0x1F40  }
0x1c4: {  	s12 =	sshll.u32 s12, $0x7;
	[sflag:s1] =	ssyncset.done $0x0  }
0x1c5: {  	s12 =	sadd.s32 $0x200, s12;
	[sflag:s1] =	ssyncadd.s32 $0xFFFFE0C0  }
0x1c6: {  	[tilespmem:s14], [sflag:$0x1] =	stream.indirect.gather [hbm4b:s4+s3], $0x40, s12, s3, $0xb8;
	[tilespmem:$0x1FF90] =	vst v63  }
0x1c7: {  	_ =	swait.ge [sflag:s8], $0x1F40  }
0x1c8: {  	[sflag:s8] =	ssyncset.done $0x0  }
0x1c9: {  	s12 =	sadd.s32 $0x5180, s11;
	[sflag:s8] =	ssyncadd.s32 $0xFFFFE0C0  }
0x1ca: {  	[spmem:s2] =	stream.indirect.scatter.add.f32 [tilespmem:s19], [sflag:$0x8], $0x40, s12, s3, $0xb8;
	[tilespmem:$0x1FF90] =	vst v63  }
0x1cb: {  	v2 =	vld [tilespmem:s11+$0x5180];
	_ =	sdelay $0x7  }
0x1cc: {  	[tilespmem:v2+s18+$0x0] =	vst.idx.add.f32.msk $0xffff, v1  }
0x1cd: {  	v2 =	vld [tilespmem:s11+$0x5190];
	_ =	sdelay $0x7  }
0x1ce: {  	[tilespmem:v2+s18+$0x0] =	vst.idx.add.f32.msk $0xffff, v1  }
0x1cf: {  	v2 =	vld [tilespmem:s11+$0x51A0];
	_ =	sdelay $0x7  }
0x1d0: {  	[tilespmem:v2+s18+$0x0] =	vst.idx.add.f32.msk $0xffff, v1  }
0x1d1: {  	v2 =	vld [tilespmem:s11+$0x51B0];
	_ =	sdelay $0x7  }
0x1d2: {  	[tilespmem:v2+s18+$0x0] =	vst.idx.add.f32.msk $0xffff, v1  }
0x1d3: {  	v2 =	vld [tilespmem:s11+$0x51C0];
	_ =	sdelay $0x7  }
0x1d4: {  	[tilespmem:v2+s18+$0x0] =	vst.idx.add.f32.msk $0xffff, v1  }
0x1d5: {  	v2 =	vld [tilespmem:s11+$0x51D0];
	_ =	sdelay $0x7  }
0x1d6: {  	[tilespmem:v2+s18+$0x0] =	vst.idx.add.f32.msk $0xffff, v1  }
0x1d7: {  	v2 =	vld [tilespmem:s11+$0x51E0];
	_ =	sdelay $0x7  }
0x1d8: {  	[tilespmem:v2+s18+$0x0] =	vst.idx.add.f32.msk $0xffff, v1  }
0x1d9: {  	v2 =	vld [tilespmem:s11+$0x51ED];
	_ =	sdelay $0x6  }
0x1da: {  	p3 =	sne.s32 s25, $0x13800  }
.Ltmp9:
0x1db: {  	[tilespmem:v2+s18+$0x0] =	vst.idx.add.f32.msk vm0, v1;
	(pc) =	sbr.rel @p3 .LBB2_7-.Ltmp9, $4  }
0x1dc: {  	s12 =	smin.u32 s16, $0x9A;
	_ =	swait.ge [sflag:s9], $0x1F40  }
0x1dd: {  	s25 =	sadd.s32 $0x800, s25;
	s11 =	sshll.u32 s12, $0x7;
	[sflag:s9] =	ssyncset.done $0x0  }
0x1de: {  	s16 =	sadd.s32 $0x4, s16;
	s11 =	sadd.s32 $0x280, s11;
	[sflag:s9] =	ssyncadd.s32 $0xFFFFE0C0  }
0x1df: {  	[tilespmem:s17], [sflag:$0x2] =	stream.indirect.gather [hbm4b:s4+s3], $0x40, s11, s3, $0xb8;
	[tilespmem:$0x1FF90] =	vst v63  }
0x1e0: {  	_ =	swait.ge [sflag:s0], $0x1F40  }
0x1e1: {  	[sflag:s0] =	ssyncset.done $0x0  }
0x1e2: {  	[sflag:s0] =	ssyncadd.s32 $0xFFFFE0C0  }
0x1e3: {  	_ =	swait.ge [sflag:s22], $0x1F40  }
0x1e4: {  	[sflag:s22] =	ssyncset.done $0x0  }
0x1e5: {  	[sflag:s22] =	ssyncadd.s32 $0xFFFFE0C0  }
0x1e6: {  	_ =	swait.ge [sflag:s20], $0x1F40  }
0x1e7: {  	[sflag:s20] =	ssyncset.done $0x0  }
0x1e8: {  	[sflag:s20] =	ssyncadd.s32 $0xFFFFE0C0  }
0x1e9: {  	_ =	swait.ge [sflag:s23], $0x1F40  }
0x1ea: {  	[sflag:s23] =	ssyncset.done $0x0  }
0x1eb: {  	s11 =	simm.s32 $0x0;
	s12 =	rddreg [dreg:$0x7];
	[sflag:s23] =	ssyncadd.s32 $0xFFFFE0C0  }
0x1ec: {  	[hbm4b:s12+s11] =	stream.linear.scatter [tilespmem:s18], [sflag:$0x9], $0x2710, $0x38;
	[tilespmem:$0x1FF90] =	vst v63  }
0x1ed: {  	_ =	swait.ge [sflag:s29], $0x2710  }
0x1ee: {  	[sflag:s29] =	ssyncset.done $0x0  }
0x1ef: {  	[sflag:s29] =	ssyncadd.s32 $0xFFFFD8F0  }
0x1f0: {  	s12 =	stileid.u32;
	[bflag:$0x0] =	sbarrier.arrive $0xFFFF  }
0x1f1: {  	s11 =	sshll.u32 s12, $0x6;
	s16 =	rddreg [dreg:$0x9]  }
0x1f2: {  	s25 =	sor.u32 $0x1C09, s11;
	s12 =	rddreg [dreg:$0x8];
	s16 =	sshrl.u32 s16, $0x3  }
0x1f3: {  	[hbm:s12], [sflag:s25] =	dma.local [spmem:s16], $0x1380  }
0x1f4: {  	_ =	swait.ge [sflag:s29], $0x1380  }
0x1f5: {  	[sflag:s29] =	ssyncset.done $0x0  }
0x1f6: {  	s11 =	rddreg [dreg:$0xa];
	[sflag:s29] =	ssyncadd.s32 $0xFFFFEC80  }
0x1f7: {  	[hbm:s11], [sflag:s25] =	dma.local @!p1 [spmem:s28], $0x80  }
0x1f8: {  	s11 =	simm.s32 @!p1 $0x9  }
0x1f9: {  	_ =	swait.ge @!p1 [sflag:s11], $0x80  }
0x1fa: {  	[sflag:s11] =	ssyncset.done @!p1 $0x0  }
0x1fb: {  	[sflag:s11] =	ssyncadd.s32 @!p1 $0xFFFFFF80  }
0x1fc: {  	[bflag:$0x0] =	sbarrier.arrive $0xFFFF  }
0x1fd: {  	[spmem:s10] =	stream.linear.scatter [tilespmem:s31], [sflag:$0x1], $0x1F40, $0x38;
	[tilespmem:$0x1FF90] =	vst v63  }
0x1fe: {  	s12 =	rddreg [dreg:$0x5]  }
0x1ff: {  	[spmem:s12] =	stream.linear.scatter [tilespmem:s31], [sflag:$0x1], $0x1F40, $0x38;
	[tilespmem:$0x1FF90] =	vst v63  }
0x200: {  	s12 =	rddreg [dreg:$0x6]  }
0x201: {  	[spmem:s12] =	stream.linear.scatter [tilespmem:s31], [sflag:$0x1], $0x1F40, $0x38;
	[tilespmem:$0x1FF90] =	vst v63  }
0x202: {  	_ = 	snop  }
0x203: {  	[spmem:s13] =	stream.linear.scatter [tilespmem:s31], [sflag:$0x1], $0x1F40, $0x38;
	[tilespmem:$0x1FF90] =	vst v63  }
0x204: {  	_ = 	snop  }
0x205: {  	[spmem:s26] =	stream.linear.scatter [tilespmem:s31], [sflag:$0x1], $0x1F40, $0x38;
	[tilespmem:$0x1FF90] =	vst v63  }
0x206: {  	_ =	swait.ge [sflag:s0], $0x1F40  }
0x207: {  	[sflag:s0] =	ssyncset.done $0x0  }
0x208: {  	[sflag:s0] =	ssyncadd.s32 $0xFFFFE0C0  }
0x209: {  	_ =	swait.ge [sflag:s0], $0x1F40  }
0x20a: {  	[sflag:s0] =	ssyncset.done $0x0  }
0x20b: {  	[sflag:s0] =	ssyncadd.s32 $0xFFFFE0C0  }
0x20c: {  	_ =	swait.ge [sflag:s0], $0x1F40  }
0x20d: {  	[sflag:s0] =	ssyncset.done $0x0  }
0x20e: {  	[sflag:s0] =	ssyncadd.s32 $0xFFFFE0C0  }
0x20f: {  	_ =	swait.ge [sflag:s0], $0x1F40  }
0x210: {  	[sflag:s0] =	ssyncset.done $0x0  }
0x211: {  	[sflag:s0] =	ssyncadd.s32 $0xFFFFE0C0  }
0x212: {  	_ =	swait.ge [sflag:s0], $0x1F40  }
0x213: {  	[sflag:s0] =	ssyncset.done $0x0  }
0x214: {  	[sflag:s0] =	ssyncadd.s32 $0xFFFFE0C0  }
0x215: {  	s12 =	simm.s32 $0x0;
	[bflag:$0x0] =	sbarrier.arrive $0xFFFF  }
0x216: {  	[tilespmem:s14], [sflag:$0x1] =	stream.indirect.gather [hbm4b:s5+s3], $0x40, s12, s3, $0xb8;
	[tilespmem:$0x1FF90] =	vst v63  }
0x217: {  	s12 =	simm.s32 $0x80  }
0x218: {  	[tilespmem:s17], [sflag:$0x2] =	stream.indirect.gather [hbm4b:s5+s3], $0x40, s12, s3, $0xb8;
	[tilespmem:$0x1FF90] =	vst v63  }
0x219: {  	_ = 	snop  }
0x21a: {  	[spmem:s2] =	stream.indirect.scatter.add.f32 [tilespmem:s31], [sflag:$0x7], $0x40, s30, s3, $0xb8;
	[tilespmem:$0x1FF90] =	vst v63  }
0x21b: {  	_ = 	snop  }
0x21c: {  	[spmem:s2] =	stream.indirect.scatter.add.f32 [tilespmem:s31], [sflag:$0x8], $0x40, s30, s3, $0xb8;
	[tilespmem:$0x1FF90] =	vst v63  }
0x21d: {  	_ =	swait.ge [sflag:s0], $0x1F40  }
0x21e: {  	[sflag:s0] =	ssyncset.done $0x0  }
0x21f: {  	s12 =	simm.s32 $0x5000;
	[sflag:s0] =	ssyncadd.s32 $0xFFFFE0C0  }
0x220: {  	[spmem:s2] =	stream.indirect.scatter.add.f32 [tilespmem:s14], [sflag:$0x5], $0x40, s12, s3, $0xb8;
	[tilespmem:$0x1FF90] =	vst v63  }
0x221: {  	_ =	swait.ge [sflag:s20], $0x1F40  }
0x222: {  	[sflag:s20] =	ssyncset.done $0x0  }
0x223: {  	s12 =	simm.s32 $0x100;
	[sflag:s20] =	ssyncadd.s32 $0xFFFFE0C0  }
0x224: {  	[tilespmem:s21], [sflag:$0x3] =	stream.indirect.gather [hbm4b:s5+s3], $0x40, s12, s3, $0xb8;
	[tilespmem:$0x1FF90] =	vst v63  }
0x225: {  	_ =	swait.ge [sflag:s22], $0x1F40  }
0x226: {  	[sflag:s22] =	ssyncset.done $0x0  }
0x227: {  	s12 =	simm.s32 $0x5080;
	[sflag:s22] =	ssyncadd.s32 $0xFFFFE0C0  }
0x228: {  	[spmem:s2] =	stream.indirect.scatter.add.f32 [tilespmem:s17], [sflag:$0x6], $0x40, s12, s3, $0xb8;
	[tilespmem:$0x1FF90] =	vst v63  }
0x229: {  	_ =	swait.ge [sflag:s23], $0x1F40  }
0x22a: {  	[sflag:s23] =	ssyncset.done $0x0  }
0x22b: {  	s12 =	simm.s32 $0x180;
	[sflag:s23] =	ssyncadd.s32 $0xFFFFE0C0  }
0x22c: {  	[tilespmem:s19], [sflag:$0x4] =	stream.indirect.gather [hbm4b:s5+s3], $0x40, s12, s3, $0xb8;
	[tilespmem:$0x1FF90] =	vst v63  }
0x22d: {  	_ =	swait.ge [sflag:s24], $0x1F40  }
0x22e: {  	[sflag:s24] =	ssyncset.done $0x0  }
0x22f: {  	s12 =	simm.s32 $0x5100;
	[sflag:s24] =	ssyncadd.s32 $0xFFFFE0C0  }
0x230: {  	[spmem:s2] =	stream.indirect.scatter.add.f32 [tilespmem:s21], [sflag:$0x7], $0x40, s12, s3, $0xb8;
	[tilespmem:$0x1FF90] =	vst v63  }
0x231: {  	_ =	swait.ge [sflag:s1], $0x1F40  }
0x232: {  	[sflag:s1] =	ssyncset.done $0x0  }
0x233: {  	s12 =	simm.s32 $0x200;
	[sflag:s1] =	ssyncadd.s32 $0xFFFFE0C0  }
0x234: {  	[tilespmem:s14], [sflag:$0x1] =	stream.indirect.gather [hbm4b:s5+s3], $0x40, s12, s3, $0xb8;
	[tilespmem:$0x1FF90] =	vst v63  }
0x235: {  	_ =	swait.ge [sflag:s8], $0x1F40  }
0x236: {  	[sflag:s8] =	ssyncset.done $0x0  }
0x237: {  	s12 =	simm.s32 $0x5180;
	[sflag:s8] =	ssyncadd.s32 $0xFFFFE0C0  }
0x238: {  	[spmem:s2] =	stream.indirect.scatter.add.f32 [tilespmem:s19], [sflag:$0x8], $0x40, s12, s3, $0xb8;
	[tilespmem:$0x1FF90] =	vst v63  }
0x239: {  	_ =	swait.ge [sflag:s9], $0x1F40  }
0x23a: {  	[sflag:s9] =	ssyncset.done $0x0  }
0x23b: {  	s28 =	simm.s32 $0x280;
	s11 =	simm.s32 $0x800;
	[sflag:s9] =	ssyncadd.s32 $0xFFFFE0C0  }
.LBB2_9:
0x23c: {  	[tilespmem:s17], [sflag:$0x2] =	stream.indirect.gather [hbm4b:s5+s3], $0x40, s28, s3, $0xb8;
	[tilespmem:$0x1FF90] =	vst v63  }
0x23d: {  	s12 =	smov.u32 s11  }
0x23e: {  	p3 =	sne.s32 s11, $0x13000;
	s11 =	sadd.s32 $0x800, s11;
	_ =	swait.ge [sflag:s0], $0x1F40  }
0x23f: {  	s28 =	sshra.s32 s12, $0x2;
	[sflag:s0] =	ssyncset.done $0x0  }
0x240: {  	s12 =	sadd.s32 $0x5000, s28;
	[sflag:s0] =	ssyncadd.s32 $0xFFFFE0C0  }
0x241: {  	[spmem:s2] =	stream.indirect.scatter.add.f32 [tilespmem:s14], [sflag:$0x5], $0x40, s12, s3, $0xb8;
	[tilespmem:$0x1FF90] =	vst v63  }
0x242: {  	_ =	swait.ge [sflag:s20], $0x1F40  }
0x243: {  	[sflag:s20] =	ssyncset.done $0x0  }
0x244: {  	s12 =	sadd.s32 $0x100, s28;
	[sflag:s20] =	ssyncadd.s32 $0xFFFFE0C0  }
0x245: {  	[tilespmem:s21], [sflag:$0x3] =	stream.indirect.gather [hbm4b:s5+s3], $0x40, s12, s3, $0xb8;
	[tilespmem:$0x1FF90] =	vst v63  }
0x246: {  	_ =	swait.ge [sflag:s22], $0x1F40  }
0x247: {  	[sflag:s22] =	ssyncset.done $0x0  }
0x248: {  	s12 =	sadd.s32 $0x5080, s28;
	[sflag:s22] =	ssyncadd.s32 $0xFFFFE0C0  }
0x249: {  	[spmem:s2] =	stream.indirect.scatter.add.f32 [tilespmem:s17], [sflag:$0x6], $0x40, s12, s3, $0xb8;
	[tilespmem:$0x1FF90] =	vst v63  }
0x24a: {  	_ =	swait.ge [sflag:s23], $0x1F40  }
0x24b: {  	[sflag:s23] =	ssyncset.done $0x0  }
0x24c: {  	s12 =	sadd.s32 $0x180, s28;
	[sflag:s23] =	ssyncadd.s32 $0xFFFFE0C0  }
0x24d: {  	[tilespmem:s19], [sflag:$0x4] =	stream.indirect.gather [hbm4b:s5+s3], $0x40, s12, s3, $0xb8;
	[tilespmem:$0x1FF90] =	vst v63  }
0x24e: {  	_ =	swait.ge [sflag:s24], $0x1F40  }
0x24f: {  	[sflag:s24] =	ssyncset.done $0x0  }
0x250: {  	s12 =	sadd.s32 $0x5100, s28;
	[sflag:s24] =	ssyncadd.s32 $0xFFFFE0C0  }
0x251: {  	[spmem:s2] =	stream.indirect.scatter.add.f32 [tilespmem:s21], [sflag:$0x7], $0x40, s12, s3, $0xb8;
	[tilespmem:$0x1FF90] =	vst v63  }
0x252: {  	_ =	swait.ge [sflag:s1], $0x1F40  }
0x253: {  	[sflag:s1] =	ssyncset.done $0x0  }
0x254: {  	s12 =	sadd.s32 $0x200, s28;
	[sflag:s1] =	ssyncadd.s32 $0xFFFFE0C0  }
0x255: {  	[tilespmem:s14], [sflag:$0x1] =	stream.indirect.gather [hbm4b:s5+s3], $0x40, s12, s3, $0xb8;
	[tilespmem:$0x1FF90] =	vst v63  }
0x256: {  	_ =	swait.ge [sflag:s8], $0x1F40  }
0x257: {  	[sflag:s8] =	ssyncset.done $0x0  }
.Ltmp10:
0x258: {  	s12 =	sadd.s32 $0x5180, s28;
	[sflag:s8] =	ssyncadd.s32 $0xFFFFE0C0;
	(pc) =	sbr.rel @p3 .LBB2_9-.Ltmp10, $4  }
0x259: {  	[spmem:s2] =	stream.indirect.scatter.add.f32 [tilespmem:s19], [sflag:$0x8], $0x40, s12, s3, $0xb8;
	[tilespmem:$0x1FF90] =	vst v63  }
0x25a: {  	_ =	swait.ge [sflag:s9], $0x1F40  }
0x25b: {  	[sflag:s9] =	ssyncset.done $0x0  }
0x25c: {  	s28 =	sadd.s32 $0x280, s28;
	[sflag:s9] =	ssyncadd.s32 $0xFFFFE0C0  }
0x25d: {  	[tilespmem:s17], [sflag:$0x2] =	stream.indirect.gather [hbm4b:s5+s3], $0x40, s28, s3, $0xb8;
	[tilespmem:$0x1FF90] =	vst v63  }
0x25e: {  	_ =	swait.ge [sflag:s0], $0x1F40  }
0x25f: {  	[sflag:s0] =	ssyncset.done $0x0  }
0x260: {  	s11 =	simm.s32 $0x9E00;
	[sflag:s0] =	ssyncadd.s32 $0xFFFFE0C0  }
0x261: {  	[spmem:s2] =	stream.indirect.scatter.add.f32 [tilespmem:s14], [sflag:$0x5], $0x40, s11, s3, $0xb8;
	[tilespmem:$0x1FF90] =	vst v63  }
0x262: {  	_ =	swait.ge [sflag:s20], $0x1F40  }
0x263: {  	[sflag:s20] =	ssyncset.done $0x0  }
0x264: {  	s28 =	simm.s32 $0x4F00;
	[sflag:s20] =	ssyncadd.s32 $0xFFFFE0C0  }
0x265: {  	[tilespmem:s21], [sflag:$0x3] =	stream.indirect.gather [hbm4b:s5+s3], $0x40, s28, s3, $0xb8;
	[tilespmem:$0x1FF90] =	vst v63  }
0x266: {  	_ =	swait.ge [sflag:s22], $0x1F40  }
0x267: {  	[sflag:s22] =	ssyncset.done $0x0  }
0x268: {  	s12 =	simm.s32 $0x9E80;
	[sflag:s22] =	ssyncadd.s32 $0xFFFFE0C0  }
0x269: {  	[spmem:s2] =	stream.indirect.scatter.add.f32 [tilespmem:s17], [sflag:$0x6], $0x40, s12, s3, $0xb8;
	[tilespmem:$0x1FF90] =	vst v63  }
0x26a: {  	_ =	swait.ge [sflag:s23], $0x1F40  }
0x26b: {  	[sflag:s23] =	ssyncset.done $0x0  }
0x26c: {  	s11 =	simm.s32 $0x4F80;
	[sflag:s23] =	ssyncadd.s32 $0xFFFFE0C0  }
0x26d: {  	[tilespmem:s19], [sflag:$0x4] =	stream.indirect.gather [hbm4b:s5+s3], $0x40, s11, s3, $0xb8;
	[tilespmem:$0x1FF90] =	vst v63  }
0x26e: {  	_ =	swait.ge [sflag:s24], $0x1F40  }
0x26f: {  	[sflag:s24] =	ssyncset.done $0x0  }
0x270: {  	s12 =	simm.s32 $0x9F00;
	[sflag:s24] =	ssyncadd.s32 $0xFFFFE0C0  }
0x271: {  	[spmem:s2] =	stream.indirect.scatter.add.f32 [tilespmem:s21], [sflag:$0x7], $0x40, s12, s3, $0xb8;
	[tilespmem:$0x1FF90] =	vst v63  }
0x272: {  	_ =	swait.ge [sflag:s1], $0x1F40  }
0x273: {  	[sflag:s1] =	ssyncset.done $0x0  }
0x274: {  	[sflag:s1] =	ssyncadd.s32 $0xFFFFE0C0  }
0x275: {  	[tilespmem:s14], [sflag:$0x1] =	stream.indirect.gather [hbm4b:s5+s3], $0x40, s11, s3, $0xb8;
	[tilespmem:$0x1FF90] =	vst v63  }
0x276: {  	_ =	swait.ge [sflag:s8], $0x1F40  }
0x277: {  	[sflag:s8] =	ssyncset.done $0x0  }
0x278: {  	s28 =	simm.s32 $0x9F80;
	[sflag:s8] =	ssyncadd.s32 $0xFFFFE0C0  }
0x279: {  	[spmem:s2] =	stream.indirect.scatter.add.f32 [tilespmem:s19], [sflag:$0x8], $0x40, s28, s3, $0xb8;
	[tilespmem:$0x1FF90] =	vst v63  }
0x27a: {  	_ =	swait.ge [sflag:s9], $0x1F40  }
0x27b: {  	[sflag:s9] =	ssyncset.done $0x0  }
0x27c: {  	[sflag:s9] =	ssyncadd.s32 $0xFFFFE0C0  }
0x27d: {  	[tilespmem:s17], [sflag:$0x2] =	stream.indirect.gather [hbm4b:s5+s3], $0x40, s11, s3, $0xb8;
	[tilespmem:$0x1FF90] =	vst v63  }
0x27e: {  	_ =	swait.ge [sflag:s0], $0x1F40  }
0x27f: {  	[sflag:s0] =	ssyncset.done $0x0  }
0x280: {  	[sflag:s0] =	ssyncadd.s32 $0xFFFFE0C0  }
0x281: {  	_ =	swait.ge [sflag:s22], $0x1F40  }
0x282: {  	[sflag:s22] =	ssyncset.done $0x0  }
0x283: {  	[sflag:s22] =	ssyncadd.s32 $0xFFFFE0C0  }
0x284: {  	_ =	swait.ge [sflag:s20], $0x1F40  }
0x285: {  	[sflag:s20] =	ssyncset.done $0x0  }
0x286: {  	[sflag:s20] =	ssyncadd.s32 $0xFFFFE0C0  }
0x287: {  	_ =	swait.ge [sflag:s23], $0x1F40  }
0x288: {  	[sflag:s23] =	ssyncset.done $0x0  }
0x289: {  	[sflag:s23] =	ssyncadd.s32 $0xFFFFE0C0  }
0x28a: {  	[bflag:$0x0] =	sbarrier.arrive $0xFFFF  }
0x28b: {  	s28 =	rddreg [dreg:$0xb]  }
0x28c: {  	[hbm:s28], [sflag:s25] =	dma.local [spmem:s16], $0x1380  }
.Ltmp11:
0x28d: {  	_ = 	snop;
	(pc) =	sbr.rel @p2 .LBB2_16-.Ltmp11, $4  }
.Ltmp12:
0x28e: {  	_ = 	snop;
	(pc) =	sbr.rel @!p2 .LBB2_17-.Ltmp12, $4  }
0x28f: {  	_ =	swait.ge [sflag:s29], $0x1380  }
0x290: {  	[sflag:s29] =	ssyncset.done $0x0  }
0x291: {  	s11 =	rddreg [dreg:$0xc];
	[sflag:s29] =	ssyncadd.s32 $0xFFFFEC80  }
0x292: {  	_ = 	snop  }
.LBB2_18:
0x293: {  	_ =	sfence.sel $0x180000  }
0x294: {  	[bflag:$0x0] =	sbarrier.arrive $0xFFFF  }
0x295: {  	_ =	strace $0x90000047  }
0x296: {  	s0 =	stileid.u32;
	[bflag:$0x2] =	sbarrier.arrive $0xFFFF  }
0x297: {  	p0 =	sne.s32 s0, $0x0;
	s0 =	rddreg [dreg:$0x2]  }
0x298: {  	s0 =	sadd.s32 @!p0 $0x100000, s0  }
0x299: {  	[sflag:s0] =	ssyncadd.tile.s32 @!p0 $0x1;
	_ =	shalt  }
.Lfunc_end2:
_tile_overlayer_lowered:
.L_overlay_start_2:
0x29a: {  	(tag) =	ssettag $0x2  }
0x29b: {  	s0 =	rddreg [dreg:$0x0];
	s2 =	stileid.u32  }
0x29c: {  	s1 =	rddreg [dreg:$0x1];
	p0 =	sne.s32 s2, $0x0  }
0x29d: {  	s3 =	rddreg [dreg:$0x2];
	[bflag:$0x3] =	sbarrier.arrive $0xFFFF;
	s2 =	simm.s32 @!p0 $0x1C09  }
0x29e: {  	[timem:s3], [sflag:s2] =	dma.local @!p0 [hbm:s0], s1  }
0x29f: {  	s0 =	simm.s32 @!p0 $0x9  }
0x2a0: {  	_ =	swait.ge @!p0 [sflag:s0], s1  }
0x2a1: {  	s1 =	ssub.s32 @!p0 $0x0, s1;
	[sflag:s0] =	ssyncset.done @!p0 $0x0  }
0x2a2: {  	[sflag:s0] =	ssyncadd.s32 @!p0 s1  }
0x2a3: {  	[bflag:$0x3] =	sbarrier.arrive $0xFFFF  }
0x2a4: {  	_ =	shalt  }

</sc_bundles>
